<compile_context>
chip_gen: v7x
topology: tpu7x:2x2x1
jax: 0.10.2.dev20260603
libtpu: 0.0.44.dev20260713+nightly
codegen_flags: <defaults>
</compile_context>

<pallas_src>
import functools

import jax
import jax.numpy as jnp
import numpy as np
from jax import lax
from jax.experimental import pallas as pl
from jax.experimental.pallas import tpu as pltpu
from jax.experimental.pallas import tpu_sc as plsc

B = 1024
F = 49152
K = 128
NC, NS = 2, 16
NW = NC * NS
PAIR = 768
NPAIR = F // PAIR
L = 16
_MAGIC = 8388608.0

P_SC = 16
K_SC = 2 * P_SC
K_PAD = ((K_SC + 15) // 16) * 16
F_SC = P_SC * PAIR

RB = B // NW
RR = 8
RSUB = RB // RR
FC = 2 * PAIR
NCH = F_SC // FC
GPC = 4

FT = 3072
GT = 8
BR = 512
K_TC = K - K_SC
NOFF = F_SC // FT


def _sc_body(x_hbm, w_hbm, out_hbm, xbuf, wbuf, obuf, sx0, sx1, sx2, sx3):
    c = lax.axis_index("c")
    s = lax.axis_index("s")
    wid = s * NC + c
    row0 = wid * RB
    sems = (sx0, sx1, sx2, sx3)

    def x_copy(slot, rsub, t):
        return pltpu.make_async_copy(
            x_hbm.at[pl.ds(row0 + rsub * RR, RR), pl.ds(t * FC, FC)],
            xbuf.at[slot], sems[slot])

    pltpu.sync_copy(w_hbm.at[pl.ds(0, F_SC)], wbuf)

    iota = lax.iota(jnp.int32, L)

    def compute_chunk(t, slot, rsub, ovs):
        wbase = t * FC
        new_ovs = list(ovs)
        for p in range(2):
            for gi, (goff, gvec) in enumerate(((0, 256 // L), (256, 512 // L))):
                def vbody(v, accs, _p=p, _goff=goff, _slot=slot):
                    off = _p * PAIR + _goff + v * L
                    wv = wbuf[pl.ds(wbase + off, L)]
                    wv = jnp.maximum(wv, 0.0)
                    wv = (wv + _MAGIC) - _MAGIC
                    return tuple(
                        accs[r] + xbuf[_slot, r, pl.ds(off, L)] * wv
                        for r in range(RR))

                zeros = tuple(jnp.zeros((L,), jnp.float32) for _ in range(RR))
                accs = lax.fori_loop(0, gvec, vbody, zeros)
                lane = (t % 4) * GPC + p * 2 + gi
                for r in range(RR):
                    new_ovs[r] = jnp.where(iota == lane, jnp.sum(accs[r]),
                                           new_ovs[r])
        is_last = jnp.logical_or((t % 4) == 3, t == NCH - 1)
        col = (t // 4) * L

        @pl.when(is_last)
        def _():
            for r in range(RR):
                obuf[rsub * RR + r, pl.ds(col, L)] = new_ovs[r]

        zero = jnp.zeros((L,), jnp.float32)
        return tuple(jnp.where(is_last, zero, nv) for nv in new_ovs)

    NB = 4
    TOT = RSUB * NCH
    x_copy(0, 0, 0).start()
    x_copy(1, 0, 1).start()
    x_copy(2, 0, 2).start()

    def outer(i, ovs):
        for b in range(NB):
            s_ = i * NB + b
            rsub, t = s_ // NCH, s_ % NCH
            x_copy(b, rsub, t).wait()

            @pl.when(s_ + NB - 1 < TOT)
            def _():
                nxt = s_ + NB - 1
                x_copy((b + NB - 1) % NB, nxt // NCH, nxt % NCH).start()

            ovs = compute_chunk(t, b, rsub, ovs)
        return ovs

    zeros = tuple(jnp.zeros((L,), jnp.float32) for _ in range(RR))
    lax.fori_loop(0, TOT // NB, outer, zeros)

    pltpu.sync_copy(obuf, out_hbm.at[pl.ds(row0, RB), :])


_sc_kernel = functools.partial(
    pl.kernel,
    out_type=jax.ShapeDtypeStruct((B, K_PAD), jnp.float32),
    mesh=plsc.VectorSubcoreMesh(core_axis_name="c", subcore_axis_name="s"),
    compiler_params=pltpu.CompilerParams(needs_layout_passes=False),
    scratch_types=[
        pltpu.VMEM((4, RR, FC), jnp.float32),
        pltpu.VMEM((F_SC,), jnp.float32),
        pltpu.VMEM((RB, K_PAD), jnp.float32),
        pltpu.SemaphoreType.DMA,
        pltpu.SemaphoreType.DMA,
        pltpu.SemaphoreType.DMA,
        pltpu.SemaphoreType.DMA,
    ],
)(_sc_body)

_SEG_T = (
    np.repeat(np.arange(GT), np.tile(np.array([256, 512]), GT // 2))[None, :]
    == np.arange(GT)[:, None]
).astype(np.float32)


def _tc_body(w_ref, m_ref, x_ref, o_ref):
    w = w_ref[...]
    w = jnp.maximum(w, 0.0)
    w = (w + _MAGIC) - _MAGIC
    mw = m_ref[...] * w[None, :]
    o_ref[...] = lax.dot_general(
        mw, x_ref[...], (((1,), (1,)), ((), ())),
        preferred_element_type=jnp.float32)


_tc_kernel = pl.pallas_call(
    _tc_body,
    grid=(B // BR, K_TC // GT),
    in_specs=[
        pl.BlockSpec((FT,), lambda i, j: (j + NOFF,)),
        pl.BlockSpec((GT, FT), lambda i, j: (0, 0)),
        pl.BlockSpec((BR, FT), lambda i, j: (i, j + NOFF)),
    ],
    out_specs=pl.BlockSpec((GT, BR), lambda i, j: (j, i)),
    out_shape=jax.ShapeDtypeStruct((K_TC, B), jnp.float32),
    compiler_params=pltpu.CompilerParams(
        dimension_semantics=("parallel", "parallel")),
)


def kernel(x, weight_raw):
    y_sc = _sc_kernel(x, weight_raw)
    y_tc = _tc_kernel(weight_raw, jnp.asarray(_SEG_T), x)
    return jnp.concatenate([y_sc[:, :K_SC], y_tc.T], axis=1)

# --- scband reference (transcript-rebuilt; emitter-appended) ---
"""Pipeline reference for scband-pruned-weighted-group-sum-86277303042370 (READ-ONLY COPY).

The authoritative reference and input builder live on the scoring server;
editing this copy changes nothing except your own understanding.
"""

import jax, jax.numpy as jnp
import numpy as np

K = 128
GROUP_SIZES = np.tile(np.array([256, 512], dtype=np.int32), K // 2)
IN_DIM = int(GROUP_SIZES.sum())  # 49152
SEG_IDS = jnp.asarray(np.repeat(np.arange(K, dtype=np.int32), GROUP_SIZES))
TAU = 1.0
BETA = 0.0
BATCH = 1024


def setup_inputs(seed: int = 0) -> dict:
    key = jax.random.key(seed)
    k1, k2 = jax.random.split(key)
    x = jax.random.uniform(k1, (BATCH, IN_DIM), dtype=jnp.float32)
    # learned parameter: concatenated per-feature weights, non-negative
    weight_raw = jax.random.uniform(k2, (IN_DIM,), dtype=jnp.float32) * 2.0
    return {"x": x, "weight_raw": weight_raw}


def _ste_round(w):
    # Straight-Through Estimator for rounding.
    return jax.lax.stop_gradient(jnp.round(w) - w) + w


def reference(x, weight_raw):
    # torch: self.weight_raw.data.clamp_(min=0)  (in-place data mutation)
    w0 = jnp.maximum(weight_raw, 0.0)
    w_q = _ste_round(w0)
    # w_max is None -> no upper clamp
    # ragged per-group weighted sums over the feature axis
    weighted = x * w_q[None, :]
    y = jax.ops.segment_sum(weighted.T, SEG_IDS, num_segments=K).T  # [B, K]
    return y.astype(jnp.float32) / TAU + BETA

if __name__ == "__main__":
    import jax
    _d = setup_inputs()
    print(jax.jit(kernel)(*tuple(_d.values())))

</pallas_src>

<mosaic_0001>
#map = affine_map<(d0, d1) -> (0, 0)>
#map1 = affine_map<(d0, d1) -> (0)>
module attributes {stable_mosaic.version = 14 : i64} {
  func.func @_sc_body(%arg0: i32, %arg1: i32, %arg2: memref<1024x49152xf32, #tpu.memory_space<hbm>>, %arg3: memref<49152xf32, #tpu.memory_space<hbm>>, %arg4: memref<1024x32xf32, #tpu.memory_space<hbm>>, %arg5: memref<4x8x1536xf32, #tpu.memory_space<vmem>>, %arg6: memref<12288xf32, #tpu.memory_space<vmem>>, %arg7: memref<32x32xf32, #tpu.memory_space<vmem>>, %arg8: memref<!tpu.dma_semaphore, #tpu.memory_space<semaphore_mem>>, %arg9: memref<!tpu.dma_semaphore, #tpu.memory_space<semaphore_mem>>, %arg10: memref<!tpu.dma_semaphore, #tpu.memory_space<semaphore_mem>>, %arg11: memref<!tpu.dma_semaphore, #tpu.memory_space<semaphore_mem>>) attributes {dimension_semantics = [#tpu.dimension_semantics<core_parallel>, #tpu.dimension_semantics<subcore_parallel>], iteration_bounds = array<i64: 2, 16>, scalar_prefetch = 0 : i64, scratch_operands = 7 : i64, tpu.core_type = #tpu.core_type<sc_vector_subcore>, window_params = [{transform_indices = #map}, {transform_indices = #map1}, {transform_indices = #map}]} {
    %mul3A = arith.constant 2 : i32
    %mul3A_0 = arith.muli %arg1, %mul3A : i32
    %add3A = arith.addi %mul3A_0, %arg0 : i32
    %mul3A_1 = arith.constant 32 : i32
    %mul3A_2 = arith.muli %add3A, %mul3A_1 : i32
    "tpu.region"() ({
      %run_scoped3A = tpu.sem_alloc : memref<!tpu.dma_semaphore, #tpu.memory_space<semaphore_mem>>
      %dma_start3A_67 = arith.constant 0 : i32
      %dma_start3A_68 = tpu.memref_slice %arg3[%dma_start3A_67] : memref<49152xf32, #tpu.memory_space<hbm>> -> memref<12288xf32, #tpu.memory_space<hbm>>
      %dma_start3A_69 = arith.constant 0 : i32
      %dma_start3A_70 = tpu.memref_slice %arg3[%dma_start3A_69] : memref<49152xf32, #tpu.memory_space<hbm>> -> memref<12288xf32, #tpu.memory_space<hbm>>
      tpu.enqueue_dma source(%dma_start3A_70 : memref<12288xf32, #tpu.memory_space<hbm>>) target(%arg6 : memref<12288xf32, #tpu.memory_space<vmem>>) target_semaphore(%run_scoped3A : memref<!tpu.dma_semaphore, #tpu.memory_space<semaphore_mem>>)
      %dma_wait3A = arith.constant 0 : i32
      %dma_wait3A_71 = tpu.memref_slice %arg3[%dma_wait3A] : memref<49152xf32, #tpu.memory_space<hbm>> -> memref<12288xf32, #tpu.memory_space<hbm>>
      %dma_wait3A_72 = arith.constant 0 : i32
      %dma_wait3A_73 = tpu.memref_slice %arg3[%dma_wait3A_72] : memref<49152xf32, #tpu.memory_space<hbm>> -> memref<12288xf32, #tpu.memory_space<hbm>>
      tpu.wait_dma2 semaphore(%run_scoped3A : memref<!tpu.dma_semaphore, #tpu.memory_space<semaphore_mem>>) src(%dma_wait3A_73 : memref<12288xf32, #tpu.memory_space<hbm>>) dst(%arg6 : memref<12288xf32, #tpu.memory_space<vmem>>)
      tpu.yield
    }) : () -> ()
    %iota3A = tpu.iota {dimensions = array<i32: 0>} : vector<16xi32>
    %add3A_3 = arith.constant 0 : i32
    %add3A_4 = arith.addi %mul3A_2, %add3A_3 : i32
    %dma_start3A = arith.constant 0 : i32
    %dma_start3A_5 = arith.constant 0 : i32
    %dma_start3A_6 = arith.constant 0 : i32
    %dma_start3A_7 = tpu.memref_slice %arg5[%dma_start3A, %dma_start3A_5, %dma_start3A_6] : memref<4x8x1536xf32, #tpu.memory_space<vmem>> -> memref<1x8x1536xf32, #tpu.memory_space<vmem>>
    %dma_start3A_8 = tpu.memref_squeeze %dma_start3A_7 : memref<1x8x1536xf32, #tpu.memory_space<vmem>> -> memref<8x1536xf32, #tpu.memory_space<vmem>>
    %dma_start3A_9 = arith.constant 0 : i32
    %dma_start3A_10 = tpu.memref_slice %arg2[%add3A_4, %dma_start3A_9] : memref<1024x49152xf32, #tpu.memory_space<hbm>> -> memref<8x1536xf32, #tpu.memory_space<hbm>>
    %dma_start3A_11 = arith.constant 0 : i32
    %dma_start3A_12 = arith.constant 0 : i32
    %dma_start3A_13 = tpu.memref_slice %arg5[%dma_start3A, %dma_start3A_11, %dma_start3A_12] : memref<4x8x1536xf32, #tpu.memory_space<vmem>> -> memref<1x8x1536xf32, #tpu.memory_space<vmem>>
    %dma_start3A_14 = tpu.memref_squeeze %dma_start3A_13 : memref<1x8x1536xf32, #tpu.memory_space<vmem>> -> memref<8x1536xf32, #tpu.memory_space<vmem>>
    %dma_start3A_15 = arith.constant 0 : i32
    %dma_start3A_16 = tpu.memref_slice %arg2[%add3A_4, %dma_start3A_15] : memref<1024x49152xf32, #tpu.memory_space<hbm>> -> memref<8x1536xf32, #tpu.memory_space<hbm>>
    tpu.enqueue_dma source(%dma_start3A_16 : memref<8x1536xf32, #tpu.memory_space<hbm>>) target(%dma_start3A_14 : memref<8x1536xf32, #tpu.memory_space<vmem>>) target_semaphore(%arg8 : memref<!tpu.dma_semaphore, #tpu.memory_space<semaphore_mem>>)
    %add3A_17 = arith.constant 0 : i32
    %add3A_18 = arith.addi %mul3A_2, %add3A_17 : i32
    %dma_start3A_19 = arith.constant 1 : i32
    %dma_start3A_20 = arith.constant 0 : i32
    %dma_start3A_21 = arith.constant 0 : i32
    %dma_start3A_22 = tpu.memref_slice %arg5[%dma_start3A_19, %dma_start3A_20, %dma_start3A_21] : memref<4x8x1536xf32, #tpu.memory_space<vmem>> -> memref<1x8x1536xf32, #tpu.memory_space<vmem>>
    %dma_start3A_23 = tpu.memref_squeeze %dma_start3A_22 : memref<1x8x1536xf32, #tpu.memory_space<vmem>> -> memref<8x1536xf32, #tpu.memory_space<vmem>>
    %dma_start3A_24 = arith.constant 1536 : i32
    %dma_start3A_25 = tpu.memref_slice %arg2[%add3A_18, %dma_start3A_24] : memref<1024x49152xf32, #tpu.memory_space<hbm>> -> memref<8x1536xf32, #tpu.memory_space<hbm>>
    %dma_start3A_26 = arith.constant 0 : i32
    %dma_start3A_27 = arith.constant 0 : i32
    %dma_start3A_28 = tpu.memref_slice %arg5[%dma_start3A_19, %dma_start3A_26, %dma_start3A_27] : memref<4x8x1536xf32, #tpu.memory_space<vmem>> -> memref<1x8x1536xf32, #tpu.memory_space<vmem>>
    %dma_start3A_29 = tpu.memref_squeeze %dma_start3A_28 : memref<1x8x1536xf32, #tpu.memory_space<vmem>> -> memref<8x1536xf32, #tpu.memory_space<vmem>>
    %dma_start3A_30 = arith.constant 1536 : i32
    %dma_start3A_31 = tpu.memref_slice %arg2[%add3A_18, %dma_start3A_30] : memref<1024x49152xf32, #tpu.memory_space<hbm>> -> memref<8x1536xf32, #tpu.memory_space<hbm>>
    tpu.enqueue_dma source(%dma_start3A_31 : memref<8x1536xf32, #tpu.memory_space<hbm>>) target(%dma_start3A_29 : memref<8x1536xf32, #tpu.memory_space<vmem>>) target_semaphore(%arg9 : memref<!tpu.dma_semaphore, #tpu.memory_space<semaphore_mem>>)
    %add3A_32 = arith.constant 0 : i32
    %add3A_33 = arith.addi %mul3A_2, %add3A_32 : i32
    %dma_start3A_34 = arith.constant 2 : i32
    %dma_start3A_35 = arith.constant 0 : i32
    %dma_start3A_36 = arith.constant 0 : i32
    %dma_start3A_37 = tpu.memref_slice %arg5[%dma_start3A_34, %dma_start3A_35, %dma_start3A_36] : memref<4x8x1536xf32, #tpu.memory_space<vmem>> -> memref<1x8x1536xf32, #tpu.memory_space<vmem>>
    %dma_start3A_38 = tpu.memref_squeeze %dma_start3A_37 : memref<1x8x1536xf32, #tpu.memory_space<vmem>> -> memref<8x1536xf32, #tpu.memory_space<vmem>>
    %dma_start3A_39 = arith.constant 3072 : i32
    %dma_start3A_40 = tpu.memref_slice %arg2[%add3A_33, %dma_start3A_39] : memref<1024x49152xf32, #tpu.memory_space<hbm>> -> memref<8x1536xf32, #tpu.memory_space<hbm>>
    %dma_start3A_41 = arith.constant 0 : i32
    %dma_start3A_42 = arith.constant 0 : i32
    %dma_start3A_43 = tpu.memref_slice %arg5[%dma_start3A_34, %dma_start3A_41, %dma_start3A_42] : memref<4x8x1536xf32, #tpu.memory_space<vmem>> -> memref<1x8x1536xf32, #tpu.memory_space<vmem>>
    %dma_start3A_44 = tpu.memref_squeeze %dma_start3A_43 : memref<1x8x1536xf32, #tpu.memory_space<vmem>> -> memref<8x1536xf32, #tpu.memory_space<vmem>>
    %dma_start3A_45 = arith.constant 3072 : i32
    %dma_start3A_46 = tpu.memref_slice %arg2[%add3A_33, %dma_start3A_45] : memref<1024x49152xf32, #tpu.memory_space<hbm>> -> memref<8x1536xf32, #tpu.memory_space<hbm>>
    tpu.enqueue_dma source(%dma_start3A_46 : memref<8x1536xf32, #tpu.memory_space<hbm>>) target(%dma_start3A_44 : memref<8x1536xf32, #tpu.memory_space<vmem>>) target_semaphore(%arg10 : memref<!tpu.dma_semaphore, #tpu.memory_space<semaphore_mem>>)
    %broadcast_in_dim3A = arith.constant 0.000000e+00 : f32
    %broadcast_in_dim3A_47 = vector.broadcast %broadcast_in_dim3A : f32 to vector<16xf32>
    %broadcast_in_dim3A_48 = arith.constant 0.000000e+00 : f32
    %broadcast_in_dim3A_49 = vector.broadcast %broadcast_in_dim3A_48 : f32 to vector<16xf32>
    %broadcast_in_dim3A_50 = arith.constant 0.000000e+00 : f32
    %broadcast_in_dim3A_51 = vector.broadcast %broadcast_in_dim3A_50 : f32 to vector<16xf32>
    %broadcast_in_dim3A_52 = arith.constant 0.000000e+00 : f32
    %broadcast_in_dim3A_53 = vector.broadcast %broadcast_in_dim3A_52 : f32 to vector<16xf32>
    %broadcast_in_dim3A_54 = arith.constant 0.000000e+00 : f32
    %broadcast_in_dim3A_55 = vector.broadcast %broadcast_in_dim3A_54 : f32 to vector<16xf32>
    %broadcast_in_dim3A_56 = arith.constant 0.000000e+00 : f32
    %broadcast_in_dim3A_57 = vector.broadcast %broadcast_in_dim3A_56 : f32 to vector<16xf32>
    %broadcast_in_dim3A_58 = arith.constant 0.000000e+00 : f32
    %broadcast_in_dim3A_59 = vector.broadcast %broadcast_in_dim3A_58 : f32 to vector<16xf32>
    %broadcast_in_dim3A_60 = arith.constant 0.000000e+00 : f32
    %broadcast_in_dim3A_61 = vector.broadcast %broadcast_in_dim3A_60 : f32 to vector<16xf32>
    %scan3A = arith.constant 0 : i32
    %scan3A_62 = arith.constant 8 : i32
    %scan3A_63 = arith.addi %scan3A, %scan3A_62 : i32
    %scan3A_64 = arith.constant 1 : i32
    %scan3A_65:8 = scf.for %scan3A_67 = %scan3A to %scan3A_63 step %scan3A_64 iter_args(%scan3A_68 = %broadcast_in_dim3A_47, %scan3A_69 = %broadcast_in_dim3A_49, %scan3A_70 = %broadcast_in_dim3A_51, %scan3A_71 = %broadcast_in_dim3A_53, %scan3A_72 = %broadcast_in_dim3A_55, %scan3A_73 = %broadcast_in_dim3A_57, %scan3A_74 = %broadcast_in_dim3A_59, %scan3A_75 = %broadcast_in_dim3A_61) -> (vector<16xf32>, vector<16xf32>, vector<16xf32>, vector<16xf32>, vector<16xf32>, vector<16xf32>, vector<16xf32>, vector<16xf32>)  : i32 {
      %mul3A_76 = arith.constant 4 : i32
      %mul3A_77 = arith.muli %scan3A_67, %mul3A_76 : i32
      %add3A_78 = arith.constant 0 : i32
      %add3A_79 = arith.addi %mul3A_77, %add3A_78 : i32
      %jit3A = arith.constant 8 : i32
      %div3A = arith.divsi %add3A_79, %jit3A : i32
      %sign3A = arith.constant 0 : i32
      %sign3A_80 = arith.cmpi sgt, %add3A_79, %sign3A : i32
      %sign3A_81 = arith.extui %sign3A_80 : i1 to i32
      %sign3A_82 = arith.constant 0 : i32
      %sign3A_83 = arith.cmpi slt, %add3A_79, %sign3A_82 : i32
      %sign3A_84 = arith.extui %sign3A_83 : i1 to i32
      %sign3A_85 = arith.subi %sign3A_81, %sign3A_84 : i32
      %sign3A_86 = arith.constant 0 : i32
      %sign3A_87 = arith.cmpi sgt, %jit3A, %sign3A_86 : i32
      %sign3A_88 = arith.extui %sign3A_87 : i1 to i32
      %sign3A_89 = arith.constant 0 : i32
      %sign3A_90 = arith.cmpi slt, %jit3A, %sign3A_89 : i32
      %sign3A_91 = arith.extui %sign3A_90 : i1 to i32
      %sign3A_92 = arith.subi %sign3A_88, %sign3A_91 : i32
      %ne3A = arith.cmpi ne, %sign3A_85, %sign3A_92 : i32
      %rem3A = arith.remsi %add3A_79, %jit3A : i32
      %ne3A_93 = arith.constant 0 : i32
      %ne3A_94 = arith.cmpi ne, %rem3A, %ne3A_93 : i32
      %and3A = arith.andi %ne3A, %ne3A_94 : i1
      %sub3A = arith.constant 1 : i32
      %sub3A_95 = arith.subi %div3A, %sub3A : i32
      %select_n3A = arith.select %and3A, %sub3A_95, %div3A : i32
      %jit3A_96 = arith.constant 8 : i32
      %eq3A = arith.constant 0 : i32
      %eq3A_97 = arith.cmpi eq, %jit3A_96, %eq3A : i32
      %jit3A_98 = arith.constant 1 : i32
      %select_n3A_99 = arith.select %eq3A_97, %jit3A_98, %jit3A_96 : i32
      %rem3A_100 = arith.remsi %add3A_79, %select_n3A_99 : i32
      %ne3A_101 = arith.constant 0 : i32
      %ne3A_102 = arith.cmpi ne, %rem3A_100, %ne3A_101 : i32
      %lt3A = arith.constant 0 : i32
      %lt3A_103 = arith.cmpi slt, %rem3A_100, %lt3A : i32
      %lt3A_104 = arith.constant 0 : i32
      %lt3A_105 = arith.cmpi slt, %select_n3A_99, %lt3A_104 : i32
      %ne3A_106 = arith.xori %lt3A_103, %lt3A_105 : i1
      %and3A_107 = arith.andi %ne3A_106, %ne3A_102 : i1
      %add3A_108 = arith.addi %rem3A_100, %select_n3A_99 : i32
      %select_n3A_109 = arith.select %and3A_107, %add3A_108, %rem3A_100 : i32
      %mul3A_110 = arith.constant 8 : i32
      %mul3A_111 = arith.muli %select_n3A, %mul3A_110 : i32
      %add3A_112 = arith.addi %mul3A_2, %mul3A_111 : i32
      %mul3A_113 = arith.constant 1536 : i32
      %mul3A_114 = arith.muli %select_n3A_109, %mul3A_113 : i32
      %dma_wait3A = arith.constant 0 : i32
      %dma_wait3A_115 = arith.constant 0 : i32
      %dma_wait3A_116 = arith.constant 0 : i32
      %dma_wait3A_117 = tpu.memref_slice %arg5[%dma_wait3A, %dma_wait3A_115, %dma_wait3A_116] : memref<4x8x1536xf32, #tpu.memory_space<vmem>> -> memref<1x8x1536xf32, #tpu.memory_space<vmem>>
      %dma_wait3A_118 = tpu.memref_squeeze %dma_wait3A_117 : memref<1x8x1536xf32, #tpu.memory_space<vmem>> -> memref<8x1536xf32, #tpu.memory_space<vmem>>
      %dma_wait3A_119 = tpu.memref_slice %arg2[%add3A_112, %mul3A_114] : memref<1024x49152xf32, #tpu.memory_space<hbm>> -> memref<8x1536xf32, #tpu.memory_space<hbm>>
      %dma_wait3A_120 = arith.constant 0 : i32
      %dma_wait3A_121 = arith.constant 0 : i32
      %dma_wait3A_122 = tpu.memref_slice %arg5[%dma_wait3A, %dma_wait3A_120, %dma_wait3A_121] : memref<4x8x1536xf32, #tpu.memory_space<vmem>> -> memref<1x8x1536xf32, #tpu.memory_space<vmem>>
      %dma_wait3A_123 = tpu.memref_squeeze %dma_wait3A_122 : memref<1x8x1536xf32, #tpu.memory_space<vmem>> -> memref<8x1536xf32, #tpu.memory_space<vmem>>
      %dma_wait3A_124 = tpu.memref_slice %arg2[%add3A_112, %mul3A_114] : memref<1024x49152xf32, #tpu.memory_space<hbm>> -> memref<8x1536xf32, #tpu.memory_space<hbm>>
      tpu.wait_dma2 semaphore(%arg8 : memref<!tpu.dma_semaphore, #tpu.memory_space<semaphore_mem>>) src(%dma_wait3A_124 : memref<8x1536xf32, #tpu.memory_space<hbm>>) dst(%dma_wait3A_123 : memref<8x1536xf32, #tpu.memory_space<vmem>>)
      %add3A_125 = arith.constant 4 : i32
      %add3A_126 = arith.addi %add3A_79, %add3A_125 : i32
      %sub3A_127 = arith.constant 1 : i32
      %sub3A_128 = arith.subi %add3A_126, %sub3A_127 : i32
      %lt3A_129 = arith.constant 32 : i32
      %lt3A_130 = arith.cmpi slt, %sub3A_128, %lt3A_129 : i32
      %convert_element_type3A = arith.extui %lt3A_130 : i1 to i32
      %cond3A = arith.constant 0 : i32
      %cond3A_131 = arith.cmpi ne, %convert_element_type3A, %cond3A : i32
      scf.if %cond3A_131 {
        %add3A_2313 = arith.constant 4 : i32
        %add3A_2314 = arith.addi %add3A_79, %add3A_2313 : i32
        %sub3A_2315 = arith.constant 1 : i32
        %sub3A_2316 = arith.subi %add3A_2314, %sub3A_2315 : i32
        %jit3A_2317 = arith.constant 8 : i32
        %div3A_2318 = arith.divsi %sub3A_2316, %jit3A_2317 : i32
        %sign3A_2319 = arith.constant 0 : i32
        %sign3A_2320 = arith.cmpi sgt, %sub3A_2316, %sign3A_2319 : i32
        %sign3A_2321 = arith.extui %sign3A_2320 : i1 to i32
        %sign3A_2322 = arith.constant 0 : i32
        %sign3A_2323 = arith.cmpi slt, %sub3A_2316, %sign3A_2322 : i32
        %sign3A_2324 = arith.extui %sign3A_2323 : i1 to i32
        %sign3A_2325 = arith.subi %sign3A_2321, %sign3A_2324 : i32
        %sign3A_2326 = arith.constant 0 : i32
        %sign3A_2327 = arith.cmpi sgt, %jit3A_2317, %sign3A_2326 : i32
        %sign3A_2328 = arith.extui %sign3A_2327 : i1 to i32
        %sign3A_2329 = arith.constant 0 : i32
        %sign3A_2330 = arith.cmpi slt, %jit3A_2317, %sign3A_2329 : i32
        %sign3A_2331 = arith.extui %sign3A_2330 : i1 to i32
        %sign3A_2332 = arith.subi %sign3A_2328, %sign3A_2331 : i32
        %ne3A_2333 = arith.cmpi ne, %sign3A_2325, %sign3A_2332 : i32
        %rem3A_2334 = arith.remsi %sub3A_2316, %jit3A_2317 : i32
        %ne3A_2335 = arith.constant 0 : i32
        %ne3A_2336 = arith.cmpi ne, %rem3A_2334, %ne3A_2335 : i32
        %and3A_2337 = arith.andi %ne3A_2333, %ne3A_2336 : i1
        %sub3A_2338 = arith.constant 1 : i32
        %sub3A_2339 = arith.subi %div3A_2318, %sub3A_2338 : i32
        %select_n3A_2340 = arith.select %and3A_2337, %sub3A_2339, %div3A_2318 : i32
        %jit3A_2341 = arith.constant 8 : i32
        %eq3A_2342 = arith.constant 0 : i32
        %eq3A_2343 = arith.cmpi eq, %jit3A_2341, %eq3A_2342 : i32
        %jit3A_2344 = arith.constant 1 : i32
        %select_n3A_2345 = arith.select %eq3A_2343, %jit3A_2344, %jit3A_2341 : i32
        %rem3A_2346 = arith.remsi %sub3A_2316, %select_n3A_2345 : i32
        %ne3A_2347 = arith.constant 0 : i32
        %ne3A_2348 = arith.cmpi ne, %rem3A_2346, %ne3A_2347 : i32
        %lt3A_2349 = arith.constant 0 : i32
        %lt3A_2350 = arith.cmpi slt, %rem3A_2346, %lt3A_2349 : i32
        %lt3A_2351 = arith.constant 0 : i32
        %lt3A_2352 = arith.cmpi slt, %select_n3A_2345, %lt3A_2351 : i32
        %ne3A_2353 = arith.xori %lt3A_2350, %lt3A_2352 : i1
        %and3A_2354 = arith.andi %ne3A_2353, %ne3A_2348 : i1
        %add3A_2355 = arith.addi %rem3A_2346, %select_n3A_2345 : i32
        %select_n3A_2356 = arith.select %and3A_2354, %add3A_2355, %rem3A_2346 : i32
        %mul3A_2357 = arith.constant 8 : i32
        %mul3A_2358 = arith.muli %select_n3A_2340, %mul3A_2357 : i32
        %add3A_2359 = arith.addi %mul3A_2, %mul3A_2358 : i32
        %mul3A_2360 = arith.constant 1536 : i32
        %mul3A_2361 = arith.muli %select_n3A_2356, %mul3A_2360 : i32
        %dma_start3A_2362 = arith.constant 3 : i32
        %dma_start3A_2363 = arith.constant 0 : i32
        %dma_start3A_2364 = arith.constant 0 : i32
        %dma_start3A_2365 = tpu.memref_slice %arg5[%dma_start3A_2362, %dma_start3A_2363, %dma_start3A_2364] : memref<4x8x1536xf32, #tpu.memory_space<vmem>> -> memref<1x8x1536xf32, #tpu.memory_space<vmem>>
        %dma_start3A_2366 = tpu.memref_squeeze %dma_start3A_2365 : memref<1x8x1536xf32, #tpu.memory_space<vmem>> -> memref<8x1536xf32, #tpu.memory_space<vmem>>
        %dma_start3A_2367 = tpu.memref_slice %arg2[%add3A_2359, %mul3A_2361] : memref<1024x49152xf32, #tpu.memory_space<hbm>> -> memref<8x1536xf32, #tpu.memory_space<hbm>>
        %dma_start3A_2368 = arith.constant 0 : i32
        %dma_start3A_2369 = arith.constant 0 : i32
        %dma_start3A_2370 = tpu.memref_slice %arg5[%dma_start3A_2362, %dma_start3A_2368, %dma_start3A_2369] : memref<4x8x1536xf32, #tpu.memory_space<vmem>> -> memref<1x8x1536xf32, #tpu.memory_space<vmem>>
        %dma_start3A_2371 = tpu.memref_squeeze %dma_start3A_2370 : memref<1x8x1536xf32, #tpu.memory_space<vmem>> -> memref<8x1536xf32, #tpu.memory_space<vmem>>
        %dma_start3A_2372 = tpu.memref_slice %arg2[%add3A_2359, %mul3A_2361] : memref<1024x49152xf32, #tpu.memory_space<hbm>> -> memref<8x1536xf32, #tpu.memory_space<hbm>>
        tpu.enqueue_dma source(%dma_start3A_2372 : memref<8x1536xf32, #tpu.memory_space<hbm>>) target(%dma_start3A_2371 : memref<8x1536xf32, #tpu.memory_space<vmem>>) target_semaphore(%arg11 : memref<!tpu.dma_semaphore, #tpu.memory_space<semaphore_mem>>)
      } else {
      }
      %mul3A_132 = arith.constant 1536 : i32
      %mul3A_133 = arith.muli %select_n3A_109, %mul3A_132 : i32
      %broadcast_in_dim3A_134 = arith.constant 0.000000e+00 : f32
      %broadcast_in_dim3A_135 = vector.broadcast %broadcast_in_dim3A_134 : f32 to vector<16xf32>
      %broadcast_in_dim3A_136 = arith.constant 0.000000e+00 : f32
      %broadcast_in_dim3A_137 = vector.broadcast %broadcast_in_dim3A_136 : f32 to vector<16xf32>
      %broadcast_in_dim3A_138 = arith.constant 0.000000e+00 : f32
      %broadcast_in_dim3A_139 = vector.broadcast %broadcast_in_dim3A_138 : f32 to vector<16xf32>
      %broadcast_in_dim3A_140 = arith.constant 0.000000e+00 : f32
      %broadcast_in_dim3A_141 = vector.broadcast %broadcast_in_dim3A_140 : f32 to vector<16xf32>
      %broadcast_in_dim3A_142 = arith.constant 0.000000e+00 : f32
      %broadcast_in_dim3A_143 = vector.broadcast %broadcast_in_dim3A_142 : f32 to vector<16xf32>
      %broadcast_in_dim3A_144 = arith.constant 0.000000e+00 : f32
      %broadcast_in_dim3A_145 = vector.broadcast %broadcast_in_dim3A_144 : f32 to vector<16xf32>
      %broadcast_in_dim3A_146 = arith.constant 0.000000e+00 : f32
      %broadcast_in_dim3A_147 = vector.broadcast %broadcast_in_dim3A_146 : f32 to vector<16xf32>
      %broadcast_in_dim3A_148 = arith.constant 0.000000e+00 : f32
      %broadcast_in_dim3A_149 = vector.broadcast %broadcast_in_dim3A_148 : f32 to vector<16xf32>
      %scan3A_150 = arith.constant 0 : i32
      %scan3A_151 = arith.constant 16 : i32
      %scan3A_152 = arith.addi %scan3A_150, %scan3A_151 : i32
      %scan3A_153 = arith.constant 1 : i32
      %scan3A_154:8 = scf.for %scan3A_2313 = %scan3A_150 to %scan3A_152 step %scan3A_153 iter_args(%scan3A_2314 = %broadcast_in_dim3A_135, %scan3A_2315 = %broadcast_in_dim3A_137, %scan3A_2316 = %broadcast_in_dim3A_139, %scan3A_2317 = %broadcast_in_dim3A_141, %scan3A_2318 = %broadcast_in_dim3A_143, %scan3A_2319 = %broadcast_in_dim3A_145, %scan3A_2320 = %broadcast_in_dim3A_147, %scan3A_2321 = %broadcast_in_dim3A_149) -> (vector<16xf32>, vector<16xf32>, vector<16xf32>, vector<16xf32>, vector<16xf32>, vector<16xf32>, vector<16xf32>, vector<16xf32>)  : i32 {
        %mul3A_2322 = arith.constant 16 : i32
        %mul3A_2323 = arith.muli %scan3A_2313, %mul3A_2322 : i32
        %add3A_2324 = arith.constant 0 : i32
        %add3A_2325 = arith.addi %add3A_2324, %mul3A_2323 : i32
        %add3A_2326 = arith.addi %mul3A_133, %add3A_2325 : i32
        %get3A = arith.index_cast %add3A_2326 : i32 to index
        %get3A_2327 = tpu.vector_load %arg6[%get3A] {strides = array<i32>} : memref<12288xf32, #tpu.memory_space<vmem>>, vector<16xf32>,
        %max3A = arith.constant 0.000000e+00 : f32
        %max3A_2328 = vector.broadcast %max3A : f32 to vector<16xf32>
        %max3A_2329 = arith.maximumf %get3A_2327, %max3A_2328 : vector<16xf32>
        %add3A_2330 = arith.constant 0x4B000000 : f32
        %add3A_2331 = vector.broadcast %add3A_2330 : f32 to vector<16xf32>
        %add3A_2332 = arith.addf %max3A_2329, %add3A_2331 : vector<16xf32>
        %sub3A_2333 = arith.constant 0x4B000000 : f32
        %sub3A_2334 = vector.broadcast %sub3A_2333 : f32 to vector<16xf32>
        %sub3A_2335 = arith.subf %add3A_2332, %sub3A_2334 : vector<16xf32>
        %get3A_2336 = arith.constant 0 : i32
        %get3A_2337 = arith.constant 0 : i32
        %get3A_2338 = arith.index_cast %get3A_2336 : i32 to index
        %get3A_2339 = arith.index_cast %get3A_2337 : i32 to index
        %get3A_2340 = arith.index_cast %add3A_2325 : i32 to index
        %get3A_2341 = tpu.vector_load %arg5[%get3A_2338, %get3A_2339, %get3A_2340] {strides = array<i32>} : memref<4x8x1536xf32, #tpu.memory_space<vmem>>, vector<16xf32>,
        %mul3A_2342 = arith.mulf %get3A_2341, %sub3A_2335 : vector<16xf32>
        %add3A_2343 = arith.addf %scan3A_2314, %mul3A_2342 : vector<16xf32>
        %get3A_2344 = arith.constant 0 : i32
        %get3A_2345 = arith.constant 1 : i32
        %get3A_2346 = arith.index_cast %get3A_2344 : i32 to index
        %get3A_2347 = arith.index_cast %get3A_2345 : i32 to index
        %get3A_2348 = arith.index_cast %add3A_2325 : i32 to index
        %get3A_2349 = tpu.vector_load %arg5[%get3A_2346, %get3A_2347, %get3A_2348] {strides = array<i32>} : memref<4x8x1536xf32, #tpu.memory_space<vmem>>, vector<16xf32>,
        %mul3A_2350 = arith.mulf %get3A_2349, %sub3A_2335 : vector<16xf32>
        %add3A_2351 = arith.addf %scan3A_2315, %mul3A_2350 : vector<16xf32>
        %get3A_2352 = arith.constant 0 : i32
        %get3A_2353 = arith.constant 2 : i32
        %get3A_2354 = arith.index_cast %get3A_2352 : i32 to index
        %get3A_2355 = arith.index_cast %get3A_2353 : i32 to index
        %get3A_2356 = arith.index_cast %add3A_2325 : i32 to index
        %get3A_2357 = tpu.vector_load %arg5[%get3A_2354, %get3A_2355, %get3A_2356] {strides = array<i32>} : memref<4x8x1536xf32, #tpu.memory_space<vmem>>, vector<16xf32>,
        %mul3A_2358 = arith.mulf %get3A_2357, %sub3A_2335 : vector<16xf32>
        %add3A_2359 = arith.addf %scan3A_2316, %mul3A_2358 : vector<16xf32>
        %get3A_2360 = arith.constant 0 : i32
        %get3A_2361 = arith.constant 3 : i32
        %get3A_2362 = arith.index_cast %get3A_2360 : i32 to index
        %get3A_2363 = arith.index_cast %get3A_2361 : i32 to index
        %get3A_2364 = arith.index_cast %add3A_2325 : i32 to index
        %get3A_2365 = tpu.vector_load %arg5[%get3A_2362, %get3A_2363, %get3A_2364] {strides = array<i32>} : memref<4x8x1536xf32, #tpu.memory_space<vmem>>, vector<16xf32>,
        %mul3A_2366 = arith.mulf %get3A_2365, %sub3A_2335 : vector<16xf32>
        %add3A_2367 = arith.addf %scan3A_2317, %mul3A_2366 : vector<16xf32>
        %get3A_2368 = arith.constant 0 : i32
        %get3A_2369 = arith.constant 4 : i32
        %get3A_2370 = arith.index_cast %get3A_2368 : i32 to index
        %get3A_2371 = arith.index_cast %get3A_2369 : i32 to index
        %get3A_2372 = arith.index_cast %add3A_2325 : i32 to index
        %get3A_2373 = tpu.vector_load %arg5[%get3A_2370, %get3A_2371, %get3A_2372] {strides = array<i32>} : memref<4x8x1536xf32, #tpu.memory_space<vmem>>, vector<16xf32>,
        %mul3A_2374 = arith.mulf %get3A_2373, %sub3A_2335 : vector<16xf32>
        %add3A_2375 = arith.addf %scan3A_2318, %mul3A_2374 : vector<16xf32>
        %get3A_2376 = arith.constant 0 : i32
        %get3A_2377 = arith.constant 5 : i32
        %get3A_2378 = arith.index_cast %get3A_2376 : i32 to index
        %get3A_2379 = arith.index_cast %get3A_2377 : i32 to index
        %get3A_2380 = arith.index_cast %add3A_2325 : i32 to index
        %get3A_2381 = tpu.vector_load %arg5[%get3A_2378, %get3A_2379, %get3A_2380] {strides = array<i32>} : memref<4x8x1536xf32, #tpu.memory_space<vmem>>, vector<16xf32>,
        %mul3A_2382 = arith.mulf %get3A_2381, %sub3A_2335 : vector<16xf32>
        %add3A_2383 = arith.addf %scan3A_2319, %mul3A_2382 : vector<16xf32>
        %get3A_2384 = arith.constant 0 : i32
        %get3A_2385 = arith.constant 6 : i32
        %get3A_2386 = arith.index_cast %get3A_2384 : i32 to index
        %get3A_2387 = arith.index_cast %get3A_2385 : i32 to index
        %get3A_2388 = arith.index_cast %add3A_2325 : i32 to index
        %get3A_2389 = tpu.vector_load %arg5[%get3A_2386, %get3A_2387, %get3A_2388] {strides = array<i32>} : memref<4x8x1536xf32, #tpu.memory_space<vmem>>, vector<16xf32>,
        %mul3A_2390 = arith.mulf %get3A_2389, %sub3A_2335 : vector<16xf32>
        %add3A_2391 = arith.addf %scan3A_2320, %mul3A_2390 : vector<16xf32>
        %get3A_2392 = arith.constant 0 : i32
        %get3A_2393 = arith.constant 7 : i32
        %get3A_2394 = arith.index_cast %get3A_2392 : i32 to index
        %get3A_2395 = arith.index_cast %get3A_2393 : i32 to index
        %get3A_2396 = arith.index_cast %add3A_2325 : i32 to index
        %get3A_2397 = tpu.vector_load %arg5[%get3A_2394, %get3A_2395, %get3A_2396] {strides = array<i32>} : memref<4x8x1536xf32, #tpu.memory_space<vmem>>, vector<16xf32>,
        %mul3A_2398 = arith.mulf %get3A_2397, %sub3A_2335 : vector<16xf32>
        %add3A_2399 = arith.addf %scan3A_2321, %mul3A_2398 : vector<16xf32>
        scf.yield %add3A_2343, %add3A_2351, %add3A_2359, %add3A_2367, %add3A_2375, %add3A_2383, %add3A_2391, %add3A_2399 : vector<16xf32>, vector<16xf32>, vector<16xf32>, vector<16xf32>, vector<16xf32>, vector<16xf32>, vector<16xf32>, vector<16xf32>
      }
      %scan3A_155 = arith.constant 16 : i32
      %jit3A_156 = arith.constant 4 : i32
      %eq3A_157 = arith.constant 0 : i32
      %eq3A_158 = arith.cmpi eq, %jit3A_156, %eq3A_157 : i32
      %jit3A_159 = arith.constant 1 : i32
      %select_n3A_160 = arith.select %eq3A_158, %jit3A_159, %jit3A_156 : i32
      %rem3A_161 = arith.remsi %select_n3A_109, %select_n3A_160 : i32
      %ne3A_162 = arith.constant 0 : i32
      %ne3A_163 = arith.cmpi ne, %rem3A_161, %ne3A_162 : i32
      %lt3A_164 = arith.constant 0 : i32
      %lt3A_165 = arith.cmpi slt, %rem3A_161, %lt3A_164 : i32
      %lt3A_166 = arith.constant 0 : i32
      %lt3A_167 = arith.cmpi slt, %select_n3A_160, %lt3A_166 : i32
      %ne3A_168 = arith.xori %lt3A_165, %lt3A_167 : i1
      %and3A_169 = arith.andi %ne3A_168, %ne3A_163 : i1
      %add3A_170 = arith.addi %rem3A_161, %select_n3A_160 : i32
      %select_n3A_171 = arith.select %and3A_169, %add3A_170, %rem3A_161 : i32
      %mul3A_172 = arith.constant 4 : i32
      %mul3A_173 = arith.muli %select_n3A_171, %mul3A_172 : i32
      %add3A_174 = arith.constant 0 : i32
      %add3A_175 = arith.addi %mul3A_173, %add3A_174 : i32
      %add3A_176 = arith.constant 0 : i32
      %add3A_177 = arith.addi %add3A_175, %add3A_176 : i32
      %eq3A_178 = vector.broadcast %add3A_177 : i32 to vector<16xi32>
      %eq3A_179 = arith.cmpi eq, %iota3A, %eq3A_178 : vector<16xi32>
      %reduce_sum3A = arith.constant true
      %reduce_sum3A_180 = vector.broadcast %reduce_sum3A : i1 to vector<16xi1>
      %reduce_sum3A_181 = tpu.scan <sum>, %scan3A_154#0 masked %reduce_sum3A_180 : vector<16xf32>, vector<16xi1> -> vector<16xf32>
      %reduce_sum3A_182 = vector.extract %reduce_sum3A_181[15] : f32 from vector<16xf32>
      %broadcast_in_dim3A_183 = vector.broadcast %reduce_sum3A_182 : f32 to vector<16xf32>
      %select_n3A_184 = arith.select %eq3A_179, %broadcast_in_dim3A_183, %scan3A_68 : vector<16xi1>, vector<16xf32>
      %eq3A_185 = vector.broadcast %add3A_177 : i32 to vector<16xi32>
      %eq3A_186 = arith.cmpi eq, %iota3A, %eq3A_185 : vector<16xi32>
      %reduce_sum3A_187 = arith.constant true
      %reduce_sum3A_188 = vector.broadcast %reduce_sum3A_187 : i1 to vector<16xi1>
      %reduce_sum3A_189 = tpu.scan <sum>, %scan3A_154#1 masked %reduce_sum3A_188 : vector<16xf32>, vector<16xi1> -> vector<16xf32>
      %reduce_sum3A_190 = vector.extract %reduce_sum3A_189[15] : f32 from vector<16xf32>
      %broadcast_in_dim3A_191 = vector.broadcast %reduce_sum3A_190 : f32 to vector<16xf32>
      %select_n3A_192 = arith.select %eq3A_186, %broadcast_in_dim3A_191, %scan3A_69 : vector<16xi1>, vector<16xf32>
      %eq3A_193 = vector.broadcast %add3A_177 : i32 to vector<16xi32>
      %eq3A_194 = arith.cmpi eq, %iota3A, %eq3A_193 : vector<16xi32>
      %reduce_sum3A_195 = arith.constant true
      %reduce_sum3A_196 = vector.broadcast %reduce_sum3A_195 : i1 to vector<16xi1>
      %reduce_sum3A_197 = tpu.scan <sum>, %scan3A_154#2 masked %reduce_sum3A_196 : vector<16xf32>, vector<16xi1> -> vector<16xf32>
      %reduce_sum3A_198 = vector.extract %reduce_sum3A_197[15] : f32 from vector<16xf32>
      %broadcast_in_dim3A_199 = vector.broadcast %reduce_sum3A_198 : f32 to vector<16xf32>
      %select_n3A_200 = arith.select %eq3A_194, %broadcast_in_dim3A_199, %scan3A_70 : vector<16xi1>, vector<16xf32>
      %eq3A_201 = vector.broadcast %add3A_177 : i32 to vector<16xi32>
      %eq3A_202 = arith.cmpi eq, %iota3A, %eq3A_201 : vector<16xi32>
      %reduce_sum3A_203 = arith.constant true
      %reduce_sum3A_204 = vector.broadcast %reduce_sum3A_203 : i1 to vector<16xi1>
      %reduce_sum3A_205 = tpu.scan <sum>, %scan3A_154#3 masked %reduce_sum3A_204 : vector<16xf32>, vector<16xi1> -> vector<16xf32>
      %reduce_sum3A_206 = vector.extract %reduce_sum3A_205[15] : f32 from vector<16xf32>
      %broadcast_in_dim3A_207 = vector.broadcast %reduce_sum3A_206 : f32 to vector<16xf32>
      %select_n3A_208 = arith.select %eq3A_202, %broadcast_in_dim3A_207, %scan3A_71 : vector<16xi1>, vector<16xf32>
      %eq3A_209 = vector.broadcast %add3A_177 : i32 to vector<16xi32>
      %eq3A_210 = arith.cmpi eq, %iota3A, %eq3A_209 : vector<16xi32>
      %reduce_sum3A_211 = arith.constant true
      %reduce_sum3A_212 = vector.broadcast %reduce_sum3A_211 : i1 to vector<16xi1>
      %reduce_sum3A_213 = tpu.scan <sum>, %scan3A_154#4 masked %reduce_sum3A_212 : vector<16xf32>, vector<16xi1> -> vector<16xf32>
      %reduce_sum3A_214 = vector.extract %reduce_sum3A_213[15] : f32 from vector<16xf32>
      %broadcast_in_dim3A_215 = vector.broadcast %reduce_sum3A_214 : f32 to vector<16xf32>
      %select_n3A_216 = arith.select %eq3A_210, %broadcast_in_dim3A_215, %scan3A_72 : vector<16xi1>, vector<16xf32>
      %eq3A_217 = vector.broadcast %add3A_177 : i32 to vector<16xi32>
      %eq3A_218 = arith.cmpi eq, %iota3A, %eq3A_217 : vector<16xi32>
      %reduce_sum3A_219 = arith.constant true
      %reduce_sum3A_220 = vector.broadcast %reduce_sum3A_219 : i1 to vector<16xi1>
      %reduce_sum3A_221 = tpu.scan <sum>, %scan3A_154#5 masked %reduce_sum3A_220 : vector<16xf32>, vector<16xi1> -> vector<16xf32>
      %reduce_sum3A_222 = vector.extract %reduce_sum3A_221[15] : f32 from vector<16xf32>
      %broadcast_in_dim3A_223 = vector.broadcast %reduce_sum3A_222 : f32 to vector<16xf32>
      %select_n3A_224 = arith.select %eq3A_218, %broadcast_in_dim3A_223, %scan3A_73 : vector<16xi1>, vector<16xf32>
      %eq3A_225 = vector.broadcast %add3A_177 : i32 to vector<16xi32>
      %eq3A_226 = arith.cmpi eq, %iota3A, %eq3A_225 : vector<16xi32>
      %reduce_sum3A_227 = arith.constant true
      %reduce_sum3A_228 = vector.broadcast %reduce_sum3A_227 : i1 to vector<16xi1>
      %reduce_sum3A_229 = tpu.scan <sum>, %scan3A_154#6 masked %reduce_sum3A_228 : vector<16xf32>, vector<16xi1> -> vector<16xf32>
      %reduce_sum3A_230 = vector.extract %reduce_sum3A_229[15] : f32 from vector<16xf32>
      %broadcast_in_dim3A_231 = vector.broadcast %reduce_sum3A_230 : f32 to vector<16xf32>
      %select_n3A_232 = arith.select %eq3A_226, %broadcast_in_dim3A_231, %scan3A_74 : vector<16xi1>, vector<16xf32>
      %eq3A_233 = vector.broadcast %add3A_177 : i32 to vector<16xi32>
      %eq3A_234 = arith.cmpi eq, %iota3A, %eq3A_233 : vector<16xi32>
      %reduce_sum3A_235 = arith.constant true
      %reduce_sum3A_236 = vector.broadcast %reduce_sum3A_235 : i1 to vector<16xi1>
      %reduce_sum3A_237 = tpu.scan <sum>, %scan3A_154#7 masked %reduce_sum3A_236 : vector<16xf32>, vector<16xi1> -> vector<16xf32>
      %reduce_sum3A_238 = vector.extract %reduce_sum3A_237[15] : f32 from vector<16xf32>
      %broadcast_in_dim3A_239 = vector.broadcast %reduce_sum3A_238 : f32 to vector<16xf32>
      %select_n3A_240 = arith.select %eq3A_234, %broadcast_in_dim3A_239, %scan3A_75 : vector<16xi1>, vector<16xf32>
      %broadcast_in_dim3A_241 = arith.constant 0.000000e+00 : f32
      %broadcast_in_dim3A_242 = vector.broadcast %broadcast_in_dim3A_241 : f32 to vector<16xf32>
      %broadcast_in_dim3A_243 = arith.constant 0.000000e+00 : f32
      %broadcast_in_dim3A_244 = vector.broadcast %broadcast_in_dim3A_243 : f32 to vector<16xf32>
      %broadcast_in_dim3A_245 = arith.constant 0.000000e+00 : f32
      %broadcast_in_dim3A_246 = vector.broadcast %broadcast_in_dim3A_245 : f32 to vector<16xf32>
      %broadcast_in_dim3A_247 = arith.constant 0.000000e+00 : f32
      %broadcast_in_dim3A_248 = vector.broadcast %broadcast_in_dim3A_247 : f32 to vector<16xf32>
      %broadcast_in_dim3A_249 = arith.constant 0.000000e+00 : f32
      %broadcast_in_dim3A_250 = vector.broadcast %broadcast_in_dim3A_249 : f32 to vector<16xf32>
      %broadcast_in_dim3A_251 = arith.constant 0.000000e+00 : f32
      %broadcast_in_dim3A_252 = vector.broadcast %broadcast_in_dim3A_251 : f32 to vector<16xf32>
      %broadcast_in_dim3A_253 = arith.constant 0.000000e+00 : f32
      %broadcast_in_dim3A_254 = vector.broadcast %broadcast_in_dim3A_253 : f32 to vector<16xf32>
      %broadcast_in_dim3A_255 = arith.constant 0.000000e+00 : f32
      %broadcast_in_dim3A_256 = vector.broadcast %broadcast_in_dim3A_255 : f32 to vector<16xf32>
      %scan3A_257 = arith.constant 0 : i32
      %scan3A_258 = arith.constant 32 : i32
      %scan3A_259 = arith.addi %scan3A_257, %scan3A_258 : i32
      %scan3A_260 = arith.constant 1 : i32
      %scan3A_261:8 = scf.for %scan3A_2313 = %scan3A_257 to %scan3A_259 step %scan3A_260 iter_args(%scan3A_2314 = %broadcast_in_dim3A_242, %scan3A_2315 = %broadcast_in_dim3A_244, %scan3A_2316 = %broadcast_in_dim3A_246, %scan3A_2317 = %broadcast_in_dim3A_248, %scan3A_2318 = %broadcast_in_dim3A_250, %scan3A_2319 = %broadcast_in_dim3A_252, %scan3A_2320 = %broadcast_in_dim3A_254, %scan3A_2321 = %broadcast_in_dim3A_256) -> (vector<16xf32>, vector<16xf32>, vector<16xf32>, vector<16xf32>, vector<16xf32>, vector<16xf32>, vector<16xf32>, vector<16xf32>)  : i32 {
        %mul3A_2322 = arith.constant 16 : i32
        %mul3A_2323 = arith.muli %scan3A_2313, %mul3A_2322 : i32
        %add3A_2324 = arith.constant 256 : i32
        %add3A_2325 = arith.addi %add3A_2324, %mul3A_2323 : i32
        %add3A_2326 = arith.addi %mul3A_133, %add3A_2325 : i32
        %get3A = arith.index_cast %add3A_2326 : i32 to index
        %get3A_2327 = tpu.vector_load %arg6[%get3A] {strides = array<i32>} : memref<12288xf32, #tpu.memory_space<vmem>>, vector<16xf32>,
        %max3A = arith.constant 0.000000e+00 : f32
        %max3A_2328 = vector.broadcast %max3A : f32 to vector<16xf32>
        %max3A_2329 = arith.maximumf %get3A_2327, %max3A_2328 : vector<16xf32>
        %add3A_2330 = arith.constant 0x4B000000 : f32
        %add3A_2331 = vector.broadcast %add3A_2330 : f32 to vector<16xf32>
        %add3A_2332 = arith.addf %max3A_2329, %add3A_2331 : vector<16xf32>
        %sub3A_2333 = arith.constant 0x4B000000 : f32
        %sub3A_2334 = vector.broadcast %sub3A_2333 : f32 to vector<16xf32>
        %sub3A_2335 = arith.subf %add3A_2332, %sub3A_2334 : vector<16xf32>
        %get3A_2336 = arith.constant 0 : i32
        %get3A_2337 = arith.constant 0 : i32
        %get3A_2338 = arith.index_cast %get3A_2336 : i32 to index
        %get3A_2339 = arith.index_cast %get3A_2337 : i32 to index
        %get3A_2340 = arith.index_cast %add3A_2325 : i32 to index
        %get3A_2341 = tpu.vector_load %arg5[%get3A_2338, %get3A_2339, %get3A_2340] {strides = array<i32>} : memref<4x8x1536xf32, #tpu.memory_space<vmem>>, vector<16xf32>,
        %mul3A_2342 = arith.mulf %get3A_2341, %sub3A_2335 : vector<16xf32>
        %add3A_2343 = arith.addf %scan3A_2314, %mul3A_2342 : vector<16xf32>
        %get3A_2344 = arith.constant 0 : i32
        %get3A_2345 = arith.constant 1 : i32
        %get3A_2346 = arith.index_cast %get3A_2344 : i32 to index
        %get3A_2347 = arith.index_cast %get3A_2345 : i32 to index
        %get3A_2348 = arith.index_cast %add3A_2325 : i32 to index
        %get3A_2349 = tpu.vector_load %arg5[%get3A_2346, %get3A_2347, %get3A_2348] {strides = array<i32>} : memref<4x8x1536xf32, #tpu.memory_space<vmem>>, vector<16xf32>,
        %mul3A_2350 = arith.mulf %get3A_2349, %sub3A_2335 : vector<16xf32>
        %add3A_2351 = arith.addf %scan3A_2315, %mul3A_2350 : vector<16xf32>
        %get3A_2352 = arith.constant 0 : i32
        %get3A_2353 = arith.constant 2 : i32
        %get3A_2354 = arith.index_cast %get3A_2352 : i32 to index
        %get3A_2355 = arith.index_cast %get3A_2353 : i32 to index
        %get3A_2356 = arith.index_cast %add3A_2325 : i32 to index
        %get3A_2357 = tpu.vector_load %arg5[%get3A_2354, %get3A_2355, %get3A_2356] {strides = array<i32>} : memref<4x8x1536xf32, #tpu.memory_space<vmem>>, vector<16xf32>,
        %mul3A_2358 = arith.mulf %get3A_2357, %sub3A_2335 : vector<16xf32>
        %add3A_2359 = arith.addf %scan3A_2316, %mul3A_2358 : vector<16xf32>
        %get3A_2360 = arith.constant 0 : i32
        %get3A_2361 = arith.constant 3 : i32
        %get3A_2362 = arith.index_cast %get3A_2360 : i32 to index
        %get3A_2363 = arith.index_cast %get3A_2361 : i32 to index
        %get3A_2364 = arith.index_cast %add3A_2325 : i32 to index
        %get3A_2365 = tpu.vector_load %arg5[%get3A_2362, %get3A_2363, %get3A_2364] {strides = array<i32>} : memref<4x8x1536xf32, #tpu.memory_space<vmem>>, vector<16xf32>,
        %mul3A_2366 = arith.mulf %get3A_2365, %sub3A_2335 : vector<16xf32>
        %add3A_2367 = arith.addf %scan3A_2317, %mul3A_2366 : vector<16xf32>
        %get3A_2368 = arith.constant 0 : i32
        %get3A_2369 = arith.constant 4 : i32
        %get3A_2370 = arith.index_cast %get3A_2368 : i32 to index
        %get3A_2371 = arith.index_cast %get3A_2369 : i32 to index
        %get3A_2372 = arith.index_cast %add3A_2325 : i32 to index
        %get3A_2373 = tpu.vector_load %arg5[%get3A_2370, %get3A_2371, %get3A_2372] {strides = array<i32>} : memref<4x8x1536xf32, #tpu.memory_space<vmem>>, vector<16xf32>,
        %mul3A_2374 = arith.mulf %get3A_2373, %sub3A_2335 : vector<16xf32>
        %add3A_2375 = arith.addf %scan3A_2318, %mul3A_2374 : vector<16xf32>
        %get3A_2376 = arith.constant 0 : i32
        %get3A_2377 = arith.constant 5 : i32
        %get3A_2378 = arith.index_cast %get3A_2376 : i32 to index
        %get3A_2379 = arith.index_cast %get3A_2377 : i32 to index
        %get3A_2380 = arith.index_cast %add3A_2325 : i32 to index
        %get3A_2381 = tpu.vector_load %arg5[%get3A_2378, %get3A_2379, %get3A_2380] {strides = array<i32>} : memref<4x8x1536xf32, #tpu.memory_space<vmem>>, vector<16xf32>,
        %mul3A_2382 = arith.mulf %get3A_2381, %sub3A_2335 : vector<16xf32>
        %add3A_2383 = arith.addf %scan3A_2319, %mul3A_2382 : vector<16xf32>
        %get3A_2384 = arith.constant 0 : i32
        %get3A_2385 = arith.constant 6 : i32
        %get3A_2386 = arith.index_cast %get3A_2384 : i32 to index
        %get3A_2387 = arith.index_cast %get3A_2385 : i32 to index
        %get3A_2388 = arith.index_cast %add3A_2325 : i32 to index
        %get3A_2389 = tpu.vector_load %arg5[%get3A_2386, %get3A_2387, %get3A_2388] {strides = array<i32>} : memref<4x8x1536xf32, #tpu.memory_space<vmem>>, vector<16xf32>,
        %mul3A_2390 = arith.mulf %get3A_2389, %sub3A_2335 : vector<16xf32>
        %add3A_2391 = arith.addf %scan3A_2320, %mul3A_2390 : vector<16xf32>
        %get3A_2392 = arith.constant 0 : i32
        %get3A_2393 = arith.constant 7 : i32
        %get3A_2394 = arith.index_cast %get3A_2392 : i32 to index
        %get3A_2395 = arith.index_cast %get3A_2393 : i32 to index
        %get3A_2396 = arith.index_cast %add3A_2325 : i32 to index
        %get3A_2397 = tpu.vector_load %arg5[%get3A_2394, %get3A_2395, %get3A_2396] {strides = array<i32>} : memref<4x8x1536xf32, #tpu.memory_space<vmem>>, vector<16xf32>,
        %mul3A_2398 = arith.mulf %get3A_2397, %sub3A_2335 : vector<16xf32>
        %add3A_2399 = arith.addf %scan3A_2321, %mul3A_2398 : vector<16xf32>
        scf.yield %add3A_2343, %add3A_2351, %add3A_2359, %add3A_2367, %add3A_2375, %add3A_2383, %add3A_2391, %add3A_2399 : vector<16xf32>, vector<16xf32>, vector<16xf32>, vector<16xf32>, vector<16xf32>, vector<16xf32>, vector<16xf32>, vector<16xf32>
      }
      %scan3A_262 = arith.constant 32 : i32
      %jit3A_263 = arith.constant 4 : i32
      %eq3A_264 = arith.constant 0 : i32
      %eq3A_265 = arith.cmpi eq, %jit3A_263, %eq3A_264 : i32
      %jit3A_266 = arith.constant 1 : i32
      %select_n3A_267 = arith.select %eq3A_265, %jit3A_266, %jit3A_263 : i32
      %rem3A_268 = arith.remsi %select_n3A_109, %select_n3A_267 : i32
      %ne3A_269 = arith.constant 0 : i32
      %ne3A_270 = arith.cmpi ne, %rem3A_268, %ne3A_269 : i32
      %lt3A_271 = arith.constant 0 : i32
      %lt3A_272 = arith.cmpi slt, %rem3A_268, %lt3A_271 : i32
      %lt3A_273 = arith.constant 0 : i32
      %lt3A_274 = arith.cmpi slt, %select_n3A_267, %lt3A_273 : i32
      %ne3A_275 = arith.xori %lt3A_272, %lt3A_274 : i1
      %and3A_276 = arith.andi %ne3A_275, %ne3A_270 : i1
      %add3A_277 = arith.addi %rem3A_268, %select_n3A_267 : i32
      %select_n3A_278 = arith.select %and3A_276, %add3A_277, %rem3A_268 : i32
      %mul3A_279 = arith.constant 4 : i32
      %mul3A_280 = arith.muli %select_n3A_278, %mul3A_279 : i32
      %add3A_281 = arith.constant 0 : i32
      %add3A_282 = arith.addi %mul3A_280, %add3A_281 : i32
      %add3A_283 = arith.constant 1 : i32
      %add3A_284 = arith.addi %add3A_282, %add3A_283 : i32
      %eq3A_285 = vector.broadcast %add3A_284 : i32 to vector<16xi32>
      %eq3A_286 = arith.cmpi eq, %iota3A, %eq3A_285 : vector<16xi32>
      %reduce_sum3A_287 = arith.constant true
      %reduce_sum3A_288 = vector.broadcast %reduce_sum3A_287 : i1 to vector<16xi1>
      %reduce_sum3A_289 = tpu.scan <sum>, %scan3A_261#0 masked %reduce_sum3A_288 : vector<16xf32>, vector<16xi1> -> vector<16xf32>
      %reduce_sum3A_290 = vector.extract %reduce_sum3A_289[15] : f32 from vector<16xf32>
      %broadcast_in_dim3A_291 = vector.broadcast %reduce_sum3A_290 : f32 to vector<16xf32>
      %select_n3A_292 = arith.select %eq3A_286, %broadcast_in_dim3A_291, %select_n3A_184 : vector<16xi1>, vector<16xf32>
      %eq3A_293 = vector.broadcast %add3A_284 : i32 to vector<16xi32>
      %eq3A_294 = arith.cmpi eq, %iota3A, %eq3A_293 : vector<16xi32>
      %reduce_sum3A_295 = arith.constant true
      %reduce_sum3A_296 = vector.broadcast %reduce_sum3A_295 : i1 to vector<16xi1>
      %reduce_sum3A_297 = tpu.scan <sum>, %scan3A_261#1 masked %reduce_sum3A_296 : vector<16xf32>, vector<16xi1> -> vector<16xf32>
      %reduce_sum3A_298 = vector.extract %reduce_sum3A_297[15] : f32 from vector<16xf32>
      %broadcast_in_dim3A_299 = vector.broadcast %reduce_sum3A_298 : f32 to vector<16xf32>
      %select_n3A_300 = arith.select %eq3A_294, %broadcast_in_dim3A_299, %select_n3A_192 : vector<16xi1>, vector<16xf32>
      %eq3A_301 = vector.broadcast %add3A_284 : i32 to vector<16xi32>
      %eq3A_302 = arith.cmpi eq, %iota3A, %eq3A_301 : vector<16xi32>
      %reduce_sum3A_303 = arith.constant true
      %reduce_sum3A_304 = vector.broadcast %reduce_sum3A_303 : i1 to vector<16xi1>
      %reduce_sum3A_305 = tpu.scan <sum>, %scan3A_261#2 masked %reduce_sum3A_304 : vector<16xf32>, vector<16xi1> -> vector<16xf32>
      %reduce_sum3A_306 = vector.extract %reduce_sum3A_305[15] : f32 from vector<16xf32>
      %broadcast_in_dim3A_307 = vector.broadcast %reduce_sum3A_306 : f32 to vector<16xf32>
      %select_n3A_308 = arith.select %eq3A_302, %broadcast_in_dim3A_307, %select_n3A_200 : vector<16xi1>, vector<16xf32>
      %eq3A_309 = vector.broadcast %add3A_284 : i32 to vector<16xi32>
      %eq3A_310 = arith.cmpi eq, %iota3A, %eq3A_309 : vector<16xi32>
      %reduce_sum3A_311 = arith.constant true
      %reduce_sum3A_312 = vector.broadcast %reduce_sum3A_311 : i1 to vector<16xi1>
      %reduce_sum3A_313 = tpu.scan <sum>, %scan3A_261#3 masked %reduce_sum3A_312 : vector<16xf32>, vector<16xi1> -> vector<16xf32>
      %reduce_sum3A_314 = vector.extract %reduce_sum3A_313[15] : f32 from vector<16xf32>
      %broadcast_in_dim3A_315 = vector.broadcast %reduce_sum3A_314 : f32 to vector<16xf32>
      %select_n3A_316 = arith.select %eq3A_310, %broadcast_in_dim3A_315, %select_n3A_208 : vector<16xi1>, vector<16xf32>
      %eq3A_317 = vector.broadcast %add3A_284 : i32 to vector<16xi32>
      %eq3A_318 = arith.cmpi eq, %iota3A, %eq3A_317 : vector<16xi32>
      %reduce_sum3A_319 = arith.constant true
      %reduce_sum3A_320 = vector.broadcast %reduce_sum3A_319 : i1 to vector<16xi1>
      %reduce_sum3A_321 = tpu.scan <sum>, %scan3A_261#4 masked %reduce_sum3A_320 : vector<16xf32>, vector<16xi1> -> vector<16xf32>
      %reduce_sum3A_322 = vector.extract %reduce_sum3A_321[15] : f32 from vector<16xf32>
      %broadcast_in_dim3A_323 = vector.broadcast %reduce_sum3A_322 : f32 to vector<16xf32>
      %select_n3A_324 = arith.select %eq3A_318, %broadcast_in_dim3A_323, %select_n3A_216 : vector<16xi1>, vector<16xf32>
      %eq3A_325 = vector.broadcast %add3A_284 : i32 to vector<16xi32>
      %eq3A_326 = arith.cmpi eq, %iota3A, %eq3A_325 : vector<16xi32>
      %reduce_sum3A_327 = arith.constant true
      %reduce_sum3A_328 = vector.broadcast %reduce_sum3A_327 : i1 to vector<16xi1>
      %reduce_sum3A_329 = tpu.scan <sum>, %scan3A_261#5 masked %reduce_sum3A_328 : vector<16xf32>, vector<16xi1> -> vector<16xf32>
      %reduce_sum3A_330 = vector.extract %reduce_sum3A_329[15] : f32 from vector<16xf32>
      %broadcast_in_dim3A_331 = vector.broadcast %reduce_sum3A_330 : f32 to vector<16xf32>
      %select_n3A_332 = arith.select %eq3A_326, %broadcast_in_dim3A_331, %select_n3A_224 : vector<16xi1>, vector<16xf32>
      %eq3A_333 = vector.broadcast %add3A_284 : i32 to vector<16xi32>
      %eq3A_334 = arith.cmpi eq, %iota3A, %eq3A_333 : vector<16xi32>
      %reduce_sum3A_335 = arith.constant true
      %reduce_sum3A_336 = vector.broadcast %reduce_sum3A_335 : i1 to vector<16xi1>
      %reduce_sum3A_337 = tpu.scan <sum>, %scan3A_261#6 masked %reduce_sum3A_336 : vector<16xf32>, vector<16xi1> -> vector<16xf32>
      %reduce_sum3A_338 = vector.extract %reduce_sum3A_337[15] : f32 from vector<16xf32>
      %broadcast_in_dim3A_339 = vector.broadcast %reduce_sum3A_338 : f32 to vector<16xf32>
      %select_n3A_340 = arith.select %eq3A_334, %broadcast_in_dim3A_339, %select_n3A_232 : vector<16xi1>, vector<16xf32>
      %eq3A_341 = vector.broadcast %add3A_284 : i32 to vector<16xi32>
      %eq3A_342 = arith.cmpi eq, %iota3A, %eq3A_341 : vector<16xi32>
      %reduce_sum3A_343 = arith.constant true
      %reduce_sum3A_344 = vector.broadcast %reduce_sum3A_343 : i1 to vector<16xi1>
      %reduce_sum3A_345 = tpu.scan <sum>, %scan3A_261#7 masked %reduce_sum3A_344 : vector<16xf32>, vector<16xi1> -> vector<16xf32>
      %reduce_sum3A_346 = vector.extract %reduce_sum3A_345[15] : f32 from vector<16xf32>
      %broadcast_in_dim3A_347 = vector.broadcast %reduce_sum3A_346 : f32 to vector<16xf32>
      %select_n3A_348 = arith.select %eq3A_342, %broadcast_in_dim3A_347, %select_n3A_240 : vector<16xi1>, vector<16xf32>
      %broadcast_in_dim3A_349 = arith.constant 0.000000e+00 : f32
      %broadcast_in_dim3A_350 = vector.broadcast %broadcast_in_dim3A_349 : f32 to vector<16xf32>
      %broadcast_in_dim3A_351 = arith.constant 0.000000e+00 : f32
      %broadcast_in_dim3A_352 = vector.broadcast %broadcast_in_dim3A_351 : f32 to vector<16xf32>
      %broadcast_in_dim3A_353 = arith.constant 0.000000e+00 : f32
      %broadcast_in_dim3A_354 = vector.broadcast %broadcast_in_dim3A_353 : f32 to vector<16xf32>
      %broadcast_in_dim3A_355 = arith.constant 0.000000e+00 : f32
      %broadcast_in_dim3A_356 = vector.broadcast %broadcast_in_dim3A_355 : f32 to vector<16xf32>
      %broadcast_in_dim3A_357 = arith.constant 0.000000e+00 : f32
      %broadcast_in_dim3A_358 = vector.broadcast %broadcast_in_dim3A_357 : f32 to vector<16xf32>
      %broadcast_in_dim3A_359 = arith.constant 0.000000e+00 : f32
      %broadcast_in_dim3A_360 = vector.broadcast %broadcast_in_dim3A_359 : f32 to vector<16xf32>
      %broadcast_in_dim3A_361 = arith.constant 0.000000e+00 : f32
      %broadcast_in_dim3A_362 = vector.broadcast %broadcast_in_dim3A_361 : f32 to vector<16xf32>
      %broadcast_in_dim3A_363 = arith.constant 0.000000e+00 : f32
      %broadcast_in_dim3A_364 = vector.broadcast %broadcast_in_dim3A_363 : f32 to vector<16xf32>
      %scan3A_365 = arith.constant 0 : i32
      %scan3A_366 = arith.constant 16 : i32
      %scan3A_367 = arith.addi %scan3A_365, %scan3A_366 : i32
      %scan3A_368 = arith.constant 1 : i32
      %scan3A_369:8 = scf.for %scan3A_2313 = %scan3A_365 to %scan3A_367 step %scan3A_368 iter_args(%scan3A_2314 = %broadcast_in_dim3A_350, %scan3A_2315 = %broadcast_in_dim3A_352, %scan3A_2316 = %broadcast_in_dim3A_354, %scan3A_2317 = %broadcast_in_dim3A_356, %scan3A_2318 = %broadcast_in_dim3A_358, %scan3A_2319 = %broadcast_in_dim3A_360, %scan3A_2320 = %broadcast_in_dim3A_362, %scan3A_2321 = %broadcast_in_dim3A_364) -> (vector<16xf32>, vector<16xf32>, vector<16xf32>, vector<16xf32>, vector<16xf32>, vector<16xf32>, vector<16xf32>, vector<16xf32>)  : i32 {
        %mul3A_2322 = arith.constant 16 : i32
        %mul3A_2323 = arith.muli %scan3A_2313, %mul3A_2322 : i32
        %add3A_2324 = arith.constant 768 : i32
        %add3A_2325 = arith.addi %add3A_2324, %mul3A_2323 : i32
        %add3A_2326 = arith.addi %mul3A_133, %add3A_2325 : i32
        %get3A = arith.index_cast %add3A_2326 : i32 to index
        %get3A_2327 = tpu.vector_load %arg6[%get3A] {strides = array<i32>} : memref<12288xf32, #tpu.memory_space<vmem>>, vector<16xf32>,
        %max3A = arith.constant 0.000000e+00 : f32
        %max3A_2328 = vector.broadcast %max3A : f32 to vector<16xf32>
        %max3A_2329 = arith.maximumf %get3A_2327, %max3A_2328 : vector<16xf32>
        %add3A_2330 = arith.constant 0x4B000000 : f32
        %add3A_2331 = vector.broadcast %add3A_2330 : f32 to vector<16xf32>
        %add3A_2332 = arith.addf %max3A_2329, %add3A_2331 : vector<16xf32>
        %sub3A_2333 = arith.constant 0x4B000000 : f32
        %sub3A_2334 = vector.broadcast %sub3A_2333 : f32 to vector<16xf32>
        %sub3A_2335 = arith.subf %add3A_2332, %sub3A_2334 : vector<16xf32>
        %get3A_2336 = arith.constant 0 : i32
        %get3A_2337 = arith.constant 0 : i32
        %get3A_2338 = arith.index_cast %get3A_2336 : i32 to index
        %get3A_2339 = arith.index_cast %get3A_2337 : i32 to index
        %get3A_2340 = arith.index_cast %add3A_2325 : i32 to index
        %get3A_2341 = tpu.vector_load %arg5[%get3A_2338, %get3A_2339, %get3A_2340] {strides = array<i32>} : memref<4x8x1536xf32, #tpu.memory_space<vmem>>, vector<16xf32>,
        %mul3A_2342 = arith.mulf %get3A_2341, %sub3A_2335 : vector<16xf32>
        %add3A_2343 = arith.addf %scan3A_2314, %mul3A_2342 : vector<16xf32>
        %get3A_2344 = arith.constant 0 : i32
        %get3A_2345 = arith.constant 1 : i32
        %get3A_2346 = arith.index_cast %get3A_2344 : i32 to index
        %get3A_2347 = arith.index_cast %get3A_2345 : i32 to index
        %get3A_2348 = arith.index_cast %add3A_2325 : i32 to index
        %get3A_2349 = tpu.vector_load %arg5[%get3A_2346, %get3A_2347, %get3A_2348] {strides = array<i32>} : memref<4x8x1536xf32, #tpu.memory_space<vmem>>, vector<16xf32>,
        %mul3A_2350 = arith.mulf %get3A_2349, %sub3A_2335 : vector<16xf32>
        %add3A_2351 = arith.addf %scan3A_2315, %mul3A_2350 : vector<16xf32>
        %get3A_2352 = arith.constant 0 : i32
        %get3A_2353 = arith.constant 2 : i32
        %get3A_2354 = arith.index_cast %get3A_2352 : i32 to index
        %get3A_2355 = arith.index_cast %get3A_2353 : i32 to index
        %get3A_2356 = arith.index_cast %add3A_2325 : i32 to index
        %get3A_2357 = tpu.vector_load %arg5[%get3A_2354, %get3A_2355, %get3A_2356] {strides = array<i32>} : memref<4x8x1536xf32, #tpu.memory_space<vmem>>, vector<16xf32>,
        %mul3A_2358 = arith.mulf %get3A_2357, %sub3A_2335 : vector<16xf32>
        %add3A_2359 = arith.addf %scan3A_2316, %mul3A_2358 : vector<16xf32>
        %get3A_2360 = arith.constant 0 : i32
        %get3A_2361 = arith.constant 3 : i32
        %get3A_2362 = arith.index_cast %get3A_2360 : i32 to index
        %get3A_2363 = arith.index_cast %get3A_2361 : i32 to index
        %get3A_2364 = arith.index_cast %add3A_2325 : i32 to index
        %get3A_2365 = tpu.vector_load %arg5[%get3A_2362, %get3A_2363, %get3A_2364] {strides = array<i32>} : memref<4x8x1536xf32, #tpu.memory_space<vmem>>, vector<16xf32>,
        %mul3A_2366 = arith.mulf %get3A_2365, %sub3A_2335 : vector<16xf32>
        %add3A_2367 = arith.addf %scan3A_2317, %mul3A_2366 : vector<16xf32>
        %get3A_2368 = arith.constant 0 : i32
        %get3A_2369 = arith.constant 4 : i32
        %get3A_2370 = arith.index_cast %get3A_2368 : i32 to index
        %get3A_2371 = arith.index_cast %get3A_2369 : i32 to index
        %get3A_2372 = arith.index_cast %add3A_2325 : i32 to index
        %get3A_2373 = tpu.vector_load %arg5[%get3A_2370, %get3A_2371, %get3A_2372] {strides = array<i32>} : memref<4x8x1536xf32, #tpu.memory_space<vmem>>, vector<16xf32>,
        %mul3A_2374 = arith.mulf %get3A_2373, %sub3A_2335 : vector<16xf32>
        %add3A_2375 = arith.addf %scan3A_2318, %mul3A_2374 : vector<16xf32>
        %get3A_2376 = arith.constant 0 : i32
        %get3A_2377 = arith.constant 5 : i32
        %get3A_2378 = arith.index_cast %get3A_2376 : i32 to index
        %get3A_2379 = arith.index_cast %get3A_2377 : i32 to index
        %get3A_2380 = arith.index_cast %add3A_2325 : i32 to index
        %get3A_2381 = tpu.vector_load %arg5[%get3A_2378, %get3A_2379, %get3A_2380] {strides = array<i32>} : memref<4x8x1536xf32, #tpu.memory_space<vmem>>, vector<16xf32>,
        %mul3A_2382 = arith.mulf %get3A_2381, %sub3A_2335 : vector<16xf32>
        %add3A_2383 = arith.addf %scan3A_2319, %mul3A_2382 : vector<16xf32>
        %get3A_2384 = arith.constant 0 : i32
        %get3A_2385 = arith.constant 6 : i32
        %get3A_2386 = arith.index_cast %get3A_2384 : i32 to index
        %get3A_2387 = arith.index_cast %get3A_2385 : i32 to index
        %get3A_2388 = arith.index_cast %add3A_2325 : i32 to index
        %get3A_2389 = tpu.vector_load %arg5[%get3A_2386, %get3A_2387, %get3A_2388] {strides = array<i32>} : memref<4x8x1536xf32, #tpu.memory_space<vmem>>, vector<16xf32>,
        %mul3A_2390 = arith.mulf %get3A_2389, %sub3A_2335 : vector<16xf32>
        %add3A_2391 = arith.addf %scan3A_2320, %mul3A_2390 : vector<16xf32>
        %get3A_2392 = arith.constant 0 : i32
        %get3A_2393 = arith.constant 7 : i32
        %get3A_2394 = arith.index_cast %get3A_2392 : i32 to index
        %get3A_2395 = arith.index_cast %get3A_2393 : i32 to index
        %get3A_2396 = arith.index_cast %add3A_2325 : i32 to index
        %get3A_2397 = tpu.vector_load %arg5[%get3A_2394, %get3A_2395, %get3A_2396] {strides = array<i32>} : memref<4x8x1536xf32, #tpu.memory_space<vmem>>, vector<16xf32>,
        %mul3A_2398 = arith.mulf %get3A_2397, %sub3A_2335 : vector<16xf32>
        %add3A_2399 = arith.addf %scan3A_2321, %mul3A_2398 : vector<16xf32>
        scf.yield %add3A_2343, %add3A_2351, %add3A_2359, %add3A_2367, %add3A_2375, %add3A_2383, %add3A_2391, %add3A_2399 : vector<16xf32>, vector<16xf32>, vector<16xf32>, vector<16xf32>, vector<16xf32>, vector<16xf32>, vector<16xf32>, vector<16xf32>
      }
      %scan3A_370 = arith.constant 16 : i32
      %jit3A_371 = arith.constant 4 : i32
      %eq3A_372 = arith.constant 0 : i32
      %eq3A_373 = arith.cmpi eq, %jit3A_371, %eq3A_372 : i32
      %jit3A_374 = arith.constant 1 : i32
      %select_n3A_375 = arith.select %eq3A_373, %jit3A_374, %jit3A_371 : i32
      %rem3A_376 = arith.remsi %select_n3A_109, %select_n3A_375 : i32
      %ne3A_377 = arith.constant 0 : i32
      %ne3A_378 = arith.cmpi ne, %rem3A_376, %ne3A_377 : i32
      %lt3A_379 = arith.constant 0 : i32
      %lt3A_380 = arith.cmpi slt, %rem3A_376, %lt3A_379 : i32
      %lt3A_381 = arith.constant 0 : i32
      %lt3A_382 = arith.cmpi slt, %select_n3A_375, %lt3A_381 : i32
      %ne3A_383 = arith.xori %lt3A_380, %lt3A_382 : i1
      %and3A_384 = arith.andi %ne3A_383, %ne3A_378 : i1
      %add3A_385 = arith.addi %rem3A_376, %select_n3A_375 : i32
      %select_n3A_386 = arith.select %and3A_384, %add3A_385, %rem3A_376 : i32
      %mul3A_387 = arith.constant 4 : i32
      %mul3A_388 = arith.muli %select_n3A_386, %mul3A_387 : i32
      %add3A_389 = arith.constant 2 : i32
      %add3A_390 = arith.addi %mul3A_388, %add3A_389 : i32
      %add3A_391 = arith.constant 0 : i32
      %add3A_392 = arith.addi %add3A_390, %add3A_391 : i32
      %eq3A_393 = vector.broadcast %add3A_392 : i32 to vector<16xi32>
      %eq3A_394 = arith.cmpi eq, %iota3A, %eq3A_393 : vector<16xi32>
      %reduce_sum3A_395 = arith.constant true
      %reduce_sum3A_396 = vector.broadcast %reduce_sum3A_395 : i1 to vector<16xi1>
      %reduce_sum3A_397 = tpu.scan <sum>, %scan3A_369#0 masked %reduce_sum3A_396 : vector<16xf32>, vector<16xi1> -> vector<16xf32>
      %reduce_sum3A_398 = vector.extract %reduce_sum3A_397[15] : f32 from vector<16xf32>
      %broadcast_in_dim3A_399 = vector.broadcast %reduce_sum3A_398 : f32 to vector<16xf32>
      %select_n3A_400 = arith.select %eq3A_394, %broadcast_in_dim3A_399, %select_n3A_292 : vector<16xi1>, vector<16xf32>
      %eq3A_401 = vector.broadcast %add3A_392 : i32 to vector<16xi32>
      %eq3A_402 = arith.cmpi eq, %iota3A, %eq3A_401 : vector<16xi32>
      %reduce_sum3A_403 = arith.constant true
      %reduce_sum3A_404 = vector.broadcast %reduce_sum3A_403 : i1 to vector<16xi1>
      %reduce_sum3A_405 = tpu.scan <sum>, %scan3A_369#1 masked %reduce_sum3A_404 : vector<16xf32>, vector<16xi1> -> vector<16xf32>
      %reduce_sum3A_406 = vector.extract %reduce_sum3A_405[15] : f32 from vector<16xf32>
      %broadcast_in_dim3A_407 = vector.broadcast %reduce_sum3A_406 : f32 to vector<16xf32>
      %select_n3A_408 = arith.select %eq3A_402, %broadcast_in_dim3A_407, %select_n3A_300 : vector<16xi1>, vector<16xf32>
      %eq3A_409 = vector.broadcast %add3A_392 : i32 to vector<16xi32>
      %eq3A_410 = arith.cmpi eq, %iota3A, %eq3A_409 : vector<16xi32>
      %reduce_sum3A_411 = arith.constant true
      %reduce_sum3A_412 = vector.broadcast %reduce_sum3A_411 : i1 to vector<16xi1>
      %reduce_sum3A_413 = tpu.scan <sum>, %scan3A_369#2 masked %reduce_sum3A_412 : vector<16xf32>, vector<16xi1> -> vector<16xf32>
      %reduce_sum3A_414 = vector.extract %reduce_sum3A_413[15] : f32 from vector<16xf32>
      %broadcast_in_dim3A_415 = vector.broadcast %reduce_sum3A_414 : f32 to vector<16xf32>
      %select_n3A_416 = arith.select %eq3A_410, %broadcast_in_dim3A_415, %select_n3A_308 : vector<16xi1>, vector<16xf32>
      %eq3A_417 = vector.broadcast %add3A_392 : i32 to vector<16xi32>
      %eq3A_418 = arith.cmpi eq, %iota3A, %eq3A_417 : vector<16xi32>
      %reduce_sum3A_419 = arith.constant true
      %reduce_sum3A_420 = vector.broadcast %reduce_sum3A_419 : i1 to vector<16xi1>
      %reduce_sum3A_421 = tpu.scan <sum>, %scan3A_369#3 masked %reduce_sum3A_420 : vector<16xf32>, vector<16xi1> -> vector<16xf32>
      %reduce_sum3A_422 = vector.extract %reduce_sum3A_421[15] : f32 from vector<16xf32>
      %broadcast_in_dim3A_423 = vector.broadcast %reduce_sum3A_422 : f32 to vector<16xf32>
      %select_n3A_424 = arith.select %eq3A_418, %broadcast_in_dim3A_423, %select_n3A_316 : vector<16xi1>, vector<16xf32>
      %eq3A_425 = vector.broadcast %add3A_392 : i32 to vector<16xi32>
      %eq3A_426 = arith.cmpi eq, %iota3A, %eq3A_425 : vector<16xi32>
      %reduce_sum3A_427 = arith.constant true
      %reduce_sum3A_428 = vector.broadcast %reduce_sum3A_427 : i1 to vector<16xi1>
      %reduce_sum3A_429 = tpu.scan <sum>, %scan3A_369#4 masked %reduce_sum3A_428 : vector<16xf32>, vector<16xi1> -> vector<16xf32>
      %reduce_sum3A_430 = vector.extract %reduce_sum3A_429[15] : f32 from vector<16xf32>
      %broadcast_in_dim3A_431 = vector.broadcast %reduce_sum3A_430 : f32 to vector<16xf32>
      %select_n3A_432 = arith.select %eq3A_426, %broadcast_in_dim3A_431, %select_n3A_324 : vector<16xi1>, vector<16xf32>
      %eq3A_433 = vector.broadcast %add3A_392 : i32 to vector<16xi32>
      %eq3A_434 = arith.cmpi eq, %iota3A, %eq3A_433 : vector<16xi32>
      %reduce_sum3A_435 = arith.constant true
      %reduce_sum3A_436 = vector.broadcast %reduce_sum3A_435 : i1 to vector<16xi1>
      %reduce_sum3A_437 = tpu.scan <sum>, %scan3A_369#5 masked %reduce_sum3A_436 : vector<16xf32>, vector<16xi1> -> vector<16xf32>
      %reduce_sum3A_438 = vector.extract %reduce_sum3A_437[15] : f32 from vector<16xf32>
      %broadcast_in_dim3A_439 = vector.broadcast %reduce_sum3A_438 : f32 to vector<16xf32>
      %select_n3A_440 = arith.select %eq3A_434, %broadcast_in_dim3A_439, %select_n3A_332 : vector<16xi1>, vector<16xf32>
      %eq3A_441 = vector.broadcast %add3A_392 : i32 to vector<16xi32>
      %eq3A_442 = arith.cmpi eq, %iota3A, %eq3A_441 : vector<16xi32>
      %reduce_sum3A_443 = arith.constant true
      %reduce_sum3A_444 = vector.broadcast %reduce_sum3A_443 : i1 to vector<16xi1>
      %reduce_sum3A_445 = tpu.scan <sum>, %scan3A_369#6 masked %reduce_sum3A_444 : vector<16xf32>, vector<16xi1> -> vector<16xf32>
      %reduce_sum3A_446 = vector.extract %reduce_sum3A_445[15] : f32 from vector<16xf32>
      %broadcast_in_dim3A_447 = vector.broadcast %reduce_sum3A_446 : f32 to vector<16xf32>
      %select_n3A_448 = arith.select %eq3A_442, %broadcast_in_dim3A_447, %select_n3A_340 : vector<16xi1>, vector<16xf32>
      %eq3A_449 = vector.broadcast %add3A_392 : i32 to vector<16xi32>
      %eq3A_450 = arith.cmpi eq, %iota3A, %eq3A_449 : vector<16xi32>
      %reduce_sum3A_451 = arith.constant true
      %reduce_sum3A_452 = vector.broadcast %reduce_sum3A_451 : i1 to vector<16xi1>
      %reduce_sum3A_453 = tpu.scan <sum>, %scan3A_369#7 masked %reduce_sum3A_452 : vector<16xf32>, vector<16xi1> -> vector<16xf32>
      %reduce_sum3A_454 = vector.extract %reduce_sum3A_453[15] : f32 from vector<16xf32>
      %broadcast_in_dim3A_455 = vector.broadcast %reduce_sum3A_454 : f32 to vector<16xf32>
      %select_n3A_456 = arith.select %eq3A_450, %broadcast_in_dim3A_455, %select_n3A_348 : vector<16xi1>, vector<16xf32>
      %broadcast_in_dim3A_457 = arith.constant 0.000000e+00 : f32
      %broadcast_in_dim3A_458 = vector.broadcast %broadcast_in_dim3A_457 : f32 to vector<16xf32>
      %broadcast_in_dim3A_459 = arith.constant 0.000000e+00 : f32
      %broadcast_in_dim3A_460 = vector.broadcast %broadcast_in_dim3A_459 : f32 to vector<16xf32>
      %broadcast_in_dim3A_461 = arith.constant 0.000000e+00 : f32
      %broadcast_in_dim3A_462 = vector.broadcast %broadcast_in_dim3A_461 : f32 to vector<16xf32>
      %broadcast_in_dim3A_463 = arith.constant 0.000000e+00 : f32
      %broadcast_in_dim3A_464 = vector.broadcast %broadcast_in_dim3A_463 : f32 to vector<16xf32>
      %broadcast_in_dim3A_465 = arith.constant 0.000000e+00 : f32
      %broadcast_in_dim3A_466 = vector.broadcast %broadcast_in_dim3A_465 : f32 to vector<16xf32>
      %broadcast_in_dim3A_467 = arith.constant 0.000000e+00 : f32
      %broadcast_in_dim3A_468 = vector.broadcast %broadcast_in_dim3A_467 : f32 to vector<16xf32>
      %broadcast_in_dim3A_469 = arith.constant 0.000000e+00 : f32
      %broadcast_in_dim3A_470 = vector.broadcast %broadcast_in_dim3A_469 : f32 to vector<16xf32>
      %broadcast_in_dim3A_471 = arith.constant 0.000000e+00 : f32
      %broadcast_in_dim3A_472 = vector.broadcast %broadcast_in_dim3A_471 : f32 to vector<16xf32>
      %scan3A_473 = arith.constant 0 : i32
      %scan3A_474 = arith.constant 32 : i32
      %scan3A_475 = arith.addi %scan3A_473, %scan3A_474 : i32
      %scan3A_476 = arith.constant 1 : i32
      %scan3A_477:8 = scf.for %scan3A_2313 = %scan3A_473 to %scan3A_475 step %scan3A_476 iter_args(%scan3A_2314 = %broadcast_in_dim3A_458, %scan3A_2315 = %broadcast_in_dim3A_460, %scan3A_2316 = %broadcast_in_dim3A_462, %scan3A_2317 = %broadcast_in_dim3A_464, %scan3A_2318 = %broadcast_in_dim3A_466, %scan3A_2319 = %broadcast_in_dim3A_468, %scan3A_2320 = %broadcast_in_dim3A_470, %scan3A_2321 = %broadcast_in_dim3A_472) -> (vector<16xf32>, vector<16xf32>, vector<16xf32>, vector<16xf32>, vector<16xf32>, vector<16xf32>, vector<16xf32>, vector<16xf32>)  : i32 {
        %mul3A_2322 = arith.constant 16 : i32
        %mul3A_2323 = arith.muli %scan3A_2313, %mul3A_2322 : i32
        %add3A_2324 = arith.constant 1024 : i32
        %add3A_2325 = arith.addi %add3A_2324, %mul3A_2323 : i32
        %add3A_2326 = arith.addi %mul3A_133, %add3A_2325 : i32
        %get3A = arith.index_cast %add3A_2326 : i32 to index
        %get3A_2327 = tpu.vector_load %arg6[%get3A] {strides = array<i32>} : memref<12288xf32, #tpu.memory_space<vmem>>, vector<16xf32>,
        %max3A = arith.constant 0.000000e+00 : f32
        %max3A_2328 = vector.broadcast %max3A : f32 to vector<16xf32>
        %max3A_2329 = arith.maximumf %get3A_2327, %max3A_2328 : vector<16xf32>
        %add3A_2330 = arith.constant 0x4B000000 : f32
        %add3A_2331 = vector.broadcast %add3A_2330 : f32 to vector<16xf32>
        %add3A_2332 = arith.addf %max3A_2329, %add3A_2331 : vector<16xf32>
        %sub3A_2333 = arith.constant 0x4B000000 : f32
        %sub3A_2334 = vector.broadcast %sub3A_2333 : f32 to vector<16xf32>
        %sub3A_2335 = arith.subf %add3A_2332, %sub3A_2334 : vector<16xf32>
        %get3A_2336 = arith.constant 0 : i32
        %get3A_2337 = arith.constant 0 : i32
        %get3A_2338 = arith.index_cast %get3A_2336 : i32 to index
        %get3A_2339 = arith.index_cast %get3A_2337 : i32 to index
        %get3A_2340 = arith.index_cast %add3A_2325 : i32 to index
        %get3A_2341 = tpu.vector_load %arg5[%get3A_2338, %get3A_2339, %get3A_2340] {strides = array<i32>} : memref<4x8x1536xf32, #tpu.memory_space<vmem>>, vector<16xf32>,
        %mul3A_2342 = arith.mulf %get3A_2341, %sub3A_2335 : vector<16xf32>
        %add3A_2343 = arith.addf %scan3A_2314, %mul3A_2342 : vector<16xf32>
        %get3A_2344 = arith.constant 0 : i32
        %get3A_2345 = arith.constant 1 : i32
        %get3A_2346 = arith.index_cast %get3A_2344 : i32 to index
        %get3A_2347 = arith.index_cast %get3A_2345 : i32 to index
        %get3A_2348 = arith.index_cast %add3A_2325 : i32 to index
        %get3A_2349 = tpu.vector_load %arg5[%get3A_2346, %get3A_2347, %get3A_2348] {strides = array<i32>} : memref<4x8x1536xf32, #tpu.memory_space<vmem>>, vector<16xf32>,
        %mul3A_2350 = arith.mulf %get3A_2349, %sub3A_2335 : vector<16xf32>
        %add3A_2351 = arith.addf %scan3A_2315, %mul3A_2350 : vector<16xf32>
        %get3A_2352 = arith.constant 0 : i32
        %get3A_2353 = arith.constant 2 : i32
        %get3A_2354 = arith.index_cast %get3A_2352 : i32 to index
        %get3A_2355 = arith.index_cast %get3A_2353 : i32 to index
        %get3A_2356 = arith.index_cast %add3A_2325 : i32 to index
        %get3A_2357 = tpu.vector_load %arg5[%get3A_2354, %get3A_2355, %get3A_2356] {strides = array<i32>} : memref<4x8x1536xf32, #tpu.memory_space<vmem>>, vector<16xf32>,
        %mul3A_2358 = arith.mulf %get3A_2357, %sub3A_2335 : vector<16xf32>
        %add3A_2359 = arith.addf %scan3A_2316, %mul3A_2358 : vector<16xf32>
        %get3A_2360 = arith.constant 0 : i32
        %get3A_2361 = arith.constant 3 : i32
        %get3A_2362 = arith.index_cast %get3A_2360 : i32 to index
        %get3A_2363 = arith.index_cast %get3A_2361 : i32 to index
        %get3A_2364 = arith.index_cast %add3A_2325 : i32 to index
        %get3A_2365 = tpu.vector_load %arg5[%get3A_2362, %get3A_2363, %get3A_2364] {strides = array<i32>} : memref<4x8x1536xf32, #tpu.memory_space<vmem>>, vector<16xf32>,
        %mul3A_2366 = arith.mulf %get3A_2365, %sub3A_2335 : vector<16xf32>
        %add3A_2367 = arith.addf %scan3A_2317, %mul3A_2366 : vector<16xf32>
        %get3A_2368 = arith.constant 0 : i32
        %get3A_2369 = arith.constant 4 : i32
        %get3A_2370 = arith.index_cast %get3A_2368 : i32 to index
        %get3A_2371 = arith.index_cast %get3A_2369 : i32 to index
        %get3A_2372 = arith.index_cast %add3A_2325 : i32 to index
        %get3A_2373 = tpu.vector_load %arg5[%get3A_2370, %get3A_2371, %get3A_2372] {strides = array<i32>} : memref<4x8x1536xf32, #tpu.memory_space<vmem>>, vector<16xf32>,
        %mul3A_2374 = arith.mulf %get3A_2373, %sub3A_2335 : vector<16xf32>
        %add3A_2375 = arith.addf %scan3A_2318, %mul3A_2374 : vector<16xf32>
        %get3A_2376 = arith.constant 0 : i32
        %get3A_2377 = arith.constant 5 : i32
        %get3A_2378 = arith.index_cast %get3A_2376 : i32 to index
        %get3A_2379 = arith.index_cast %get3A_2377 : i32 to index
        %get3A_2380 = arith.index_cast %add3A_2325 : i32 to index
        %get3A_2381 = tpu.vector_load %arg5[%get3A_2378, %get3A_2379, %get3A_2380] {strides = array<i32>} : memref<4x8x1536xf32, #tpu.memory_space<vmem>>, vector<16xf32>,
        %mul3A_2382 = arith.mulf %get3A_2381, %sub3A_2335 : vector<16xf32>
        %add3A_2383 = arith.addf %scan3A_2319, %mul3A_2382 : vector<16xf32>
        %get3A_2384 = arith.constant 0 : i32
        %get3A_2385 = arith.constant 6 : i32
        %get3A_2386 = arith.index_cast %get3A_2384 : i32 to index
        %get3A_2387 = arith.index_cast %get3A_2385 : i32 to index
        %get3A_2388 = arith.index_cast %add3A_2325 : i32 to index
        %get3A_2389 = tpu.vector_load %arg5[%get3A_2386, %get3A_2387, %get3A_2388] {strides = array<i32>} : memref<4x8x1536xf32, #tpu.memory_space<vmem>>, vector<16xf32>,
        %mul3A_2390 = arith.mulf %get3A_2389, %sub3A_2335 : vector<16xf32>
        %add3A_2391 = arith.addf %scan3A_2320, %mul3A_2390 : vector<16xf32>
        %get3A_2392 = arith.constant 0 : i32
        %get3A_2393 = arith.constant 7 : i32
        %get3A_2394 = arith.index_cast %get3A_2392 : i32 to index
        %get3A_2395 = arith.index_cast %get3A_2393 : i32 to index
        %get3A_2396 = arith.index_cast %add3A_2325 : i32 to index
        %get3A_2397 = tpu.vector_load %arg5[%get3A_2394, %get3A_2395, %get3A_2396] {strides = array<i32>} : memref<4x8x1536xf32, #tpu.memory_space<vmem>>, vector<16xf32>,
        %mul3A_2398 = arith.mulf %get3A_2397, %sub3A_2335 : vector<16xf32>
        %add3A_2399 = arith.addf %scan3A_2321, %mul3A_2398 : vector<16xf32>
        scf.yield %add3A_2343, %add3A_2351, %add3A_2359, %add3A_2367, %add3A_2375, %add3A_2383, %add3A_2391, %add3A_2399 : vector<16xf32>, vector<16xf32>, vector<16xf32>, vector<16xf32>, vector<16xf32>, vector<16xf32>, vector<16xf32>, vector<16xf32>
      }
      %scan3A_478 = arith.constant 32 : i32
      %jit3A_479 = arith.constant 4 : i32
      %eq3A_480 = arith.constant 0 : i32
      %eq3A_481 = arith.cmpi eq, %jit3A_479, %eq3A_480 : i32
      %jit3A_482 = arith.constant 1 : i32
      %select_n3A_483 = arith.select %eq3A_481, %jit3A_482, %jit3A_479 : i32
      %rem3A_484 = arith.remsi %select_n3A_109, %select_n3A_483 : i32
      %ne3A_485 = arith.constant 0 : i32
      %ne3A_486 = arith.cmpi ne, %rem3A_484, %ne3A_485 : i32
      %lt3A_487 = arith.constant 0 : i32
      %lt3A_488 = arith.cmpi slt, %rem3A_484, %lt3A_487 : i32
      %lt3A_489 = arith.constant 0 : i32
      %lt3A_490 = arith.cmpi slt, %select_n3A_483, %lt3A_489 : i32
      %ne3A_491 = arith.xori %lt3A_488, %lt3A_490 : i1
      %and3A_492 = arith.andi %ne3A_491, %ne3A_486 : i1
      %add3A_493 = arith.addi %rem3A_484, %select_n3A_483 : i32
      %select_n3A_494 = arith.select %and3A_492, %add3A_493, %rem3A_484 : i32
      %mul3A_495 = arith.constant 4 : i32
      %mul3A_496 = arith.muli %select_n3A_494, %mul3A_495 : i32
      %add3A_497 = arith.constant 2 : i32
      %add3A_498 = arith.addi %mul3A_496, %add3A_497 : i32
      %add3A_499 = arith.constant 1 : i32
      %add3A_500 = arith.addi %add3A_498, %add3A_499 : i32
      %eq3A_501 = vector.broadcast %add3A_500 : i32 to vector<16xi32>
      %eq3A_502 = arith.cmpi eq, %iota3A, %eq3A_501 : vector<16xi32>
      %reduce_sum3A_503 = arith.constant true
      %reduce_sum3A_504 = vector.broadcast %reduce_sum3A_503 : i1 to vector<16xi1>
      %reduce_sum3A_505 = tpu.scan <sum>, %scan3A_477#0 masked %reduce_sum3A_504 : vector<16xf32>, vector<16xi1> -> vector<16xf32>
      %reduce_sum3A_506 = vector.extract %reduce_sum3A_505[15] : f32 from vector<16xf32>
      %broadcast_in_dim3A_507 = vector.broadcast %reduce_sum3A_506 : f32 to vector<16xf32>
      %select_n3A_508 = arith.select %eq3A_502, %broadcast_in_dim3A_507, %select_n3A_400 : vector<16xi1>, vector<16xf32>
      %eq3A_509 = vector.broadcast %add3A_500 : i32 to vector<16xi32>
      %eq3A_510 = arith.cmpi eq, %iota3A, %eq3A_509 : vector<16xi32>
      %reduce_sum3A_511 = arith.constant true
      %reduce_sum3A_512 = vector.broadcast %reduce_sum3A_511 : i1 to vector<16xi1>
      %reduce_sum3A_513 = tpu.scan <sum>, %scan3A_477#1 masked %reduce_sum3A_512 : vector<16xf32>, vector<16xi1> -> vector<16xf32>
      %reduce_sum3A_514 = vector.extract %reduce_sum3A_513[15] : f32 from vector<16xf32>
      %broadcast_in_dim3A_515 = vector.broadcast %reduce_sum3A_514 : f32 to vector<16xf32>
      %select_n3A_516 = arith.select %eq3A_510, %broadcast_in_dim3A_515, %select_n3A_408 : vector<16xi1>, vector<16xf32>
      %eq3A_517 = vector.broadcast %add3A_500 : i32 to vector<16xi32>
      %eq3A_518 = arith.cmpi eq, %iota3A, %eq3A_517 : vector<16xi32>
      %reduce_sum3A_519 = arith.constant true
      %reduce_sum3A_520 = vector.broadcast %reduce_sum3A_519 : i1 to vector<16xi1>
      %reduce_sum3A_521 = tpu.scan <sum>, %scan3A_477#2 masked %reduce_sum3A_520 : vector<16xf32>, vector<16xi1> -> vector<16xf32>
      %reduce_sum3A_522 = vector.extract %reduce_sum3A_521[15] : f32 from vector<16xf32>
      %broadcast_in_dim3A_523 = vector.broadcast %reduce_sum3A_522 : f32 to vector<16xf32>
      %select_n3A_524 = arith.select %eq3A_518, %broadcast_in_dim3A_523, %select_n3A_416 : vector<16xi1>, vector<16xf32>
      %eq3A_525 = vector.broadcast %add3A_500 : i32 to vector<16xi32>
      %eq3A_526 = arith.cmpi eq, %iota3A, %eq3A_525 : vector<16xi32>
      %reduce_sum3A_527 = arith.constant true
      %reduce_sum3A_528 = vector.broadcast %reduce_sum3A_527 : i1 to vector<16xi1>
      %reduce_sum3A_529 = tpu.scan <sum>, %scan3A_477#3 masked %reduce_sum3A_528 : vector<16xf32>, vector<16xi1> -> vector<16xf32>
      %reduce_sum3A_530 = vector.extract %reduce_sum3A_529[15] : f32 from vector<16xf32>
      %broadcast_in_dim3A_531 = vector.broadcast %reduce_sum3A_530 : f32 to vector<16xf32>
      %select_n3A_532 = arith.select %eq3A_526, %broadcast_in_dim3A_531, %select_n3A_424 : vector<16xi1>, vector<16xf32>
      %eq3A_533 = vector.broadcast %add3A_500 : i32 to vector<16xi32>
      %eq3A_534 = arith.cmpi eq, %iota3A, %eq3A_533 : vector<16xi32>
      %reduce_sum3A_535 = arith.constant true
      %reduce_sum3A_536 = vector.broadcast %reduce_sum3A_535 : i1 to vector<16xi1>
      %reduce_sum3A_537 = tpu.scan <sum>, %scan3A_477#4 masked %reduce_sum3A_536 : vector<16xf32>, vector<16xi1> -> vector<16xf32>
      %reduce_sum3A_538 = vector.extract %reduce_sum3A_537[15] : f32 from vector<16xf32>
      %broadcast_in_dim3A_539 = vector.broadcast %reduce_sum3A_538 : f32 to vector<16xf32>
      %select_n3A_540 = arith.select %eq3A_534, %broadcast_in_dim3A_539, %select_n3A_432 : vector<16xi1>, vector<16xf32>
      %eq3A_541 = vector.broadcast %add3A_500 : i32 to vector<16xi32>
      %eq3A_542 = arith.cmpi eq, %iota3A, %eq3A_541 : vector<16xi32>
      %reduce_sum3A_543 = arith.constant true
      %reduce_sum3A_544 = vector.broadcast %reduce_sum3A_543 : i1 to vector<16xi1>
      %reduce_sum3A_545 = tpu.scan <sum>, %scan3A_477#5 masked %reduce_sum3A_544 : vector<16xf32>, vector<16xi1> -> vector<16xf32>
      %reduce_sum3A_546 = vector.extract %reduce_sum3A_545[15] : f32 from vector<16xf32>
      %broadcast_in_dim3A_547 = vector.broadcast %reduce_sum3A_546 : f32 to vector<16xf32>
      %select_n3A_548 = arith.select %eq3A_542, %broadcast_in_dim3A_547, %select_n3A_440 : vector<16xi1>, vector<16xf32>
      %eq3A_549 = vector.broadcast %add3A_500 : i32 to vector<16xi32>
      %eq3A_550 = arith.cmpi eq, %iota3A, %eq3A_549 : vector<16xi32>
      %reduce_sum3A_551 = arith.constant true
      %reduce_sum3A_552 = vector.broadcast %reduce_sum3A_551 : i1 to vector<16xi1>
      %reduce_sum3A_553 = tpu.scan <sum>, %scan3A_477#6 masked %reduce_sum3A_552 : vector<16xf32>, vector<16xi1> -> vector<16xf32>
      %reduce_sum3A_554 = vector.extract %reduce_sum3A_553[15] : f32 from vector<16xf32>
      %broadcast_in_dim3A_555 = vector.broadcast %reduce_sum3A_554 : f32 to vector<16xf32>
      %select_n3A_556 = arith.select %eq3A_550, %broadcast_in_dim3A_555, %select_n3A_448 : vector<16xi1>, vector<16xf32>
      %eq3A_557 = vector.broadcast %add3A_500 : i32 to vector<16xi32>
      %eq3A_558 = arith.cmpi eq, %iota3A, %eq3A_557 : vector<16xi32>
      %reduce_sum3A_559 = arith.constant true
      %reduce_sum3A_560 = vector.broadcast %reduce_sum3A_559 : i1 to vector<16xi1>
      %reduce_sum3A_561 = tpu.scan <sum>, %scan3A_477#7 masked %reduce_sum3A_560 : vector<16xf32>, vector<16xi1> -> vector<16xf32>
      %reduce_sum3A_562 = vector.extract %reduce_sum3A_561[15] : f32 from vector<16xf32>
      %broadcast_in_dim3A_563 = vector.broadcast %reduce_sum3A_562 : f32 to vector<16xf32>
      %select_n3A_564 = arith.select %eq3A_558, %broadcast_in_dim3A_563, %select_n3A_456 : vector<16xi1>, vector<16xf32>
      %jit3A_565 = arith.constant 4 : i32
      %eq3A_566 = arith.constant 0 : i32
      %eq3A_567 = arith.cmpi eq, %jit3A_565, %eq3A_566 : i32
      %jit3A_568 = arith.constant 1 : i32
      %select_n3A_569 = arith.select %eq3A_567, %jit3A_568, %jit3A_565 : i32
      %rem3A_570 = arith.remsi %select_n3A_109, %select_n3A_569 : i32
      %ne3A_571 = arith.constant 0 : i32
      %ne3A_572 = arith.cmpi ne, %rem3A_570, %ne3A_571 : i32
      %lt3A_573 = arith.constant 0 : i32
      %lt3A_574 = arith.cmpi slt, %rem3A_570, %lt3A_573 : i32
      %lt3A_575 = arith.constant 0 : i32
      %lt3A_576 = arith.cmpi slt, %select_n3A_569, %lt3A_575 : i32
      %ne3A_577 = arith.xori %lt3A_574, %lt3A_576 : i1
      %and3A_578 = arith.andi %ne3A_577, %ne3A_572 : i1
      %add3A_579 = arith.addi %rem3A_570, %select_n3A_569 : i32
      %select_n3A_580 = arith.select %and3A_578, %add3A_579, %rem3A_570 : i32
      %eq3A_581 = arith.constant 3 : i32
      %eq3A_582 = arith.cmpi eq, %select_n3A_580, %eq3A_581 : i32
      %eq3A_583 = arith.constant 7 : i32
      %eq3A_584 = arith.cmpi eq, %select_n3A_109, %eq3A_583 : i32
      %or3A = arith.ori %eq3A_582, %eq3A_584 : i1
      %jit3A_585 = arith.constant 4 : i32
      %div3A_586 = arith.divsi %select_n3A_109, %jit3A_585 : i32
      %sign3A_587 = arith.constant 0 : i32
      %sign3A_588 = arith.cmpi sgt, %select_n3A_109, %sign3A_587 : i32
      %sign3A_589 = arith.extui %sign3A_588 : i1 to i32
      %sign3A_590 = arith.constant 0 : i32
      %sign3A_591 = arith.cmpi slt, %select_n3A_109, %sign3A_590 : i32
      %sign3A_592 = arith.extui %sign3A_591 : i1 to i32
      %sign3A_593 = arith.subi %sign3A_589, %sign3A_592 : i32
      %sign3A_594 = arith.constant 0 : i32
      %sign3A_595 = arith.cmpi sgt, %jit3A_585, %sign3A_594 : i32
      %sign3A_596 = arith.extui %sign3A_595 : i1 to i32
      %sign3A_597 = arith.constant 0 : i32
      %sign3A_598 = arith.cmpi slt, %jit3A_585, %sign3A_597 : i32
      %sign3A_599 = arith.extui %sign3A_598 : i1 to i32
      %sign3A_600 = arith.subi %sign3A_596, %sign3A_599 : i32
      %ne3A_601 = arith.cmpi ne, %sign3A_593, %sign3A_600 : i32
      %rem3A_602 = arith.remsi %select_n3A_109, %jit3A_585 : i32
      %ne3A_603 = arith.constant 0 : i32
      %ne3A_604 = arith.cmpi ne, %rem3A_602, %ne3A_603 : i32
      %and3A_605 = arith.andi %ne3A_601, %ne3A_604 : i1
      %sub3A_606 = arith.constant 1 : i32
      %sub3A_607 = arith.subi %div3A_586, %sub3A_606 : i32
      %select_n3A_608 = arith.select %and3A_605, %sub3A_607, %div3A_586 : i32
      %mul3A_609 = arith.constant 16 : i32
      %mul3A_610 = arith.muli %select_n3A_608, %mul3A_609 : i32
      %convert_element_type3A_611 = arith.extui %or3A : i1 to i32
      %cond3A_612 = arith.constant 0 : i32
      %cond3A_613 = arith.cmpi ne, %convert_element_type3A_611, %cond3A_612 : i32
      scf.if %cond3A_613 {
        %mul3A_2313 = arith.constant 8 : i32
        %mul3A_2314 = arith.muli %select_n3A, %mul3A_2313 : i32
        %add3A_2315 = arith.constant 0 : i32
        %add3A_2316 = arith.addi %mul3A_2314, %add3A_2315 : i32
        %swap3A = arith.index_cast %add3A_2316 : i32 to index
        %swap3A_2317 = arith.index_cast %mul3A_610 : i32 to index
        %swap3A_2318 = tpu.vector_load %arg7[%swap3A, %swap3A_2317] {strides = array<i32>} : memref<32x32xf32, #tpu.memory_space<vmem>>, vector<16xf32>,
        tpu.vector_store %arg7[%swap3A, %swap3A_2317], %select_n3A_508 {strides = array<i32>} : memref<32x32xf32, #tpu.memory_space<vmem>>, vector<16xf32>,
        %mul3A_2319 = arith.constant 8 : i32
        %mul3A_2320 = arith.muli %select_n3A, %mul3A_2319 : i32
        %add3A_2321 = arith.constant 1 : i32
        %add3A_2322 = arith.addi %mul3A_2320, %add3A_2321 : i32
        %swap3A_2323 = arith.index_cast %add3A_2322 : i32 to index
        %swap3A_2324 = arith.index_cast %mul3A_610 : i32 to index
        %swap3A_2325 = tpu.vector_load %arg7[%swap3A_2323, %swap3A_2324] {strides = array<i32>} : memref<32x32xf32, #tpu.memory_space<vmem>>, vector<16xf32>,
        tpu.vector_store %arg7[%swap3A_2323, %swap3A_2324], %select_n3A_516 {strides = array<i32>} : memref<32x32xf32, #tpu.memory_space<vmem>>, vector<16xf32>,
        %mul3A_2326 = arith.constant 8 : i32
        %mul3A_2327 = arith.muli %select_n3A, %mul3A_2326 : i32
        %add3A_2328 = arith.constant 2 : i32
        %add3A_2329 = arith.addi %mul3A_2327, %add3A_2328 : i32
        %swap3A_2330 = arith.index_cast %add3A_2329 : i32 to index
        %swap3A_2331 = arith.index_cast %mul3A_610 : i32 to index
        %swap3A_2332 = tpu.vector_load %arg7[%swap3A_2330, %swap3A_2331] {strides = array<i32>} : memref<32x32xf32, #tpu.memory_space<vmem>>, vector<16xf32>,
        tpu.vector_store %arg7[%swap3A_2330, %swap3A_2331], %select_n3A_524 {strides = array<i32>} : memref<32x32xf32, #tpu.memory_space<vmem>>, vector<16xf32>,
        %mul3A_2333 = arith.constant 8 : i32
        %mul3A_2334 = arith.muli %select_n3A, %mul3A_2333 : i32
        %add3A_2335 = arith.constant 3 : i32
        %add3A_2336 = arith.addi %mul3A_2334, %add3A_2335 : i32
        %swap3A_2337 = arith.index_cast %add3A_2336 : i32 to index
        %swap3A_2338 = arith.index_cast %mul3A_610 : i32 to index
        %swap3A_2339 = tpu.vector_load %arg7[%swap3A_2337, %swap3A_2338] {strides = array<i32>} : memref<32x32xf32, #tpu.memory_space<vmem>>, vector<16xf32>,
        tpu.vector_store %arg7[%swap3A_2337, %swap3A_2338], %select_n3A_532 {strides = array<i32>} : memref<32x32xf32, #tpu.memory_space<vmem>>, vector<16xf32>,
        %mul3A_2340 = arith.constant 8 : i32
        %mul3A_2341 = arith.muli %select_n3A, %mul3A_2340 : i32
        %add3A_2342 = arith.constant 4 : i32
        %add3A_2343 = arith.addi %mul3A_2341, %add3A_2342 : i32
        %swap3A_2344 = arith.index_cast %add3A_2343 : i32 to index
        %swap3A_2345 = arith.index_cast %mul3A_610 : i32 to index
        %swap3A_2346 = tpu.vector_load %arg7[%swap3A_2344, %swap3A_2345] {strides = array<i32>} : memref<32x32xf32, #tpu.memory_space<vmem>>, vector<16xf32>,
        tpu.vector_store %arg7[%swap3A_2344, %swap3A_2345], %select_n3A_540 {strides = array<i32>} : memref<32x32xf32, #tpu.memory_space<vmem>>, vector<16xf32>,
        %mul3A_2347 = arith.constant 8 : i32
        %mul3A_2348 = arith.muli %select_n3A, %mul3A_2347 : i32
        %add3A_2349 = arith.constant 5 : i32
        %add3A_2350 = arith.addi %mul3A_2348, %add3A_2349 : i32
        %swap3A_2351 = arith.index_cast %add3A_2350 : i32 to index
        %swap3A_2352 = arith.index_cast %mul3A_610 : i32 to index
        %swap3A_2353 = tpu.vector_load %arg7[%swap3A_2351, %swap3A_2352] {strides = array<i32>} : memref<32x32xf32, #tpu.memory_space<vmem>>, vector<16xf32>,
        tpu.vector_store %arg7[%swap3A_2351, %swap3A_2352], %select_n3A_548 {strides = array<i32>} : memref<32x32xf32, #tpu.memory_space<vmem>>, vector<16xf32>,
        %mul3A_2354 = arith.constant 8 : i32
        %mul3A_2355 = arith.muli %select_n3A, %mul3A_2354 : i32
        %add3A_2356 = arith.constant 6 : i32
        %add3A_2357 = arith.addi %mul3A_2355, %add3A_2356 : i32
        %swap3A_2358 = arith.index_cast %add3A_2357 : i32 to index
        %swap3A_2359 = arith.index_cast %mul3A_610 : i32 to index
        %swap3A_2360 = tpu.vector_load %arg7[%swap3A_2358, %swap3A_2359] {strides = array<i32>} : memref<32x32xf32, #tpu.memory_space<vmem>>, vector<16xf32>,
        tpu.vector_store %arg7[%swap3A_2358, %swap3A_2359], %select_n3A_556 {strides = array<i32>} : memref<32x32xf32, #tpu.memory_space<vmem>>, vector<16xf32>,
        %mul3A_2361 = arith.constant 8 : i32
        %mul3A_2362 = arith.muli %select_n3A, %mul3A_2361 : i32
        %add3A_2363 = arith.constant 7 : i32
        %add3A_2364 = arith.addi %mul3A_2362, %add3A_2363 : i32
        %swap3A_2365 = arith.index_cast %add3A_2364 : i32 to index
        %swap3A_2366 = arith.index_cast %mul3A_610 : i32 to index
        %swap3A_2367 = tpu.vector_load %arg7[%swap3A_2365, %swap3A_2366] {strides = array<i32>} : memref<32x32xf32, #tpu.memory_space<vmem>>, vector<16xf32>,
        tpu.vector_store %arg7[%swap3A_2365, %swap3A_2366], %select_n3A_564 {strides = array<i32>} : memref<32x32xf32, #tpu.memory_space<vmem>>, vector<16xf32>,
      } else {
      }
      %broadcast_in_dim3A_614 = arith.constant 0.000000e+00 : f32
      %broadcast_in_dim3A_615 = vector.broadcast %broadcast_in_dim3A_614 : f32 to vector<16xf32>
      %select_n3A_616 = arith.select %or3A, %broadcast_in_dim3A_615, %select_n3A_508 : vector<16xf32>
      %select_n3A_617 = arith.select %or3A, %broadcast_in_dim3A_615, %select_n3A_516 : vector<16xf32>
      %select_n3A_618 = arith.select %or3A, %broadcast_in_dim3A_615, %select_n3A_524 : vector<16xf32>
      %select_n3A_619 = arith.select %or3A, %broadcast_in_dim3A_615, %select_n3A_532 : vector<16xf32>
      %select_n3A_620 = arith.select %or3A, %broadcast_in_dim3A_615, %select_n3A_540 : vector<16xf32>
      %select_n3A_621 = arith.select %or3A, %broadcast_in_dim3A_615, %select_n3A_548 : vector<16xf32>
      %select_n3A_622 = arith.select %or3A, %broadcast_in_dim3A_615, %select_n3A_556 : vector<16xf32>
      %select_n3A_623 = arith.select %or3A, %broadcast_in_dim3A_615, %select_n3A_564 : vector<16xf32>
      %mul3A_624 = arith.constant 4 : i32
      %mul3A_625 = arith.muli %scan3A_67, %mul3A_624 : i32
      %add3A_626 = arith.constant 1 : i32
      %add3A_627 = arith.addi %mul3A_625, %add3A_626 : i32
      %jit3A_628 = arith.constant 8 : i32
      %div3A_629 = arith.divsi %add3A_627, %jit3A_628 : i32
      %sign3A_630 = arith.constant 0 : i32
      %sign3A_631 = arith.cmpi sgt, %add3A_627, %sign3A_630 : i32
      %sign3A_632 = arith.extui %sign3A_631 : i1 to i32
      %sign3A_633 = arith.constant 0 : i32
      %sign3A_634 = arith.cmpi slt, %add3A_627, %sign3A_633 : i32
      %sign3A_635 = arith.extui %sign3A_634 : i1 to i32
      %sign3A_636 = arith.subi %sign3A_632, %sign3A_635 : i32
      %sign3A_637 = arith.constant 0 : i32
      %sign3A_638 = arith.cmpi sgt, %jit3A_628, %sign3A_637 : i32
      %sign3A_639 = arith.extui %sign3A_638 : i1 to i32
      %sign3A_640 = arith.constant 0 : i32
      %sign3A_641 = arith.cmpi slt, %jit3A_628, %sign3A_640 : i32
      %sign3A_642 = arith.extui %sign3A_641 : i1 to i32
      %sign3A_643 = arith.subi %sign3A_639, %sign3A_642 : i32
      %ne3A_644 = arith.cmpi ne, %sign3A_636, %sign3A_643 : i32
      %rem3A_645 = arith.remsi %add3A_627, %jit3A_628 : i32
      %ne3A_646 = arith.constant 0 : i32
      %ne3A_647 = arith.cmpi ne, %rem3A_645, %ne3A_646 : i32
      %and3A_648 = arith.andi %ne3A_644, %ne3A_647 : i1
      %sub3A_649 = arith.constant 1 : i32
      %sub3A_650 = arith.subi %div3A_629, %sub3A_649 : i32
      %select_n3A_651 = arith.select %and3A_648, %sub3A_650, %div3A_629 : i32
      %jit3A_652 = arith.constant 8 : i32
      %eq3A_653 = arith.constant 0 : i32
      %eq3A_654 = arith.cmpi eq, %jit3A_652, %eq3A_653 : i32
      %jit3A_655 = arith.constant 1 : i32
      %select_n3A_656 = arith.select %eq3A_654, %jit3A_655, %jit3A_652 : i32
      %rem3A_657 = arith.remsi %add3A_627, %select_n3A_656 : i32
      %ne3A_658 = arith.constant 0 : i32
      %ne3A_659 = arith.cmpi ne, %rem3A_657, %ne3A_658 : i32
      %lt3A_660 = arith.constant 0 : i32
      %lt3A_661 = arith.cmpi slt, %rem3A_657, %lt3A_660 : i32
      %lt3A_662 = arith.constant 0 : i32
      %lt3A_663 = arith.cmpi slt, %select_n3A_656, %lt3A_662 : i32
      %ne3A_664 = arith.xori %lt3A_661, %lt3A_663 : i1
      %and3A_665 = arith.andi %ne3A_664, %ne3A_659 : i1
      %add3A_666 = arith.addi %rem3A_657, %select_n3A_656 : i32
      %select_n3A_667 = arith.select %and3A_665, %add3A_666, %rem3A_657 : i32
      %mul3A_668 = arith.constant 8 : i32
      %mul3A_669 = arith.muli %select_n3A_651, %mul3A_668 : i32
      %add3A_670 = arith.addi %mul3A_2, %mul3A_669 : i32
      %mul3A_671 = arith.constant 1536 : i32
      %mul3A_672 = arith.muli %select_n3A_667, %mul3A_671 : i32
      %dma_wait3A_673 = arith.constant 1 : i32
      %dma_wait3A_674 = arith.constant 0 : i32
      %dma_wait3A_675 = arith.constant 0 : i32
      %dma_wait3A_676 = tpu.memref_slice %arg5[%dma_wait3A_673, %dma_wait3A_674, %dma_wait3A_675] : memref<4x8x1536xf32, #tpu.memory_space<vmem>> -> memref<1x8x1536xf32, #tpu.memory_space<vmem>>
      %dma_wait3A_677 = tpu.memref_squeeze %dma_wait3A_676 : memref<1x8x1536xf32, #tpu.memory_space<vmem>> -> memref<8x1536xf32, #tpu.memory_space<vmem>>
      %dma_wait3A_678 = tpu.memref_slice %arg2[%add3A_670, %mul3A_672] : memref<1024x49152xf32, #tpu.memory_space<hbm>> -> memref<8x1536xf32, #tpu.memory_space<hbm>>
      %dma_wait3A_679 = arith.constant 0 : i32
      %dma_wait3A_680 = arith.constant 0 : i32
      %dma_wait3A_681 = tpu.memref_slice %arg5[%dma_wait3A_673, %dma_wait3A_679, %dma_wait3A_680] : memref<4x8x1536xf32, #tpu.memory_space<vmem>> -> memref<1x8x1536xf32, #tpu.memory_space<vmem>>
      %dma_wait3A_682 = tpu.memref_squeeze %dma_wait3A_681 : memref<1x8x1536xf32, #tpu.memory_space<vmem>> -> memref<8x1536xf32, #tpu.memory_space<vmem>>
      %dma_wait3A_683 = tpu.memref_slice %arg2[%add3A_670, %mul3A_672] : memref<1024x49152xf32, #tpu.memory_space<hbm>> -> memref<8x1536xf32, #tpu.memory_space<hbm>>
      tpu.wait_dma2 semaphore(%arg9 : memref<!tpu.dma_semaphore, #tpu.memory_space<semaphore_mem>>) src(%dma_wait3A_683 : memref<8x1536xf32, #tpu.memory_space<hbm>>) dst(%dma_wait3A_682 : memref<8x1536xf32, #tpu.memory_space<vmem>>)
      %add3A_684 = arith.constant 4 : i32
      %add3A_685 = arith.addi %add3A_627, %add3A_684 : i32
      %sub3A_686 = arith.constant 1 : i32
      %sub3A_687 = arith.subi %add3A_685, %sub3A_686 : i32
      %lt3A_688 = arith.constant 32 : i32
      %lt3A_689 = arith.cmpi slt, %sub3A_687, %lt3A_688 : i32
      %convert_element_type3A_690 = arith.extui %lt3A_689 : i1 to i32
      %cond3A_691 = arith.constant 0 : i32
      %cond3A_692 = arith.cmpi ne, %convert_element_type3A_690, %cond3A_691 : i32
      scf.if %cond3A_692 {
        %add3A_2313 = arith.constant 4 : i32
        %add3A_2314 = arith.addi %add3A_627, %add3A_2313 : i32
        %sub3A_2315 = arith.constant 1 : i32
        %sub3A_2316 = arith.subi %add3A_2314, %sub3A_2315 : i32
        %jit3A_2317 = arith.constant 8 : i32
        %div3A_2318 = arith.divsi %sub3A_2316, %jit3A_2317 : i32
        %sign3A_2319 = arith.constant 0 : i32
        %sign3A_2320 = arith.cmpi sgt, %sub3A_2316, %sign3A_2319 : i32
        %sign3A_2321 = arith.extui %sign3A_2320 : i1 to i32
        %sign3A_2322 = arith.constant 0 : i32
        %sign3A_2323 = arith.cmpi slt, %sub3A_2316, %sign3A_2322 : i32
        %sign3A_2324 = arith.extui %sign3A_2323 : i1 to i32
        %sign3A_2325 = arith.subi %sign3A_2321, %sign3A_2324 : i32
        %sign3A_2326 = arith.constant 0 : i32
        %sign3A_2327 = arith.cmpi sgt, %jit3A_2317, %sign3A_2326 : i32
        %sign3A_2328 = arith.extui %sign3A_2327 : i1 to i32
        %sign3A_2329 = arith.constant 0 : i32
        %sign3A_2330 = arith.cmpi slt, %jit3A_2317, %sign3A_2329 : i32
        %sign3A_2331 = arith.extui %sign3A_2330 : i1 to i32
        %sign3A_2332 = arith.subi %sign3A_2328, %sign3A_2331 : i32
        %ne3A_2333 = arith.cmpi ne, %sign3A_2325, %sign3A_2332 : i32
        %rem3A_2334 = arith.remsi %sub3A_2316, %jit3A_2317 : i32
        %ne3A_2335 = arith.constant 0 : i32
        %ne3A_2336 = arith.cmpi ne, %rem3A_2334, %ne3A_2335 : i32
        %and3A_2337 = arith.andi %ne3A_2333, %ne3A_2336 : i1
        %sub3A_2338 = arith.constant 1 : i32
        %sub3A_2339 = arith.subi %div3A_2318, %sub3A_2338 : i32
        %select_n3A_2340 = arith.select %and3A_2337, %sub3A_2339, %div3A_2318 : i32
        %jit3A_2341 = arith.constant 8 : i32
        %eq3A_2342 = arith.constant 0 : i32
        %eq3A_2343 = arith.cmpi eq, %jit3A_2341, %eq3A_2342 : i32
        %jit3A_2344 = arith.constant 1 : i32
        %select_n3A_2345 = arith.select %eq3A_2343, %jit3A_2344, %jit3A_2341 : i32
        %rem3A_2346 = arith.remsi %sub3A_2316, %select_n3A_2345 : i32
        %ne3A_2347 = arith.constant 0 : i32
        %ne3A_2348 = arith.cmpi ne, %rem3A_2346, %ne3A_2347 : i32
        %lt3A_2349 = arith.constant 0 : i32
        %lt3A_2350 = arith.cmpi slt, %rem3A_2346, %lt3A_2349 : i32
        %lt3A_2351 = arith.constant 0 : i32
        %lt3A_2352 = arith.cmpi slt, %select_n3A_2345, %lt3A_2351 : i32
        %ne3A_2353 = arith.xori %lt3A_2350, %lt3A_2352 : i1
        %and3A_2354 = arith.andi %ne3A_2353, %ne3A_2348 : i1
        %add3A_2355 = arith.addi %rem3A_2346, %select_n3A_2345 : i32
        %select_n3A_2356 = arith.select %and3A_2354, %add3A_2355, %rem3A_2346 : i32
        %mul3A_2357 = arith.constant 8 : i32
        %mul3A_2358 = arith.muli %select_n3A_2340, %mul3A_2357 : i32
        %add3A_2359 = arith.addi %mul3A_2, %mul3A_2358 : i32
        %mul3A_2360 = arith.constant 1536 : i32
        %mul3A_2361 = arith.muli %select_n3A_2356, %mul3A_2360 : i32
        %dma_start3A_2362 = arith.constant 0 : i32
        %dma_start3A_2363 = arith.constant 0 : i32
        %dma_start3A_2364 = arith.constant 0 : i32
        %dma_start3A_2365 = tpu.memref_slice %arg5[%dma_start3A_2362, %dma_start3A_2363, %dma_start3A_2364] : memref<4x8x1536xf32, #tpu.memory_space<vmem>> -> memref<1x8x1536xf32, #tpu.memory_space<vmem>>
        %dma_start3A_2366 = tpu.memref_squeeze %dma_start3A_2365 : memref<1x8x1536xf32, #tpu.memory_space<vmem>> -> memref<8x1536xf32, #tpu.memory_space<vmem>>
        %dma_start3A_2367 = tpu.memref_slice %arg2[%add3A_2359, %mul3A_2361] : memref<1024x49152xf32, #tpu.memory_space<hbm>> -> memref<8x1536xf32, #tpu.memory_space<hbm>>
        %dma_start3A_2368 = arith.constant 0 : i32
        %dma_start3A_2369 = arith.constant 0 : i32
        %dma_start3A_2370 = tpu.memref_slice %arg5[%dma_start3A_2362, %dma_start3A_2368, %dma_start3A_2369] : memref<4x8x1536xf32, #tpu.memory_space<vmem>> -> memref<1x8x1536xf32, #tpu.memory_space<vmem>>
        %dma_start3A_2371 = tpu.memref_squeeze %dma_start3A_2370 : memref<1x8x1536xf32, #tpu.memory_space<vmem>> -> memref<8x1536xf32, #tpu.memory_space<vmem>>
        %dma_start3A_2372 = tpu.memref_slice %arg2[%add3A_2359, %mul3A_2361] : memref<1024x49152xf32, #tpu.memory_space<hbm>> -> memref<8x1536xf32, #tpu.memory_space<hbm>>
        tpu.enqueue_dma source(%dma_start3A_2372 : memref<8x1536xf32, #tpu.memory_space<hbm>>) target(%dma_start3A_2371 : memref<8x1536xf32, #tpu.memory_space<vmem>>) target_semaphore(%arg8 : memref<!tpu.dma_semaphore, #tpu.memory_space<semaphore_mem>>)
      } else {
      }
      %mul3A_693 = arith.constant 1536 : i32
      %mul3A_694 = arith.muli %select_n3A_667, %mul3A_693 : i32
      %broadcast_in_dim3A_695 = arith.constant 0.000000e+00 : f32
      %broadcast_in_dim3A_696 = vector.broadcast %broadcast_in_dim3A_695 : f32 to vector<16xf32>
      %broadcast_in_dim3A_697 = arith.constant 0.000000e+00 : f32
      %broadcast_in_dim3A_698 = vector.broadcast %broadcast_in_dim3A_697 : f32 to vector<16xf32>
      %broadcast_in_dim3A_699 = arith.constant 0.000000e+00 : f32
      %broadcast_in_dim3A_700 = vector.broadcast %broadcast_in_dim3A_699 : f32 to vector<16xf32>
      %broadcast_in_dim3A_701 = arith.constant 0.000000e+00 : f32
      %broadcast_in_dim3A_702 = vector.broadcast %broadcast_in_dim3A_701 : f32 to vector<16xf32>
      %broadcast_in_dim3A_703 = arith.constant 0.000000e+00 : f32
      %broadcast_in_dim3A_704 = vector.broadcast %broadcast_in_dim3A_703 : f32 to vector<16xf32>
      %broadcast_in_dim3A_705 = arith.constant 0.000000e+00 : f32
      %broadcast_in_dim3A_706 = vector.broadcast %broadcast_in_dim3A_705 : f32 to vector<16xf32>
      %broadcast_in_dim3A_707 = arith.constant 0.000000e+00 : f32
      %broadcast_in_dim3A_708 = vector.broadcast %broadcast_in_dim3A_707 : f32 to vector<16xf32>
      %broadcast_in_dim3A_709 = arith.constant 0.000000e+00 : f32
      %broadcast_in_dim3A_710 = vector.broadcast %broadcast_in_dim3A_709 : f32 to vector<16xf32>
      %scan3A_711 = arith.constant 0 : i32
      %scan3A_712 = arith.constant 16 : i32
      %scan3A_713 = arith.addi %scan3A_711, %scan3A_712 : i32
      %scan3A_714 = arith.constant 1 : i32
      %scan3A_715:8 = scf.for %scan3A_2313 = %scan3A_711 to %scan3A_713 step %scan3A_714 iter_args(%scan3A_2314 = %broadcast_in_dim3A_696, %scan3A_2315 = %broadcast_in_dim3A_698, %scan3A_2316 = %broadcast_in_dim3A_700, %scan3A_2317 = %broadcast_in_dim3A_702, %scan3A_2318 = %broadcast_in_dim3A_704, %scan3A_2319 = %broadcast_in_dim3A_706, %scan3A_2320 = %broadcast_in_dim3A_708, %scan3A_2321 = %broadcast_in_dim3A_710) -> (vector<16xf32>, vector<16xf32>, vector<16xf32>, vector<16xf32>, vector<16xf32>, vector<16xf32>, vector<16xf32>, vector<16xf32>)  : i32 {
        %mul3A_2322 = arith.constant 16 : i32
        %mul3A_2323 = arith.muli %scan3A_2313, %mul3A_2322 : i32
        %add3A_2324 = arith.constant 0 : i32
        %add3A_2325 = arith.addi %add3A_2324, %mul3A_2323 : i32
        %add3A_2326 = arith.addi %mul3A_694, %add3A_2325 : i32
        %get3A = arith.index_cast %add3A_2326 : i32 to index
        %get3A_2327 = tpu.vector_load %arg6[%get3A] {strides = array<i32>} : memref<12288xf32, #tpu.memory_space<vmem>>, vector<16xf32>,
        %max3A = arith.constant 0.000000e+00 : f32
        %max3A_2328 = vector.broadcast %max3A : f32 to vector<16xf32>
        %max3A_2329 = arith.maximumf %get3A_2327, %max3A_2328 : vector<16xf32>
        %add3A_2330 = arith.constant 0x4B000000 : f32
        %add3A_2331 = vector.broadcast %add3A_2330 : f32 to vector<16xf32>
        %add3A_2332 = arith.addf %max3A_2329, %add3A_2331 : vector<16xf32>
        %sub3A_2333 = arith.constant 0x4B000000 : f32
        %sub3A_2334 = vector.broadcast %sub3A_2333 : f32 to vector<16xf32>
        %sub3A_2335 = arith.subf %add3A_2332, %sub3A_2334 : vector<16xf32>
        %get3A_2336 = arith.constant 1 : i32
        %get3A_2337 = arith.constant 0 : i32
        %get3A_2338 = arith.index_cast %get3A_2336 : i32 to index
        %get3A_2339 = arith.index_cast %get3A_2337 : i32 to index
        %get3A_2340 = arith.index_cast %add3A_2325 : i32 to index
        %get3A_2341 = tpu.vector_load %arg5[%get3A_2338, %get3A_2339, %get3A_2340] {strides = array<i32>} : memref<4x8x1536xf32, #tpu.memory_space<vmem>>, vector<16xf32>,
        %mul3A_2342 = arith.mulf %get3A_2341, %sub3A_2335 : vector<16xf32>
        %add3A_2343 = arith.addf %scan3A_2314, %mul3A_2342 : vector<16xf32>
        %get3A_2344 = arith.constant 1 : i32
        %get3A_2345 = arith.constant 1 : i32
        %get3A_2346 = arith.index_cast %get3A_2344 : i32 to index
        %get3A_2347 = arith.index_cast %get3A_2345 : i32 to index
        %get3A_2348 = arith.index_cast %add3A_2325 : i32 to index
        %get3A_2349 = tpu.vector_load %arg5[%get3A_2346, %get3A_2347, %get3A_2348] {strides = array<i32>} : memref<4x8x1536xf32, #tpu.memory_space<vmem>>, vector<16xf32>,
        %mul3A_2350 = arith.mulf %get3A_2349, %sub3A_2335 : vector<16xf32>
        %add3A_2351 = arith.addf %scan3A_2315, %mul3A_2350 : vector<16xf32>
        %get3A_2352 = arith.constant 1 : i32
        %get3A_2353 = arith.constant 2 : i32
        %get3A_2354 = arith.index_cast %get3A_2352 : i32 to index
        %get3A_2355 = arith.index_cast %get3A_2353 : i32 to index
        %get3A_2356 = arith.index_cast %add3A_2325 : i32 to index
        %get3A_2357 = tpu.vector_load %arg5[%get3A_2354, %get3A_2355, %get3A_2356] {strides = array<i32>} : memref<4x8x1536xf32, #tpu.memory_space<vmem>>, vector<16xf32>,
        %mul3A_2358 = arith.mulf %get3A_2357, %sub3A_2335 : vector<16xf32>
        %add3A_2359 = arith.addf %scan3A_2316, %mul3A_2358 : vector<16xf32>
        %get3A_2360 = arith.constant 1 : i32
        %get3A_2361 = arith.constant 3 : i32
        %get3A_2362 = arith.index_cast %get3A_2360 : i32 to index
        %get3A_2363 = arith.index_cast %get3A_2361 : i32 to index
        %get3A_2364 = arith.index_cast %add3A_2325 : i32 to index
        %get3A_2365 = tpu.vector_load %arg5[%get3A_2362, %get3A_2363, %get3A_2364] {strides = array<i32>} : memref<4x8x1536xf32, #tpu.memory_space<vmem>>, vector<16xf32>,
        %mul3A_2366 = arith.mulf %get3A_2365, %sub3A_2335 : vector<16xf32>
        %add3A_2367 = arith.addf %scan3A_2317, %mul3A_2366 : vector<16xf32>
        %get3A_2368 = arith.constant 1 : i32
        %get3A_2369 = arith.constant 4 : i32
        %get3A_2370 = arith.index_cast %get3A_2368 : i32 to index
        %get3A_2371 = arith.index_cast %get3A_2369 : i32 to index
        %get3A_2372 = arith.index_cast %add3A_2325 : i32 to index
        %get3A_2373 = tpu.vector_load %arg5[%get3A_2370, %get3A_2371, %get3A_2372] {strides = array<i32>} : memref<4x8x1536xf32, #tpu.memory_space<vmem>>, vector<16xf32>,
        %mul3A_2374 = arith.mulf %get3A_2373, %sub3A_2335 : vector<16xf32>
        %add3A_2375 = arith.addf %scan3A_2318, %mul3A_2374 : vector<16xf32>
        %get3A_2376 = arith.constant 1 : i32
        %get3A_2377 = arith.constant 5 : i32
        %get3A_2378 = arith.index_cast %get3A_2376 : i32 to index
        %get3A_2379 = arith.index_cast %get3A_2377 : i32 to index
        %get3A_2380 = arith.index_cast %add3A_2325 : i32 to index
        %get3A_2381 = tpu.vector_load %arg5[%get3A_2378, %get3A_2379, %get3A_2380] {strides = array<i32>} : memref<4x8x1536xf32, #tpu.memory_space<vmem>>, vector<16xf32>,
        %mul3A_2382 = arith.mulf %get3A_2381, %sub3A_2335 : vector<16xf32>
        %add3A_2383 = arith.addf %scan3A_2319, %mul3A_2382 : vector<16xf32>
        %get3A_2384 = arith.constant 1 : i32
        %get3A_2385 = arith.constant 6 : i32
        %get3A_2386 = arith.index_cast %get3A_2384 : i32 to index
        %get3A_2387 = arith.index_cast %get3A_2385 : i32 to index
        %get3A_2388 = arith.index_cast %add3A_2325 : i32 to index
        %get3A_2389 = tpu.vector_load %arg5[%get3A_2386, %get3A_2387, %get3A_2388] {strides = array<i32>} : memref<4x8x1536xf32, #tpu.memory_space<vmem>>, vector<16xf32>,
        %mul3A_2390 = arith.mulf %get3A_2389, %sub3A_2335 : vector<16xf32>
        %add3A_2391 = arith.addf %scan3A_2320, %mul3A_2390 : vector<16xf32>
        %get3A_2392 = arith.constant 1 : i32
        %get3A_2393 = arith.constant 7 : i32
        %get3A_2394 = arith.index_cast %get3A_2392 : i32 to index
        %get3A_2395 = arith.index_cast %get3A_2393 : i32 to index
        %get3A_2396 = arith.index_cast %add3A_2325 : i32 to index
        %get3A_2397 = tpu.vector_load %arg5[%get3A_2394, %get3A_2395, %get3A_2396] {strides = array<i32>} : memref<4x8x1536xf32, #tpu.memory_space<vmem>>, vector<16xf32>,
        %mul3A_2398 = arith.mulf %get3A_2397, %sub3A_2335 : vector<16xf32>
        %add3A_2399 = arith.addf %scan3A_2321, %mul3A_2398 : vector<16xf32>
        scf.yield %add3A_2343, %add3A_2351, %add3A_2359, %add3A_2367, %add3A_2375, %add3A_2383, %add3A_2391, %add3A_2399 : vector<16xf32>, vector<16xf32>, vector<16xf32>, vector<16xf32>, vector<16xf32>, vector<16xf32>, vector<16xf32>, vector<16xf32>
      }
      %scan3A_716 = arith.constant 16 : i32
      %jit3A_717 = arith.constant 4 : i32
      %eq3A_718 = arith.constant 0 : i32
      %eq3A_719 = arith.cmpi eq, %jit3A_717, %eq3A_718 : i32
      %jit3A_720 = arith.constant 1 : i32
      %select_n3A_721 = arith.select %eq3A_719, %jit3A_720, %jit3A_717 : i32
      %rem3A_722 = arith.remsi %select_n3A_667, %select_n3A_721 : i32
      %ne3A_723 = arith.constant 0 : i32
      %ne3A_724 = arith.cmpi ne, %rem3A_722, %ne3A_723 : i32
      %lt3A_725 = arith.constant 0 : i32
      %lt3A_726 = arith.cmpi slt, %rem3A_722, %lt3A_725 : i32
      %lt3A_727 = arith.constant 0 : i32
      %lt3A_728 = arith.cmpi slt, %select_n3A_721, %lt3A_727 : i32
      %ne3A_729 = arith.xori %lt3A_726, %lt3A_728 : i1
      %and3A_730 = arith.andi %ne3A_729, %ne3A_724 : i1
      %add3A_731 = arith.addi %rem3A_722, %select_n3A_721 : i32
      %select_n3A_732 = arith.select %and3A_730, %add3A_731, %rem3A_722 : i32
      %mul3A_733 = arith.constant 4 : i32
      %mul3A_734 = arith.muli %select_n3A_732, %mul3A_733 : i32
      %add3A_735 = arith.constant 0 : i32
      %add3A_736 = arith.addi %mul3A_734, %add3A_735 : i32
      %add3A_737 = arith.constant 0 : i32
      %add3A_738 = arith.addi %add3A_736, %add3A_737 : i32
      %eq3A_739 = vector.broadcast %add3A_738 : i32 to vector<16xi32>
      %eq3A_740 = arith.cmpi eq, %iota3A, %eq3A_739 : vector<16xi32>
      %reduce_sum3A_741 = arith.constant true
      %reduce_sum3A_742 = vector.broadcast %reduce_sum3A_741 : i1 to vector<16xi1>
      %reduce_sum3A_743 = tpu.scan <sum>, %scan3A_715#0 masked %reduce_sum3A_742 : vector<16xf32>, vector<16xi1> -> vector<16xf32>
      %reduce_sum3A_744 = vector.extract %reduce_sum3A_743[15] : f32 from vector<16xf32>
      %broadcast_in_dim3A_745 = vector.broadcast %reduce_sum3A_744 : f32 to vector<16xf32>
      %select_n3A_746 = arith.select %eq3A_740, %broadcast_in_dim3A_745, %select_n3A_616 : vector<16xi1>, vector<16xf32>
      %eq3A_747 = vector.broadcast %add3A_738 : i32 to vector<16xi32>
      %eq3A_748 = arith.cmpi eq, %iota3A, %eq3A_747 : vector<16xi32>
      %reduce_sum3A_749 = arith.constant true
      %reduce_sum3A_750 = vector.broadcast %reduce_sum3A_749 : i1 to vector<16xi1>
      %reduce_sum3A_751 = tpu.scan <sum>, %scan3A_715#1 masked %reduce_sum3A_750 : vector<16xf32>, vector<16xi1> -> vector<16xf32>
      %reduce_sum3A_752 = vector.extract %reduce_sum3A_751[15] : f32 from vector<16xf32>
      %broadcast_in_dim3A_753 = vector.broadcast %reduce_sum3A_752 : f32 to vector<16xf32>
      %select_n3A_754 = arith.select %eq3A_748, %broadcast_in_dim3A_753, %select_n3A_617 : vector<16xi1>, vector<16xf32>
      %eq3A_755 = vector.broadcast %add3A_738 : i32 to vector<16xi32>
      %eq3A_756 = arith.cmpi eq, %iota3A, %eq3A_755 : vector<16xi32>
      %reduce_sum3A_757 = arith.constant true
      %reduce_sum3A_758 = vector.broadcast %reduce_sum3A_757 : i1 to vector<16xi1>
      %reduce_sum3A_759 = tpu.scan <sum>, %scan3A_715#2 masked %reduce_sum3A_758 : vector<16xf32>, vector<16xi1> -> vector<16xf32>
      %reduce_sum3A_760 = vector.extract %reduce_sum3A_759[15] : f32 from vector<16xf32>
      %broadcast_in_dim3A_761 = vector.broadcast %reduce_sum3A_760 : f32 to vector<16xf32>
      %select_n3A_762 = arith.select %eq3A_756, %broadcast_in_dim3A_761, %select_n3A_618 : vector<16xi1>, vector<16xf32>
      %eq3A_763 = vector.broadcast %add3A_738 : i32 to vector<16xi32>
      %eq3A_764 = arith.cmpi eq, %iota3A, %eq3A_763 : vector<16xi32>
      %reduce_sum3A_765 = arith.constant true
      %reduce_sum3A_766 = vector.broadcast %reduce_sum3A_765 : i1 to vector<16xi1>
      %reduce_sum3A_767 = tpu.scan <sum>, %scan3A_715#3 masked %reduce_sum3A_766 : vector<16xf32>, vector<16xi1> -> vector<16xf32>
      %reduce_sum3A_768 = vector.extract %reduce_sum3A_767[15] : f32 from vector<16xf32>
      %broadcast_in_dim3A_769 = vector.broadcast %reduce_sum3A_768 : f32 to vector<16xf32>
      %select_n3A_770 = arith.select %eq3A_764, %broadcast_in_dim3A_769, %select_n3A_619 : vector<16xi1>, vector<16xf32>
      %eq3A_771 = vector.broadcast %add3A_738 : i32 to vector<16xi32>
      %eq3A_772 = arith.cmpi eq, %iota3A, %eq3A_771 : vector<16xi32>
      %reduce_sum3A_773 = arith.constant true
      %reduce_sum3A_774 = vector.broadcast %reduce_sum3A_773 : i1 to vector<16xi1>
      %reduce_sum3A_775 = tpu.scan <sum>, %scan3A_715#4 masked %reduce_sum3A_774 : vector<16xf32>, vector<16xi1> -> vector<16xf32>
      %reduce_sum3A_776 = vector.extract %reduce_sum3A_775[15] : f32 from vector<16xf32>
      %broadcast_in_dim3A_777 = vector.broadcast %reduce_sum3A_776 : f32 to vector<16xf32>
      %select_n3A_778 = arith.select %eq3A_772, %broadcast_in_dim3A_777, %select_n3A_620 : vector<16xi1>, vector<16xf32>
      %eq3A_779 = vector.broadcast %add3A_738 : i32 to vector<16xi32>
      %eq3A_780 = arith.cmpi eq, %iota3A, %eq3A_779 : vector<16xi32>
      %reduce_sum3A_781 = arith.constant true
      %reduce_sum3A_782 = vector.broadcast %reduce_sum3A_781 : i1 to vector<16xi1>
      %reduce_sum3A_783 = tpu.scan <sum>, %scan3A_715#5 masked %reduce_sum3A_782 : vector<16xf32>, vector<16xi1> -> vector<16xf32>
      %reduce_sum3A_784 = vector.extract %reduce_sum3A_783[15] : f32 from vector<16xf32>
      %broadcast_in_dim3A_785 = vector.broadcast %reduce_sum3A_784 : f32 to vector<16xf32>
      %select_n3A_786 = arith.select %eq3A_780, %broadcast_in_dim3A_785, %select_n3A_621 : vector<16xi1>, vector<16xf32>
      %eq3A_787 = vector.broadcast %add3A_738 : i32 to vector<16xi32>
      %eq3A_788 = arith.cmpi eq, %iota3A, %eq3A_787 : vector<16xi32>
      %reduce_sum3A_789 = arith.constant true
      %reduce_sum3A_790 = vector.broadcast %reduce_sum3A_789 : i1 to vector<16xi1>
      %reduce_sum3A_791 = tpu.scan <sum>, %scan3A_715#6 masked %reduce_sum3A_790 : vector<16xf32>, vector<16xi1> -> vector<16xf32>
      %reduce_sum3A_792 = vector.extract %reduce_sum3A_791[15] : f32 from vector<16xf32>
      %broadcast_in_dim3A_793 = vector.broadcast %reduce_sum3A_792 : f32 to vector<16xf32>
      %select_n3A_794 = arith.select %eq3A_788, %broadcast_in_dim3A_793, %select_n3A_622 : vector<16xi1>, vector<16xf32>
      %eq3A_795 = vector.broadcast %add3A_738 : i32 to vector<16xi32>
      %eq3A_796 = arith.cmpi eq, %iota3A, %eq3A_795 : vector<16xi32>
      %reduce_sum3A_797 = arith.constant true
      %reduce_sum3A_798 = vector.broadcast %reduce_sum3A_797 : i1 to vector<16xi1>
      %reduce_sum3A_799 = tpu.scan <sum>, %scan3A_715#7 masked %reduce_sum3A_798 : vector<16xf32>, vector<16xi1> -> vector<16xf32>
      %reduce_sum3A_800 = vector.extract %reduce_sum3A_799[15] : f32 from vector<16xf32>
      %broadcast_in_dim3A_801 = vector.broadcast %reduce_sum3A_800 : f32 to vector<16xf32>
      %select_n3A_802 = arith.select %eq3A_796, %broadcast_in_dim3A_801, %select_n3A_623 : vector<16xi1>, vector<16xf32>
      %broadcast_in_dim3A_803 = arith.constant 0.000000e+00 : f32
      %broadcast_in_dim3A_804 = vector.broadcast %broadcast_in_dim3A_803 : f32 to vector<16xf32>
      %broadcast_in_dim3A_805 = arith.constant 0.000000e+00 : f32
      %broadcast_in_dim3A_806 = vector.broadcast %broadcast_in_dim3A_805 : f32 to vector<16xf32>
      %broadcast_in_dim3A_807 = arith.constant 0.000000e+00 : f32
      %broadcast_in_dim3A_808 = vector.broadcast %broadcast_in_dim3A_807 : f32 to vector<16xf32>
      %broadcast_in_dim3A_809 = arith.constant 0.000000e+00 : f32
      %broadcast_in_dim3A_810 = vector.broadcast %broadcast_in_dim3A_809 : f32 to vector<16xf32>
      %broadcast_in_dim3A_811 = arith.constant 0.000000e+00 : f32
      %broadcast_in_dim3A_812 = vector.broadcast %broadcast_in_dim3A_811 : f32 to vector<16xf32>
      %broadcast_in_dim3A_813 = arith.constant 0.000000e+00 : f32
      %broadcast_in_dim3A_814 = vector.broadcast %broadcast_in_dim3A_813 : f32 to vector<16xf32>
      %broadcast_in_dim3A_815 = arith.constant 0.000000e+00 : f32
      %broadcast_in_dim3A_816 = vector.broadcast %broadcast_in_dim3A_815 : f32 to vector<16xf32>
      %broadcast_in_dim3A_817 = arith.constant 0.000000e+00 : f32
      %broadcast_in_dim3A_818 = vector.broadcast %broadcast_in_dim3A_817 : f32 to vector<16xf32>
      %scan3A_819 = arith.constant 0 : i32
      %scan3A_820 = arith.constant 32 : i32
      %scan3A_821 = arith.addi %scan3A_819, %scan3A_820 : i32
      %scan3A_822 = arith.constant 1 : i32
      %scan3A_823:8 = scf.for %scan3A_2313 = %scan3A_819 to %scan3A_821 step %scan3A_822 iter_args(%scan3A_2314 = %broadcast_in_dim3A_804, %scan3A_2315 = %broadcast_in_dim3A_806, %scan3A_2316 = %broadcast_in_dim3A_808, %scan3A_2317 = %broadcast_in_dim3A_810, %scan3A_2318 = %broadcast_in_dim3A_812, %scan3A_2319 = %broadcast_in_dim3A_814, %scan3A_2320 = %broadcast_in_dim3A_816, %scan3A_2321 = %broadcast_in_dim3A_818) -> (vector<16xf32>, vector<16xf32>, vector<16xf32>, vector<16xf32>, vector<16xf32>, vector<16xf32>, vector<16xf32>, vector<16xf32>)  : i32 {
        %mul3A_2322 = arith.constant 16 : i32
        %mul3A_2323 = arith.muli %scan3A_2313, %mul3A_2322 : i32
        %add3A_2324 = arith.constant 256 : i32
        %add3A_2325 = arith.addi %add3A_2324, %mul3A_2323 : i32
        %add3A_2326 = arith.addi %mul3A_694, %add3A_2325 : i32
        %get3A = arith.index_cast %add3A_2326 : i32 to index
        %get3A_2327 = tpu.vector_load %arg6[%get3A] {strides = array<i32>} : memref<12288xf32, #tpu.memory_space<vmem>>, vector<16xf32>,
        %max3A = arith.constant 0.000000e+00 : f32
        %max3A_2328 = vector.broadcast %max3A : f32 to vector<16xf32>
        %max3A_2329 = arith.maximumf %get3A_2327, %max3A_2328 : vector<16xf32>
        %add3A_2330 = arith.constant 0x4B000000 : f32
        %add3A_2331 = vector.broadcast %add3A_2330 : f32 to vector<16xf32>
        %add3A_2332 = arith.addf %max3A_2329, %add3A_2331 : vector<16xf32>
        %sub3A_2333 = arith.constant 0x4B000000 : f32
        %sub3A_2334 = vector.broadcast %sub3A_2333 : f32 to vector<16xf32>
        %sub3A_2335 = arith.subf %add3A_2332, %sub3A_2334 : vector<16xf32>
        %get3A_2336 = arith.constant 1 : i32
        %get3A_2337 = arith.constant 0 : i32
        %get3A_2338 = arith.index_cast %get3A_2336 : i32 to index
        %get3A_2339 = arith.index_cast %get3A_2337 : i32 to index
        %get3A_2340 = arith.index_cast %add3A_2325 : i32 to index
        %get3A_2341 = tpu.vector_load %arg5[%get3A_2338, %get3A_2339, %get3A_2340] {strides = array<i32>} : memref<4x8x1536xf32, #tpu.memory_space<vmem>>, vector<16xf32>,
        %mul3A_2342 = arith.mulf %get3A_2341, %sub3A_2335 : vector<16xf32>
        %add3A_2343 = arith.addf %scan3A_2314, %mul3A_2342 : vector<16xf32>
        %get3A_2344 = arith.constant 1 : i32
        %get3A_2345 = arith.constant 1 : i32
        %get3A_2346 = arith.index_cast %get3A_2344 : i32 to index
        %get3A_2347 = arith.index_cast %get3A_2345 : i32 to index
        %get3A_2348 = arith.index_cast %add3A_2325 : i32 to index
        %get3A_2349 = tpu.vector_load %arg5[%get3A_2346, %get3A_2347, %get3A_2348] {strides = array<i32>} : memref<4x8x1536xf32, #tpu.memory_space<vmem>>, vector<16xf32>,
        %mul3A_2350 = arith.mulf %get3A_2349, %sub3A_2335 : vector<16xf32>
        %add3A_2351 = arith.addf %scan3A_2315, %mul3A_2350 : vector<16xf32>
        %get3A_2352 = arith.constant 1 : i32
        %get3A_2353 = arith.constant 2 : i32
        %get3A_2354 = arith.index_cast %get3A_2352 : i32 to index
        %get3A_2355 = arith.index_cast %get3A_2353 : i32 to index
        %get3A_2356 = arith.index_cast %add3A_2325 : i32 to index
        %get3A_2357 = tpu.vector_load %arg5[%get3A_2354, %get3A_2355, %get3A_2356] {strides = array<i32>} : memref<4x8x1536xf32, #tpu.memory_space<vmem>>, vector<16xf32>,
        %mul3A_2358 = arith.mulf %get3A_2357, %sub3A_2335 : vector<16xf32>
        %add3A_2359 = arith.addf %scan3A_2316, %mul3A_2358 : vector<16xf32>
        %get3A_2360 = arith.constant 1 : i32
        %get3A_2361 = arith.constant 3 : i32
        %get3A_2362 = arith.index_cast %get3A_2360 : i32 to index
        %get3A_2363 = arith.index_cast %get3A_2361 : i32 to index
        %get3A_2364 = arith.index_cast %add3A_2325 : i32 to index
        %get3A_2365 = tpu.vector_load %arg5[%get3A_2362, %get3A_2363, %get3A_2364] {strides = array<i32>} : memref<4x8x1536xf32, #tpu.memory_space<vmem>>, vector<16xf32>,
        %mul3A_2366 = arith.mulf %get3A_2365, %sub3A_2335 : vector<16xf32>
        %add3A_2367 = arith.addf %scan3A_2317, %mul3A_2366 : vector<16xf32>
        %get3A_2368 = arith.constant 1 : i32
        %get3A_2369 = arith.constant 4 : i32
        %get3A_2370 = arith.index_cast %get3A_2368 : i32 to index
        %get3A_2371 = arith.index_cast %get3A_2369 : i32 to index
        %get3A_2372 = arith.index_cast %add3A_2325 : i32 to index
        %get3A_2373 = tpu.vector_load %arg5[%get3A_2370, %get3A_2371, %get3A_2372] {strides = array<i32>} : memref<4x8x1536xf32, #tpu.memory_space<vmem>>, vector<16xf32>,
        %mul3A_2374 = arith.mulf %get3A_2373, %sub3A_2335 : vector<16xf32>
        %add3A_2375 = arith.addf %scan3A_2318, %mul3A_2374 : vector<16xf32>
        %get3A_2376 = arith.constant 1 : i32
        %get3A_2377 = arith.constant 5 : i32
        %get3A_2378 = arith.index_cast %get3A_2376 : i32 to index
        %get3A_2379 = arith.index_cast %get3A_2377 : i32 to index
        %get3A_2380 = arith.index_cast %add3A_2325 : i32 to index
        %get3A_2381 = tpu.vector_load %arg5[%get3A_2378, %get3A_2379, %get3A_2380] {strides = array<i32>} : memref<4x8x1536xf32, #tpu.memory_space<vmem>>, vector<16xf32>,
        %mul3A_2382 = arith.mulf %get3A_2381, %sub3A_2335 : vector<16xf32>
        %add3A_2383 = arith.addf %scan3A_2319, %mul3A_2382 : vector<16xf32>
        %get3A_2384 = arith.constant 1 : i32
        %get3A_2385 = arith.constant 6 : i32
        %get3A_2386 = arith.index_cast %get3A_2384 : i32 to index
        %get3A_2387 = arith.index_cast %get3A_2385 : i32 to index
        %get3A_2388 = arith.index_cast %add3A_2325 : i32 to index
        %get3A_2389 = tpu.vector_load %arg5[%get3A_2386, %get3A_2387, %get3A_2388] {strides = array<i32>} : memref<4x8x1536xf32, #tpu.memory_space<vmem>>, vector<16xf32>,
        %mul3A_2390 = arith.mulf %get3A_2389, %sub3A_2335 : vector<16xf32>
        %add3A_2391 = arith.addf %scan3A_2320, %mul3A_2390 : vector<16xf32>
        %get3A_2392 = arith.constant 1 : i32
        %get3A_2393 = arith.constant 7 : i32
        %get3A_2394 = arith.index_cast %get3A_2392 : i32 to index
        %get3A_2395 = arith.index_cast %get3A_2393 : i32 to index
        %get3A_2396 = arith.index_cast %add3A_2325 : i32 to index
        %get3A_2397 = tpu.vector_load %arg5[%get3A_2394, %get3A_2395, %get3A_2396] {strides = array<i32>} : memref<4x8x1536xf32, #tpu.memory_space<vmem>>, vector<16xf32>,
        %mul3A_2398 = arith.mulf %get3A_2397, %sub3A_2335 : vector<16xf32>
        %add3A_2399 = arith.addf %scan3A_2321, %mul3A_2398 : vector<16xf32>
        scf.yield %add3A_2343, %add3A_2351, %add3A_2359, %add3A_2367, %add3A_2375, %add3A_2383, %add3A_2391, %add3A_2399 : vector<16xf32>, vector<16xf32>, vector<16xf32>, vector<16xf32>, vector<16xf32>, vector<16xf32>, vector<16xf32>, vector<16xf32>
      }
      %scan3A_824 = arith.constant 32 : i32
      %jit3A_825 = arith.constant 4 : i32
      %eq3A_826 = arith.constant 0 : i32
      %eq3A_827 = arith.cmpi eq, %jit3A_825, %eq3A_826 : i32
      %jit3A_828 = arith.constant 1 : i32
      %select_n3A_829 = arith.select %eq3A_827, %jit3A_828, %jit3A_825 : i32
      %rem3A_830 = arith.remsi %select_n3A_667, %select_n3A_829 : i32
      %ne3A_831 = arith.constant 0 : i32
      %ne3A_832 = arith.cmpi ne, %rem3A_830, %ne3A_831 : i32
      %lt3A_833 = arith.constant 0 : i32
      %lt3A_834 = arith.cmpi slt, %rem3A_830, %lt3A_833 : i32
      %lt3A_835 = arith.constant 0 : i32
      %lt3A_836 = arith.cmpi slt, %select_n3A_829, %lt3A_835 : i32
      %ne3A_837 = arith.xori %lt3A_834, %lt3A_836 : i1
      %and3A_838 = arith.andi %ne3A_837, %ne3A_832 : i1
      %add3A_839 = arith.addi %rem3A_830, %select_n3A_829 : i32
      %select_n3A_840 = arith.select %and3A_838, %add3A_839, %rem3A_830 : i32
      %mul3A_841 = arith.constant 4 : i32
      %mul3A_842 = arith.muli %select_n3A_840, %mul3A_841 : i32
      %add3A_843 = arith.constant 0 : i32
      %add3A_844 = arith.addi %mul3A_842, %add3A_843 : i32
      %add3A_845 = arith.constant 1 : i32
      %add3A_846 = arith.addi %add3A_844, %add3A_845 : i32
      %eq3A_847 = vector.broadcast %add3A_846 : i32 to vector<16xi32>
      %eq3A_848 = arith.cmpi eq, %iota3A, %eq3A_847 : vector<16xi32>
      %reduce_sum3A_849 = arith.constant true
      %reduce_sum3A_850 = vector.broadcast %reduce_sum3A_849 : i1 to vector<16xi1>
      %reduce_sum3A_851 = tpu.scan <sum>, %scan3A_823#0 masked %reduce_sum3A_850 : vector<16xf32>, vector<16xi1> -> vector<16xf32>
      %reduce_sum3A_852 = vector.extract %reduce_sum3A_851[15] : f32 from vector<16xf32>
      %broadcast_in_dim3A_853 = vector.broadcast %reduce_sum3A_852 : f32 to vector<16xf32>
      %select_n3A_854 = arith.select %eq3A_848, %broadcast_in_dim3A_853, %select_n3A_746 : vector<16xi1>, vector<16xf32>
      %eq3A_855 = vector.broadcast %add3A_846 : i32 to vector<16xi32>
      %eq3A_856 = arith.cmpi eq, %iota3A, %eq3A_855 : vector<16xi32>
      %reduce_sum3A_857 = arith.constant true
      %reduce_sum3A_858 = vector.broadcast %reduce_sum3A_857 : i1 to vector<16xi1>
      %reduce_sum3A_859 = tpu.scan <sum>, %scan3A_823#1 masked %reduce_sum3A_858 : vector<16xf32>, vector<16xi1> -> vector<16xf32>
      %reduce_sum3A_860 = vector.extract %reduce_sum3A_859[15] : f32 from vector<16xf32>
      %broadcast_in_dim3A_861 = vector.broadcast %reduce_sum3A_860 : f32 to vector<16xf32>
      %select_n3A_862 = arith.select %eq3A_856, %broadcast_in_dim3A_861, %select_n3A_754 : vector<16xi1>, vector<16xf32>
      %eq3A_863 = vector.broadcast %add3A_846 : i32 to vector<16xi32>
      %eq3A_864 = arith.cmpi eq, %iota3A, %eq3A_863 : vector<16xi32>
      %reduce_sum3A_865 = arith.constant true
      %reduce_sum3A_866 = vector.broadcast %reduce_sum3A_865 : i1 to vector<16xi1>
      %reduce_sum3A_867 = tpu.scan <sum>, %scan3A_823#2 masked %reduce_sum3A_866 : vector<16xf32>, vector<16xi1> -> vector<16xf32>
      %reduce_sum3A_868 = vector.extract %reduce_sum3A_867[15] : f32 from vector<16xf32>
      %broadcast_in_dim3A_869 = vector.broadcast %reduce_sum3A_868 : f32 to vector<16xf32>
      %select_n3A_870 = arith.select %eq3A_864, %broadcast_in_dim3A_869, %select_n3A_762 : vector<16xi1>, vector<16xf32>
      %eq3A_871 = vector.broadcast %add3A_846 : i32 to vector<16xi32>
      %eq3A_872 = arith.cmpi eq, %iota3A, %eq3A_871 : vector<16xi32>
      %reduce_sum3A_873 = arith.constant true
      %reduce_sum3A_874 = vector.broadcast %reduce_sum3A_873 : i1 to vector<16xi1>
      %reduce_sum3A_875 = tpu.scan <sum>, %scan3A_823#3 masked %reduce_sum3A_874 : vector<16xf32>, vector<16xi1> -> vector<16xf32>
      %reduce_sum3A_876 = vector.extract %reduce_sum3A_875[15] : f32 from vector<16xf32>
      %broadcast_in_dim3A_877 = vector.broadcast %reduce_sum3A_876 : f32 to vector<16xf32>
      %select_n3A_878 = arith.select %eq3A_872, %broadcast_in_dim3A_877, %select_n3A_770 : vector<16xi1>, vector<16xf32>
      %eq3A_879 = vector.broadcast %add3A_846 : i32 to vector<16xi32>
      %eq3A_880 = arith.cmpi eq, %iota3A, %eq3A_879 : vector<16xi32>
      %reduce_sum3A_881 = arith.constant true
      %reduce_sum3A_882 = vector.broadcast %reduce_sum3A_881 : i1 to vector<16xi1>
      %reduce_sum3A_883 = tpu.scan <sum>, %scan3A_823#4 masked %reduce_sum3A_882 : vector<16xf32>, vector<16xi1> -> vector<16xf32>
      %reduce_sum3A_884 = vector.extract %reduce_sum3A_883[15] : f32 from vector<16xf32>
      %broadcast_in_dim3A_885 = vector.broadcast %reduce_sum3A_884 : f32 to vector<16xf32>
      %select_n3A_886 = arith.select %eq3A_880, %broadcast_in_dim3A_885, %select_n3A_778 : vector<16xi1>, vector<16xf32>
      %eq3A_887 = vector.broadcast %add3A_846 : i32 to vector<16xi32>
      %eq3A_888 = arith.cmpi eq, %iota3A, %eq3A_887 : vector<16xi32>
      %reduce_sum3A_889 = arith.constant true
      %reduce_sum3A_890 = vector.broadcast %reduce_sum3A_889 : i1 to vector<16xi1>
      %reduce_sum3A_891 = tpu.scan <sum>, %scan3A_823#5 masked %reduce_sum3A_890 : vector<16xf32>, vector<16xi1> -> vector<16xf32>
      %reduce_sum3A_892 = vector.extract %reduce_sum3A_891[15] : f32 from vector<16xf32>
      %broadcast_in_dim3A_893 = vector.broadcast %reduce_sum3A_892 : f32 to vector<16xf32>
      %select_n3A_894 = arith.select %eq3A_888, %broadcast_in_dim3A_893, %select_n3A_786 : vector<16xi1>, vector<16xf32>
      %eq3A_895 = vector.broadcast %add3A_846 : i32 to vector<16xi32>
      %eq3A_896 = arith.cmpi eq, %iota3A, %eq3A_895 : vector<16xi32>
      %reduce_sum3A_897 = arith.constant true
      %reduce_sum3A_898 = vector.broadcast %reduce_sum3A_897 : i1 to vector<16xi1>
      %reduce_sum3A_899 = tpu.scan <sum>, %scan3A_823#6 masked %reduce_sum3A_898 : vector<16xf32>, vector<16xi1> -> vector<16xf32>
      %reduce_sum3A_900 = vector.extract %reduce_sum3A_899[15] : f32 from vector<16xf32>
      %broadcast_in_dim3A_901 = vector.broadcast %reduce_sum3A_900 : f32 to vector<16xf32>
      %select_n3A_902 = arith.select %eq3A_896, %broadcast_in_dim3A_901, %select_n3A_794 : vector<16xi1>, vector<16xf32>
      %eq3A_903 = vector.broadcast %add3A_846 : i32 to vector<16xi32>
      %eq3A_904 = arith.cmpi eq, %iota3A, %eq3A_903 : vector<16xi32>
      %reduce_sum3A_905 = arith.constant true
      %reduce_sum3A_906 = vector.broadcast %reduce_sum3A_905 : i1 to vector<16xi1>
      %reduce_sum3A_907 = tpu.scan <sum>, %scan3A_823#7 masked %reduce_sum3A_906 : vector<16xf32>, vector<16xi1> -> vector<16xf32>
      %reduce_sum3A_908 = vector.extract %reduce_sum3A_907[15] : f32 from vector<16xf32>
      %broadcast_in_dim3A_909 = vector.broadcast %reduce_sum3A_908 : f32 to vector<16xf32>
      %select_n3A_910 = arith.select %eq3A_904, %broadcast_in_dim3A_909, %select_n3A_802 : vector<16xi1>, vector<16xf32>
      %broadcast_in_dim3A_911 = arith.constant 0.000000e+00 : f32
      %broadcast_in_dim3A_912 = vector.broadcast %broadcast_in_dim3A_911 : f32 to vector<16xf32>
      %broadcast_in_dim3A_913 = arith.constant 0.000000e+00 : f32
      %broadcast_in_dim3A_914 = vector.broadcast %broadcast_in_dim3A_913 : f32 to vector<16xf32>
      %broadcast_in_dim3A_915 = arith.constant 0.000000e+00 : f32
      %broadcast_in_dim3A_916 = vector.broadcast %broadcast_in_dim3A_915 : f32 to vector<16xf32>
      %broadcast_in_dim3A_917 = arith.constant 0.000000e+00 : f32
      %broadcast_in_dim3A_918 = vector.broadcast %broadcast_in_dim3A_917 : f32 to vector<16xf32>
      %broadcast_in_dim3A_919 = arith.constant 0.000000e+00 : f32
      %broadcast_in_dim3A_920 = vector.broadcast %broadcast_in_dim3A_919 : f32 to vector<16xf32>
      %broadcast_in_dim3A_921 = arith.constant 0.000000e+00 : f32
      %broadcast_in_dim3A_922 = vector.broadcast %broadcast_in_dim3A_921 : f32 to vector<16xf32>
      %broadcast_in_dim3A_923 = arith.constant 0.000000e+00 : f32
      %broadcast_in_dim3A_924 = vector.broadcast %broadcast_in_dim3A_923 : f32 to vector<16xf32>
      %broadcast_in_dim3A_925 = arith.constant 0.000000e+00 : f32
      %broadcast_in_dim3A_926 = vector.broadcast %broadcast_in_dim3A_925 : f32 to vector<16xf32>
      %scan3A_927 = arith.constant 0 : i32
      %scan3A_928 = arith.constant 16 : i32
      %scan3A_929 = arith.addi %scan3A_927, %scan3A_928 : i32
      %scan3A_930 = arith.constant 1 : i32
      %scan3A_931:8 = scf.for %scan3A_2313 = %scan3A_927 to %scan3A_929 step %scan3A_930 iter_args(%scan3A_2314 = %broadcast_in_dim3A_912, %scan3A_2315 = %broadcast_in_dim3A_914, %scan3A_2316 = %broadcast_in_dim3A_916, %scan3A_2317 = %broadcast_in_dim3A_918, %scan3A_2318 = %broadcast_in_dim3A_920, %scan3A_2319 = %broadcast_in_dim3A_922, %scan3A_2320 = %broadcast_in_dim3A_924, %scan3A_2321 = %broadcast_in_dim3A_926) -> (vector<16xf32>, vector<16xf32>, vector<16xf32>, vector<16xf32>, vector<16xf32>, vector<16xf32>, vector<16xf32>, vector<16xf32>)  : i32 {
        %mul3A_2322 = arith.constant 16 : i32
        %mul3A_2323 = arith.muli %scan3A_2313, %mul3A_2322 : i32
        %add3A_2324 = arith.constant 768 : i32
        %add3A_2325 = arith.addi %add3A_2324, %mul3A_2323 : i32
        %add3A_2326 = arith.addi %mul3A_694, %add3A_2325 : i32
        %get3A = arith.index_cast %add3A_2326 : i32 to index
        %get3A_2327 = tpu.vector_load %arg6[%get3A] {strides = array<i32>} : memref<12288xf32, #tpu.memory_space<vmem>>, vector<16xf32>,
        %max3A = arith.constant 0.000000e+00 : f32
        %max3A_2328 = vector.broadcast %max3A : f32 to vector<16xf32>
        %max3A_2329 = arith.maximumf %get3A_2327, %max3A_2328 : vector<16xf32>
        %add3A_2330 = arith.constant 0x4B000000 : f32
        %add3A_2331 = vector.broadcast %add3A_2330 : f32 to vector<16xf32>
        %add3A_2332 = arith.addf %max3A_2329, %add3A_2331 : vector<16xf32>
        %sub3A_2333 = arith.constant 0x4B000000 : f32
        %sub3A_2334 = vector.broadcast %sub3A_2333 : f32 to vector<16xf32>
        %sub3A_2335 = arith.subf %add3A_2332, %sub3A_2334 : vector<16xf32>
        %get3A_2336 = arith.constant 1 : i32
        %get3A_2337 = arith.constant 0 : i32
        %get3A_2338 = arith.index_cast %get3A_2336 : i32 to index
        %get3A_2339 = arith.index_cast %get3A_2337 : i32 to index
        %get3A_2340 = arith.index_cast %add3A_2325 : i32 to index
        %get3A_2341 = tpu.vector_load %arg5[%get3A_2338, %get3A_2339, %get3A_2340] {strides = array<i32>} : memref<4x8x1536xf32, #tpu.memory_space<vmem>>, vector<16xf32>,
        %mul3A_2342 = arith.mulf %get3A_2341, %sub3A_2335 : vector<16xf32>
        %add3A_2343 = arith.addf %scan3A_2314, %mul3A_2342 : vector<16xf32>
        %get3A_2344 = arith.constant 1 : i32
        %get3A_2345 = arith.constant 1 : i32
        %get3A_2346 = arith.index_cast %get3A_2344 : i32 to index
        %get3A_2347 = arith.index_cast %get3A_2345 : i32 to index
        %get3A_2348 = arith.index_cast %add3A_2325 : i32 to index
        %get3A_2349 = tpu.vector_load %arg5[%get3A_2346, %get3A_2347, %get3A_2348] {strides = array<i32>} : memref<4x8x1536xf32, #tpu.memory_space<vmem>>, vector<16xf32>,
        %mul3A_2350 = arith.mulf %get3A_2349, %sub3A_2335 : vector<16xf32>
        %add3A_2351 = arith.addf %scan3A_2315, %mul3A_2350 : vector<16xf32>
        %get3A_2352 = arith.constant 1 : i32
        %get3A_2353 = arith.constant 2 : i32
        %get3A_2354 = arith.index_cast %get3A_2352 : i32 to index
        %get3A_2355 = arith.index_cast %get3A_2353 : i32 to index
        %get3A_2356 = arith.index_cast %add3A_2325 : i32 to index
        %get3A_2357 = tpu.vector_load %arg5[%get3A_2354, %get3A_2355, %get3A_2356] {strides = array<i32>} : memref<4x8x1536xf32, #tpu.memory_space<vmem>>, vector<16xf32>,
        %mul3A_2358 = arith.mulf %get3A_2357, %sub3A_2335 : vector<16xf32>
        %add3A_2359 = arith.addf %scan3A_2316, %mul3A_2358 : vector<16xf32>
        %get3A_2360 = arith.constant 1 : i32
        %get3A_2361 = arith.constant 3 : i32
        %get3A_2362 = arith.index_cast %get3A_2360 : i32 to index
        %get3A_2363 = arith.index_cast %get3A_2361 : i32 to index
        %get3A_2364 = arith.index_cast %add3A_2325 : i32 to index
        %get3A_2365 = tpu.vector_load %arg5[%get3A_2362, %get3A_2363, %get3A_2364] {strides = array<i32>} : memref<4x8x1536xf32, #tpu.memory_space<vmem>>, vector<16xf32>,
        %mul3A_2366 = arith.mulf %get3A_2365, %sub3A_2335 : vector<16xf32>
        %add3A_2367 = arith.addf %scan3A_2317, %mul3A_2366 : vector<16xf32>
        %get3A_2368 = arith.constant 1 : i32
        %get3A_2369 = arith.constant 4 : i32
        %get3A_2370 = arith.index_cast %get3A_2368 : i32 to index
        %get3A_2371 = arith.index_cast %get3A_2369 : i32 to index
        %get3A_2372 = arith.index_cast %add3A_2325 : i32 to index
        %get3A_2373 = tpu.vector_load %arg5[%get3A_2370, %get3A_2371, %get3A_2372] {strides = array<i32>} : memref<4x8x1536xf32, #tpu.memory_space<vmem>>, vector<16xf32>,
        %mul3A_2374 = arith.mulf %get3A_2373, %sub3A_2335 : vector<16xf32>
        %add3A_2375 = arith.addf %scan3A_2318, %mul3A_2374 : vector<16xf32>
        %get3A_2376 = arith.constant 1 : i32
        %get3A_2377 = arith.constant 5 : i32
        %get3A_2378 = arith.index_cast %get3A_2376 : i32 to index
        %get3A_2379 = arith.index_cast %get3A_2377 : i32 to index
        %get3A_2380 = arith.index_cast %add3A_2325 : i32 to index
        %get3A_2381 = tpu.vector_load %arg5[%get3A_2378, %get3A_2379, %get3A_2380] {strides = array<i32>} : memref<4x8x1536xf32, #tpu.memory_space<vmem>>, vector<16xf32>,
        %mul3A_2382 = arith.mulf %get3A_2381, %sub3A_2335 : vector<16xf32>
        %add3A_2383 = arith.addf %scan3A_2319, %mul3A_2382 : vector<16xf32>
        %get3A_2384 = arith.constant 1 : i32
        %get3A_2385 = arith.constant 6 : i32
        %get3A_2386 = arith.index_cast %get3A_2384 : i32 to index
        %get3A_2387 = arith.index_cast %get3A_2385 : i32 to index
        %get3A_2388 = arith.index_cast %add3A_2325 : i32 to index
        %get3A_2389 = tpu.vector_load %arg5[%get3A_2386, %get3A_2387, %get3A_2388] {strides = array<i32>} : memref<4x8x1536xf32, #tpu.memory_space<vmem>>, vector<16xf32>,
        %mul3A_2390 = arith.mulf %get3A_2389, %sub3A_2335 : vector<16xf32>
        %add3A_2391 = arith.addf %scan3A_2320, %mul3A_2390 : vector<16xf32>
        %get3A_2392 = arith.constant 1 : i32
        %get3A_2393 = arith.constant 7 : i32
        %get3A_2394 = arith.index_cast %get3A_2392 : i32 to index
        %get3A_2395 = arith.index_cast %get3A_2393 : i32 to index
        %get3A_2396 = arith.index_cast %add3A_2325 : i32 to index
        %get3A_2397 = tpu.vector_load %arg5[%get3A_2394, %get3A_2395, %get3A_2396] {strides = array<i32>} : memref<4x8x1536xf32, #tpu.memory_space<vmem>>, vector<16xf32>,
        %mul3A_2398 = arith.mulf %get3A_2397, %sub3A_2335 : vector<16xf32>
        %add3A_2399 = arith.addf %scan3A_2321, %mul3A_2398 : vector<16xf32>
        scf.yield %add3A_2343, %add3A_2351, %add3A_2359, %add3A_2367, %add3A_2375, %add3A_2383, %add3A_2391, %add3A_2399 : vector<16xf32>, vector<16xf32>, vector<16xf32>, vector<16xf32>, vector<16xf32>, vector<16xf32>, vector<16xf32>, vector<16xf32>
      }
      %scan3A_932 = arith.constant 16 : i32
      %jit3A_933 = arith.constant 4 : i32
      %eq3A_934 = arith.constant 0 : i32
      %eq3A_935 = arith.cmpi eq, %jit3A_933, %eq3A_934 : i32
      %jit3A_936 = arith.constant 1 : i32
      %select_n3A_937 = arith.select %eq3A_935, %jit3A_936, %jit3A_933 : i32
      %rem3A_938 = arith.remsi %select_n3A_667, %select_n3A_937 : i32
      %ne3A_939 = arith.constant 0 : i32
      %ne3A_940 = arith.cmpi ne, %rem3A_938, %ne3A_939 : i32
      %lt3A_941 = arith.constant 0 : i32
      %lt3A_942 = arith.cmpi slt, %rem3A_938, %lt3A_941 : i32
      %lt3A_943 = arith.constant 0 : i32
      %lt3A_944 = arith.cmpi slt, %select_n3A_937, %lt3A_943 : i32
      %ne3A_945 = arith.xori %lt3A_942, %lt3A_944 : i1
      %and3A_946 = arith.andi %ne3A_945, %ne3A_940 : i1
      %add3A_947 = arith.addi %rem3A_938, %select_n3A_937 : i32
      %select_n3A_948 = arith.select %and3A_946, %add3A_947, %rem3A_938 : i32
      %mul3A_949 = arith.constant 4 : i32
      %mul3A_950 = arith.muli %select_n3A_948, %mul3A_949 : i32
      %add3A_951 = arith.constant 2 : i32
      %add3A_952 = arith.addi %mul3A_950, %add3A_951 : i32
      %add3A_953 = arith.constant 0 : i32
      %add3A_954 = arith.addi %add3A_952, %add3A_953 : i32
      %eq3A_955 = vector.broadcast %add3A_954 : i32 to vector<16xi32>
      %eq3A_956 = arith.cmpi eq, %iota3A, %eq3A_955 : vector<16xi32>
      %reduce_sum3A_957 = arith.constant true
      %reduce_sum3A_958 = vector.broadcast %reduce_sum3A_957 : i1 to vector<16xi1>
      %reduce_sum3A_959 = tpu.scan <sum>, %scan3A_931#0 masked %reduce_sum3A_958 : vector<16xf32>, vector<16xi1> -> vector<16xf32>
      %reduce_sum3A_960 = vector.extract %reduce_sum3A_959[15] : f32 from vector<16xf32>
      %broadcast_in_dim3A_961 = vector.broadcast %reduce_sum3A_960 : f32 to vector<16xf32>
      %select_n3A_962 = arith.select %eq3A_956, %broadcast_in_dim3A_961, %select_n3A_854 : vector<16xi1>, vector<16xf32>
      %eq3A_963 = vector.broadcast %add3A_954 : i32 to vector<16xi32>
      %eq3A_964 = arith.cmpi eq, %iota3A, %eq3A_963 : vector<16xi32>
      %reduce_sum3A_965 = arith.constant true
      %reduce_sum3A_966 = vector.broadcast %reduce_sum3A_965 : i1 to vector<16xi1>
      %reduce_sum3A_967 = tpu.scan <sum>, %scan3A_931#1 masked %reduce_sum3A_966 : vector<16xf32>, vector<16xi1> -> vector<16xf32>
      %reduce_sum3A_968 = vector.extract %reduce_sum3A_967[15] : f32 from vector<16xf32>
      %broadcast_in_dim3A_969 = vector.broadcast %reduce_sum3A_968 : f32 to vector<16xf32>
      %select_n3A_970 = arith.select %eq3A_964, %broadcast_in_dim3A_969, %select_n3A_862 : vector<16xi1>, vector<16xf32>
      %eq3A_971 = vector.broadcast %add3A_954 : i32 to vector<16xi32>
      %eq3A_972 = arith.cmpi eq, %iota3A, %eq3A_971 : vector<16xi32>
      %reduce_sum3A_973 = arith.constant true
      %reduce_sum3A_974 = vector.broadcast %reduce_sum3A_973 : i1 to vector<16xi1>
      %reduce_sum3A_975 = tpu.scan <sum>, %scan3A_931#2 masked %reduce_sum3A_974 : vector<16xf32>, vector<16xi1> -> vector<16xf32>
      %reduce_sum3A_976 = vector.extract %reduce_sum3A_975[15] : f32 from vector<16xf32>
      %broadcast_in_dim3A_977 = vector.broadcast %reduce_sum3A_976 : f32 to vector<16xf32>
      %select_n3A_978 = arith.select %eq3A_972, %broadcast_in_dim3A_977, %select_n3A_870 : vector<16xi1>, vector<16xf32>
      %eq3A_979 = vector.broadcast %add3A_954 : i32 to vector<16xi32>
      %eq3A_980 = arith.cmpi eq, %iota3A, %eq3A_979 : vector<16xi32>
      %reduce_sum3A_981 = arith.constant true
      %reduce_sum3A_982 = vector.broadcast %reduce_sum3A_981 : i1 to vector<16xi1>
      %reduce_sum3A_983 = tpu.scan <sum>, %scan3A_931#3 masked %reduce_sum3A_982 : vector<16xf32>, vector<16xi1> -> vector<16xf32>
      %reduce_sum3A_984 = vector.extract %reduce_sum3A_983[15] : f32 from vector<16xf32>
      %broadcast_in_dim3A_985 = vector.broadcast %reduce_sum3A_984 : f32 to vector<16xf32>
      %select_n3A_986 = arith.select %eq3A_980, %broadcast_in_dim3A_985, %select_n3A_878 : vector<16xi1>, vector<16xf32>
      %eq3A_987 = vector.broadcast %add3A_954 : i32 to vector<16xi32>
      %eq3A_988 = arith.cmpi eq, %iota3A, %eq3A_987 : vector<16xi32>
      %reduce_sum3A_989 = arith.constant true
      %reduce_sum3A_990 = vector.broadcast %reduce_sum3A_989 : i1 to vector<16xi1>
      %reduce_sum3A_991 = tpu.scan <sum>, %scan3A_931#4 masked %reduce_sum3A_990 : vector<16xf32>, vector<16xi1> -> vector<16xf32>
      %reduce_sum3A_992 = vector.extract %reduce_sum3A_991[15] : f32 from vector<16xf32>
      %broadcast_in_dim3A_993 = vector.broadcast %reduce_sum3A_992 : f32 to vector<16xf32>
      %select_n3A_994 = arith.select %eq3A_988, %broadcast_in_dim3A_993, %select_n3A_886 : vector<16xi1>, vector<16xf32>
      %eq3A_995 = vector.broadcast %add3A_954 : i32 to vector<16xi32>
      %eq3A_996 = arith.cmpi eq, %iota3A, %eq3A_995 : vector<16xi32>
      %reduce_sum3A_997 = arith.constant true
      %reduce_sum3A_998 = vector.broadcast %reduce_sum3A_997 : i1 to vector<16xi1>
      %reduce_sum3A_999 = tpu.scan <sum>, %scan3A_931#5 masked %reduce_sum3A_998 : vector<16xf32>, vector<16xi1> -> vector<16xf32>
      %reduce_sum3A_1000 = vector.extract %reduce_sum3A_999[15] : f32 from vector<16xf32>
      %broadcast_in_dim3A_1001 = vector.broadcast %reduce_sum3A_1000 : f32 to vector<16xf32>
      %select_n3A_1002 = arith.select %eq3A_996, %broadcast_in_dim3A_1001, %select_n3A_894 : vector<16xi1>, vector<16xf32>
      %eq3A_1003 = vector.broadcast %add3A_954 : i32 to vector<16xi32>
      %eq3A_1004 = arith.cmpi eq, %iota3A, %eq3A_1003 : vector<16xi32>
      %reduce_sum3A_1005 = arith.constant true
      %reduce_sum3A_1006 = vector.broadcast %reduce_sum3A_1005 : i1 to vector<16xi1>
      %reduce_sum3A_1007 = tpu.scan <sum>, %scan3A_931#6 masked %reduce_sum3A_1006 : vector<16xf32>, vector<16xi1> -> vector<16xf32>
      %reduce_sum3A_1008 = vector.extract %reduce_sum3A_1007[15] : f32 from vector<16xf32>
      %broadcast_in_dim3A_1009 = vector.broadcast %reduce_sum3A_1008 : f32 to vector<16xf32>
      %select_n3A_1010 = arith.select %eq3A_1004, %broadcast_in_dim3A_1009, %select_n3A_902 : vector<16xi1>, vector<16xf32>
      %eq3A_1011 = vector.broadcast %add3A_954 : i32 to vector<16xi32>
      %eq3A_1012 = arith.cmpi eq, %iota3A, %eq3A_1011 : vector<16xi32>
      %reduce_sum3A_1013 = arith.constant true
      %reduce_sum3A_1014 = vector.broadcast %reduce_sum3A_1013 : i1 to vector<16xi1>
      %reduce_sum3A_1015 = tpu.scan <sum>, %scan3A_931#7 masked %reduce_sum3A_1014 : vector<16xf32>, vector<16xi1> -> vector<16xf32>
      %reduce_sum3A_1016 = vector.extract %reduce_sum3A_1015[15] : f32 from vector<16xf32>
      %broadcast_in_dim3A_1017 = vector.broadcast %reduce_sum3A_1016 : f32 to vector<16xf32>
      %select_n3A_1018 = arith.select %eq3A_1012, %broadcast_in_dim3A_1017, %select_n3A_910 : vector<16xi1>, vector<16xf32>
      %broadcast_in_dim3A_1019 = arith.constant 0.000000e+00 : f32
      %broadcast_in_dim3A_1020 = vector.broadcast %broadcast_in_dim3A_1019 : f32 to vector<16xf32>
      %broadcast_in_dim3A_1021 = arith.constant 0.000000e+00 : f32
      %broadcast_in_dim3A_1022 = vector.broadcast %broadcast_in_dim3A_1021 : f32 to vector<16xf32>
      %broadcast_in_dim3A_1023 = arith.constant 0.000000e+00 : f32
      %broadcast_in_dim3A_1024 = vector.broadcast %broadcast_in_dim3A_1023 : f32 to vector<16xf32>
      %broadcast_in_dim3A_1025 = arith.constant 0.000000e+00 : f32
      %broadcast_in_dim3A_1026 = vector.broadcast %broadcast_in_dim3A_1025 : f32 to vector<16xf32>
      %broadcast_in_dim3A_1027 = arith.constant 0.000000e+00 : f32
      %broadcast_in_dim3A_1028 = vector.broadcast %broadcast_in_dim3A_1027 : f32 to vector<16xf32>
      %broadcast_in_dim3A_1029 = arith.constant 0.000000e+00 : f32
      %broadcast_in_dim3A_1030 = vector.broadcast %broadcast_in_dim3A_1029 : f32 to vector<16xf32>
      %broadcast_in_dim3A_1031 = arith.constant 0.000000e+00 : f32
      %broadcast_in_dim3A_1032 = vector.broadcast %broadcast_in_dim3A_1031 : f32 to vector<16xf32>
      %broadcast_in_dim3A_1033 = arith.constant 0.000000e+00 : f32
      %broadcast_in_dim3A_1034 = vector.broadcast %broadcast_in_dim3A_1033 : f32 to vector<16xf32>
      %scan3A_1035 = arith.constant 0 : i32
      %scan3A_1036 = arith.constant 32 : i32
      %scan3A_1037 = arith.addi %scan3A_1035, %scan3A_1036 : i32
      %scan3A_1038 = arith.constant 1 : i32
      %scan3A_1039:8 = scf.for %scan3A_2313 = %scan3A_1035 to %scan3A_1037 step %scan3A_1038 iter_args(%scan3A_2314 = %broadcast_in_dim3A_1020, %scan3A_2315 = %broadcast_in_dim3A_1022, %scan3A_2316 = %broadcast_in_dim3A_1024, %scan3A_2317 = %broadcast_in_dim3A_1026, %scan3A_2318 = %broadcast_in_dim3A_1028, %scan3A_2319 = %broadcast_in_dim3A_1030, %scan3A_2320 = %broadcast_in_dim3A_1032, %scan3A_2321 = %broadcast_in_dim3A_1034) -> (vector<16xf32>, vector<16xf32>, vector<16xf32>, vector<16xf32>, vector<16xf32>, vector<16xf32>, vector<16xf32>, vector<16xf32>)  : i32 {
        %mul3A_2322 = arith.constant 16 : i32
        %mul3A_2323 = arith.muli %scan3A_2313, %mul3A_2322 : i32
        %add3A_2324 = arith.constant 1024 : i32
        %add3A_2325 = arith.addi %add3A_2324, %mul3A_2323 : i32
        %add3A_2326 = arith.addi %mul3A_694, %add3A_2325 : i32
        %get3A = arith.index_cast %add3A_2326 : i32 to index
        %get3A_2327 = tpu.vector_load %arg6[%get3A] {strides = array<i32>} : memref<12288xf32, #tpu.memory_space<vmem>>, vector<16xf32>,
        %max3A = arith.constant 0.000000e+00 : f32
        %max3A_2328 = vector.broadcast %max3A : f32 to vector<16xf32>
        %max3A_2329 = arith.maximumf %get3A_2327, %max3A_2328 : vector<16xf32>
        %add3A_2330 = arith.constant 0x4B000000 : f32
        %add3A_2331 = vector.broadcast %add3A_2330 : f32 to vector<16xf32>
        %add3A_2332 = arith.addf %max3A_2329, %add3A_2331 : vector<16xf32>
        %sub3A_2333 = arith.constant 0x4B000000 : f32
        %sub3A_2334 = vector.broadcast %sub3A_2333 : f32 to vector<16xf32>
        %sub3A_2335 = arith.subf %add3A_2332, %sub3A_2334 : vector<16xf32>
        %get3A_2336 = arith.constant 1 : i32
        %get3A_2337 = arith.constant 0 : i32
        %get3A_2338 = arith.index_cast %get3A_2336 : i32 to index
        %get3A_2339 = arith.index_cast %get3A_2337 : i32 to index
        %get3A_2340 = arith.index_cast %add3A_2325 : i32 to index
        %get3A_2341 = tpu.vector_load %arg5[%get3A_2338, %get3A_2339, %get3A_2340] {strides = array<i32>} : memref<4x8x1536xf32, #tpu.memory_space<vmem>>, vector<16xf32>,
        %mul3A_2342 = arith.mulf %get3A_2341, %sub3A_2335 : vector<16xf32>
        %add3A_2343 = arith.addf %scan3A_2314, %mul3A_2342 : vector<16xf32>
        %get3A_2344 = arith.constant 1 : i32
        %get3A_2345 = arith.constant 1 : i32
        %get3A_2346 = arith.index_cast %get3A_2344 : i32 to index
        %get3A_2347 = arith.index_cast %get3A_2345 : i32 to index
        %get3A_2348 = arith.index_cast %add3A_2325 : i32 to index
        %get3A_2349 = tpu.vector_load %arg5[%get3A_2346, %get3A_2347, %get3A_2348] {strides = array<i32>} : memref<4x8x1536xf32, #tpu.memory_space<vmem>>, vector<16xf32>,
        %mul3A_2350 = arith.mulf %get3A_2349, %sub3A_2335 : vector<16xf32>
        %add3A_2351 = arith.addf %scan3A_2315, %mul3A_2350 : vector<16xf32>
        %get3A_2352 = arith.constant 1 : i32
        %get3A_2353 = arith.constant 2 : i32
        %get3A_2354 = arith.index_cast %get3A_2352 : i32 to index
        %get3A_2355 = arith.index_cast %get3A_2353 : i32 to index
        %get3A_2356 = arith.index_cast %add3A_2325 : i32 to index
        %get3A_2357 = tpu.vector_load %arg5[%get3A_2354, %get3A_2355, %get3A_2356] {strides = array<i32>} : memref<4x8x1536xf32, #tpu.memory_space<vmem>>, vector<16xf32>,
        %mul3A_2358 = arith.mulf %get3A_2357, %sub3A_2335 : vector<16xf32>
        %add3A_2359 = arith.addf %scan3A_2316, %mul3A_2358 : vector<16xf32>
        %get3A_2360 = arith.constant 1 : i32
        %get3A_2361 = arith.constant 3 : i32
        %get3A_2362 = arith.index_cast %get3A_2360 : i32 to index
        %get3A_2363 = arith.index_cast %get3A_2361 : i32 to index
        %get3A_2364 = arith.index_cast %add3A_2325 : i32 to index
        %get3A_2365 = tpu.vector_load %arg5[%get3A_2362, %get3A_2363, %get3A_2364] {strides = array<i32>} : memref<4x8x1536xf32, #tpu.memory_space<vmem>>, vector<16xf32>,
        %mul3A_2366 = arith.mulf %get3A_2365, %sub3A_2335 : vector<16xf32>
        %add3A_2367 = arith.addf %scan3A_2317, %mul3A_2366 : vector<16xf32>
        %get3A_2368 = arith.constant 1 : i32
        %get3A_2369 = arith.constant 4 : i32
        %get3A_2370 = arith.index_cast %get3A_2368 : i32 to index
        %get3A_2371 = arith.index_cast %get3A_2369 : i32 to index
        %get3A_2372 = arith.index_cast %add3A_2325 : i32 to index
        %get3A_2373 = tpu.vector_load %arg5[%get3A_2370, %get3A_2371, %get3A_2372] {strides = array<i32>} : memref<4x8x1536xf32, #tpu.memory_space<vmem>>, vector<16xf32>,
        %mul3A_2374 = arith.mulf %get3A_2373, %sub3A_2335 : vector<16xf32>
        %add3A_2375 = arith.addf %scan3A_2318, %mul3A_2374 : vector<16xf32>
        %get3A_2376 = arith.constant 1 : i32
        %get3A_2377 = arith.constant 5 : i32
        %get3A_2378 = arith.index_cast %get3A_2376 : i32 to index
        %get3A_2379 = arith.index_cast %get3A_2377 : i32 to index
        %get3A_2380 = arith.index_cast %add3A_2325 : i32 to index
        %get3A_2381 = tpu.vector_load %arg5[%get3A_2378, %get3A_2379, %get3A_2380] {strides = array<i32>} : memref<4x8x1536xf32, #tpu.memory_space<vmem>>, vector<16xf32>,
        %mul3A_2382 = arith.mulf %get3A_2381, %sub3A_2335 : vector<16xf32>
        %add3A_2383 = arith.addf %scan3A_2319, %mul3A_2382 : vector<16xf32>
        %get3A_2384 = arith.constant 1 : i32
        %get3A_2385 = arith.constant 6 : i32
        %get3A_2386 = arith.index_cast %get3A_2384 : i32 to index
        %get3A_2387 = arith.index_cast %get3A_2385 : i32 to index
        %get3A_2388 = arith.index_cast %add3A_2325 : i32 to index
        %get3A_2389 = tpu.vector_load %arg5[%get3A_2386, %get3A_2387, %get3A_2388] {strides = array<i32>} : memref<4x8x1536xf32, #tpu.memory_space<vmem>>, vector<16xf32>,
        %mul3A_2390 = arith.mulf %get3A_2389, %sub3A_2335 : vector<16xf32>
        %add3A_2391 = arith.addf %scan3A_2320, %mul3A_2390 : vector<16xf32>
        %get3A_2392 = arith.constant 1 : i32
        %get3A_2393 = arith.constant 7 : i32
        %get3A_2394 = arith.index_cast %get3A_2392 : i32 to index
        %get3A_2395 = arith.index_cast %get3A_2393 : i32 to index
        %get3A_2396 = arith.index_cast %add3A_2325 : i32 to index
        %get3A_2397 = tpu.vector_load %arg5[%get3A_2394, %get3A_2395, %get3A_2396] {strides = array<i32>} : memref<4x8x1536xf32, #tpu.memory_space<vmem>>, vector<16xf32>,
        %mul3A_2398 = arith.mulf %get3A_2397, %sub3A_2335 : vector<16xf32>
        %add3A_2399 = arith.addf %scan3A_2321, %mul3A_2398 : vector<16xf32>
        scf.yield %add3A_2343, %add3A_2351, %add3A_2359, %add3A_2367, %add3A_2375, %add3A_2383, %add3A_2391, %add3A_2399 : vector<16xf32>, vector<16xf32>, vector<16xf32>, vector<16xf32>, vector<16xf32>, vector<16xf32>, vector<16xf32>, vector<16xf32>
      }
      %scan3A_1040 = arith.constant 32 : i32
      %jit3A_1041 = arith.constant 4 : i32
      %eq3A_1042 = arith.constant 0 : i32
      %eq3A_1043 = arith.cmpi eq, %jit3A_1041, %eq3A_1042 : i32
      %jit3A_1044 = arith.constant 1 : i32
      %select_n3A_1045 = arith.select %eq3A_1043, %jit3A_1044, %jit3A_1041 : i32
      %rem3A_1046 = arith.remsi %select_n3A_667, %select_n3A_1045 : i32
      %ne3A_1047 = arith.constant 0 : i32
      %ne3A_1048 = arith.cmpi ne, %rem3A_1046, %ne3A_1047 : i32
      %lt3A_1049 = arith.constant 0 : i32
      %lt3A_1050 = arith.cmpi slt, %rem3A_1046, %lt3A_1049 : i32
      %lt3A_1051 = arith.constant 0 : i32
      %lt3A_1052 = arith.cmpi slt, %select_n3A_1045, %lt3A_1051 : i32
      %ne3A_1053 = arith.xori %lt3A_1050, %lt3A_1052 : i1
      %and3A_1054 = arith.andi %ne3A_1053, %ne3A_1048 : i1
      %add3A_1055 = arith.addi %rem3A_1046, %select_n3A_1045 : i32
      %select_n3A_1056 = arith.select %and3A_1054, %add3A_1055, %rem3A_1046 : i32
      %mul3A_1057 = arith.constant 4 : i32
      %mul3A_1058 = arith.muli %select_n3A_1056, %mul3A_1057 : i32
      %add3A_1059 = arith.constant 2 : i32
      %add3A_1060 = arith.addi %mul3A_1058, %add3A_1059 : i32
      %add3A_1061 = arith.constant 1 : i32
      %add3A_1062 = arith.addi %add3A_1060, %add3A_1061 : i32
      %eq3A_1063 = vector.broadcast %add3A_1062 : i32 to vector<16xi32>
      %eq3A_1064 = arith.cmpi eq, %iota3A, %eq3A_1063 : vector<16xi32>
      %reduce_sum3A_1065 = arith.constant true
      %reduce_sum3A_1066 = vector.broadcast %reduce_sum3A_1065 : i1 to vector<16xi1>
      %reduce_sum3A_1067 = tpu.scan <sum>, %scan3A_1039#0 masked %reduce_sum3A_1066 : vector<16xf32>, vector<16xi1> -> vector<16xf32>
      %reduce_sum3A_1068 = vector.extract %reduce_sum3A_1067[15] : f32 from vector<16xf32>
      %broadcast_in_dim3A_1069 = vector.broadcast %reduce_sum3A_1068 : f32 to vector<16xf32>
      %select_n3A_1070 = arith.select %eq3A_1064, %broadcast_in_dim3A_1069, %select_n3A_962 : vector<16xi1>, vector<16xf32>
      %eq3A_1071 = vector.broadcast %add3A_1062 : i32 to vector<16xi32>
      %eq3A_1072 = arith.cmpi eq, %iota3A, %eq3A_1071 : vector<16xi32>
      %reduce_sum3A_1073 = arith.constant true
      %reduce_sum3A_1074 = vector.broadcast %reduce_sum3A_1073 : i1 to vector<16xi1>
      %reduce_sum3A_1075 = tpu.scan <sum>, %scan3A_1039#1 masked %reduce_sum3A_1074 : vector<16xf32>, vector<16xi1> -> vector<16xf32>
      %reduce_sum3A_1076 = vector.extract %reduce_sum3A_1075[15] : f32 from vector<16xf32>
      %broadcast_in_dim3A_1077 = vector.broadcast %reduce_sum3A_1076 : f32 to vector<16xf32>
      %select_n3A_1078 = arith.select %eq3A_1072, %broadcast_in_dim3A_1077, %select_n3A_970 : vector<16xi1>, vector<16xf32>
      %eq3A_1079 = vector.broadcast %add3A_1062 : i32 to vector<16xi32>
      %eq3A_1080 = arith.cmpi eq, %iota3A, %eq3A_1079 : vector<16xi32>
      %reduce_sum3A_1081 = arith.constant true
      %reduce_sum3A_1082 = vector.broadcast %reduce_sum3A_1081 : i1 to vector<16xi1>
      %reduce_sum3A_1083 = tpu.scan <sum>, %scan3A_1039#2 masked %reduce_sum3A_1082 : vector<16xf32>, vector<16xi1> -> vector<16xf32>
      %reduce_sum3A_1084 = vector.extract %reduce_sum3A_1083[15] : f32 from vector<16xf32>
      %broadcast_in_dim3A_1085 = vector.broadcast %reduce_sum3A_1084 : f32 to vector<16xf32>
      %select_n3A_1086 = arith.select %eq3A_1080, %broadcast_in_dim3A_1085, %select_n3A_978 : vector<16xi1>, vector<16xf32>
      %eq3A_1087 = vector.broadcast %add3A_1062 : i32 to vector<16xi32>
      %eq3A_1088 = arith.cmpi eq, %iota3A, %eq3A_1087 : vector<16xi32>
      %reduce_sum3A_1089 = arith.constant true
      %reduce_sum3A_1090 = vector.broadcast %reduce_sum3A_1089 : i1 to vector<16xi1>
      %reduce_sum3A_1091 = tpu.scan <sum>, %scan3A_1039#3 masked %reduce_sum3A_1090 : vector<16xf32>, vector<16xi1> -> vector<16xf32>
      %reduce_sum3A_1092 = vector.extract %reduce_sum3A_1091[15] : f32 from vector<16xf32>
      %broadcast_in_dim3A_1093 = vector.broadcast %reduce_sum3A_1092 : f32 to vector<16xf32>
      %select_n3A_1094 = arith.select %eq3A_1088, %broadcast_in_dim3A_1093, %select_n3A_986 : vector<16xi1>, vector<16xf32>
      %eq3A_1095 = vector.broadcast %add3A_1062 : i32 to vector<16xi32>
      %eq3A_1096 = arith.cmpi eq, %iota3A, %eq3A_1095 : vector<16xi32>
      %reduce_sum3A_1097 = arith.constant true
      %reduce_sum3A_1098 = vector.broadcast %reduce_sum3A_1097 : i1 to vector<16xi1>
      %reduce_sum3A_1099 = tpu.scan <sum>, %scan3A_1039#4 masked %reduce_sum3A_1098 : vector<16xf32>, vector<16xi1> -> vector<16xf32>
      %reduce_sum3A_1100 = vector.extract %reduce_sum3A_1099[15] : f32 from vector<16xf32>
      %broadcast_in_dim3A_1101 = vector.broadcast %reduce_sum3A_1100 : f32 to vector<16xf32>
      %select_n3A_1102 = arith.select %eq3A_1096, %broadcast_in_dim3A_1101, %select_n3A_994 : vector<16xi1>, vector<16xf32>
      %eq3A_1103 = vector.broadcast %add3A_1062 : i32 to vector<16xi32>
      %eq3A_1104 = arith.cmpi eq, %iota3A, %eq3A_1103 : vector<16xi32>
      %reduce_sum3A_1105 = arith.constant true
      %reduce_sum3A_1106 = vector.broadcast %reduce_sum3A_1105 : i1 to vector<16xi1>
      %reduce_sum3A_1107 = tpu.scan <sum>, %scan3A_1039#5 masked %reduce_sum3A_1106 : vector<16xf32>, vector<16xi1> -> vector<16xf32>
      %reduce_sum3A_1108 = vector.extract %reduce_sum3A_1107[15] : f32 from vector<16xf32>
      %broadcast_in_dim3A_1109 = vector.broadcast %reduce_sum3A_1108 : f32 to vector<16xf32>
      %select_n3A_1110 = arith.select %eq3A_1104, %broadcast_in_dim3A_1109, %select_n3A_1002 : vector<16xi1>, vector<16xf32>
      %eq3A_1111 = vector.broadcast %add3A_1062 : i32 to vector<16xi32>
      %eq3A_1112 = arith.cmpi eq, %iota3A, %eq3A_1111 : vector<16xi32>
      %reduce_sum3A_1113 = arith.constant true
      %reduce_sum3A_1114 = vector.broadcast %reduce_sum3A_1113 : i1 to vector<16xi1>
      %reduce_sum3A_1115 = tpu.scan <sum>, %scan3A_1039#6 masked %reduce_sum3A_1114 : vector<16xf32>, vector<16xi1> -> vector<16xf32>
      %reduce_sum3A_1116 = vector.extract %reduce_sum3A_1115[15] : f32 from vector<16xf32>
      %broadcast_in_dim3A_1117 = vector.broadcast %reduce_sum3A_1116 : f32 to vector<16xf32>
      %select_n3A_1118 = arith.select %eq3A_1112, %broadcast_in_dim3A_1117, %select_n3A_1010 : vector<16xi1>, vector<16xf32>
      %eq3A_1119 = vector.broadcast %add3A_1062 : i32 to vector<16xi32>
      %eq3A_1120 = arith.cmpi eq, %iota3A, %eq3A_1119 : vector<16xi32>
      %reduce_sum3A_1121 = arith.constant true
      %reduce_sum3A_1122 = vector.broadcast %reduce_sum3A_1121 : i1 to vector<16xi1>
      %reduce_sum3A_1123 = tpu.scan <sum>, %scan3A_1039#7 masked %reduce_sum3A_1122 : vector<16xf32>, vector<16xi1> -> vector<16xf32>
      %reduce_sum3A_1124 = vector.extract %reduce_sum3A_1123[15] : f32 from vector<16xf32>
      %broadcast_in_dim3A_1125 = vector.broadcast %reduce_sum3A_1124 : f32 to vector<16xf32>
      %select_n3A_1126 = arith.select %eq3A_1120, %broadcast_in_dim3A_1125, %select_n3A_1018 : vector<16xi1>, vector<16xf32>
      %jit3A_1127 = arith.constant 4 : i32
      %eq3A_1128 = arith.constant 0 : i32
      %eq3A_1129 = arith.cmpi eq, %jit3A_1127, %eq3A_1128 : i32
      %jit3A_1130 = arith.constant 1 : i32
      %select_n3A_1131 = arith.select %eq3A_1129, %jit3A_1130, %jit3A_1127 : i32
      %rem3A_1132 = arith.remsi %select_n3A_667, %select_n3A_1131 : i32
      %ne3A_1133 = arith.constant 0 : i32
      %ne3A_1134 = arith.cmpi ne, %rem3A_1132, %ne3A_1133 : i32
      %lt3A_1135 = arith.constant 0 : i32
      %lt3A_1136 = arith.cmpi slt, %rem3A_1132, %lt3A_1135 : i32
      %lt3A_1137 = arith.constant 0 : i32
      %lt3A_1138 = arith.cmpi slt, %select_n3A_1131, %lt3A_1137 : i32
      %ne3A_1139 = arith.xori %lt3A_1136, %lt3A_1138 : i1
      %and3A_1140 = arith.andi %ne3A_1139, %ne3A_1134 : i1
      %add3A_1141 = arith.addi %rem3A_1132, %select_n3A_1131 : i32
      %select_n3A_1142 = arith.select %and3A_1140, %add3A_1141, %rem3A_1132 : i32
      %eq3A_1143 = arith.constant 3 : i32
      %eq3A_1144 = arith.cmpi eq, %select_n3A_1142, %eq3A_1143 : i32
      %eq3A_1145 = arith.constant 7 : i32
      %eq3A_1146 = arith.cmpi eq, %select_n3A_667, %eq3A_1145 : i32
      %or3A_1147 = arith.ori %eq3A_1144, %eq3A_1146 : i1
      %jit3A_1148 = arith.constant 4 : i32
      %div3A_1149 = arith.divsi %select_n3A_667, %jit3A_1148 : i32
      %sign3A_1150 = arith.constant 0 : i32
      %sign3A_1151 = arith.cmpi sgt, %select_n3A_667, %sign3A_1150 : i32
      %sign3A_1152 = arith.extui %sign3A_1151 : i1 to i32
      %sign3A_1153 = arith.constant 0 : i32
      %sign3A_1154 = arith.cmpi slt, %select_n3A_667, %sign3A_1153 : i32
      %sign3A_1155 = arith.extui %sign3A_1154 : i1 to i32
      %sign3A_1156 = arith.subi %sign3A_1152, %sign3A_1155 : i32
      %sign3A_1157 = arith.constant 0 : i32
      %sign3A_1158 = arith.cmpi sgt, %jit3A_1148, %sign3A_1157 : i32
      %sign3A_1159 = arith.extui %sign3A_1158 : i1 to i32
      %sign3A_1160 = arith.constant 0 : i32
      %sign3A_1161 = arith.cmpi slt, %jit3A_1148, %sign3A_1160 : i32
      %sign3A_1162 = arith.extui %sign3A_1161 : i1 to i32
      %sign3A_1163 = arith.subi %sign3A_1159, %sign3A_1162 : i32
      %ne3A_1164 = arith.cmpi ne, %sign3A_1156, %sign3A_1163 : i32
      %rem3A_1165 = arith.remsi %select_n3A_667, %jit3A_1148 : i32
      %ne3A_1166 = arith.constant 0 : i32
      %ne3A_1167 = arith.cmpi ne, %rem3A_1165, %ne3A_1166 : i32
      %and3A_1168 = arith.andi %ne3A_1164, %ne3A_1167 : i1
      %sub3A_1169 = arith.constant 1 : i32
      %sub3A_1170 = arith.subi %div3A_1149, %sub3A_1169 : i32
      %select_n3A_1171 = arith.select %and3A_1168, %sub3A_1170, %div3A_1149 : i32
      %mul3A_1172 = arith.constant 16 : i32
      %mul3A_1173 = arith.muli %select_n3A_1171, %mul3A_1172 : i32
      %convert_element_type3A_1174 = arith.extui %or3A_1147 : i1 to i32
      %cond3A_1175 = arith.constant 0 : i32
      %cond3A_1176 = arith.cmpi ne, %convert_element_type3A_1174, %cond3A_1175 : i32
      scf.if %cond3A_1176 {
        %mul3A_2313 = arith.constant 8 : i32
        %mul3A_2314 = arith.muli %select_n3A_651, %mul3A_2313 : i32
        %add3A_2315 = arith.constant 0 : i32
        %add3A_2316 = arith.addi %mul3A_2314, %add3A_2315 : i32
        %swap3A = arith.index_cast %add3A_2316 : i32 to index
        %swap3A_2317 = arith.index_cast %mul3A_1173 : i32 to index
        %swap3A_2318 = tpu.vector_load %arg7[%swap3A, %swap3A_2317] {strides = array<i32>} : memref<32x32xf32, #tpu.memory_space<vmem>>, vector<16xf32>,
        tpu.vector_store %arg7[%swap3A, %swap3A_2317], %select_n3A_1070 {strides = array<i32>} : memref<32x32xf32, #tpu.memory_space<vmem>>, vector<16xf32>,
        %mul3A_2319 = arith.constant 8 : i32
        %mul3A_2320 = arith.muli %select_n3A_651, %mul3A_2319 : i32
        %add3A_2321 = arith.constant 1 : i32
        %add3A_2322 = arith.addi %mul3A_2320, %add3A_2321 : i32
        %swap3A_2323 = arith.index_cast %add3A_2322 : i32 to index
        %swap3A_2324 = arith.index_cast %mul3A_1173 : i32 to index
        %swap3A_2325 = tpu.vector_load %arg7[%swap3A_2323, %swap3A_2324] {strides = array<i32>} : memref<32x32xf32, #tpu.memory_space<vmem>>, vector<16xf32>,
        tpu.vector_store %arg7[%swap3A_2323, %swap3A_2324], %select_n3A_1078 {strides = array<i32>} : memref<32x32xf32, #tpu.memory_space<vmem>>, vector<16xf32>,
        %mul3A_2326 = arith.constant 8 : i32
        %mul3A_2327 = arith.muli %select_n3A_651, %mul3A_2326 : i32
        %add3A_2328 = arith.constant 2 : i32
        %add3A_2329 = arith.addi %mul3A_2327, %add3A_2328 : i32
        %swap3A_2330 = arith.index_cast %add3A_2329 : i32 to index
        %swap3A_2331 = arith.index_cast %mul3A_1173 : i32 to index
        %swap3A_2332 = tpu.vector_load %arg7[%swap3A_2330, %swap3A_2331] {strides = array<i32>} : memref<32x32xf32, #tpu.memory_space<vmem>>, vector<16xf32>,
        tpu.vector_store %arg7[%swap3A_2330, %swap3A_2331], %select_n3A_1086 {strides = array<i32>} : memref<32x32xf32, #tpu.memory_space<vmem>>, vector<16xf32>,
        %mul3A_2333 = arith.constant 8 : i32
        %mul3A_2334 = arith.muli %select_n3A_651, %mul3A_2333 : i32
        %add3A_2335 = arith.constant 3 : i32
        %add3A_2336 = arith.addi %mul3A_2334, %add3A_2335 : i32
        %swap3A_2337 = arith.index_cast %add3A_2336 : i32 to index
        %swap3A_2338 = arith.index_cast %mul3A_1173 : i32 to index
        %swap3A_2339 = tpu.vector_load %arg7[%swap3A_2337, %swap3A_2338] {strides = array<i32>} : memref<32x32xf32, #tpu.memory_space<vmem>>, vector<16xf32>,
        tpu.vector_store %arg7[%swap3A_2337, %swap3A_2338], %select_n3A_1094 {strides = array<i32>} : memref<32x32xf32, #tpu.memory_space<vmem>>, vector<16xf32>,
        %mul3A_2340 = arith.constant 8 : i32
        %mul3A_2341 = arith.muli %select_n3A_651, %mul3A_2340 : i32
        %add3A_2342 = arith.constant 4 : i32
        %add3A_2343 = arith.addi %mul3A_2341, %add3A_2342 : i32
        %swap3A_2344 = arith.index_cast %add3A_2343 : i32 to index
        %swap3A_2345 = arith.index_cast %mul3A_1173 : i32 to index
        %swap3A_2346 = tpu.vector_load %arg7[%swap3A_2344, %swap3A_2345] {strides = array<i32>} : memref<32x32xf32, #tpu.memory_space<vmem>>, vector<16xf32>,
        tpu.vector_store %arg7[%swap3A_2344, %swap3A_2345], %select_n3A_1102 {strides = array<i32>} : memref<32x32xf32, #tpu.memory_space<vmem>>, vector<16xf32>,
        %mul3A_2347 = arith.constant 8 : i32
        %mul3A_2348 = arith.muli %select_n3A_651, %mul3A_2347 : i32
        %add3A_2349 = arith.constant 5 : i32
        %add3A_2350 = arith.addi %mul3A_2348, %add3A_2349 : i32
        %swap3A_2351 = arith.index_cast %add3A_2350 : i32 to index
        %swap3A_2352 = arith.index_cast %mul3A_1173 : i32 to index
        %swap3A_2353 = tpu.vector_load %arg7[%swap3A_2351, %swap3A_2352] {strides = array<i32>} : memref<32x32xf32, #tpu.memory_space<vmem>>, vector<16xf32>,
        tpu.vector_store %arg7[%swap3A_2351, %swap3A_2352], %select_n3A_1110 {strides = array<i32>} : memref<32x32xf32, #tpu.memory_space<vmem>>, vector<16xf32>,
        %mul3A_2354 = arith.constant 8 : i32
        %mul3A_2355 = arith.muli %select_n3A_651, %mul3A_2354 : i32
        %add3A_2356 = arith.constant 6 : i32
        %add3A_2357 = arith.addi %mul3A_2355, %add3A_2356 : i32
        %swap3A_2358 = arith.index_cast %add3A_2357 : i32 to index
        %swap3A_2359 = arith.index_cast %mul3A_1173 : i32 to index
        %swap3A_2360 = tpu.vector_load %arg7[%swap3A_2358, %swap3A_2359] {strides = array<i32>} : memref<32x32xf32, #tpu.memory_space<vmem>>, vector<16xf32>,
        tpu.vector_store %arg7[%swap3A_2358, %swap3A_2359], %select_n3A_1118 {strides = array<i32>} : memref<32x32xf32, #tpu.memory_space<vmem>>, vector<16xf32>,
        %mul3A_2361 = arith.constant 8 : i32
        %mul3A_2362 = arith.muli %select_n3A_651, %mul3A_2361 : i32
        %add3A_2363 = arith.constant 7 : i32
        %add3A_2364 = arith.addi %mul3A_2362, %add3A_2363 : i32
        %swap3A_2365 = arith.index_cast %add3A_2364 : i32 to index
        %swap3A_2366 = arith.index_cast %mul3A_1173 : i32 to index
        %swap3A_2367 = tpu.vector_load %arg7[%swap3A_2365, %swap3A_2366] {strides = array<i32>} : memref<32x32xf32, #tpu.memory_space<vmem>>, vector<16xf32>,
        tpu.vector_store %arg7[%swap3A_2365, %swap3A_2366], %select_n3A_1126 {strides = array<i32>} : memref<32x32xf32, #tpu.memory_space<vmem>>, vector<16xf32>,
      } else {
      }
      %broadcast_in_dim3A_1177 = arith.constant 0.000000e+00 : f32
      %broadcast_in_dim3A_1178 = vector.broadcast %broadcast_in_dim3A_1177 : f32 to vector<16xf32>
      %select_n3A_1179 = arith.select %or3A_1147, %broadcast_in_dim3A_1178, %select_n3A_1070 : vector<16xf32>
      %select_n3A_1180 = arith.select %or3A_1147, %broadcast_in_dim3A_1178, %select_n3A_1078 : vector<16xf32>
      %select_n3A_1181 = arith.select %or3A_1147, %broadcast_in_dim3A_1178, %select_n3A_1086 : vector<16xf32>
      %select_n3A_1182 = arith.select %or3A_1147, %broadcast_in_dim3A_1178, %select_n3A_1094 : vector<16xf32>
      %select_n3A_1183 = arith.select %or3A_1147, %broadcast_in_dim3A_1178, %select_n3A_1102 : vector<16xf32>
      %select_n3A_1184 = arith.select %or3A_1147, %broadcast_in_dim3A_1178, %select_n3A_1110 : vector<16xf32>
      %select_n3A_1185 = arith.select %or3A_1147, %broadcast_in_dim3A_1178, %select_n3A_1118 : vector<16xf32>
      %select_n3A_1186 = arith.select %or3A_1147, %broadcast_in_dim3A_1178, %select_n3A_1126 : vector<16xf32>
      %mul3A_1187 = arith.constant 4 : i32
      %mul3A_1188 = arith.muli %scan3A_67, %mul3A_1187 : i32
      %add3A_1189 = arith.constant 2 : i32
      %add3A_1190 = arith.addi %mul3A_1188, %add3A_1189 : i32
      %jit3A_1191 = arith.constant 8 : i32
      %div3A_1192 = arith.divsi %add3A_1190, %jit3A_1191 : i32
      %sign3A_1193 = arith.constant 0 : i32
      %sign3A_1194 = arith.cmpi sgt, %add3A_1190, %sign3A_1193 : i32
      %sign3A_1195 = arith.extui %sign3A_1194 : i1 to i32
      %sign3A_1196 = arith.constant 0 : i32
      %sign3A_1197 = arith.cmpi slt, %add3A_1190, %sign3A_1196 : i32
      %sign3A_1198 = arith.extui %sign3A_1197 : i1 to i32
      %sign3A_1199 = arith.subi %sign3A_1195, %sign3A_1198 : i32
      %sign3A_1200 = arith.constant 0 : i32
      %sign3A_1201 = arith.cmpi sgt, %jit3A_1191, %sign3A_1200 : i32
      %sign3A_1202 = arith.extui %sign3A_1201 : i1 to i32
      %sign3A_1203 = arith.constant 0 : i32
      %sign3A_1204 = arith.cmpi slt, %jit3A_1191, %sign3A_1203 : i32
      %sign3A_1205 = arith.extui %sign3A_1204 : i1 to i32
      %sign3A_1206 = arith.subi %sign3A_1202, %sign3A_1205 : i32
      %ne3A_1207 = arith.cmpi ne, %sign3A_1199, %sign3A_1206 : i32
      %rem3A_1208 = arith.remsi %add3A_1190, %jit3A_1191 : i32
      %ne3A_1209 = arith.constant 0 : i32
      %ne3A_1210 = arith.cmpi ne, %rem3A_1208, %ne3A_1209 : i32
      %and3A_1211 = arith.andi %ne3A_1207, %ne3A_1210 : i1
      %sub3A_1212 = arith.constant 1 : i32
      %sub3A_1213 = arith.subi %div3A_1192, %sub3A_1212 : i32
      %select_n3A_1214 = arith.select %and3A_1211, %sub3A_1213, %div3A_1192 : i32
      %jit3A_1215 = arith.constant 8 : i32
      %eq3A_1216 = arith.constant 0 : i32
      %eq3A_1217 = arith.cmpi eq, %jit3A_1215, %eq3A_1216 : i32
      %jit3A_1218 = arith.constant 1 : i32
      %select_n3A_1219 = arith.select %eq3A_1217, %jit3A_1218, %jit3A_1215 : i32
      %rem3A_1220 = arith.remsi %add3A_1190, %select_n3A_1219 : i32
      %ne3A_1221 = arith.constant 0 : i32
      %ne3A_1222 = arith.cmpi ne, %rem3A_1220, %ne3A_1221 : i32
      %lt3A_1223 = arith.constant 0 : i32
      %lt3A_1224 = arith.cmpi slt, %rem3A_1220, %lt3A_1223 : i32
      %lt3A_1225 = arith.constant 0 : i32
      %lt3A_1226 = arith.cmpi slt, %select_n3A_1219, %lt3A_1225 : i32
      %ne3A_1227 = arith.xori %lt3A_1224, %lt3A_1226 : i1
      %and3A_1228 = arith.andi %ne3A_1227, %ne3A_1222 : i1
      %add3A_1229 = arith.addi %rem3A_1220, %select_n3A_1219 : i32
      %select_n3A_1230 = arith.select %and3A_1228, %add3A_1229, %rem3A_1220 : i32
      %mul3A_1231 = arith.constant 8 : i32
      %mul3A_1232 = arith.muli %select_n3A_1214, %mul3A_1231 : i32
      %add3A_1233 = arith.addi %mul3A_2, %mul3A_1232 : i32
      %mul3A_1234 = arith.constant 1536 : i32
      %mul3A_1235 = arith.muli %select_n3A_1230, %mul3A_1234 : i32
      %dma_wait3A_1236 = arith.constant 2 : i32
      %dma_wait3A_1237 = arith.constant 0 : i32
      %dma_wait3A_1238 = arith.constant 0 : i32
      %dma_wait3A_1239 = tpu.memref_slice %arg5[%dma_wait3A_1236, %dma_wait3A_1237, %dma_wait3A_1238] : memref<4x8x1536xf32, #tpu.memory_space<vmem>> -> memref<1x8x1536xf32, #tpu.memory_space<vmem>>
      %dma_wait3A_1240 = tpu.memref_squeeze %dma_wait3A_1239 : memref<1x8x1536xf32, #tpu.memory_space<vmem>> -> memref<8x1536xf32, #tpu.memory_space<vmem>>
      %dma_wait3A_1241 = tpu.memref_slice %arg2[%add3A_1233, %mul3A_1235] : memref<1024x49152xf32, #tpu.memory_space<hbm>> -> memref<8x1536xf32, #tpu.memory_space<hbm>>
      %dma_wait3A_1242 = arith.constant 0 : i32
      %dma_wait3A_1243 = arith.constant 0 : i32
      %dma_wait3A_1244 = tpu.memref_slice %arg5[%dma_wait3A_1236, %dma_wait3A_1242, %dma_wait3A_1243] : memref<4x8x1536xf32, #tpu.memory_space<vmem>> -> memref<1x8x1536xf32, #tpu.memory_space<vmem>>
      %dma_wait3A_1245 = tpu.memref_squeeze %dma_wait3A_1244 : memref<1x8x1536xf32, #tpu.memory_space<vmem>> -> memref<8x1536xf32, #tpu.memory_space<vmem>>
      %dma_wait3A_1246 = tpu.memref_slice %arg2[%add3A_1233, %mul3A_1235] : memref<1024x49152xf32, #tpu.memory_space<hbm>> -> memref<8x1536xf32, #tpu.memory_space<hbm>>
      tpu.wait_dma2 semaphore(%arg10 : memref<!tpu.dma_semaphore, #tpu.memory_space<semaphore_mem>>) src(%dma_wait3A_1246 : memref<8x1536xf32, #tpu.memory_space<hbm>>) dst(%dma_wait3A_1245 : memref<8x1536xf32, #tpu.memory_space<vmem>>)
      %add3A_1247 = arith.constant 4 : i32
      %add3A_1248 = arith.addi %add3A_1190, %add3A_1247 : i32
      %sub3A_1249 = arith.constant 1 : i32
      %sub3A_1250 = arith.subi %add3A_1248, %sub3A_1249 : i32
      %lt3A_1251 = arith.constant 32 : i32
      %lt3A_1252 = arith.cmpi slt, %sub3A_1250, %lt3A_1251 : i32
      %convert_element_type3A_1253 = arith.extui %lt3A_1252 : i1 to i32
      %cond3A_1254 = arith.constant 0 : i32
      %cond3A_1255 = arith.cmpi ne, %convert_element_type3A_1253, %cond3A_1254 : i32
      scf.if %cond3A_1255 {
        %add3A_2313 = arith.constant 4 : i32
        %add3A_2314 = arith.addi %add3A_1190, %add3A_2313 : i32
        %sub3A_2315 = arith.constant 1 : i32
        %sub3A_2316 = arith.subi %add3A_2314, %sub3A_2315 : i32
        %jit3A_2317 = arith.constant 8 : i32
        %div3A_2318 = arith.divsi %sub3A_2316, %jit3A_2317 : i32
        %sign3A_2319 = arith.constant 0 : i32
        %sign3A_2320 = arith.cmpi sgt, %sub3A_2316, %sign3A_2319 : i32
        %sign3A_2321 = arith.extui %sign3A_2320 : i1 to i32
        %sign3A_2322 = arith.constant 0 : i32
        %sign3A_2323 = arith.cmpi slt, %sub3A_2316, %sign3A_2322 : i32
        %sign3A_2324 = arith.extui %sign3A_2323 : i1 to i32
        %sign3A_2325 = arith.subi %sign3A_2321, %sign3A_2324 : i32
        %sign3A_2326 = arith.constant 0 : i32
        %sign3A_2327 = arith.cmpi sgt, %jit3A_2317, %sign3A_2326 : i32
        %sign3A_2328 = arith.extui %sign3A_2327 : i1 to i32
        %sign3A_2329 = arith.constant 0 : i32
        %sign3A_2330 = arith.cmpi slt, %jit3A_2317, %sign3A_2329 : i32
        %sign3A_2331 = arith.extui %sign3A_2330 : i1 to i32
        %sign3A_2332 = arith.subi %sign3A_2328, %sign3A_2331 : i32
        %ne3A_2333 = arith.cmpi ne, %sign3A_2325, %sign3A_2332 : i32
        %rem3A_2334 = arith.remsi %sub3A_2316, %jit3A_2317 : i32
        %ne3A_2335 = arith.constant 0 : i32
        %ne3A_2336 = arith.cmpi ne, %rem3A_2334, %ne3A_2335 : i32
        %and3A_2337 = arith.andi %ne3A_2333, %ne3A_2336 : i1
        %sub3A_2338 = arith.constant 1 : i32
        %sub3A_2339 = arith.subi %div3A_2318, %sub3A_2338 : i32
        %select_n3A_2340 = arith.select %and3A_2337, %sub3A_2339, %div3A_2318 : i32
        %jit3A_2341 = arith.constant 8 : i32
        %eq3A_2342 = arith.constant 0 : i32
        %eq3A_2343 = arith.cmpi eq, %jit3A_2341, %eq3A_2342 : i32
        %jit3A_2344 = arith.constant 1 : i32
        %select_n3A_2345 = arith.select %eq3A_2343, %jit3A_2344, %jit3A_2341 : i32
        %rem3A_2346 = arith.remsi %sub3A_2316, %select_n3A_2345 : i32
        %ne3A_2347 = arith.constant 0 : i32
        %ne3A_2348 = arith.cmpi ne, %rem3A_2346, %ne3A_2347 : i32
        %lt3A_2349 = arith.constant 0 : i32
        %lt3A_2350 = arith.cmpi slt, %rem3A_2346, %lt3A_2349 : i32
        %lt3A_2351 = arith.constant 0 : i32
        %lt3A_2352 = arith.cmpi slt, %select_n3A_2345, %lt3A_2351 : i32
        %ne3A_2353 = arith.xori %lt3A_2350, %lt3A_2352 : i1
        %and3A_2354 = arith.andi %ne3A_2353, %ne3A_2348 : i1
        %add3A_2355 = arith.addi %rem3A_2346, %select_n3A_2345 : i32
        %select_n3A_2356 = arith.select %and3A_2354, %add3A_2355, %rem3A_2346 : i32
        %mul3A_2357 = arith.constant 8 : i32
        %mul3A_2358 = arith.muli %select_n3A_2340, %mul3A_2357 : i32
        %add3A_2359 = arith.addi %mul3A_2, %mul3A_2358 : i32
        %mul3A_2360 = arith.constant 1536 : i32
        %mul3A_2361 = arith.muli %select_n3A_2356, %mul3A_2360 : i32
        %dma_start3A_2362 = arith.constant 1 : i32
        %dma_start3A_2363 = arith.constant 0 : i32
        %dma_start3A_2364 = arith.constant 0 : i32
        %dma_start3A_2365 = tpu.memref_slice %arg5[%dma_start3A_2362, %dma_start3A_2363, %dma_start3A_2364] : memref<4x8x1536xf32, #tpu.memory_space<vmem>> -> memref<1x8x1536xf32, #tpu.memory_space<vmem>>
        %dma_start3A_2366 = tpu.memref_squeeze %dma_start3A_2365 : memref<1x8x1536xf32, #tpu.memory_space<vmem>> -> memref<8x1536xf32, #tpu.memory_space<vmem>>
        %dma_start3A_2367 = tpu.memref_slice %arg2[%add3A_2359, %mul3A_2361] : memref<1024x49152xf32, #tpu.memory_space<hbm>> -> memref<8x1536xf32, #tpu.memory_space<hbm>>
        %dma_start3A_2368 = arith.constant 0 : i32
        %dma_start3A_2369 = arith.constant 0 : i32
        %dma_start3A_2370 = tpu.memref_slice %arg5[%dma_start3A_2362, %dma_start3A_2368, %dma_start3A_2369] : memref<4x8x1536xf32, #tpu.memory_space<vmem>> -> memref<1x8x1536xf32, #tpu.memory_space<vmem>>
        %dma_start3A_2371 = tpu.memref_squeeze %dma_start3A_2370 : memref<1x8x1536xf32, #tpu.memory_space<vmem>> -> memref<8x1536xf32, #tpu.memory_space<vmem>>
        %dma_start3A_2372 = tpu.memref_slice %arg2[%add3A_2359, %mul3A_2361] : memref<1024x49152xf32, #tpu.memory_space<hbm>> -> memref<8x1536xf32, #tpu.memory_space<hbm>>
        tpu.enqueue_dma source(%dma_start3A_2372 : memref<8x1536xf32, #tpu.memory_space<hbm>>) target(%dma_start3A_2371 : memref<8x1536xf32, #tpu.memory_space<vmem>>) target_semaphore(%arg9 : memref<!tpu.dma_semaphore, #tpu.memory_space<semaphore_mem>>)
      } else {
      }
      %mul3A_1256 = arith.constant 1536 : i32
      %mul3A_1257 = arith.muli %select_n3A_1230, %mul3A_1256 : i32
      %broadcast_in_dim3A_1258 = arith.constant 0.000000e+00 : f32
      %broadcast_in_dim3A_1259 = vector.broadcast %broadcast_in_dim3A_1258 : f32 to vector<16xf32>
      %broadcast_in_dim3A_1260 = arith.constant 0.000000e+00 : f32
      %broadcast_in_dim3A_1261 = vector.broadcast %broadcast_in_dim3A_1260 : f32 to vector<16xf32>
      %broadcast_in_dim3A_1262 = arith.constant 0.000000e+00 : f32
      %broadcast_in_dim3A_1263 = vector.broadcast %broadcast_in_dim3A_1262 : f32 to vector<16xf32>
      %broadcast_in_dim3A_1264 = arith.constant 0.000000e+00 : f32
      %broadcast_in_dim3A_1265 = vector.broadcast %broadcast_in_dim3A_1264 : f32 to vector<16xf32>
      %broadcast_in_dim3A_1266 = arith.constant 0.000000e+00 : f32
      %broadcast_in_dim3A_1267 = vector.broadcast %broadcast_in_dim3A_1266 : f32 to vector<16xf32>
      %broadcast_in_dim3A_1268 = arith.constant 0.000000e+00 : f32
      %broadcast_in_dim3A_1269 = vector.broadcast %broadcast_in_dim3A_1268 : f32 to vector<16xf32>
      %broadcast_in_dim3A_1270 = arith.constant 0.000000e+00 : f32
      %broadcast_in_dim3A_1271 = vector.broadcast %broadcast_in_dim3A_1270 : f32 to vector<16xf32>
      %broadcast_in_dim3A_1272 = arith.constant 0.000000e+00 : f32
      %broadcast_in_dim3A_1273 = vector.broadcast %broadcast_in_dim3A_1272 : f32 to vector<16xf32>
      %scan3A_1274 = arith.constant 0 : i32
      %scan3A_1275 = arith.constant 16 : i32
      %scan3A_1276 = arith.addi %scan3A_1274, %scan3A_1275 : i32
      %scan3A_1277 = arith.constant 1 : i32
      %scan3A_1278:8 = scf.for %scan3A_2313 = %scan3A_1274 to %scan3A_1276 step %scan3A_1277 iter_args(%scan3A_2314 = %broadcast_in_dim3A_1259, %scan3A_2315 = %broadcast_in_dim3A_1261, %scan3A_2316 = %broadcast_in_dim3A_1263, %scan3A_2317 = %broadcast_in_dim3A_1265, %scan3A_2318 = %broadcast_in_dim3A_1267, %scan3A_2319 = %broadcast_in_dim3A_1269, %scan3A_2320 = %broadcast_in_dim3A_1271, %scan3A_2321 = %broadcast_in_dim3A_1273) -> (vector<16xf32>, vector<16xf32>, vector<16xf32>, vector<16xf32>, vector<16xf32>, vector<16xf32>, vector<16xf32>, vector<16xf32>)  : i32 {
        %mul3A_2322 = arith.constant 16 : i32
        %mul3A_2323 = arith.muli %scan3A_2313, %mul3A_2322 : i32
        %add3A_2324 = arith.constant 0 : i32
        %add3A_2325 = arith.addi %add3A_2324, %mul3A_2323 : i32
        %add3A_2326 = arith.addi %mul3A_1257, %add3A_2325 : i32
        %get3A = arith.index_cast %add3A_2326 : i32 to index
        %get3A_2327 = tpu.vector_load %arg6[%get3A] {strides = array<i32>} : memref<12288xf32, #tpu.memory_space<vmem>>, vector<16xf32>,
        %max3A = arith.constant 0.000000e+00 : f32
        %max3A_2328 = vector.broadcast %max3A : f32 to vector<16xf32>
        %max3A_2329 = arith.maximumf %get3A_2327, %max3A_2328 : vector<16xf32>
        %add3A_2330 = arith.constant 0x4B000000 : f32
        %add3A_2331 = vector.broadcast %add3A_2330 : f32 to vector<16xf32>
        %add3A_2332 = arith.addf %max3A_2329, %add3A_2331 : vector<16xf32>
        %sub3A_2333 = arith.constant 0x4B000000 : f32
        %sub3A_2334 = vector.broadcast %sub3A_2333 : f32 to vector<16xf32>
        %sub3A_2335 = arith.subf %add3A_2332, %sub3A_2334 : vector<16xf32>
        %get3A_2336 = arith.constant 2 : i32
        %get3A_2337 = arith.constant 0 : i32
        %get3A_2338 = arith.index_cast %get3A_2336 : i32 to index
        %get3A_2339 = arith.index_cast %get3A_2337 : i32 to index
        %get3A_2340 = arith.index_cast %add3A_2325 : i32 to index
        %get3A_2341 = tpu.vector_load %arg5[%get3A_2338, %get3A_2339, %get3A_2340] {strides = array<i32>} : memref<4x8x1536xf32, #tpu.memory_space<vmem>>, vector<16xf32>,
        %mul3A_2342 = arith.mulf %get3A_2341, %sub3A_2335 : vector<16xf32>
        %add3A_2343 = arith.addf %scan3A_2314, %mul3A_2342 : vector<16xf32>
        %get3A_2344 = arith.constant 2 : i32
        %get3A_2345 = arith.constant 1 : i32
        %get3A_2346 = arith.index_cast %get3A_2344 : i32 to index
        %get3A_2347 = arith.index_cast %get3A_2345 : i32 to index
        %get3A_2348 = arith.index_cast %add3A_2325 : i32 to index
        %get3A_2349 = tpu.vector_load %arg5[%get3A_2346, %get3A_2347, %get3A_2348] {strides = array<i32>} : memref<4x8x1536xf32, #tpu.memory_space<vmem>>, vector<16xf32>,
        %mul3A_2350 = arith.mulf %get3A_2349, %sub3A_2335 : vector<16xf32>
        %add3A_2351 = arith.addf %scan3A_2315, %mul3A_2350 : vector<16xf32>
        %get3A_2352 = arith.constant 2 : i32
        %get3A_2353 = arith.constant 2 : i32
        %get3A_2354 = arith.index_cast %get3A_2352 : i32 to index
        %get3A_2355 = arith.index_cast %get3A_2353 : i32 to index
        %get3A_2356 = arith.index_cast %add3A_2325 : i32 to index
        %get3A_2357 = tpu.vector_load %arg5[%get3A_2354, %get3A_2355, %get3A_2356] {strides = array<i32>} : memref<4x8x1536xf32, #tpu.memory_space<vmem>>, vector<16xf32>,
        %mul3A_2358 = arith.mulf %get3A_2357, %sub3A_2335 : vector<16xf32>
        %add3A_2359 = arith.addf %scan3A_2316, %mul3A_2358 : vector<16xf32>
        %get3A_2360 = arith.constant 2 : i32
        %get3A_2361 = arith.constant 3 : i32
        %get3A_2362 = arith.index_cast %get3A_2360 : i32 to index
        %get3A_2363 = arith.index_cast %get3A_2361 : i32 to index
        %get3A_2364 = arith.index_cast %add3A_2325 : i32 to index
        %get3A_2365 = tpu.vector_load %arg5[%get3A_2362, %get3A_2363, %get3A_2364] {strides = array<i32>} : memref<4x8x1536xf32, #tpu.memory_space<vmem>>, vector<16xf32>,
        %mul3A_2366 = arith.mulf %get3A_2365, %sub3A_2335 : vector<16xf32>
        %add3A_2367 = arith.addf %scan3A_2317, %mul3A_2366 : vector<16xf32>
        %get3A_2368 = arith.constant 2 : i32
        %get3A_2369 = arith.constant 4 : i32
        %get3A_2370 = arith.index_cast %get3A_2368 : i32 to index
        %get3A_2371 = arith.index_cast %get3A_2369 : i32 to index
        %get3A_2372 = arith.index_cast %add3A_2325 : i32 to index
        %get3A_2373 = tpu.vector_load %arg5[%get3A_2370, %get3A_2371, %get3A_2372] {strides = array<i32>} : memref<4x8x1536xf32, #tpu.memory_space<vmem>>, vector<16xf32>,
        %mul3A_2374 = arith.mulf %get3A_2373, %sub3A_2335 : vector<16xf32>
        %add3A_2375 = arith.addf %scan3A_2318, %mul3A_2374 : vector<16xf32>
        %get3A_2376 = arith.constant 2 : i32
        %get3A_2377 = arith.constant 5 : i32
        %get3A_2378 = arith.index_cast %get3A_2376 : i32 to index
        %get3A_2379 = arith.index_cast %get3A_2377 : i32 to index
        %get3A_2380 = arith.index_cast %add3A_2325 : i32 to index
        %get3A_2381 = tpu.vector_load %arg5[%get3A_2378, %get3A_2379, %get3A_2380] {strides = array<i32>} : memref<4x8x1536xf32, #tpu.memory_space<vmem>>, vector<16xf32>,
        %mul3A_2382 = arith.mulf %get3A_2381, %sub3A_2335 : vector<16xf32>
        %add3A_2383 = arith.addf %scan3A_2319, %mul3A_2382 : vector<16xf32>
        %get3A_2384 = arith.constant 2 : i32
        %get3A_2385 = arith.constant 6 : i32
        %get3A_2386 = arith.index_cast %get3A_2384 : i32 to index
        %get3A_2387 = arith.index_cast %get3A_2385 : i32 to index
        %get3A_2388 = arith.index_cast %add3A_2325 : i32 to index
        %get3A_2389 = tpu.vector_load %arg5[%get3A_2386, %get3A_2387, %get3A_2388] {strides = array<i32>} : memref<4x8x1536xf32, #tpu.memory_space<vmem>>, vector<16xf32>,
        %mul3A_2390 = arith.mulf %get3A_2389, %sub3A_2335 : vector<16xf32>
        %add3A_2391 = arith.addf %scan3A_2320, %mul3A_2390 : vector<16xf32>
        %get3A_2392 = arith.constant 2 : i32
        %get3A_2393 = arith.constant 7 : i32
        %get3A_2394 = arith.index_cast %get3A_2392 : i32 to index
        %get3A_2395 = arith.index_cast %get3A_2393 : i32 to index
        %get3A_2396 = arith.index_cast %add3A_2325 : i32 to index
        %get3A_2397 = tpu.vector_load %arg5[%get3A_2394, %get3A_2395, %get3A_2396] {strides = array<i32>} : memref<4x8x1536xf32, #tpu.memory_space<vmem>>, vector<16xf32>,
        %mul3A_2398 = arith.mulf %get3A_2397, %sub3A_2335 : vector<16xf32>
        %add3A_2399 = arith.addf %scan3A_2321, %mul3A_2398 : vector<16xf32>
        scf.yield %add3A_2343, %add3A_2351, %add3A_2359, %add3A_2367, %add3A_2375, %add3A_2383, %add3A_2391, %add3A_2399 : vector<16xf32>, vector<16xf32>, vector<16xf32>, vector<16xf32>, vector<16xf32>, vector<16xf32>, vector<16xf32>, vector<16xf32>
      }
      %scan3A_1279 = arith.constant 16 : i32
      %jit3A_1280 = arith.constant 4 : i32
      %eq3A_1281 = arith.constant 0 : i32
      %eq3A_1282 = arith.cmpi eq, %jit3A_1280, %eq3A_1281 : i32
      %jit3A_1283 = arith.constant 1 : i32
      %select_n3A_1284 = arith.select %eq3A_1282, %jit3A_1283, %jit3A_1280 : i32
      %rem3A_1285 = arith.remsi %select_n3A_1230, %select_n3A_1284 : i32
      %ne3A_1286 = arith.constant 0 : i32
      %ne3A_1287 = arith.cmpi ne, %rem3A_1285, %ne3A_1286 : i32
      %lt3A_1288 = arith.constant 0 : i32
      %lt3A_1289 = arith.cmpi slt, %rem3A_1285, %lt3A_1288 : i32
      %lt3A_1290 = arith.constant 0 : i32
      %lt3A_1291 = arith.cmpi slt, %select_n3A_1284, %lt3A_1290 : i32
      %ne3A_1292 = arith.xori %lt3A_1289, %lt3A_1291 : i1
      %and3A_1293 = arith.andi %ne3A_1292, %ne3A_1287 : i1
      %add3A_1294 = arith.addi %rem3A_1285, %select_n3A_1284 : i32
      %select_n3A_1295 = arith.select %and3A_1293, %add3A_1294, %rem3A_1285 : i32
      %mul3A_1296 = arith.constant 4 : i32
      %mul3A_1297 = arith.muli %select_n3A_1295, %mul3A_1296 : i32
      %add3A_1298 = arith.constant 0 : i32
      %add3A_1299 = arith.addi %mul3A_1297, %add3A_1298 : i32
      %add3A_1300 = arith.constant 0 : i32
      %add3A_1301 = arith.addi %add3A_1299, %add3A_1300 : i32
      %eq3A_1302 = vector.broadcast %add3A_1301 : i32 to vector<16xi32>
      %eq3A_1303 = arith.cmpi eq, %iota3A, %eq3A_1302 : vector<16xi32>
      %reduce_sum3A_1304 = arith.constant true
      %reduce_sum3A_1305 = vector.broadcast %reduce_sum3A_1304 : i1 to vector<16xi1>
      %reduce_sum3A_1306 = tpu.scan <sum>, %scan3A_1278#0 masked %reduce_sum3A_1305 : vector<16xf32>, vector<16xi1> -> vector<16xf32>
      %reduce_sum3A_1307 = vector.extract %reduce_sum3A_1306[15] : f32 from vector<16xf32>
      %broadcast_in_dim3A_1308 = vector.broadcast %reduce_sum3A_1307 : f32 to vector<16xf32>
      %select_n3A_1309 = arith.select %eq3A_1303, %broadcast_in_dim3A_1308, %select_n3A_1179 : vector<16xi1>, vector<16xf32>
      %eq3A_1310 = vector.broadcast %add3A_1301 : i32 to vector<16xi32>
      %eq3A_1311 = arith.cmpi eq, %iota3A, %eq3A_1310 : vector<16xi32>
      %reduce_sum3A_1312 = arith.constant true
      %reduce_sum3A_1313 = vector.broadcast %reduce_sum3A_1312 : i1 to vector<16xi1>
      %reduce_sum3A_1314 = tpu.scan <sum>, %scan3A_1278#1 masked %reduce_sum3A_1313 : vector<16xf32>, vector<16xi1> -> vector<16xf32>
      %reduce_sum3A_1315 = vector.extract %reduce_sum3A_1314[15] : f32 from vector<16xf32>
      %broadcast_in_dim3A_1316 = vector.broadcast %reduce_sum3A_1315 : f32 to vector<16xf32>
      %select_n3A_1317 = arith.select %eq3A_1311, %broadcast_in_dim3A_1316, %select_n3A_1180 : vector<16xi1>, vector<16xf32>
      %eq3A_1318 = vector.broadcast %add3A_1301 : i32 to vector<16xi32>
      %eq3A_1319 = arith.cmpi eq, %iota3A, %eq3A_1318 : vector<16xi32>
      %reduce_sum3A_1320 = arith.constant true
      %reduce_sum3A_1321 = vector.broadcast %reduce_sum3A_1320 : i1 to vector<16xi1>
      %reduce_sum3A_1322 = tpu.scan <sum>, %scan3A_1278#2 masked %reduce_sum3A_1321 : vector<16xf32>, vector<16xi1> -> vector<16xf32>
      %reduce_sum3A_1323 = vector.extract %reduce_sum3A_1322[15] : f32 from vector<16xf32>
      %broadcast_in_dim3A_1324 = vector.broadcast %reduce_sum3A_1323 : f32 to vector<16xf32>
      %select_n3A_1325 = arith.select %eq3A_1319, %broadcast_in_dim3A_1324, %select_n3A_1181 : vector<16xi1>, vector<16xf32>
      %eq3A_1326 = vector.broadcast %add3A_1301 : i32 to vector<16xi32>
      %eq3A_1327 = arith.cmpi eq, %iota3A, %eq3A_1326 : vector<16xi32>
      %reduce_sum3A_1328 = arith.constant true
      %reduce_sum3A_1329 = vector.broadcast %reduce_sum3A_1328 : i1 to vector<16xi1>
      %reduce_sum3A_1330 = tpu.scan <sum>, %scan3A_1278#3 masked %reduce_sum3A_1329 : vector<16xf32>, vector<16xi1> -> vector<16xf32>
      %reduce_sum3A_1331 = vector.extract %reduce_sum3A_1330[15] : f32 from vector<16xf32>
      %broadcast_in_dim3A_1332 = vector.broadcast %reduce_sum3A_1331 : f32 to vector<16xf32>
      %select_n3A_1333 = arith.select %eq3A_1327, %broadcast_in_dim3A_1332, %select_n3A_1182 : vector<16xi1>, vector<16xf32>
      %eq3A_1334 = vector.broadcast %add3A_1301 : i32 to vector<16xi32>
      %eq3A_1335 = arith.cmpi eq, %iota3A, %eq3A_1334 : vector<16xi32>
      %reduce_sum3A_1336 = arith.constant true
      %reduce_sum3A_1337 = vector.broadcast %reduce_sum3A_1336 : i1 to vector<16xi1>
      %reduce_sum3A_1338 = tpu.scan <sum>, %scan3A_1278#4 masked %reduce_sum3A_1337 : vector<16xf32>, vector<16xi1> -> vector<16xf32>
      %reduce_sum3A_1339 = vector.extract %reduce_sum3A_1338[15] : f32 from vector<16xf32>
      %broadcast_in_dim3A_1340 = vector.broadcast %reduce_sum3A_1339 : f32 to vector<16xf32>
      %select_n3A_1341 = arith.select %eq3A_1335, %broadcast_in_dim3A_1340, %select_n3A_1183 : vector<16xi1>, vector<16xf32>
      %eq3A_1342 = vector.broadcast %add3A_1301 : i32 to vector<16xi32>
      %eq3A_1343 = arith.cmpi eq, %iota3A, %eq3A_1342 : vector<16xi32>
      %reduce_sum3A_1344 = arith.constant true
      %reduce_sum3A_1345 = vector.broadcast %reduce_sum3A_1344 : i1 to vector<16xi1>
      %reduce_sum3A_1346 = tpu.scan <sum>, %scan3A_1278#5 masked %reduce_sum3A_1345 : vector<16xf32>, vector<16xi1> -> vector<16xf32>
      %reduce_sum3A_1347 = vector.extract %reduce_sum3A_1346[15] : f32 from vector<16xf32>
      %broadcast_in_dim3A_1348 = vector.broadcast %reduce_sum3A_1347 : f32 to vector<16xf32>
      %select_n3A_1349 = arith.select %eq3A_1343, %broadcast_in_dim3A_1348, %select_n3A_1184 : vector<16xi1>, vector<16xf32>
      %eq3A_1350 = vector.broadcast %add3A_1301 : i32 to vector<16xi32>
      %eq3A_1351 = arith.cmpi eq, %iota3A, %eq3A_1350 : vector<16xi32>
      %reduce_sum3A_1352 = arith.constant true
      %reduce_sum3A_1353 = vector.broadcast %reduce_sum3A_1352 : i1 to vector<16xi1>
      %reduce_sum3A_1354 = tpu.scan <sum>, %scan3A_1278#6 masked %reduce_sum3A_1353 : vector<16xf32>, vector<16xi1> -> vector<16xf32>
      %reduce_sum3A_1355 = vector.extract %reduce_sum3A_1354[15] : f32 from vector<16xf32>
      %broadcast_in_dim3A_1356 = vector.broadcast %reduce_sum3A_1355 : f32 to vector<16xf32>
      %select_n3A_1357 = arith.select %eq3A_1351, %broadcast_in_dim3A_1356, %select_n3A_1185 : vector<16xi1>, vector<16xf32>
      %eq3A_1358 = vector.broadcast %add3A_1301 : i32 to vector<16xi32>
      %eq3A_1359 = arith.cmpi eq, %iota3A, %eq3A_1358 : vector<16xi32>
      %reduce_sum3A_1360 = arith.constant true
      %reduce_sum3A_1361 = vector.broadcast %reduce_sum3A_1360 : i1 to vector<16xi1>
      %reduce_sum3A_1362 = tpu.scan <sum>, %scan3A_1278#7 masked %reduce_sum3A_1361 : vector<16xf32>, vector<16xi1> -> vector<16xf32>
      %reduce_sum3A_1363 = vector.extract %reduce_sum3A_1362[15] : f32 from vector<16xf32>
      %broadcast_in_dim3A_1364 = vector.broadcast %reduce_sum3A_1363 : f32 to vector<16xf32>
      %select_n3A_1365 = arith.select %eq3A_1359, %broadcast_in_dim3A_1364, %select_n3A_1186 : vector<16xi1>, vector<16xf32>
      %broadcast_in_dim3A_1366 = arith.constant 0.000000e+00 : f32
      %broadcast_in_dim3A_1367 = vector.broadcast %broadcast_in_dim3A_1366 : f32 to vector<16xf32>
      %broadcast_in_dim3A_1368 = arith.constant 0.000000e+00 : f32
      %broadcast_in_dim3A_1369 = vector.broadcast %broadcast_in_dim3A_1368 : f32 to vector<16xf32>
      %broadcast_in_dim3A_1370 = arith.constant 0.000000e+00 : f32
      %broadcast_in_dim3A_1371 = vector.broadcast %broadcast_in_dim3A_1370 : f32 to vector<16xf32>
      %broadcast_in_dim3A_1372 = arith.constant 0.000000e+00 : f32
      %broadcast_in_dim3A_1373 = vector.broadcast %broadcast_in_dim3A_1372 : f32 to vector<16xf32>
      %broadcast_in_dim3A_1374 = arith.constant 0.000000e+00 : f32
      %broadcast_in_dim3A_1375 = vector.broadcast %broadcast_in_dim3A_1374 : f32 to vector<16xf32>
      %broadcast_in_dim3A_1376 = arith.constant 0.000000e+00 : f32
      %broadcast_in_dim3A_1377 = vector.broadcast %broadcast_in_dim3A_1376 : f32 to vector<16xf32>
      %broadcast_in_dim3A_1378 = arith.constant 0.000000e+00 : f32
      %broadcast_in_dim3A_1379 = vector.broadcast %broadcast_in_dim3A_1378 : f32 to vector<16xf32>
      %broadcast_in_dim3A_1380 = arith.constant 0.000000e+00 : f32
      %broadcast_in_dim3A_1381 = vector.broadcast %broadcast_in_dim3A_1380 : f32 to vector<16xf32>
      %scan3A_1382 = arith.constant 0 : i32
      %scan3A_1383 = arith.constant 32 : i32
      %scan3A_1384 = arith.addi %scan3A_1382, %scan3A_1383 : i32
      %scan3A_1385 = arith.constant 1 : i32
      %scan3A_1386:8 = scf.for %scan3A_2313 = %scan3A_1382 to %scan3A_1384 step %scan3A_1385 iter_args(%scan3A_2314 = %broadcast_in_dim3A_1367, %scan3A_2315 = %broadcast_in_dim3A_1369, %scan3A_2316 = %broadcast_in_dim3A_1371, %scan3A_2317 = %broadcast_in_dim3A_1373, %scan3A_2318 = %broadcast_in_dim3A_1375, %scan3A_2319 = %broadcast_in_dim3A_1377, %scan3A_2320 = %broadcast_in_dim3A_1379, %scan3A_2321 = %broadcast_in_dim3A_1381) -> (vector<16xf32>, vector<16xf32>, vector<16xf32>, vector<16xf32>, vector<16xf32>, vector<16xf32>, vector<16xf32>, vector<16xf32>)  : i32 {
        %mul3A_2322 = arith.constant 16 : i32
        %mul3A_2323 = arith.muli %scan3A_2313, %mul3A_2322 : i32
        %add3A_2324 = arith.constant 256 : i32
        %add3A_2325 = arith.addi %add3A_2324, %mul3A_2323 : i32
        %add3A_2326 = arith.addi %mul3A_1257, %add3A_2325 : i32
        %get3A = arith.index_cast %add3A_2326 : i32 to index
        %get3A_2327 = tpu.vector_load %arg6[%get3A] {strides = array<i32>} : memref<12288xf32, #tpu.memory_space<vmem>>, vector<16xf32>,
        %max3A = arith.constant 0.000000e+00 : f32
        %max3A_2328 = vector.broadcast %max3A : f32 to vector<16xf32>
        %max3A_2329 = arith.maximumf %get3A_2327, %max3A_2328 : vector<16xf32>
        %add3A_2330 = arith.constant 0x4B000000 : f32
        %add3A_2331 = vector.broadcast %add3A_2330 : f32 to vector<16xf32>
        %add3A_2332 = arith.addf %max3A_2329, %add3A_2331 : vector<16xf32>
        %sub3A_2333 = arith.constant 0x4B000000 : f32
        %sub3A_2334 = vector.broadcast %sub3A_2333 : f32 to vector<16xf32>
        %sub3A_2335 = arith.subf %add3A_2332, %sub3A_2334 : vector<16xf32>
        %get3A_2336 = arith.constant 2 : i32
        %get3A_2337 = arith.constant 0 : i32
        %get3A_2338 = arith.index_cast %get3A_2336 : i32 to index
        %get3A_2339 = arith.index_cast %get3A_2337 : i32 to index
        %get3A_2340 = arith.index_cast %add3A_2325 : i32 to index
        %get3A_2341 = tpu.vector_load %arg5[%get3A_2338, %get3A_2339, %get3A_2340] {strides = array<i32>} : memref<4x8x1536xf32, #tpu.memory_space<vmem>>, vector<16xf32>,
        %mul3A_2342 = arith.mulf %get3A_2341, %sub3A_2335 : vector<16xf32>
        %add3A_2343 = arith.addf %scan3A_2314, %mul3A_2342 : vector<16xf32>
        %get3A_2344 = arith.constant 2 : i32
        %get3A_2345 = arith.constant 1 : i32
        %get3A_2346 = arith.index_cast %get3A_2344 : i32 to index
        %get3A_2347 = arith.index_cast %get3A_2345 : i32 to index
        %get3A_2348 = arith.index_cast %add3A_2325 : i32 to index
        %get3A_2349 = tpu.vector_load %arg5[%get3A_2346, %get3A_2347, %get3A_2348] {strides = array<i32>} : memref<4x8x1536xf32, #tpu.memory_space<vmem>>, vector<16xf32>,
        %mul3A_2350 = arith.mulf %get3A_2349, %sub3A_2335 : vector<16xf32>
        %add3A_2351 = arith.addf %scan3A_2315, %mul3A_2350 : vector<16xf32>
        %get3A_2352 = arith.constant 2 : i32
        %get3A_2353 = arith.constant 2 : i32
        %get3A_2354 = arith.index_cast %get3A_2352 : i32 to index
        %get3A_2355 = arith.index_cast %get3A_2353 : i32 to index
        %get3A_2356 = arith.index_cast %add3A_2325 : i32 to index
        %get3A_2357 = tpu.vector_load %arg5[%get3A_2354, %get3A_2355, %get3A_2356] {strides = array<i32>} : memref<4x8x1536xf32, #tpu.memory_space<vmem>>, vector<16xf32>,
        %mul3A_2358 = arith.mulf %get3A_2357, %sub3A_2335 : vector<16xf32>
        %add3A_2359 = arith.addf %scan3A_2316, %mul3A_2358 : vector<16xf32>
        %get3A_2360 = arith.constant 2 : i32
        %get3A_2361 = arith.constant 3 : i32
        %get3A_2362 = arith.index_cast %get3A_2360 : i32 to index
        %get3A_2363 = arith.index_cast %get3A_2361 : i32 to index
        %get3A_2364 = arith.index_cast %add3A_2325 : i32 to index
        %get3A_2365 = tpu.vector_load %arg5[%get3A_2362, %get3A_2363, %get3A_2364] {strides = array<i32>} : memref<4x8x1536xf32, #tpu.memory_space<vmem>>, vector<16xf32>,
        %mul3A_2366 = arith.mulf %get3A_2365, %sub3A_2335 : vector<16xf32>
        %add3A_2367 = arith.addf %scan3A_2317, %mul3A_2366 : vector<16xf32>
        %get3A_2368 = arith.constant 2 : i32
        %get3A_2369 = arith.constant 4 : i32
        %get3A_2370 = arith.index_cast %get3A_2368 : i32 to index
        %get3A_2371 = arith.index_cast %get3A_2369 : i32 to index
        %get3A_2372 = arith.index_cast %add3A_2325 : i32 to index
        %get3A_2373 = tpu.vector_load %arg5[%get3A_2370, %get3A_2371, %get3A_2372] {strides = array<i32>} : memref<4x8x1536xf32, #tpu.memory_space<vmem>>, vector<16xf32>,
        %mul3A_2374 = arith.mulf %get3A_2373, %sub3A_2335 : vector<16xf32>
        %add3A_2375 = arith.addf %scan3A_2318, %mul3A_2374 : vector<16xf32>
        %get3A_2376 = arith.constant 2 : i32
        %get3A_2377 = arith.constant 5 : i32
        %get3A_2378 = arith.index_cast %get3A_2376 : i32 to index
        %get3A_2379 = arith.index_cast %get3A_2377 : i32 to index
        %get3A_2380 = arith.index_cast %add3A_2325 : i32 to index
        %get3A_2381 = tpu.vector_load %arg5[%get3A_2378, %get3A_2379, %get3A_2380] {strides = array<i32>} : memref<4x8x1536xf32, #tpu.memory_space<vmem>>, vector<16xf32>,
        %mul3A_2382 = arith.mulf %get3A_2381, %sub3A_2335 : vector<16xf32>
        %add3A_2383 = arith.addf %scan3A_2319, %mul3A_2382 : vector<16xf32>
        %get3A_2384 = arith.constant 2 : i32
        %get3A_2385 = arith.constant 6 : i32
        %get3A_2386 = arith.index_cast %get3A_2384 : i32 to index
        %get3A_2387 = arith.index_cast %get3A_2385 : i32 to index
        %get3A_2388 = arith.index_cast %add3A_2325 : i32 to index
        %get3A_2389 = tpu.vector_load %arg5[%get3A_2386, %get3A_2387, %get3A_2388] {strides = array<i32>} : memref<4x8x1536xf32, #tpu.memory_space<vmem>>, vector<16xf32>,
        %mul3A_2390 = arith.mulf %get3A_2389, %sub3A_2335 : vector<16xf32>
        %add3A_2391 = arith.addf %scan3A_2320, %mul3A_2390 : vector<16xf32>
        %get3A_2392 = arith.constant 2 : i32
        %get3A_2393 = arith.constant 7 : i32
        %get3A_2394 = arith.index_cast %get3A_2392 : i32 to index
        %get3A_2395 = arith.index_cast %get3A_2393 : i32 to index
        %get3A_2396 = arith.index_cast %add3A_2325 : i32 to index
        %get3A_2397 = tpu.vector_load %arg5[%get3A_2394, %get3A_2395, %get3A_2396] {strides = array<i32>} : memref<4x8x1536xf32, #tpu.memory_space<vmem>>, vector<16xf32>,
        %mul3A_2398 = arith.mulf %get3A_2397, %sub3A_2335 : vector<16xf32>
        %add3A_2399 = arith.addf %scan3A_2321, %mul3A_2398 : vector<16xf32>
        scf.yield %add3A_2343, %add3A_2351, %add3A_2359, %add3A_2367, %add3A_2375, %add3A_2383, %add3A_2391, %add3A_2399 : vector<16xf32>, vector<16xf32>, vector<16xf32>, vector<16xf32>, vector<16xf32>, vector<16xf32>, vector<16xf32>, vector<16xf32>
      }
      %scan3A_1387 = arith.constant 32 : i32
      %jit3A_1388 = arith.constant 4 : i32
      %eq3A_1389 = arith.constant 0 : i32
      %eq3A_1390 = arith.cmpi eq, %jit3A_1388, %eq3A_1389 : i32
      %jit3A_1391 = arith.constant 1 : i32
      %select_n3A_1392 = arith.select %eq3A_1390, %jit3A_1391, %jit3A_1388 : i32
      %rem3A_1393 = arith.remsi %select_n3A_1230, %select_n3A_1392 : i32
      %ne3A_1394 = arith.constant 0 : i32
      %ne3A_1395 = arith.cmpi ne, %rem3A_1393, %ne3A_1394 : i32
      %lt3A_1396 = arith.constant 0 : i32
      %lt3A_1397 = arith.cmpi slt, %rem3A_1393, %lt3A_1396 : i32
      %lt3A_1398 = arith.constant 0 : i32
      %lt3A_1399 = arith.cmpi slt, %select_n3A_1392, %lt3A_1398 : i32
      %ne3A_1400 = arith.xori %lt3A_1397, %lt3A_1399 : i1
      %and3A_1401 = arith.andi %ne3A_1400, %ne3A_1395 : i1
      %add3A_1402 = arith.addi %rem3A_1393, %select_n3A_1392 : i32
      %select_n3A_1403 = arith.select %and3A_1401, %add3A_1402, %rem3A_1393 : i32
      %mul3A_1404 = arith.constant 4 : i32
      %mul3A_1405 = arith.muli %select_n3A_1403, %mul3A_1404 : i32
      %add3A_1406 = arith.constant 0 : i32
      %add3A_1407 = arith.addi %mul3A_1405, %add3A_1406 : i32
      %add3A_1408 = arith.constant 1 : i32
      %add3A_1409 = arith.addi %add3A_1407, %add3A_1408 : i32
      %eq3A_1410 = vector.broadcast %add3A_1409 : i32 to vector<16xi32>
      %eq3A_1411 = arith.cmpi eq, %iota3A, %eq3A_1410 : vector<16xi32>
      %reduce_sum3A_1412 = arith.constant true
      %reduce_sum3A_1413 = vector.broadcast %reduce_sum3A_1412 : i1 to vector<16xi1>
      %reduce_sum3A_1414 = tpu.scan <sum>, %scan3A_1386#0 masked %reduce_sum3A_1413 : vector<16xf32>, vector<16xi1> -> vector<16xf32>
      %reduce_sum3A_1415 = vector.extract %reduce_sum3A_1414[15] : f32 from vector<16xf32>
      %broadcast_in_dim3A_1416 = vector.broadcast %reduce_sum3A_1415 : f32 to vector<16xf32>
      %select_n3A_1417 = arith.select %eq3A_1411, %broadcast_in_dim3A_1416, %select_n3A_1309 : vector<16xi1>, vector<16xf32>
      %eq3A_1418 = vector.broadcast %add3A_1409 : i32 to vector<16xi32>
      %eq3A_1419 = arith.cmpi eq, %iota3A, %eq3A_1418 : vector<16xi32>
      %reduce_sum3A_1420 = arith.constant true
      %reduce_sum3A_1421 = vector.broadcast %reduce_sum3A_1420 : i1 to vector<16xi1>
      %reduce_sum3A_1422 = tpu.scan <sum>, %scan3A_1386#1 masked %reduce_sum3A_1421 : vector<16xf32>, vector<16xi1> -> vector<16xf32>
      %reduce_sum3A_1423 = vector.extract %reduce_sum3A_1422[15] : f32 from vector<16xf32>
      %broadcast_in_dim3A_1424 = vector.broadcast %reduce_sum3A_1423 : f32 to vector<16xf32>
      %select_n3A_1425 = arith.select %eq3A_1419, %broadcast_in_dim3A_1424, %select_n3A_1317 : vector<16xi1>, vector<16xf32>
      %eq3A_1426 = vector.broadcast %add3A_1409 : i32 to vector<16xi32>
      %eq3A_1427 = arith.cmpi eq, %iota3A, %eq3A_1426 : vector<16xi32>
      %reduce_sum3A_1428 = arith.constant true
      %reduce_sum3A_1429 = vector.broadcast %reduce_sum3A_1428 : i1 to vector<16xi1>
      %reduce_sum3A_1430 = tpu.scan <sum>, %scan3A_1386#2 masked %reduce_sum3A_1429 : vector<16xf32>, vector<16xi1> -> vector<16xf32>
      %reduce_sum3A_1431 = vector.extract %reduce_sum3A_1430[15] : f32 from vector<16xf32>
      %broadcast_in_dim3A_1432 = vector.broadcast %reduce_sum3A_1431 : f32 to vector<16xf32>
      %select_n3A_1433 = arith.select %eq3A_1427, %broadcast_in_dim3A_1432, %select_n3A_1325 : vector<16xi1>, vector<16xf32>
      %eq3A_1434 = vector.broadcast %add3A_1409 : i32 to vector<16xi32>
      %eq3A_1435 = arith.cmpi eq, %iota3A, %eq3A_1434 : vector<16xi32>
      %reduce_sum3A_1436 = arith.constant true
      %reduce_sum3A_1437 = vector.broadcast %reduce_sum3A_1436 : i1 to vector<16xi1>
      %reduce_sum3A_1438 = tpu.scan <sum>, %scan3A_1386#3 masked %reduce_sum3A_1437 : vector<16xf32>, vector<16xi1> -> vector<16xf32>
      %reduce_sum3A_1439 = vector.extract %reduce_sum3A_1438[15] : f32 from vector<16xf32>
      %broadcast_in_dim3A_1440 = vector.broadcast %reduce_sum3A_1439 : f32 to vector<16xf32>
      %select_n3A_1441 = arith.select %eq3A_1435, %broadcast_in_dim3A_1440, %select_n3A_1333 : vector<16xi1>, vector<16xf32>
      %eq3A_1442 = vector.broadcast %add3A_1409 : i32 to vector<16xi32>
      %eq3A_1443 = arith.cmpi eq, %iota3A, %eq3A_1442 : vector<16xi32>
      %reduce_sum3A_1444 = arith.constant true
      %reduce_sum3A_1445 = vector.broadcast %reduce_sum3A_1444 : i1 to vector<16xi1>
      %reduce_sum3A_1446 = tpu.scan <sum>, %scan3A_1386#4 masked %reduce_sum3A_1445 : vector<16xf32>, vector<16xi1> -> vector<16xf32>
      %reduce_sum3A_1447 = vector.extract %reduce_sum3A_1446[15] : f32 from vector<16xf32>
      %broadcast_in_dim3A_1448 = vector.broadcast %reduce_sum3A_1447 : f32 to vector<16xf32>
      %select_n3A_1449 = arith.select %eq3A_1443, %broadcast_in_dim3A_1448, %select_n3A_1341 : vector<16xi1>, vector<16xf32>
      %eq3A_1450 = vector.broadcast %add3A_1409 : i32 to vector<16xi32>
      %eq3A_1451 = arith.cmpi eq, %iota3A, %eq3A_1450 : vector<16xi32>
      %reduce_sum3A_1452 = arith.constant true
      %reduce_sum3A_1453 = vector.broadcast %reduce_sum3A_1452 : i1 to vector<16xi1>
      %reduce_sum3A_1454 = tpu.scan <sum>, %scan3A_1386#5 masked %reduce_sum3A_1453 : vector<16xf32>, vector<16xi1> -> vector<16xf32>
      %reduce_sum3A_1455 = vector.extract %reduce_sum3A_1454[15] : f32 from vector<16xf32>
      %broadcast_in_dim3A_1456 = vector.broadcast %reduce_sum3A_1455 : f32 to vector<16xf32>
      %select_n3A_1457 = arith.select %eq3A_1451, %broadcast_in_dim3A_1456, %select_n3A_1349 : vector<16xi1>, vector<16xf32>
      %eq3A_1458 = vector.broadcast %add3A_1409 : i32 to vector<16xi32>
      %eq3A_1459 = arith.cmpi eq, %iota3A, %eq3A_1458 : vector<16xi32>
      %reduce_sum3A_1460 = arith.constant true
      %reduce_sum3A_1461 = vector.broadcast %reduce_sum3A_1460 : i1 to vector<16xi1>
      %reduce_sum3A_1462 = tpu.scan <sum>, %scan3A_1386#6 masked %reduce_sum3A_1461 : vector<16xf32>, vector<16xi1> -> vector<16xf32>
      %reduce_sum3A_1463 = vector.extract %reduce_sum3A_1462[15] : f32 from vector<16xf32>
      %broadcast_in_dim3A_1464 = vector.broadcast %reduce_sum3A_1463 : f32 to vector<16xf32>
      %select_n3A_1465 = arith.select %eq3A_1459, %broadcast_in_dim3A_1464, %select_n3A_1357 : vector<16xi1>, vector<16xf32>
      %eq3A_1466 = vector.broadcast %add3A_1409 : i32 to vector<16xi32>
      %eq3A_1467 = arith.cmpi eq, %iota3A, %eq3A_1466 : vector<16xi32>
      %reduce_sum3A_1468 = arith.constant true
      %reduce_sum3A_1469 = vector.broadcast %reduce_sum3A_1468 : i1 to vector<16xi1>
      %reduce_sum3A_1470 = tpu.scan <sum>, %scan3A_1386#7 masked %reduce_sum3A_1469 : vector<16xf32>, vector<16xi1> -> vector<16xf32>
      %reduce_sum3A_1471 = vector.extract %reduce_sum3A_1470[15] : f32 from vector<16xf32>
      %broadcast_in_dim3A_1472 = vector.broadcast %reduce_sum3A_1471 : f32 to vector<16xf32>
      %select_n3A_1473 = arith.select %eq3A_1467, %broadcast_in_dim3A_1472, %select_n3A_1365 : vector<16xi1>, vector<16xf32>
      %broadcast_in_dim3A_1474 = arith.constant 0.000000e+00 : f32
      %broadcast_in_dim3A_1475 = vector.broadcast %broadcast_in_dim3A_1474 : f32 to vector<16xf32>
      %broadcast_in_dim3A_1476 = arith.constant 0.000000e+00 : f32
      %broadcast_in_dim3A_1477 = vector.broadcast %broadcast_in_dim3A_1476 : f32 to vector<16xf32>
      %broadcast_in_dim3A_1478 = arith.constant 0.000000e+00 : f32
      %broadcast_in_dim3A_1479 = vector.broadcast %broadcast_in_dim3A_1478 : f32 to vector<16xf32>
      %broadcast_in_dim3A_1480 = arith.constant 0.000000e+00 : f32
      %broadcast_in_dim3A_1481 = vector.broadcast %broadcast_in_dim3A_1480 : f32 to vector<16xf32>
      %broadcast_in_dim3A_1482 = arith.constant 0.000000e+00 : f32
      %broadcast_in_dim3A_1483 = vector.broadcast %broadcast_in_dim3A_1482 : f32 to vector<16xf32>
      %broadcast_in_dim3A_1484 = arith.constant 0.000000e+00 : f32
      %broadcast_in_dim3A_1485 = vector.broadcast %broadcast_in_dim3A_1484 : f32 to vector<16xf32>
      %broadcast_in_dim3A_1486 = arith.constant 0.000000e+00 : f32
      %broadcast_in_dim3A_1487 = vector.broadcast %broadcast_in_dim3A_1486 : f32 to vector<16xf32>
      %broadcast_in_dim3A_1488 = arith.constant 0.000000e+00 : f32
      %broadcast_in_dim3A_1489 = vector.broadcast %broadcast_in_dim3A_1488 : f32 to vector<16xf32>
      %scan3A_1490 = arith.constant 0 : i32
      %scan3A_1491 = arith.constant 16 : i32
      %scan3A_1492 = arith.addi %scan3A_1490, %scan3A_1491 : i32
      %scan3A_1493 = arith.constant 1 : i32
      %scan3A_1494:8 = scf.for %scan3A_2313 = %scan3A_1490 to %scan3A_1492 step %scan3A_1493 iter_args(%scan3A_2314 = %broadcast_in_dim3A_1475, %scan3A_2315 = %broadcast_in_dim3A_1477, %scan3A_2316 = %broadcast_in_dim3A_1479, %scan3A_2317 = %broadcast_in_dim3A_1481, %scan3A_2318 = %broadcast_in_dim3A_1483, %scan3A_2319 = %broadcast_in_dim3A_1485, %scan3A_2320 = %broadcast_in_dim3A_1487, %scan3A_2321 = %broadcast_in_dim3A_1489) -> (vector<16xf32>, vector<16xf32>, vector<16xf32>, vector<16xf32>, vector<16xf32>, vector<16xf32>, vector<16xf32>, vector<16xf32>)  : i32 {
        %mul3A_2322 = arith.constant 16 : i32
        %mul3A_2323 = arith.muli %scan3A_2313, %mul3A_2322 : i32
        %add3A_2324 = arith.constant 768 : i32
        %add3A_2325 = arith.addi %add3A_2324, %mul3A_2323 : i32
        %add3A_2326 = arith.addi %mul3A_1257, %add3A_2325 : i32
        %get3A = arith.index_cast %add3A_2326 : i32 to index
        %get3A_2327 = tpu.vector_load %arg6[%get3A] {strides = array<i32>} : memref<12288xf32, #tpu.memory_space<vmem>>, vector<16xf32>,
        %max3A = arith.constant 0.000000e+00 : f32
        %max3A_2328 = vector.broadcast %max3A : f32 to vector<16xf32>
        %max3A_2329 = arith.maximumf %get3A_2327, %max3A_2328 : vector<16xf32>
        %add3A_2330 = arith.constant 0x4B000000 : f32
        %add3A_2331 = vector.broadcast %add3A_2330 : f32 to vector<16xf32>
        %add3A_2332 = arith.addf %max3A_2329, %add3A_2331 : vector<16xf32>
        %sub3A_2333 = arith.constant 0x4B000000 : f32
        %sub3A_2334 = vector.broadcast %sub3A_2333 : f32 to vector<16xf32>
        %sub3A_2335 = arith.subf %add3A_2332, %sub3A_2334 : vector<16xf32>
        %get3A_2336 = arith.constant 2 : i32
        %get3A_2337 = arith.constant 0 : i32
        %get3A_2338 = arith.index_cast %get3A_2336 : i32 to index
        %get3A_2339 = arith.index_cast %get3A_2337 : i32 to index
        %get3A_2340 = arith.index_cast %add3A_2325 : i32 to index
        %get3A_2341 = tpu.vector_load %arg5[%get3A_2338, %get3A_2339, %get3A_2340] {strides = array<i32>} : memref<4x8x1536xf32, #tpu.memory_space<vmem>>, vector<16xf32>,
        %mul3A_2342 = arith.mulf %get3A_2341, %sub3A_2335 : vector<16xf32>
        %add3A_2343 = arith.addf %scan3A_2314, %mul3A_2342 : vector<16xf32>
        %get3A_2344 = arith.constant 2 : i32
        %get3A_2345 = arith.constant 1 : i32
        %get3A_2346 = arith.index_cast %get3A_2344 : i32 to index
        %get3A_2347 = arith.index_cast %get3A_2345 : i32 to index
        %get3A_2348 = arith.index_cast %add3A_2325 : i32 to index
        %get3A_2349 = tpu.vector_load %arg5[%get3A_2346, %get3A_2347, %get3A_2348] {strides = array<i32>} : memref<4x8x1536xf32, #tpu.memory_space<vmem>>, vector<16xf32>,
        %mul3A_2350 = arith.mulf %get3A_2349, %sub3A_2335 : vector<16xf32>
        %add3A_2351 = arith.addf %scan3A_2315, %mul3A_2350 : vector<16xf32>
        %get3A_2352 = arith.constant 2 : i32
        %get3A_2353 = arith.constant 2 : i32
        %get3A_2354 = arith.index_cast %get3A_2352 : i32 to index
        %get3A_2355 = arith.index_cast %get3A_2353 : i32 to index
        %get3A_2356 = arith.index_cast %add3A_2325 : i32 to index
        %get3A_2357 = tpu.vector_load %arg5[%get3A_2354, %get3A_2355, %get3A_2356] {strides = array<i32>} : memref<4x8x1536xf32, #tpu.memory_space<vmem>>, vector<16xf32>,
        %mul3A_2358 = arith.mulf %get3A_2357, %sub3A_2335 : vector<16xf32>
        %add3A_2359 = arith.addf %scan3A_2316, %mul3A_2358 : vector<16xf32>
        %get3A_2360 = arith.constant 2 : i32
        %get3A_2361 = arith.constant 3 : i32
        %get3A_2362 = arith.index_cast %get3A_2360 : i32 to index
        %get3A_2363 = arith.index_cast %get3A_2361 : i32 to index
        %get3A_2364 = arith.index_cast %add3A_2325 : i32 to index
        %get3A_2365 = tpu.vector_load %arg5[%get3A_2362, %get3A_2363, %get3A_2364] {strides = array<i32>} : memref<4x8x1536xf32, #tpu.memory_space<vmem>>, vector<16xf32>,
        %mul3A_2366 = arith.mulf %get3A_2365, %sub3A_2335 : vector<16xf32>
        %add3A_2367 = arith.addf %scan3A_2317, %mul3A_2366 : vector<16xf32>
        %get3A_2368 = arith.constant 2 : i32
        %get3A_2369 = arith.constant 4 : i32
        %get3A_2370 = arith.index_cast %get3A_2368 : i32 to index
        %get3A_2371 = arith.index_cast %get3A_2369 : i32 to index
        %get3A_2372 = arith.index_cast %add3A_2325 : i32 to index
        %get3A_2373 = tpu.vector_load %arg5[%get3A_2370, %get3A_2371, %get3A_2372] {strides = array<i32>} : memref<4x8x1536xf32, #tpu.memory_space<vmem>>, vector<16xf32>,
        %mul3A_2374 = arith.mulf %get3A_2373, %sub3A_2335 : vector<16xf32>
        %add3A_2375 = arith.addf %scan3A_2318, %mul3A_2374 : vector<16xf32>
        %get3A_2376 = arith.constant 2 : i32
        %get3A_2377 = arith.constant 5 : i32
        %get3A_2378 = arith.index_cast %get3A_2376 : i32 to index
        %get3A_2379 = arith.index_cast %get3A_2377 : i32 to index
        %get3A_2380 = arith.index_cast %add3A_2325 : i32 to index
        %get3A_2381 = tpu.vector_load %arg5[%get3A_2378, %get3A_2379, %get3A_2380] {strides = array<i32>} : memref<4x8x1536xf32, #tpu.memory_space<vmem>>, vector<16xf32>,
        %mul3A_2382 = arith.mulf %get3A_2381, %sub3A_2335 : vector<16xf32>
        %add3A_2383 = arith.addf %scan3A_2319, %mul3A_2382 : vector<16xf32>
        %get3A_2384 = arith.constant 2 : i32
        %get3A_2385 = arith.constant 6 : i32
        %get3A_2386 = arith.index_cast %get3A_2384 : i32 to index
        %get3A_2387 = arith.index_cast %get3A_2385 : i32 to index
        %get3A_2388 = arith.index_cast %add3A_2325 : i32 to index
        %get3A_2389 = tpu.vector_load %arg5[%get3A_2386, %get3A_2387, %get3A_2388] {strides = array<i32>} : memref<4x8x1536xf32, #tpu.memory_space<vmem>>, vector<16xf32>,
        %mul3A_2390 = arith.mulf %get3A_2389, %sub3A_2335 : vector<16xf32>
        %add3A_2391 = arith.addf %scan3A_2320, %mul3A_2390 : vector<16xf32>
        %get3A_2392 = arith.constant 2 : i32
        %get3A_2393 = arith.constant 7 : i32
        %get3A_2394 = arith.index_cast %get3A_2392 : i32 to index
        %get3A_2395 = arith.index_cast %get3A_2393 : i32 to index
        %get3A_2396 = arith.index_cast %add3A_2325 : i32 to index
        %get3A_2397 = tpu.vector_load %arg5[%get3A_2394, %get3A_2395, %get3A_2396] {strides = array<i32>} : memref<4x8x1536xf32, #tpu.memory_space<vmem>>, vector<16xf32>,
        %mul3A_2398 = arith.mulf %get3A_2397, %sub3A_2335 : vector<16xf32>
        %add3A_2399 = arith.addf %scan3A_2321, %mul3A_2398 : vector<16xf32>
        scf.yield %add3A_2343, %add3A_2351, %add3A_2359, %add3A_2367, %add3A_2375, %add3A_2383, %add3A_2391, %add3A_2399 : vector<16xf32>, vector<16xf32>, vector<16xf32>, vector<16xf32>, vector<16xf32>, vector<16xf32>, vector<16xf32>, vector<16xf32>
      }
      %scan3A_1495 = arith.constant 16 : i32
      %jit3A_1496 = arith.constant 4 : i32
      %eq3A_1497 = arith.constant 0 : i32
      %eq3A_1498 = arith.cmpi eq, %jit3A_1496, %eq3A_1497 : i32
      %jit3A_1499 = arith.constant 1 : i32
      %select_n3A_1500 = arith.select %eq3A_1498, %jit3A_1499, %jit3A_1496 : i32
      %rem3A_1501 = arith.remsi %select_n3A_1230, %select_n3A_1500 : i32
      %ne3A_1502 = arith.constant 0 : i32
      %ne3A_1503 = arith.cmpi ne, %rem3A_1501, %ne3A_1502 : i32
      %lt3A_1504 = arith.constant 0 : i32
      %lt3A_1505 = arith.cmpi slt, %rem3A_1501, %lt3A_1504 : i32
      %lt3A_1506 = arith.constant 0 : i32
      %lt3A_1507 = arith.cmpi slt, %select_n3A_1500, %lt3A_1506 : i32
      %ne3A_1508 = arith.xori %lt3A_1505, %lt3A_1507 : i1
      %and3A_1509 = arith.andi %ne3A_1508, %ne3A_1503 : i1
      %add3A_1510 = arith.addi %rem3A_1501, %select_n3A_1500 : i32
      %select_n3A_1511 = arith.select %and3A_1509, %add3A_1510, %rem3A_1501 : i32
      %mul3A_1512 = arith.constant 4 : i32
      %mul3A_1513 = arith.muli %select_n3A_1511, %mul3A_1512 : i32
      %add3A_1514 = arith.constant 2 : i32
      %add3A_1515 = arith.addi %mul3A_1513, %add3A_1514 : i32
      %add3A_1516 = arith.constant 0 : i32
      %add3A_1517 = arith.addi %add3A_1515, %add3A_1516 : i32
      %eq3A_1518 = vector.broadcast %add3A_1517 : i32 to vector<16xi32>
      %eq3A_1519 = arith.cmpi eq, %iota3A, %eq3A_1518 : vector<16xi32>
      %reduce_sum3A_1520 = arith.constant true
      %reduce_sum3A_1521 = vector.broadcast %reduce_sum3A_1520 : i1 to vector<16xi1>
      %reduce_sum3A_1522 = tpu.scan <sum>, %scan3A_1494#0 masked %reduce_sum3A_1521 : vector<16xf32>, vector<16xi1> -> vector<16xf32>
      %reduce_sum3A_1523 = vector.extract %reduce_sum3A_1522[15] : f32 from vector<16xf32>
      %broadcast_in_dim3A_1524 = vector.broadcast %reduce_sum3A_1523 : f32 to vector<16xf32>
      %select_n3A_1525 = arith.select %eq3A_1519, %broadcast_in_dim3A_1524, %select_n3A_1417 : vector<16xi1>, vector<16xf32>
      %eq3A_1526 = vector.broadcast %add3A_1517 : i32 to vector<16xi32>
      %eq3A_1527 = arith.cmpi eq, %iota3A, %eq3A_1526 : vector<16xi32>
      %reduce_sum3A_1528 = arith.constant true
      %reduce_sum3A_1529 = vector.broadcast %reduce_sum3A_1528 : i1 to vector<16xi1>
      %reduce_sum3A_1530 = tpu.scan <sum>, %scan3A_1494#1 masked %reduce_sum3A_1529 : vector<16xf32>, vector<16xi1> -> vector<16xf32>
      %reduce_sum3A_1531 = vector.extract %reduce_sum3A_1530[15] : f32 from vector<16xf32>
      %broadcast_in_dim3A_1532 = vector.broadcast %reduce_sum3A_1531 : f32 to vector<16xf32>
      %select_n3A_1533 = arith.select %eq3A_1527, %broadcast_in_dim3A_1532, %select_n3A_1425 : vector<16xi1>, vector<16xf32>
      %eq3A_1534 = vector.broadcast %add3A_1517 : i32 to vector<16xi32>
      %eq3A_1535 = arith.cmpi eq, %iota3A, %eq3A_1534 : vector<16xi32>
      %reduce_sum3A_1536 = arith.constant true
      %reduce_sum3A_1537 = vector.broadcast %reduce_sum3A_1536 : i1 to vector<16xi1>
      %reduce_sum3A_1538 = tpu.scan <sum>, %scan3A_1494#2 masked %reduce_sum3A_1537 : vector<16xf32>, vector<16xi1> -> vector<16xf32>
      %reduce_sum3A_1539 = vector.extract %reduce_sum3A_1538[15] : f32 from vector<16xf32>
      %broadcast_in_dim3A_1540 = vector.broadcast %reduce_sum3A_1539 : f32 to vector<16xf32>
      %select_n3A_1541 = arith.select %eq3A_1535, %broadcast_in_dim3A_1540, %select_n3A_1433 : vector<16xi1>, vector<16xf32>
      %eq3A_1542 = vector.broadcast %add3A_1517 : i32 to vector<16xi32>
      %eq3A_1543 = arith.cmpi eq, %iota3A, %eq3A_1542 : vector<16xi32>
      %reduce_sum3A_1544 = arith.constant true
      %reduce_sum3A_1545 = vector.broadcast %reduce_sum3A_1544 : i1 to vector<16xi1>
      %reduce_sum3A_1546 = tpu.scan <sum>, %scan3A_1494#3 masked %reduce_sum3A_1545 : vector<16xf32>, vector<16xi1> -> vector<16xf32>
      %reduce_sum3A_1547 = vector.extract %reduce_sum3A_1546[15] : f32 from vector<16xf32>
      %broadcast_in_dim3A_1548 = vector.broadcast %reduce_sum3A_1547 : f32 to vector<16xf32>
      %select_n3A_1549 = arith.select %eq3A_1543, %broadcast_in_dim3A_1548, %select_n3A_1441 : vector<16xi1>, vector<16xf32>
      %eq3A_1550 = vector.broadcast %add3A_1517 : i32 to vector<16xi32>
      %eq3A_1551 = arith.cmpi eq, %iota3A, %eq3A_1550 : vector<16xi32>
      %reduce_sum3A_1552 = arith.constant true
      %reduce_sum3A_1553 = vector.broadcast %reduce_sum3A_1552 : i1 to vector<16xi1>
      %reduce_sum3A_1554 = tpu.scan <sum>, %scan3A_1494#4 masked %reduce_sum3A_1553 : vector<16xf32>, vector<16xi1> -> vector<16xf32>
      %reduce_sum3A_1555 = vector.extract %reduce_sum3A_1554[15] : f32 from vector<16xf32>
      %broadcast_in_dim3A_1556 = vector.broadcast %reduce_sum3A_1555 : f32 to vector<16xf32>
      %select_n3A_1557 = arith.select %eq3A_1551, %broadcast_in_dim3A_1556, %select_n3A_1449 : vector<16xi1>, vector<16xf32>
      %eq3A_1558 = vector.broadcast %add3A_1517 : i32 to vector<16xi32>
      %eq3A_1559 = arith.cmpi eq, %iota3A, %eq3A_1558 : vector<16xi32>
      %reduce_sum3A_1560 = arith.constant true
      %reduce_sum3A_1561 = vector.broadcast %reduce_sum3A_1560 : i1 to vector<16xi1>
      %reduce_sum3A_1562 = tpu.scan <sum>, %scan3A_1494#5 masked %reduce_sum3A_1561 : vector<16xf32>, vector<16xi1> -> vector<16xf32>
      %reduce_sum3A_1563 = vector.extract %reduce_sum3A_1562[15] : f32 from vector<16xf32>
      %broadcast_in_dim3A_1564 = vector.broadcast %reduce_sum3A_1563 : f32 to vector<16xf32>
      %select_n3A_1565 = arith.select %eq3A_1559, %broadcast_in_dim3A_1564, %select_n3A_1457 : vector<16xi1>, vector<16xf32>
      %eq3A_1566 = vector.broadcast %add3A_1517 : i32 to vector<16xi32>
      %eq3A_1567 = arith.cmpi eq, %iota3A, %eq3A_1566 : vector<16xi32>
      %reduce_sum3A_1568 = arith.constant true
      %reduce_sum3A_1569 = vector.broadcast %reduce_sum3A_1568 : i1 to vector<16xi1>
      %reduce_sum3A_1570 = tpu.scan <sum>, %scan3A_1494#6 masked %reduce_sum3A_1569 : vector<16xf32>, vector<16xi1> -> vector<16xf32>
      %reduce_sum3A_1571 = vector.extract %reduce_sum3A_1570[15] : f32 from vector<16xf32>
      %broadcast_in_dim3A_1572 = vector.broadcast %reduce_sum3A_1571 : f32 to vector<16xf32>
      %select_n3A_1573 = arith.select %eq3A_1567, %broadcast_in_dim3A_1572, %select_n3A_1465 : vector<16xi1>, vector<16xf32>
      %eq3A_1574 = vector.broadcast %add3A_1517 : i32 to vector<16xi32>
      %eq3A_1575 = arith.cmpi eq, %iota3A, %eq3A_1574 : vector<16xi32>
      %reduce_sum3A_1576 = arith.constant true
      %reduce_sum3A_1577 = vector.broadcast %reduce_sum3A_1576 : i1 to vector<16xi1>
      %reduce_sum3A_1578 = tpu.scan <sum>, %scan3A_1494#7 masked %reduce_sum3A_1577 : vector<16xf32>, vector<16xi1> -> vector<16xf32>
      %reduce_sum3A_1579 = vector.extract %reduce_sum3A_1578[15] : f32 from vector<16xf32>
      %broadcast_in_dim3A_1580 = vector.broadcast %reduce_sum3A_1579 : f32 to vector<16xf32>
      %select_n3A_1581 = arith.select %eq3A_1575, %broadcast_in_dim3A_1580, %select_n3A_1473 : vector<16xi1>, vector<16xf32>
      %broadcast_in_dim3A_1582 = arith.constant 0.000000e+00 : f32
      %broadcast_in_dim3A_1583 = vector.broadcast %broadcast_in_dim3A_1582 : f32 to vector<16xf32>
      %broadcast_in_dim3A_1584 = arith.constant 0.000000e+00 : f32
      %broadcast_in_dim3A_1585 = vector.broadcast %broadcast_in_dim3A_1584 : f32 to vector<16xf32>
      %broadcast_in_dim3A_1586 = arith.constant 0.000000e+00 : f32
      %broadcast_in_dim3A_1587 = vector.broadcast %broadcast_in_dim3A_1586 : f32 to vector<16xf32>
      %broadcast_in_dim3A_1588 = arith.constant 0.000000e+00 : f32
      %broadcast_in_dim3A_1589 = vector.broadcast %broadcast_in_dim3A_1588 : f32 to vector<16xf32>
      %broadcast_in_dim3A_1590 = arith.constant 0.000000e+00 : f32
      %broadcast_in_dim3A_1591 = vector.broadcast %broadcast_in_dim3A_1590 : f32 to vector<16xf32>
      %broadcast_in_dim3A_1592 = arith.constant 0.000000e+00 : f32
      %broadcast_in_dim3A_1593 = vector.broadcast %broadcast_in_dim3A_1592 : f32 to vector<16xf32>
      %broadcast_in_dim3A_1594 = arith.constant 0.000000e+00 : f32
      %broadcast_in_dim3A_1595 = vector.broadcast %broadcast_in_dim3A_1594 : f32 to vector<16xf32>
      %broadcast_in_dim3A_1596 = arith.constant 0.000000e+00 : f32
      %broadcast_in_dim3A_1597 = vector.broadcast %broadcast_in_dim3A_1596 : f32 to vector<16xf32>
      %scan3A_1598 = arith.constant 0 : i32
      %scan3A_1599 = arith.constant 32 : i32
      %scan3A_1600 = arith.addi %scan3A_1598, %scan3A_1599 : i32
      %scan3A_1601 = arith.constant 1 : i32
      %scan3A_1602:8 = scf.for %scan3A_2313 = %scan3A_1598 to %scan3A_1600 step %scan3A_1601 iter_args(%scan3A_2314 = %broadcast_in_dim3A_1583, %scan3A_2315 = %broadcast_in_dim3A_1585, %scan3A_2316 = %broadcast_in_dim3A_1587, %scan3A_2317 = %broadcast_in_dim3A_1589, %scan3A_2318 = %broadcast_in_dim3A_1591, %scan3A_2319 = %broadcast_in_dim3A_1593, %scan3A_2320 = %broadcast_in_dim3A_1595, %scan3A_2321 = %broadcast_in_dim3A_1597) -> (vector<16xf32>, vector<16xf32>, vector<16xf32>, vector<16xf32>, vector<16xf32>, vector<16xf32>, vector<16xf32>, vector<16xf32>)  : i32 {
        %mul3A_2322 = arith.constant 16 : i32
        %mul3A_2323 = arith.muli %scan3A_2313, %mul3A_2322 : i32
        %add3A_2324 = arith.constant 1024 : i32
        %add3A_2325 = arith.addi %add3A_2324, %mul3A_2323 : i32
        %add3A_2326 = arith.addi %mul3A_1257, %add3A_2325 : i32
        %get3A = arith.index_cast %add3A_2326 : i32 to index
        %get3A_2327 = tpu.vector_load %arg6[%get3A] {strides = array<i32>} : memref<12288xf32, #tpu.memory_space<vmem>>, vector<16xf32>,
        %max3A = arith.constant 0.000000e+00 : f32
        %max3A_2328 = vector.broadcast %max3A : f32 to vector<16xf32>
        %max3A_2329 = arith.maximumf %get3A_2327, %max3A_2328 : vector<16xf32>
        %add3A_2330 = arith.constant 0x4B000000 : f32
        %add3A_2331 = vector.broadcast %add3A_2330 : f32 to vector<16xf32>
        %add3A_2332 = arith.addf %max3A_2329, %add3A_2331 : vector<16xf32>
        %sub3A_2333 = arith.constant 0x4B000000 : f32
        %sub3A_2334 = vector.broadcast %sub3A_2333 : f32 to vector<16xf32>
        %sub3A_2335 = arith.subf %add3A_2332, %sub3A_2334 : vector<16xf32>
        %get3A_2336 = arith.constant 2 : i32
        %get3A_2337 = arith.constant 0 : i32
        %get3A_2338 = arith.index_cast %get3A_2336 : i32 to index
        %get3A_2339 = arith.index_cast %get3A_2337 : i32 to index
        %get3A_2340 = arith.index_cast %add3A_2325 : i32 to index
        %get3A_2341 = tpu.vector_load %arg5[%get3A_2338, %get3A_2339, %get3A_2340] {strides = array<i32>} : memref<4x8x1536xf32, #tpu.memory_space<vmem>>, vector<16xf32>,
        %mul3A_2342 = arith.mulf %get3A_2341, %sub3A_2335 : vector<16xf32>
        %add3A_2343 = arith.addf %scan3A_2314, %mul3A_2342 : vector<16xf32>
        %get3A_2344 = arith.constant 2 : i32
        %get3A_2345 = arith.constant 1 : i32
        %get3A_2346 = arith.index_cast %get3A_2344 : i32 to index
        %get3A_2347 = arith.index_cast %get3A_2345 : i32 to index
        %get3A_2348 = arith.index_cast %add3A_2325 : i32 to index
        %get3A_2349 = tpu.vector_load %arg5[%get3A_2346, %get3A_2347, %get3A_2348] {strides = array<i32>} : memref<4x8x1536xf32, #tpu.memory_space<vmem>>, vector<16xf32>,
        %mul3A_2350 = arith.mulf %get3A_2349, %sub3A_2335 : vector<16xf32>
        %add3A_2351 = arith.addf %scan3A_2315, %mul3A_2350 : vector<16xf32>
        %get3A_2352 = arith.constant 2 : i32
        %get3A_2353 = arith.constant 2 : i32
        %get3A_2354 = arith.index_cast %get3A_2352 : i32 to index
        %get3A_2355 = arith.index_cast %get3A_2353 : i32 to index
        %get3A_2356 = arith.index_cast %add3A_2325 : i32 to index
        %get3A_2357 = tpu.vector_load %arg5[%get3A_2354, %get3A_2355, %get3A_2356] {strides = array<i32>} : memref<4x8x1536xf32, #tpu.memory_space<vmem>>, vector<16xf32>,
        %mul3A_2358 = arith.mulf %get3A_2357, %sub3A_2335 : vector<16xf32>
        %add3A_2359 = arith.addf %scan3A_2316, %mul3A_2358 : vector<16xf32>
        %get3A_2360 = arith.constant 2 : i32
        %get3A_2361 = arith.constant 3 : i32
        %get3A_2362 = arith.index_cast %get3A_2360 : i32 to index
        %get3A_2363 = arith.index_cast %get3A_2361 : i32 to index
        %get3A_2364 = arith.index_cast %add3A_2325 : i32 to index
        %get3A_2365 = tpu.vector_load %arg5[%get3A_2362, %get3A_2363, %get3A_2364] {strides = array<i32>} : memref<4x8x1536xf32, #tpu.memory_space<vmem>>, vector<16xf32>,
        %mul3A_2366 = arith.mulf %get3A_2365, %sub3A_2335 : vector<16xf32>
        %add3A_2367 = arith.addf %scan3A_2317, %mul3A_2366 : vector<16xf32>
        %get3A_2368 = arith.constant 2 : i32
        %get3A_2369 = arith.constant 4 : i32
        %get3A_2370 = arith.index_cast %get3A_2368 : i32 to index
        %get3A_2371 = arith.index_cast %get3A_2369 : i32 to index
        %get3A_2372 = arith.index_cast %add3A_2325 : i32 to index
        %get3A_2373 = tpu.vector_load %arg5[%get3A_2370, %get3A_2371, %get3A_2372] {strides = array<i32>} : memref<4x8x1536xf32, #tpu.memory_space<vmem>>, vector<16xf32>,
        %mul3A_2374 = arith.mulf %get3A_2373, %sub3A_2335 : vector<16xf32>
        %add3A_2375 = arith.addf %scan3A_2318, %mul3A_2374 : vector<16xf32>
        %get3A_2376 = arith.constant 2 : i32
        %get3A_2377 = arith.constant 5 : i32
        %get3A_2378 = arith.index_cast %get3A_2376 : i32 to index
        %get3A_2379 = arith.index_cast %get3A_2377 : i32 to index
        %get3A_2380 = arith.index_cast %add3A_2325 : i32 to index
        %get3A_2381 = tpu.vector_load %arg5[%get3A_2378, %get3A_2379, %get3A_2380] {strides = array<i32>} : memref<4x8x1536xf32, #tpu.memory_space<vmem>>, vector<16xf32>,
        %mul3A_2382 = arith.mulf %get3A_2381, %sub3A_2335 : vector<16xf32>
        %add3A_2383 = arith.addf %scan3A_2319, %mul3A_2382 : vector<16xf32>
        %get3A_2384 = arith.constant 2 : i32
        %get3A_2385 = arith.constant 6 : i32
        %get3A_2386 = arith.index_cast %get3A_2384 : i32 to index
        %get3A_2387 = arith.index_cast %get3A_2385 : i32 to index
        %get3A_2388 = arith.index_cast %add3A_2325 : i32 to index
        %get3A_2389 = tpu.vector_load %arg5[%get3A_2386, %get3A_2387, %get3A_2388] {strides = array<i32>} : memref<4x8x1536xf32, #tpu.memory_space<vmem>>, vector<16xf32>,
        %mul3A_2390 = arith.mulf %get3A_2389, %sub3A_2335 : vector<16xf32>
        %add3A_2391 = arith.addf %scan3A_2320, %mul3A_2390 : vector<16xf32>
        %get3A_2392 = arith.constant 2 : i32
        %get3A_2393 = arith.constant 7 : i32
        %get3A_2394 = arith.index_cast %get3A_2392 : i32 to index
        %get3A_2395 = arith.index_cast %get3A_2393 : i32 to index
        %get3A_2396 = arith.index_cast %add3A_2325 : i32 to index
        %get3A_2397 = tpu.vector_load %arg5[%get3A_2394, %get3A_2395, %get3A_2396] {strides = array<i32>} : memref<4x8x1536xf32, #tpu.memory_space<vmem>>, vector<16xf32>,
        %mul3A_2398 = arith.mulf %get3A_2397, %sub3A_2335 : vector<16xf32>
        %add3A_2399 = arith.addf %scan3A_2321, %mul3A_2398 : vector<16xf32>
        scf.yield %add3A_2343, %add3A_2351, %add3A_2359, %add3A_2367, %add3A_2375, %add3A_2383, %add3A_2391, %add3A_2399 : vector<16xf32>, vector<16xf32>, vector<16xf32>, vector<16xf32>, vector<16xf32>, vector<16xf32>, vector<16xf32>, vector<16xf32>
      }
      %scan3A_1603 = arith.constant 32 : i32
      %jit3A_1604 = arith.constant 4 : i32
      %eq3A_1605 = arith.constant 0 : i32
      %eq3A_1606 = arith.cmpi eq, %jit3A_1604, %eq3A_1605 : i32
      %jit3A_1607 = arith.constant 1 : i32
      %select_n3A_1608 = arith.select %eq3A_1606, %jit3A_1607, %jit3A_1604 : i32
      %rem3A_1609 = arith.remsi %select_n3A_1230, %select_n3A_1608 : i32
      %ne3A_1610 = arith.constant 0 : i32
      %ne3A_1611 = arith.cmpi ne, %rem3A_1609, %ne3A_1610 : i32
      %lt3A_1612 = arith.constant 0 : i32
      %lt3A_1613 = arith.cmpi slt, %rem3A_1609, %lt3A_1612 : i32
      %lt3A_1614 = arith.constant 0 : i32
      %lt3A_1615 = arith.cmpi slt, %select_n3A_1608, %lt3A_1614 : i32
      %ne3A_1616 = arith.xori %lt3A_1613, %lt3A_1615 : i1
      %and3A_1617 = arith.andi %ne3A_1616, %ne3A_1611 : i1
      %add3A_1618 = arith.addi %rem3A_1609, %select_n3A_1608 : i32
      %select_n3A_1619 = arith.select %and3A_1617, %add3A_1618, %rem3A_1609 : i32
      %mul3A_1620 = arith.constant 4 : i32
      %mul3A_1621 = arith.muli %select_n3A_1619, %mul3A_1620 : i32
      %add3A_1622 = arith.constant 2 : i32
      %add3A_1623 = arith.addi %mul3A_1621, %add3A_1622 : i32
      %add3A_1624 = arith.constant 1 : i32
      %add3A_1625 = arith.addi %add3A_1623, %add3A_1624 : i32
      %eq3A_1626 = vector.broadcast %add3A_1625 : i32 to vector<16xi32>
      %eq3A_1627 = arith.cmpi eq, %iota3A, %eq3A_1626 : vector<16xi32>
      %reduce_sum3A_1628 = arith.constant true
      %reduce_sum3A_1629 = vector.broadcast %reduce_sum3A_1628 : i1 to vector<16xi1>
      %reduce_sum3A_1630 = tpu.scan <sum>, %scan3A_1602#0 masked %reduce_sum3A_1629 : vector<16xf32>, vector<16xi1> -> vector<16xf32>
      %reduce_sum3A_1631 = vector.extract %reduce_sum3A_1630[15] : f32 from vector<16xf32>
      %broadcast_in_dim3A_1632 = vector.broadcast %reduce_sum3A_1631 : f32 to vector<16xf32>
      %select_n3A_1633 = arith.select %eq3A_1627, %broadcast_in_dim3A_1632, %select_n3A_1525 : vector<16xi1>, vector<16xf32>
      %eq3A_1634 = vector.broadcast %add3A_1625 : i32 to vector<16xi32>
      %eq3A_1635 = arith.cmpi eq, %iota3A, %eq3A_1634 : vector<16xi32>
      %reduce_sum3A_1636 = arith.constant true
      %reduce_sum3A_1637 = vector.broadcast %reduce_sum3A_1636 : i1 to vector<16xi1>
      %reduce_sum3A_1638 = tpu.scan <sum>, %scan3A_1602#1 masked %reduce_sum3A_1637 : vector<16xf32>, vector<16xi1> -> vector<16xf32>
      %reduce_sum3A_1639 = vector.extract %reduce_sum3A_1638[15] : f32 from vector<16xf32>
      %broadcast_in_dim3A_1640 = vector.broadcast %reduce_sum3A_1639 : f32 to vector<16xf32>
      %select_n3A_1641 = arith.select %eq3A_1635, %broadcast_in_dim3A_1640, %select_n3A_1533 : vector<16xi1>, vector<16xf32>
      %eq3A_1642 = vector.broadcast %add3A_1625 : i32 to vector<16xi32>
      %eq3A_1643 = arith.cmpi eq, %iota3A, %eq3A_1642 : vector<16xi32>
      %reduce_sum3A_1644 = arith.constant true
      %reduce_sum3A_1645 = vector.broadcast %reduce_sum3A_1644 : i1 to vector<16xi1>
      %reduce_sum3A_1646 = tpu.scan <sum>, %scan3A_1602#2 masked %reduce_sum3A_1645 : vector<16xf32>, vector<16xi1> -> vector<16xf32>
      %reduce_sum3A_1647 = vector.extract %reduce_sum3A_1646[15] : f32 from vector<16xf32>
      %broadcast_in_dim3A_1648 = vector.broadcast %reduce_sum3A_1647 : f32 to vector<16xf32>
      %select_n3A_1649 = arith.select %eq3A_1643, %broadcast_in_dim3A_1648, %select_n3A_1541 : vector<16xi1>, vector<16xf32>
      %eq3A_1650 = vector.broadcast %add3A_1625 : i32 to vector<16xi32>
      %eq3A_1651 = arith.cmpi eq, %iota3A, %eq3A_1650 : vector<16xi32>
      %reduce_sum3A_1652 = arith.constant true
      %reduce_sum3A_1653 = vector.broadcast %reduce_sum3A_1652 : i1 to vector<16xi1>
      %reduce_sum3A_1654 = tpu.scan <sum>, %scan3A_1602#3 masked %reduce_sum3A_1653 : vector<16xf32>, vector<16xi1> -> vector<16xf32>
      %reduce_sum3A_1655 = vector.extract %reduce_sum3A_1654[15] : f32 from vector<16xf32>
      %broadcast_in_dim3A_1656 = vector.broadcast %reduce_sum3A_1655 : f32 to vector<16xf32>
      %select_n3A_1657 = arith.select %eq3A_1651, %broadcast_in_dim3A_1656, %select_n3A_1549 : vector<16xi1>, vector<16xf32>
      %eq3A_1658 = vector.broadcast %add3A_1625 : i32 to vector<16xi32>
      %eq3A_1659 = arith.cmpi eq, %iota3A, %eq3A_1658 : vector<16xi32>
      %reduce_sum3A_1660 = arith.constant true
      %reduce_sum3A_1661 = vector.broadcast %reduce_sum3A_1660 : i1 to vector<16xi1>
      %reduce_sum3A_1662 = tpu.scan <sum>, %scan3A_1602#4 masked %reduce_sum3A_1661 : vector<16xf32>, vector<16xi1> -> vector<16xf32>
      %reduce_sum3A_1663 = vector.extract %reduce_sum3A_1662[15] : f32 from vector<16xf32>
      %broadcast_in_dim3A_1664 = vector.broadcast %reduce_sum3A_1663 : f32 to vector<16xf32>
      %select_n3A_1665 = arith.select %eq3A_1659, %broadcast_in_dim3A_1664, %select_n3A_1557 : vector<16xi1>, vector<16xf32>
      %eq3A_1666 = vector.broadcast %add3A_1625 : i32 to vector<16xi32>
      %eq3A_1667 = arith.cmpi eq, %iota3A, %eq3A_1666 : vector<16xi32>
      %reduce_sum3A_1668 = arith.constant true
      %reduce_sum3A_1669 = vector.broadcast %reduce_sum3A_1668 : i1 to vector<16xi1>
      %reduce_sum3A_1670 = tpu.scan <sum>, %scan3A_1602#5 masked %reduce_sum3A_1669 : vector<16xf32>, vector<16xi1> -> vector<16xf32>
      %reduce_sum3A_1671 = vector.extract %reduce_sum3A_1670[15] : f32 from vector<16xf32>
      %broadcast_in_dim3A_1672 = vector.broadcast %reduce_sum3A_1671 : f32 to vector<16xf32>
      %select_n3A_1673 = arith.select %eq3A_1667, %broadcast_in_dim3A_1672, %select_n3A_1565 : vector<16xi1>, vector<16xf32>
      %eq3A_1674 = vector.broadcast %add3A_1625 : i32 to vector<16xi32>
      %eq3A_1675 = arith.cmpi eq, %iota3A, %eq3A_1674 : vector<16xi32>
      %reduce_sum3A_1676 = arith.constant true
      %reduce_sum3A_1677 = vector.broadcast %reduce_sum3A_1676 : i1 to vector<16xi1>
      %reduce_sum3A_1678 = tpu.scan <sum>, %scan3A_1602#6 masked %reduce_sum3A_1677 : vector<16xf32>, vector<16xi1> -> vector<16xf32>
      %reduce_sum3A_1679 = vector.extract %reduce_sum3A_1678[15] : f32 from vector<16xf32>
      %broadcast_in_dim3A_1680 = vector.broadcast %reduce_sum3A_1679 : f32 to vector<16xf32>
      %select_n3A_1681 = arith.select %eq3A_1675, %broadcast_in_dim3A_1680, %select_n3A_1573 : vector<16xi1>, vector<16xf32>
      %eq3A_1682 = vector.broadcast %add3A_1625 : i32 to vector<16xi32>
      %eq3A_1683 = arith.cmpi eq, %iota3A, %eq3A_1682 : vector<16xi32>
      %reduce_sum3A_1684 = arith.constant true
      %reduce_sum3A_1685 = vector.broadcast %reduce_sum3A_1684 : i1 to vector<16xi1>
      %reduce_sum3A_1686 = tpu.scan <sum>, %scan3A_1602#7 masked %reduce_sum3A_1685 : vector<16xf32>, vector<16xi1> -> vector<16xf32>
      %reduce_sum3A_1687 = vector.extract %reduce_sum3A_1686[15] : f32 from vector<16xf32>
      %broadcast_in_dim3A_1688 = vector.broadcast %reduce_sum3A_1687 : f32 to vector<16xf32>
      %select_n3A_1689 = arith.select %eq3A_1683, %broadcast_in_dim3A_1688, %select_n3A_1581 : vector<16xi1>, vector<16xf32>
      %jit3A_1690 = arith.constant 4 : i32
      %eq3A_1691 = arith.constant 0 : i32
      %eq3A_1692 = arith.cmpi eq, %jit3A_1690, %eq3A_1691 : i32
      %jit3A_1693 = arith.constant 1 : i32
      %select_n3A_1694 = arith.select %eq3A_1692, %jit3A_1693, %jit3A_1690 : i32
      %rem3A_1695 = arith.remsi %select_n3A_1230, %select_n3A_1694 : i32
      %ne3A_1696 = arith.constant 0 : i32
      %ne3A_1697 = arith.cmpi ne, %rem3A_1695, %ne3A_1696 : i32
      %lt3A_1698 = arith.constant 0 : i32
      %lt3A_1699 = arith.cmpi slt, %rem3A_1695, %lt3A_1698 : i32
      %lt3A_1700 = arith.constant 0 : i32
      %lt3A_1701 = arith.cmpi slt, %select_n3A_1694, %lt3A_1700 : i32
      %ne3A_1702 = arith.xori %lt3A_1699, %lt3A_1701 : i1
      %and3A_1703 = arith.andi %ne3A_1702, %ne3A_1697 : i1
      %add3A_1704 = arith.addi %rem3A_1695, %select_n3A_1694 : i32
      %select_n3A_1705 = arith.select %and3A_1703, %add3A_1704, %rem3A_1695 : i32
      %eq3A_1706 = arith.constant 3 : i32
      %eq3A_1707 = arith.cmpi eq, %select_n3A_1705, %eq3A_1706 : i32
      %eq3A_1708 = arith.constant 7 : i32
      %eq3A_1709 = arith.cmpi eq, %select_n3A_1230, %eq3A_1708 : i32
      %or3A_1710 = arith.ori %eq3A_1707, %eq3A_1709 : i1
      %jit3A_1711 = arith.constant 4 : i32
      %div3A_1712 = arith.divsi %select_n3A_1230, %jit3A_1711 : i32
      %sign3A_1713 = arith.constant 0 : i32
      %sign3A_1714 = arith.cmpi sgt, %select_n3A_1230, %sign3A_1713 : i32
      %sign3A_1715 = arith.extui %sign3A_1714 : i1 to i32
      %sign3A_1716 = arith.constant 0 : i32
      %sign3A_1717 = arith.cmpi slt, %select_n3A_1230, %sign3A_1716 : i32
      %sign3A_1718 = arith.extui %sign3A_1717 : i1 to i32
      %sign3A_1719 = arith.subi %sign3A_1715, %sign3A_1718 : i32
      %sign3A_1720 = arith.constant 0 : i32
      %sign3A_1721 = arith.cmpi sgt, %jit3A_1711, %sign3A_1720 : i32
      %sign3A_1722 = arith.extui %sign3A_1721 : i1 to i32
      %sign3A_1723 = arith.constant 0 : i32
      %sign3A_1724 = arith.cmpi slt, %jit3A_1711, %sign3A_1723 : i32
      %sign3A_1725 = arith.extui %sign3A_1724 : i1 to i32
      %sign3A_1726 = arith.subi %sign3A_1722, %sign3A_1725 : i32
      %ne3A_1727 = arith.cmpi ne, %sign3A_1719, %sign3A_1726 : i32
      %rem3A_1728 = arith.remsi %select_n3A_1230, %jit3A_1711 : i32
      %ne3A_1729 = arith.constant 0 : i32
      %ne3A_1730 = arith.cmpi ne, %rem3A_1728, %ne3A_1729 : i32
      %and3A_1731 = arith.andi %ne3A_1727, %ne3A_1730 : i1
      %sub3A_1732 = arith.constant 1 : i32
      %sub3A_1733 = arith.subi %div3A_1712, %sub3A_1732 : i32
      %select_n3A_1734 = arith.select %and3A_1731, %sub3A_1733, %div3A_1712 : i32
      %mul3A_1735 = arith.constant 16 : i32
      %mul3A_1736 = arith.muli %select_n3A_1734, %mul3A_1735 : i32
      %convert_element_type3A_1737 = arith.extui %or3A_1710 : i1 to i32
      %cond3A_1738 = arith.constant 0 : i32
      %cond3A_1739 = arith.cmpi ne, %convert_element_type3A_1737, %cond3A_1738 : i32
      scf.if %cond3A_1739 {
        %mul3A_2313 = arith.constant 8 : i32
        %mul3A_2314 = arith.muli %select_n3A_1214, %mul3A_2313 : i32
        %add3A_2315 = arith.constant 0 : i32
        %add3A_2316 = arith.addi %mul3A_2314, %add3A_2315 : i32
        %swap3A = arith.index_cast %add3A_2316 : i32 to index
        %swap3A_2317 = arith.index_cast %mul3A_1736 : i32 to index
        %swap3A_2318 = tpu.vector_load %arg7[%swap3A, %swap3A_2317] {strides = array<i32>} : memref<32x32xf32, #tpu.memory_space<vmem>>, vector<16xf32>,
        tpu.vector_store %arg7[%swap3A, %swap3A_2317], %select_n3A_1633 {strides = array<i32>} : memref<32x32xf32, #tpu.memory_space<vmem>>, vector<16xf32>,
        %mul3A_2319 = arith.constant 8 : i32
        %mul3A_2320 = arith.muli %select_n3A_1214, %mul3A_2319 : i32
        %add3A_2321 = arith.constant 1 : i32
        %add3A_2322 = arith.addi %mul3A_2320, %add3A_2321 : i32
        %swap3A_2323 = arith.index_cast %add3A_2322 : i32 to index
        %swap3A_2324 = arith.index_cast %mul3A_1736 : i32 to index
        %swap3A_2325 = tpu.vector_load %arg7[%swap3A_2323, %swap3A_2324] {strides = array<i32>} : memref<32x32xf32, #tpu.memory_space<vmem>>, vector<16xf32>,
        tpu.vector_store %arg7[%swap3A_2323, %swap3A_2324], %select_n3A_1641 {strides = array<i32>} : memref<32x32xf32, #tpu.memory_space<vmem>>, vector<16xf32>,
        %mul3A_2326 = arith.constant 8 : i32
        %mul3A_2327 = arith.muli %select_n3A_1214, %mul3A_2326 : i32
        %add3A_2328 = arith.constant 2 : i32
        %add3A_2329 = arith.addi %mul3A_2327, %add3A_2328 : i32
        %swap3A_2330 = arith.index_cast %add3A_2329 : i32 to index
        %swap3A_2331 = arith.index_cast %mul3A_1736 : i32 to index
        %swap3A_2332 = tpu.vector_load %arg7[%swap3A_2330, %swap3A_2331] {strides = array<i32>} : memref<32x32xf32, #tpu.memory_space<vmem>>, vector<16xf32>,
        tpu.vector_store %arg7[%swap3A_2330, %swap3A_2331], %select_n3A_1649 {strides = array<i32>} : memref<32x32xf32, #tpu.memory_space<vmem>>, vector<16xf32>,
        %mul3A_2333 = arith.constant 8 : i32
        %mul3A_2334 = arith.muli %select_n3A_1214, %mul3A_2333 : i32
        %add3A_2335 = arith.constant 3 : i32
        %add3A_2336 = arith.addi %mul3A_2334, %add3A_2335 : i32
        %swap3A_2337 = arith.index_cast %add3A_2336 : i32 to index
        %swap3A_2338 = arith.index_cast %mul3A_1736 : i32 to index
        %swap3A_2339 = tpu.vector_load %arg7[%swap3A_2337, %swap3A_2338] {strides = array<i32>} : memref<32x32xf32, #tpu.memory_space<vmem>>, vector<16xf32>,
        tpu.vector_store %arg7[%swap3A_2337, %swap3A_2338], %select_n3A_1657 {strides = array<i32>} : memref<32x32xf32, #tpu.memory_space<vmem>>, vector<16xf32>,
        %mul3A_2340 = arith.constant 8 : i32
        %mul3A_2341 = arith.muli %select_n3A_1214, %mul3A_2340 : i32
        %add3A_2342 = arith.constant 4 : i32
        %add3A_2343 = arith.addi %mul3A_2341, %add3A_2342 : i32
        %swap3A_2344 = arith.index_cast %add3A_2343 : i32 to index
        %swap3A_2345 = arith.index_cast %mul3A_1736 : i32 to index
        %swap3A_2346 = tpu.vector_load %arg7[%swap3A_2344, %swap3A_2345] {strides = array<i32>} : memref<32x32xf32, #tpu.memory_space<vmem>>, vector<16xf32>,
        tpu.vector_store %arg7[%swap3A_2344, %swap3A_2345], %select_n3A_1665 {strides = array<i32>} : memref<32x32xf32, #tpu.memory_space<vmem>>, vector<16xf32>,
        %mul3A_2347 = arith.constant 8 : i32
        %mul3A_2348 = arith.muli %select_n3A_1214, %mul3A_2347 : i32
        %add3A_2349 = arith.constant 5 : i32
        %add3A_2350 = arith.addi %mul3A_2348, %add3A_2349 : i32
        %swap3A_2351 = arith.index_cast %add3A_2350 : i32 to index
        %swap3A_2352 = arith.index_cast %mul3A_1736 : i32 to index
        %swap3A_2353 = tpu.vector_load %arg7[%swap3A_2351, %swap3A_2352] {strides = array<i32>} : memref<32x32xf32, #tpu.memory_space<vmem>>, vector<16xf32>,
        tpu.vector_store %arg7[%swap3A_2351, %swap3A_2352], %select_n3A_1673 {strides = array<i32>} : memref<32x32xf32, #tpu.memory_space<vmem>>, vector<16xf32>,
        %mul3A_2354 = arith.constant 8 : i32
        %mul3A_2355 = arith.muli %select_n3A_1214, %mul3A_2354 : i32
        %add3A_2356 = arith.constant 6 : i32
        %add3A_2357 = arith.addi %mul3A_2355, %add3A_2356 : i32
        %swap3A_2358 = arith.index_cast %add3A_2357 : i32 to index
        %swap3A_2359 = arith.index_cast %mul3A_1736 : i32 to index
        %swap3A_2360 = tpu.vector_load %arg7[%swap3A_2358, %swap3A_2359] {strides = array<i32>} : memref<32x32xf32, #tpu.memory_space<vmem>>, vector<16xf32>,
        tpu.vector_store %arg7[%swap3A_2358, %swap3A_2359], %select_n3A_1681 {strides = array<i32>} : memref<32x32xf32, #tpu.memory_space<vmem>>, vector<16xf32>,
        %mul3A_2361 = arith.constant 8 : i32
        %mul3A_2362 = arith.muli %select_n3A_1214, %mul3A_2361 : i32
        %add3A_2363 = arith.constant 7 : i32
        %add3A_2364 = arith.addi %mul3A_2362, %add3A_2363 : i32
        %swap3A_2365 = arith.index_cast %add3A_2364 : i32 to index
        %swap3A_2366 = arith.index_cast %mul3A_1736 : i32 to index
        %swap3A_2367 = tpu.vector_load %arg7[%swap3A_2365, %swap3A_2366] {strides = array<i32>} : memref<32x32xf32, #tpu.memory_space<vmem>>, vector<16xf32>,
        tpu.vector_store %arg7[%swap3A_2365, %swap3A_2366], %select_n3A_1689 {strides = array<i32>} : memref<32x32xf32, #tpu.memory_space<vmem>>, vector<16xf32>,
      } else {
      }
      %broadcast_in_dim3A_1740 = arith.constant 0.000000e+00 : f32
      %broadcast_in_dim3A_1741 = vector.broadcast %broadcast_in_dim3A_1740 : f32 to vector<16xf32>
      %select_n3A_1742 = arith.select %or3A_1710, %broadcast_in_dim3A_1741, %select_n3A_1633 : vector<16xf32>
      %select_n3A_1743 = arith.select %or3A_1710, %broadcast_in_dim3A_1741, %select_n3A_1641 : vector<16xf32>
      %select_n3A_1744 = arith.select %or3A_1710, %broadcast_in_dim3A_1741, %select_n3A_1649 : vector<16xf32>
      %select_n3A_1745 = arith.select %or3A_1710, %broadcast_in_dim3A_1741, %select_n3A_1657 : vector<16xf32>
      %select_n3A_1746 = arith.select %or3A_1710, %broadcast_in_dim3A_1741, %select_n3A_1665 : vector<16xf32>
      %select_n3A_1747 = arith.select %or3A_1710, %broadcast_in_dim3A_1741, %select_n3A_1673 : vector<16xf32>
      %select_n3A_1748 = arith.select %or3A_1710, %broadcast_in_dim3A_1741, %select_n3A_1681 : vector<16xf32>
      %select_n3A_1749 = arith.select %or3A_1710, %broadcast_in_dim3A_1741, %select_n3A_1689 : vector<16xf32>
      %mul3A_1750 = arith.constant 4 : i32
      %mul3A_1751 = arith.muli %scan3A_67, %mul3A_1750 : i32
      %add3A_1752 = arith.constant 3 : i32
      %add3A_1753 = arith.addi %mul3A_1751, %add3A_1752 : i32
      %jit3A_1754 = arith.constant 8 : i32
      %div3A_1755 = arith.divsi %add3A_1753, %jit3A_1754 : i32
      %sign3A_1756 = arith.constant 0 : i32
      %sign3A_1757 = arith.cmpi sgt, %add3A_1753, %sign3A_1756 : i32
      %sign3A_1758 = arith.extui %sign3A_1757 : i1 to i32
      %sign3A_1759 = arith.constant 0 : i32
      %sign3A_1760 = arith.cmpi slt, %add3A_1753, %sign3A_1759 : i32
      %sign3A_1761 = arith.extui %sign3A_1760 : i1 to i32
      %sign3A_1762 = arith.subi %sign3A_1758, %sign3A_1761 : i32
      %sign3A_1763 = arith.constant 0 : i32
      %sign3A_1764 = arith.cmpi sgt, %jit3A_1754, %sign3A_1763 : i32
      %sign3A_1765 = arith.extui %sign3A_1764 : i1 to i32
      %sign3A_1766 = arith.constant 0 : i32
      %sign3A_1767 = arith.cmpi slt, %jit3A_1754, %sign3A_1766 : i32
      %sign3A_1768 = arith.extui %sign3A_1767 : i1 to i32
      %sign3A_1769 = arith.subi %sign3A_1765, %sign3A_1768 : i32
      %ne3A_1770 = arith.cmpi ne, %sign3A_1762, %sign3A_1769 : i32
      %rem3A_1771 = arith.remsi %add3A_1753, %jit3A_1754 : i32
      %ne3A_1772 = arith.constant 0 : i32
      %ne3A_1773 = arith.cmpi ne, %rem3A_1771, %ne3A_1772 : i32
      %and3A_1774 = arith.andi %ne3A_1770, %ne3A_1773 : i1
      %sub3A_1775 = arith.constant 1 : i32
      %sub3A_1776 = arith.subi %div3A_1755, %sub3A_1775 : i32
      %select_n3A_1777 = arith.select %and3A_1774, %sub3A_1776, %div3A_1755 : i32
      %jit3A_1778 = arith.constant 8 : i32
      %eq3A_1779 = arith.constant 0 : i32
      %eq3A_1780 = arith.cmpi eq, %jit3A_1778, %eq3A_1779 : i32
      %jit3A_1781 = arith.constant 1 : i32
      %select_n3A_1782 = arith.select %eq3A_1780, %jit3A_1781, %jit3A_1778 : i32
      %rem3A_1783 = arith.remsi %add3A_1753, %select_n3A_1782 : i32
      %ne3A_1784 = arith.constant 0 : i32
      %ne3A_1785 = arith.cmpi ne, %rem3A_1783, %ne3A_1784 : i32
      %lt3A_1786 = arith.constant 0 : i32
      %lt3A_1787 = arith.cmpi slt, %rem3A_1783, %lt3A_1786 : i32
      %lt3A_1788 = arith.constant 0 : i32
      %lt3A_1789 = arith.cmpi slt, %select_n3A_1782, %lt3A_1788 : i32
      %ne3A_1790 = arith.xori %lt3A_1787, %lt3A_1789 : i1
      %and3A_1791 = arith.andi %ne3A_1790, %ne3A_1785 : i1
      %add3A_1792 = arith.addi %rem3A_1783, %select_n3A_1782 : i32
      %select_n3A_1793 = arith.select %and3A_1791, %add3A_1792, %rem3A_1783 : i32
      %mul3A_1794 = arith.constant 8 : i32
      %mul3A_1795 = arith.muli %select_n3A_1777, %mul3A_1794 : i32
      %add3A_1796 = arith.addi %mul3A_2, %mul3A_1795 : i32
      %mul3A_1797 = arith.constant 1536 : i32
      %mul3A_1798 = arith.muli %select_n3A_1793, %mul3A_1797 : i32
      %dma_wait3A_1799 = arith.constant 3 : i32
      %dma_wait3A_1800 = arith.constant 0 : i32
      %dma_wait3A_1801 = arith.constant 0 : i32
      %dma_wait3A_1802 = tpu.memref_slice %arg5[%dma_wait3A_1799, %dma_wait3A_1800, %dma_wait3A_1801] : memref<4x8x1536xf32, #tpu.memory_space<vmem>> -> memref<1x8x1536xf32, #tpu.memory_space<vmem>>
      %dma_wait3A_1803 = tpu.memref_squeeze %dma_wait3A_1802 : memref<1x8x1536xf32, #tpu.memory_space<vmem>> -> memref<8x1536xf32, #tpu.memory_space<vmem>>
      %dma_wait3A_1804 = tpu.memref_slice %arg2[%add3A_1796, %mul3A_1798] : memref<1024x49152xf32, #tpu.memory_space<hbm>> -> memref<8x1536xf32, #tpu.memory_space<hbm>>
      %dma_wait3A_1805 = arith.constant 0 : i32
      %dma_wait3A_1806 = arith.constant 0 : i32
      %dma_wait3A_1807 = tpu.memref_slice %arg5[%dma_wait3A_1799, %dma_wait3A_1805, %dma_wait3A_1806] : memref<4x8x1536xf32, #tpu.memory_space<vmem>> -> memref<1x8x1536xf32, #tpu.memory_space<vmem>>
      %dma_wait3A_1808 = tpu.memref_squeeze %dma_wait3A_1807 : memref<1x8x1536xf32, #tpu.memory_space<vmem>> -> memref<8x1536xf32, #tpu.memory_space<vmem>>
      %dma_wait3A_1809 = tpu.memref_slice %arg2[%add3A_1796, %mul3A_1798] : memref<1024x49152xf32, #tpu.memory_space<hbm>> -> memref<8x1536xf32, #tpu.memory_space<hbm>>
      tpu.wait_dma2 semaphore(%arg11 : memref<!tpu.dma_semaphore, #tpu.memory_space<semaphore_mem>>) src(%dma_wait3A_1809 : memref<8x1536xf32, #tpu.memory_space<hbm>>) dst(%dma_wait3A_1808 : memref<8x1536xf32, #tpu.memory_space<vmem>>)
      %add3A_1810 = arith.constant 4 : i32
      %add3A_1811 = arith.addi %add3A_1753, %add3A_1810 : i32
      %sub3A_1812 = arith.constant 1 : i32
      %sub3A_1813 = arith.subi %add3A_1811, %sub3A_1812 : i32
      %lt3A_1814 = arith.constant 32 : i32
      %lt3A_1815 = arith.cmpi slt, %sub3A_1813, %lt3A_1814 : i32
      %convert_element_type3A_1816 = arith.extui %lt3A_1815 : i1 to i32
      %cond3A_1817 = arith.constant 0 : i32
      %cond3A_1818 = arith.cmpi ne, %convert_element_type3A_1816, %cond3A_1817 : i32
      scf.if %cond3A_1818 {
        %add3A_2313 = arith.constant 4 : i32
        %add3A_2314 = arith.addi %add3A_1753, %add3A_2313 : i32
        %sub3A_2315 = arith.constant 1 : i32
        %sub3A_2316 = arith.subi %add3A_2314, %sub3A_2315 : i32
        %jit3A_2317 = arith.constant 8 : i32
        %div3A_2318 = arith.divsi %sub3A_2316, %jit3A_2317 : i32
        %sign3A_2319 = arith.constant 0 : i32
        %sign3A_2320 = arith.cmpi sgt, %sub3A_2316, %sign3A_2319 : i32
        %sign3A_2321 = arith.extui %sign3A_2320 : i1 to i32
        %sign3A_2322 = arith.constant 0 : i32
        %sign3A_2323 = arith.cmpi slt, %sub3A_2316, %sign3A_2322 : i32
        %sign3A_2324 = arith.extui %sign3A_2323 : i1 to i32
        %sign3A_2325 = arith.subi %sign3A_2321, %sign3A_2324 : i32
        %sign3A_2326 = arith.constant 0 : i32
        %sign3A_2327 = arith.cmpi sgt, %jit3A_2317, %sign3A_2326 : i32
        %sign3A_2328 = arith.extui %sign3A_2327 : i1 to i32
        %sign3A_2329 = arith.constant 0 : i32
        %sign3A_2330 = arith.cmpi slt, %jit3A_2317, %sign3A_2329 : i32
        %sign3A_2331 = arith.extui %sign3A_2330 : i1 to i32
        %sign3A_2332 = arith.subi %sign3A_2328, %sign3A_2331 : i32
        %ne3A_2333 = arith.cmpi ne, %sign3A_2325, %sign3A_2332 : i32
        %rem3A_2334 = arith.remsi %sub3A_2316, %jit3A_2317 : i32
        %ne3A_2335 = arith.constant 0 : i32
        %ne3A_2336 = arith.cmpi ne, %rem3A_2334, %ne3A_2335 : i32
        %and3A_2337 = arith.andi %ne3A_2333, %ne3A_2336 : i1
        %sub3A_2338 = arith.constant 1 : i32
        %sub3A_2339 = arith.subi %div3A_2318, %sub3A_2338 : i32
        %select_n3A_2340 = arith.select %and3A_2337, %sub3A_2339, %div3A_2318 : i32
        %jit3A_2341 = arith.constant 8 : i32
        %eq3A_2342 = arith.constant 0 : i32
        %eq3A_2343 = arith.cmpi eq, %jit3A_2341, %eq3A_2342 : i32
        %jit3A_2344 = arith.constant 1 : i32
        %select_n3A_2345 = arith.select %eq3A_2343, %jit3A_2344, %jit3A_2341 : i32
        %rem3A_2346 = arith.remsi %sub3A_2316, %select_n3A_2345 : i32
        %ne3A_2347 = arith.constant 0 : i32
        %ne3A_2348 = arith.cmpi ne, %rem3A_2346, %ne3A_2347 : i32
        %lt3A_2349 = arith.constant 0 : i32
        %lt3A_2350 = arith.cmpi slt, %rem3A_2346, %lt3A_2349 : i32
        %lt3A_2351 = arith.constant 0 : i32
        %lt3A_2352 = arith.cmpi slt, %select_n3A_2345, %lt3A_2351 : i32
        %ne3A_2353 = arith.xori %lt3A_2350, %lt3A_2352 : i1
        %and3A_2354 = arith.andi %ne3A_2353, %ne3A_2348 : i1
        %add3A_2355 = arith.addi %rem3A_2346, %select_n3A_2345 : i32
        %select_n3A_2356 = arith.select %and3A_2354, %add3A_2355, %rem3A_2346 : i32
        %mul3A_2357 = arith.constant 8 : i32
        %mul3A_2358 = arith.muli %select_n3A_2340, %mul3A_2357 : i32
        %add3A_2359 = arith.addi %mul3A_2, %mul3A_2358 : i32
        %mul3A_2360 = arith.constant 1536 : i32
        %mul3A_2361 = arith.muli %select_n3A_2356, %mul3A_2360 : i32
        %dma_start3A_2362 = arith.constant 2 : i32
        %dma_start3A_2363 = arith.constant 0 : i32
        %dma_start3A_2364 = arith.constant 0 : i32
        %dma_start3A_2365 = tpu.memref_slice %arg5[%dma_start3A_2362, %dma_start3A_2363, %dma_start3A_2364] : memref<4x8x1536xf32, #tpu.memory_space<vmem>> -> memref<1x8x1536xf32, #tpu.memory_space<vmem>>
        %dma_start3A_2366 = tpu.memref_squeeze %dma_start3A_2365 : memref<1x8x1536xf32, #tpu.memory_space<vmem>> -> memref<8x1536xf32, #tpu.memory_space<vmem>>
        %dma_start3A_2367 = tpu.memref_slice %arg2[%add3A_2359, %mul3A_2361] : memref<1024x49152xf32, #tpu.memory_space<hbm>> -> memref<8x1536xf32, #tpu.memory_space<hbm>>
        %dma_start3A_2368 = arith.constant 0 : i32
        %dma_start3A_2369 = arith.constant 0 : i32
        %dma_start3A_2370 = tpu.memref_slice %arg5[%dma_start3A_2362, %dma_start3A_2368, %dma_start3A_2369] : memref<4x8x1536xf32, #tpu.memory_space<vmem>> -> memref<1x8x1536xf32, #tpu.memory_space<vmem>>
        %dma_start3A_2371 = tpu.memref_squeeze %dma_start3A_2370 : memref<1x8x1536xf32, #tpu.memory_space<vmem>> -> memref<8x1536xf32, #tpu.memory_space<vmem>>
        %dma_start3A_2372 = tpu.memref_slice %arg2[%add3A_2359, %mul3A_2361] : memref<1024x49152xf32, #tpu.memory_space<hbm>> -> memref<8x1536xf32, #tpu.memory_space<hbm>>
        tpu.enqueue_dma source(%dma_start3A_2372 : memref<8x1536xf32, #tpu.memory_space<hbm>>) target(%dma_start3A_2371 : memref<8x1536xf32, #tpu.memory_space<vmem>>) target_semaphore(%arg10 : memref<!tpu.dma_semaphore, #tpu.memory_space<semaphore_mem>>)
      } else {
      }
      %mul3A_1819 = arith.constant 1536 : i32
      %mul3A_1820 = arith.muli %select_n3A_1793, %mul3A_1819 : i32
      %broadcast_in_dim3A_1821 = arith.constant 0.000000e+00 : f32
      %broadcast_in_dim3A_1822 = vector.broadcast %broadcast_in_dim3A_1821 : f32 to vector<16xf32>
      %broadcast_in_dim3A_1823 = arith.constant 0.000000e+00 : f32
      %broadcast_in_dim3A_1824 = vector.broadcast %broadcast_in_dim3A_1823 : f32 to vector<16xf32>
      %broadcast_in_dim3A_1825 = arith.constant 0.000000e+00 : f32
      %broadcast_in_dim3A_1826 = vector.broadcast %broadcast_in_dim3A_1825 : f32 to vector<16xf32>
      %broadcast_in_dim3A_1827 = arith.constant 0.000000e+00 : f32
      %broadcast_in_dim3A_1828 = vector.broadcast %broadcast_in_dim3A_1827 : f32 to vector<16xf32>
      %broadcast_in_dim3A_1829 = arith.constant 0.000000e+00 : f32
      %broadcast_in_dim3A_1830 = vector.broadcast %broadcast_in_dim3A_1829 : f32 to vector<16xf32>
      %broadcast_in_dim3A_1831 = arith.constant 0.000000e+00 : f32
      %broadcast_in_dim3A_1832 = vector.broadcast %broadcast_in_dim3A_1831 : f32 to vector<16xf32>
      %broadcast_in_dim3A_1833 = arith.constant 0.000000e+00 : f32
      %broadcast_in_dim3A_1834 = vector.broadcast %broadcast_in_dim3A_1833 : f32 to vector<16xf32>
      %broadcast_in_dim3A_1835 = arith.constant 0.000000e+00 : f32
      %broadcast_in_dim3A_1836 = vector.broadcast %broadcast_in_dim3A_1835 : f32 to vector<16xf32>
      %scan3A_1837 = arith.constant 0 : i32
      %scan3A_1838 = arith.constant 16 : i32
      %scan3A_1839 = arith.addi %scan3A_1837, %scan3A_1838 : i32
      %scan3A_1840 = arith.constant 1 : i32
      %scan3A_1841:8 = scf.for %scan3A_2313 = %scan3A_1837 to %scan3A_1839 step %scan3A_1840 iter_args(%scan3A_2314 = %broadcast_in_dim3A_1822, %scan3A_2315 = %broadcast_in_dim3A_1824, %scan3A_2316 = %broadcast_in_dim3A_1826, %scan3A_2317 = %broadcast_in_dim3A_1828, %scan3A_2318 = %broadcast_in_dim3A_1830, %scan3A_2319 = %broadcast_in_dim3A_1832, %scan3A_2320 = %broadcast_in_dim3A_1834, %scan3A_2321 = %broadcast_in_dim3A_1836) -> (vector<16xf32>, vector<16xf32>, vector<16xf32>, vector<16xf32>, vector<16xf32>, vector<16xf32>, vector<16xf32>, vector<16xf32>)  : i32 {
        %mul3A_2322 = arith.constant 16 : i32
        %mul3A_2323 = arith.muli %scan3A_2313, %mul3A_2322 : i32
        %add3A_2324 = arith.constant 0 : i32
        %add3A_2325 = arith.addi %add3A_2324, %mul3A_2323 : i32
        %add3A_2326 = arith.addi %mul3A_1820, %add3A_2325 : i32
        %get3A = arith.index_cast %add3A_2326 : i32 to index
        %get3A_2327 = tpu.vector_load %arg6[%get3A] {strides = array<i32>} : memref<12288xf32, #tpu.memory_space<vmem>>, vector<16xf32>,
        %max3A = arith.constant 0.000000e+00 : f32
        %max3A_2328 = vector.broadcast %max3A : f32 to vector<16xf32>
        %max3A_2329 = arith.maximumf %get3A_2327, %max3A_2328 : vector<16xf32>
        %add3A_2330 = arith.constant 0x4B000000 : f32
        %add3A_2331 = vector.broadcast %add3A_2330 : f32 to vector<16xf32>
        %add3A_2332 = arith.addf %max3A_2329, %add3A_2331 : vector<16xf32>
        %sub3A_2333 = arith.constant 0x4B000000 : f32
        %sub3A_2334 = vector.broadcast %sub3A_2333 : f32 to vector<16xf32>
        %sub3A_2335 = arith.subf %add3A_2332, %sub3A_2334 : vector<16xf32>
        %get3A_2336 = arith.constant 3 : i32
        %get3A_2337 = arith.constant 0 : i32
        %get3A_2338 = arith.index_cast %get3A_2336 : i32 to index
        %get3A_2339 = arith.index_cast %get3A_2337 : i32 to index
        %get3A_2340 = arith.index_cast %add3A_2325 : i32 to index
        %get3A_2341 = tpu.vector_load %arg5[%get3A_2338, %get3A_2339, %get3A_2340] {strides = array<i32>} : memref<4x8x1536xf32, #tpu.memory_space<vmem>>, vector<16xf32>,
        %mul3A_2342 = arith.mulf %get3A_2341, %sub3A_2335 : vector<16xf32>
        %add3A_2343 = arith.addf %scan3A_2314, %mul3A_2342 : vector<16xf32>
        %get3A_2344 = arith.constant 3 : i32
        %get3A_2345 = arith.constant 1 : i32
        %get3A_2346 = arith.index_cast %get3A_2344 : i32 to index
        %get3A_2347 = arith.index_cast %get3A_2345 : i32 to index
        %get3A_2348 = arith.index_cast %add3A_2325 : i32 to index
        %get3A_2349 = tpu.vector_load %arg5[%get3A_2346, %get3A_2347, %get3A_2348] {strides = array<i32>} : memref<4x8x1536xf32, #tpu.memory_space<vmem>>, vector<16xf32>,
        %mul3A_2350 = arith.mulf %get3A_2349, %sub3A_2335 : vector<16xf32>
        %add3A_2351 = arith.addf %scan3A_2315, %mul3A_2350 : vector<16xf32>
        %get3A_2352 = arith.constant 3 : i32
        %get3A_2353 = arith.constant 2 : i32
        %get3A_2354 = arith.index_cast %get3A_2352 : i32 to index
        %get3A_2355 = arith.index_cast %get3A_2353 : i32 to index
        %get3A_2356 = arith.index_cast %add3A_2325 : i32 to index
        %get3A_2357 = tpu.vector_load %arg5[%get3A_2354, %get3A_2355, %get3A_2356] {strides = array<i32>} : memref<4x8x1536xf32, #tpu.memory_space<vmem>>, vector<16xf32>,
        %mul3A_2358 = arith.mulf %get3A_2357, %sub3A_2335 : vector<16xf32>
        %add3A_2359 = arith.addf %scan3A_2316, %mul3A_2358 : vector<16xf32>
        %get3A_2360 = arith.constant 3 : i32
        %get3A_2361 = arith.constant 3 : i32
        %get3A_2362 = arith.index_cast %get3A_2360 : i32 to index
        %get3A_2363 = arith.index_cast %get3A_2361 : i32 to index
        %get3A_2364 = arith.index_cast %add3A_2325 : i32 to index
        %get3A_2365 = tpu.vector_load %arg5[%get3A_2362, %get3A_2363, %get3A_2364] {strides = array<i32>} : memref<4x8x1536xf32, #tpu.memory_space<vmem>>, vector<16xf32>,
        %mul3A_2366 = arith.mulf %get3A_2365, %sub3A_2335 : vector<16xf32>
        %add3A_2367 = arith.addf %scan3A_2317, %mul3A_2366 : vector<16xf32>
        %get3A_2368 = arith.constant 3 : i32
        %get3A_2369 = arith.constant 4 : i32
        %get3A_2370 = arith.index_cast %get3A_2368 : i32 to index
        %get3A_2371 = arith.index_cast %get3A_2369 : i32 to index
        %get3A_2372 = arith.index_cast %add3A_2325 : i32 to index
        %get3A_2373 = tpu.vector_load %arg5[%get3A_2370, %get3A_2371, %get3A_2372] {strides = array<i32>} : memref<4x8x1536xf32, #tpu.memory_space<vmem>>, vector<16xf32>,
        %mul3A_2374 = arith.mulf %get3A_2373, %sub3A_2335 : vector<16xf32>
        %add3A_2375 = arith.addf %scan3A_2318, %mul3A_2374 : vector<16xf32>
        %get3A_2376 = arith.constant 3 : i32
        %get3A_2377 = arith.constant 5 : i32
        %get3A_2378 = arith.index_cast %get3A_2376 : i32 to index
        %get3A_2379 = arith.index_cast %get3A_2377 : i32 to index
        %get3A_2380 = arith.index_cast %add3A_2325 : i32 to index
        %get3A_2381 = tpu.vector_load %arg5[%get3A_2378, %get3A_2379, %get3A_2380] {strides = array<i32>} : memref<4x8x1536xf32, #tpu.memory_space<vmem>>, vector<16xf32>,
        %mul3A_2382 = arith.mulf %get3A_2381, %sub3A_2335 : vector<16xf32>
        %add3A_2383 = arith.addf %scan3A_2319, %mul3A_2382 : vector<16xf32>
        %get3A_2384 = arith.constant 3 : i32
        %get3A_2385 = arith.constant 6 : i32
        %get3A_2386 = arith.index_cast %get3A_2384 : i32 to index
        %get3A_2387 = arith.index_cast %get3A_2385 : i32 to index
        %get3A_2388 = arith.index_cast %add3A_2325 : i32 to index
        %get3A_2389 = tpu.vector_load %arg5[%get3A_2386, %get3A_2387, %get3A_2388] {strides = array<i32>} : memref<4x8x1536xf32, #tpu.memory_space<vmem>>, vector<16xf32>,
        %mul3A_2390 = arith.mulf %get3A_2389, %sub3A_2335 : vector<16xf32>
        %add3A_2391 = arith.addf %scan3A_2320, %mul3A_2390 : vector<16xf32>
        %get3A_2392 = arith.constant 3 : i32
        %get3A_2393 = arith.constant 7 : i32
        %get3A_2394 = arith.index_cast %get3A_2392 : i32 to index
        %get3A_2395 = arith.index_cast %get3A_2393 : i32 to index
        %get3A_2396 = arith.index_cast %add3A_2325 : i32 to index
        %get3A_2397 = tpu.vector_load %arg5[%get3A_2394, %get3A_2395, %get3A_2396] {strides = array<i32>} : memref<4x8x1536xf32, #tpu.memory_space<vmem>>, vector<16xf32>,
        %mul3A_2398 = arith.mulf %get3A_2397, %sub3A_2335 : vector<16xf32>
        %add3A_2399 = arith.addf %scan3A_2321, %mul3A_2398 : vector<16xf32>
        scf.yield %add3A_2343, %add3A_2351, %add3A_2359, %add3A_2367, %add3A_2375, %add3A_2383, %add3A_2391, %add3A_2399 : vector<16xf32>, vector<16xf32>, vector<16xf32>, vector<16xf32>, vector<16xf32>, vector<16xf32>, vector<16xf32>, vector<16xf32>
      }
      %scan3A_1842 = arith.constant 16 : i32
      %jit3A_1843 = arith.constant 4 : i32
      %eq3A_1844 = arith.constant 0 : i32
      %eq3A_1845 = arith.cmpi eq, %jit3A_1843, %eq3A_1844 : i32
      %jit3A_1846 = arith.constant 1 : i32
      %select_n3A_1847 = arith.select %eq3A_1845, %jit3A_1846, %jit3A_1843 : i32
      %rem3A_1848 = arith.remsi %select_n3A_1793, %select_n3A_1847 : i32
      %ne3A_1849 = arith.constant 0 : i32
      %ne3A_1850 = arith.cmpi ne, %rem3A_1848, %ne3A_1849 : i32
      %lt3A_1851 = arith.constant 0 : i32
      %lt3A_1852 = arith.cmpi slt, %rem3A_1848, %lt3A_1851 : i32
      %lt3A_1853 = arith.constant 0 : i32
      %lt3A_1854 = arith.cmpi slt, %select_n3A_1847, %lt3A_1853 : i32
      %ne3A_1855 = arith.xori %lt3A_1852, %lt3A_1854 : i1
      %and3A_1856 = arith.andi %ne3A_1855, %ne3A_1850 : i1
      %add3A_1857 = arith.addi %rem3A_1848, %select_n3A_1847 : i32
      %select_n3A_1858 = arith.select %and3A_1856, %add3A_1857, %rem3A_1848 : i32
      %mul3A_1859 = arith.constant 4 : i32
      %mul3A_1860 = arith.muli %select_n3A_1858, %mul3A_1859 : i32
      %add3A_1861 = arith.constant 0 : i32
      %add3A_1862 = arith.addi %mul3A_1860, %add3A_1861 : i32
      %add3A_1863 = arith.constant 0 : i32
      %add3A_1864 = arith.addi %add3A_1862, %add3A_1863 : i32
      %eq3A_1865 = vector.broadcast %add3A_1864 : i32 to vector<16xi32>
      %eq3A_1866 = arith.cmpi eq, %iota3A, %eq3A_1865 : vector<16xi32>
      %reduce_sum3A_1867 = arith.constant true
      %reduce_sum3A_1868 = vector.broadcast %reduce_sum3A_1867 : i1 to vector<16xi1>
      %reduce_sum3A_1869 = tpu.scan <sum>, %scan3A_1841#0 masked %reduce_sum3A_1868 : vector<16xf32>, vector<16xi1> -> vector<16xf32>
      %reduce_sum3A_1870 = vector.extract %reduce_sum3A_1869[15] : f32 from vector<16xf32>
      %broadcast_in_dim3A_1871 = vector.broadcast %reduce_sum3A_1870 : f32 to vector<16xf32>
      %select_n3A_1872 = arith.select %eq3A_1866, %broadcast_in_dim3A_1871, %select_n3A_1742 : vector<16xi1>, vector<16xf32>
      %eq3A_1873 = vector.broadcast %add3A_1864 : i32 to vector<16xi32>
      %eq3A_1874 = arith.cmpi eq, %iota3A, %eq3A_1873 : vector<16xi32>
      %reduce_sum3A_1875 = arith.constant true
      %reduce_sum3A_1876 = vector.broadcast %reduce_sum3A_1875 : i1 to vector<16xi1>
      %reduce_sum3A_1877 = tpu.scan <sum>, %scan3A_1841#1 masked %reduce_sum3A_1876 : vector<16xf32>, vector<16xi1> -> vector<16xf32>
      %reduce_sum3A_1878 = vector.extract %reduce_sum3A_1877[15] : f32 from vector<16xf32>
      %broadcast_in_dim3A_1879 = vector.broadcast %reduce_sum3A_1878 : f32 to vector<16xf32>
      %select_n3A_1880 = arith.select %eq3A_1874, %broadcast_in_dim3A_1879, %select_n3A_1743 : vector<16xi1>, vector<16xf32>
      %eq3A_1881 = vector.broadcast %add3A_1864 : i32 to vector<16xi32>
      %eq3A_1882 = arith.cmpi eq, %iota3A, %eq3A_1881 : vector<16xi32>
      %reduce_sum3A_1883 = arith.constant true
      %reduce_sum3A_1884 = vector.broadcast %reduce_sum3A_1883 : i1 to vector<16xi1>
      %reduce_sum3A_1885 = tpu.scan <sum>, %scan3A_1841#2 masked %reduce_sum3A_1884 : vector<16xf32>, vector<16xi1> -> vector<16xf32>
      %reduce_sum3A_1886 = vector.extract %reduce_sum3A_1885[15] : f32 from vector<16xf32>
      %broadcast_in_dim3A_1887 = vector.broadcast %reduce_sum3A_1886 : f32 to vector<16xf32>
      %select_n3A_1888 = arith.select %eq3A_1882, %broadcast_in_dim3A_1887, %select_n3A_1744 : vector<16xi1>, vector<16xf32>
      %eq3A_1889 = vector.broadcast %add3A_1864 : i32 to vector<16xi32>
      %eq3A_1890 = arith.cmpi eq, %iota3A, %eq3A_1889 : vector<16xi32>
      %reduce_sum3A_1891 = arith.constant true
      %reduce_sum3A_1892 = vector.broadcast %reduce_sum3A_1891 : i1 to vector<16xi1>
      %reduce_sum3A_1893 = tpu.scan <sum>, %scan3A_1841#3 masked %reduce_sum3A_1892 : vector<16xf32>, vector<16xi1> -> vector<16xf32>
      %reduce_sum3A_1894 = vector.extract %reduce_sum3A_1893[15] : f32 from vector<16xf32>
      %broadcast_in_dim3A_1895 = vector.broadcast %reduce_sum3A_1894 : f32 to vector<16xf32>
      %select_n3A_1896 = arith.select %eq3A_1890, %broadcast_in_dim3A_1895, %select_n3A_1745 : vector<16xi1>, vector<16xf32>
      %eq3A_1897 = vector.broadcast %add3A_1864 : i32 to vector<16xi32>
      %eq3A_1898 = arith.cmpi eq, %iota3A, %eq3A_1897 : vector<16xi32>
      %reduce_sum3A_1899 = arith.constant true
      %reduce_sum3A_1900 = vector.broadcast %reduce_sum3A_1899 : i1 to vector<16xi1>
      %reduce_sum3A_1901 = tpu.scan <sum>, %scan3A_1841#4 masked %reduce_sum3A_1900 : vector<16xf32>, vector<16xi1> -> vector<16xf32>
      %reduce_sum3A_1902 = vector.extract %reduce_sum3A_1901[15] : f32 from vector<16xf32>
      %broadcast_in_dim3A_1903 = vector.broadcast %reduce_sum3A_1902 : f32 to vector<16xf32>
      %select_n3A_1904 = arith.select %eq3A_1898, %broadcast_in_dim3A_1903, %select_n3A_1746 : vector<16xi1>, vector<16xf32>
      %eq3A_1905 = vector.broadcast %add3A_1864 : i32 to vector<16xi32>
      %eq3A_1906 = arith.cmpi eq, %iota3A, %eq3A_1905 : vector<16xi32>
      %reduce_sum3A_1907 = arith.constant true
      %reduce_sum3A_1908 = vector.broadcast %reduce_sum3A_1907 : i1 to vector<16xi1>
      %reduce_sum3A_1909 = tpu.scan <sum>, %scan3A_1841#5 masked %reduce_sum3A_1908 : vector<16xf32>, vector<16xi1> -> vector<16xf32>
      %reduce_sum3A_1910 = vector.extract %reduce_sum3A_1909[15] : f32 from vector<16xf32>
      %broadcast_in_dim3A_1911 = vector.broadcast %reduce_sum3A_1910 : f32 to vector<16xf32>
      %select_n3A_1912 = arith.select %eq3A_1906, %broadcast_in_dim3A_1911, %select_n3A_1747 : vector<16xi1>, vector<16xf32>
      %eq3A_1913 = vector.broadcast %add3A_1864 : i32 to vector<16xi32>
      %eq3A_1914 = arith.cmpi eq, %iota3A, %eq3A_1913 : vector<16xi32>
      %reduce_sum3A_1915 = arith.constant true
      %reduce_sum3A_1916 = vector.broadcast %reduce_sum3A_1915 : i1 to vector<16xi1>
      %reduce_sum3A_1917 = tpu.scan <sum>, %scan3A_1841#6 masked %reduce_sum3A_1916 : vector<16xf32>, vector<16xi1> -> vector<16xf32>
      %reduce_sum3A_1918 = vector.extract %reduce_sum3A_1917[15] : f32 from vector<16xf32>
      %broadcast_in_dim3A_1919 = vector.broadcast %reduce_sum3A_1918 : f32 to vector<16xf32>
      %select_n3A_1920 = arith.select %eq3A_1914, %broadcast_in_dim3A_1919, %select_n3A_1748 : vector<16xi1>, vector<16xf32>
      %eq3A_1921 = vector.broadcast %add3A_1864 : i32 to vector<16xi32>
      %eq3A_1922 = arith.cmpi eq, %iota3A, %eq3A_1921 : vector<16xi32>
      %reduce_sum3A_1923 = arith.constant true
      %reduce_sum3A_1924 = vector.broadcast %reduce_sum3A_1923 : i1 to vector<16xi1>
      %reduce_sum3A_1925 = tpu.scan <sum>, %scan3A_1841#7 masked %reduce_sum3A_1924 : vector<16xf32>, vector<16xi1> -> vector<16xf32>
      %reduce_sum3A_1926 = vector.extract %reduce_sum3A_1925[15] : f32 from vector<16xf32>
      %broadcast_in_dim3A_1927 = vector.broadcast %reduce_sum3A_1926 : f32 to vector<16xf32>
      %select_n3A_1928 = arith.select %eq3A_1922, %broadcast_in_dim3A_1927, %select_n3A_1749 : vector<16xi1>, vector<16xf32>
      %broadcast_in_dim3A_1929 = arith.constant 0.000000e+00 : f32
      %broadcast_in_dim3A_1930 = vector.broadcast %broadcast_in_dim3A_1929 : f32 to vector<16xf32>
      %broadcast_in_dim3A_1931 = arith.constant 0.000000e+00 : f32
      %broadcast_in_dim3A_1932 = vector.broadcast %broadcast_in_dim3A_1931 : f32 to vector<16xf32>
      %broadcast_in_dim3A_1933 = arith.constant 0.000000e+00 : f32
      %broadcast_in_dim3A_1934 = vector.broadcast %broadcast_in_dim3A_1933 : f32 to vector<16xf32>
      %broadcast_in_dim3A_1935 = arith.constant 0.000000e+00 : f32
      %broadcast_in_dim3A_1936 = vector.broadcast %broadcast_in_dim3A_1935 : f32 to vector<16xf32>
      %broadcast_in_dim3A_1937 = arith.constant 0.000000e+00 : f32
      %broadcast_in_dim3A_1938 = vector.broadcast %broadcast_in_dim3A_1937 : f32 to vector<16xf32>
      %broadcast_in_dim3A_1939 = arith.constant 0.000000e+00 : f32
      %broadcast_in_dim3A_1940 = vector.broadcast %broadcast_in_dim3A_1939 : f32 to vector<16xf32>
      %broadcast_in_dim3A_1941 = arith.constant 0.000000e+00 : f32
      %broadcast_in_dim3A_1942 = vector.broadcast %broadcast_in_dim3A_1941 : f32 to vector<16xf32>
      %broadcast_in_dim3A_1943 = arith.constant 0.000000e+00 : f32
      %broadcast_in_dim3A_1944 = vector.broadcast %broadcast_in_dim3A_1943 : f32 to vector<16xf32>
      %scan3A_1945 = arith.constant 0 : i32
      %scan3A_1946 = arith.constant 32 : i32
      %scan3A_1947 = arith.addi %scan3A_1945, %scan3A_1946 : i32
      %scan3A_1948 = arith.constant 1 : i32
      %scan3A_1949:8 = scf.for %scan3A_2313 = %scan3A_1945 to %scan3A_1947 step %scan3A_1948 iter_args(%scan3A_2314 = %broadcast_in_dim3A_1930, %scan3A_2315 = %broadcast_in_dim3A_1932, %scan3A_2316 = %broadcast_in_dim3A_1934, %scan3A_2317 = %broadcast_in_dim3A_1936, %scan3A_2318 = %broadcast_in_dim3A_1938, %scan3A_2319 = %broadcast_in_dim3A_1940, %scan3A_2320 = %broadcast_in_dim3A_1942, %scan3A_2321 = %broadcast_in_dim3A_1944) -> (vector<16xf32>, vector<16xf32>, vector<16xf32>, vector<16xf32>, vector<16xf32>, vector<16xf32>, vector<16xf32>, vector<16xf32>)  : i32 {
        %mul3A_2322 = arith.constant 16 : i32
        %mul3A_2323 = arith.muli %scan3A_2313, %mul3A_2322 : i32
        %add3A_2324 = arith.constant 256 : i32
        %add3A_2325 = arith.addi %add3A_2324, %mul3A_2323 : i32
        %add3A_2326 = arith.addi %mul3A_1820, %add3A_2325 : i32
        %get3A = arith.index_cast %add3A_2326 : i32 to index
        %get3A_2327 = tpu.vector_load %arg6[%get3A] {strides = array<i32>} : memref<12288xf32, #tpu.memory_space<vmem>>, vector<16xf32>,
        %max3A = arith.constant 0.000000e+00 : f32
        %max3A_2328 = vector.broadcast %max3A : f32 to vector<16xf32>
        %max3A_2329 = arith.maximumf %get3A_2327, %max3A_2328 : vector<16xf32>
        %add3A_2330 = arith.constant 0x4B000000 : f32
        %add3A_2331 = vector.broadcast %add3A_2330 : f32 to vector<16xf32>
        %add3A_2332 = arith.addf %max3A_2329, %add3A_2331 : vector<16xf32>
        %sub3A_2333 = arith.constant 0x4B000000 : f32
        %sub3A_2334 = vector.broadcast %sub3A_2333 : f32 to vector<16xf32>
        %sub3A_2335 = arith.subf %add3A_2332, %sub3A_2334 : vector<16xf32>
        %get3A_2336 = arith.constant 3 : i32
        %get3A_2337 = arith.constant 0 : i32
        %get3A_2338 = arith.index_cast %get3A_2336 : i32 to index
        %get3A_2339 = arith.index_cast %get3A_2337 : i32 to index
        %get3A_2340 = arith.index_cast %add3A_2325 : i32 to index
        %get3A_2341 = tpu.vector_load %arg5[%get3A_2338, %get3A_2339, %get3A_2340] {strides = array<i32>} : memref<4x8x1536xf32, #tpu.memory_space<vmem>>, vector<16xf32>,
        %mul3A_2342 = arith.mulf %get3A_2341, %sub3A_2335 : vector<16xf32>
        %add3A_2343 = arith.addf %scan3A_2314, %mul3A_2342 : vector<16xf32>
        %get3A_2344 = arith.constant 3 : i32
        %get3A_2345 = arith.constant 1 : i32
        %get3A_2346 = arith.index_cast %get3A_2344 : i32 to index
        %get3A_2347 = arith.index_cast %get3A_2345 : i32 to index
        %get3A_2348 = arith.index_cast %add3A_2325 : i32 to index
        %get3A_2349 = tpu.vector_load %arg5[%get3A_2346, %get3A_2347, %get3A_2348] {strides = array<i32>} : memref<4x8x1536xf32, #tpu.memory_space<vmem>>, vector<16xf32>,
        %mul3A_2350 = arith.mulf %get3A_2349, %sub3A_2335 : vector<16xf32>
        %add3A_2351 = arith.addf %scan3A_2315, %mul3A_2350 : vector<16xf32>
        %get3A_2352 = arith.constant 3 : i32
        %get3A_2353 = arith.constant 2 : i32
        %get3A_2354 = arith.index_cast %get3A_2352 : i32 to index
        %get3A_2355 = arith.index_cast %get3A_2353 : i32 to index
        %get3A_2356 = arith.index_cast %add3A_2325 : i32 to index
        %get3A_2357 = tpu.vector_load %arg5[%get3A_2354, %get3A_2355, %get3A_2356] {strides = array<i32>} : memref<4x8x1536xf32, #tpu.memory_space<vmem>>, vector<16xf32>,
        %mul3A_2358 = arith.mulf %get3A_2357, %sub3A_2335 : vector<16xf32>
        %add3A_2359 = arith.addf %scan3A_2316, %mul3A_2358 : vector<16xf32>
        %get3A_2360 = arith.constant 3 : i32
        %get3A_2361 = arith.constant 3 : i32
        %get3A_2362 = arith.index_cast %get3A_2360 : i32 to index
        %get3A_2363 = arith.index_cast %get3A_2361 : i32 to index
        %get3A_2364 = arith.index_cast %add3A_2325 : i32 to index
        %get3A_2365 = tpu.vector_load %arg5[%get3A_2362, %get3A_2363, %get3A_2364] {strides = array<i32>} : memref<4x8x1536xf32, #tpu.memory_space<vmem>>, vector<16xf32>,
        %mul3A_2366 = arith.mulf %get3A_2365, %sub3A_2335 : vector<16xf32>
        %add3A_2367 = arith.addf %scan3A_2317, %mul3A_2366 : vector<16xf32>
        %get3A_2368 = arith.constant 3 : i32
        %get3A_2369 = arith.constant 4 : i32
        %get3A_2370 = arith.index_cast %get3A_2368 : i32 to index
        %get3A_2371 = arith.index_cast %get3A_2369 : i32 to index
        %get3A_2372 = arith.index_cast %add3A_2325 : i32 to index
        %get3A_2373 = tpu.vector_load %arg5[%get3A_2370, %get3A_2371, %get3A_2372] {strides = array<i32>} : memref<4x8x1536xf32, #tpu.memory_space<vmem>>, vector<16xf32>,
        %mul3A_2374 = arith.mulf %get3A_2373, %sub3A_2335 : vector<16xf32>
        %add3A_2375 = arith.addf %scan3A_2318, %mul3A_2374 : vector<16xf32>
        %get3A_2376 = arith.constant 3 : i32
        %get3A_2377 = arith.constant 5 : i32
        %get3A_2378 = arith.index_cast %get3A_2376 : i32 to index
        %get3A_2379 = arith.index_cast %get3A_2377 : i32 to index
        %get3A_2380 = arith.index_cast %add3A_2325 : i32 to index
        %get3A_2381 = tpu.vector_load %arg5[%get3A_2378, %get3A_2379, %get3A_2380] {strides = array<i32>} : memref<4x8x1536xf32, #tpu.memory_space<vmem>>, vector<16xf32>,
        %mul3A_2382 = arith.mulf %get3A_2381, %sub3A_2335 : vector<16xf32>
        %add3A_2383 = arith.addf %scan3A_2319, %mul3A_2382 : vector<16xf32>
        %get3A_2384 = arith.constant 3 : i32
        %get3A_2385 = arith.constant 6 : i32
        %get3A_2386 = arith.index_cast %get3A_2384 : i32 to index
        %get3A_2387 = arith.index_cast %get3A_2385 : i32 to index
        %get3A_2388 = arith.index_cast %add3A_2325 : i32 to index
        %get3A_2389 = tpu.vector_load %arg5[%get3A_2386, %get3A_2387, %get3A_2388] {strides = array<i32>} : memref<4x8x1536xf32, #tpu.memory_space<vmem>>, vector<16xf32>,
        %mul3A_2390 = arith.mulf %get3A_2389, %sub3A_2335 : vector<16xf32>
        %add3A_2391 = arith.addf %scan3A_2320, %mul3A_2390 : vector<16xf32>
        %get3A_2392 = arith.constant 3 : i32
        %get3A_2393 = arith.constant 7 : i32
        %get3A_2394 = arith.index_cast %get3A_2392 : i32 to index
        %get3A_2395 = arith.index_cast %get3A_2393 : i32 to index
        %get3A_2396 = arith.index_cast %add3A_2325 : i32 to index
        %get3A_2397 = tpu.vector_load %arg5[%get3A_2394, %get3A_2395, %get3A_2396] {strides = array<i32>} : memref<4x8x1536xf32, #tpu.memory_space<vmem>>, vector<16xf32>,
        %mul3A_2398 = arith.mulf %get3A_2397, %sub3A_2335 : vector<16xf32>
        %add3A_2399 = arith.addf %scan3A_2321, %mul3A_2398 : vector<16xf32>
        scf.yield %add3A_2343, %add3A_2351, %add3A_2359, %add3A_2367, %add3A_2375, %add3A_2383, %add3A_2391, %add3A_2399 : vector<16xf32>, vector<16xf32>, vector<16xf32>, vector<16xf32>, vector<16xf32>, vector<16xf32>, vector<16xf32>, vector<16xf32>
      }
      %scan3A_1950 = arith.constant 32 : i32
      %jit3A_1951 = arith.constant 4 : i32
      %eq3A_1952 = arith.constant 0 : i32
      %eq3A_1953 = arith.cmpi eq, %jit3A_1951, %eq3A_1952 : i32
      %jit3A_1954 = arith.constant 1 : i32
      %select_n3A_1955 = arith.select %eq3A_1953, %jit3A_1954, %jit3A_1951 : i32
      %rem3A_1956 = arith.remsi %select_n3A_1793, %select_n3A_1955 : i32
      %ne3A_1957 = arith.constant 0 : i32
      %ne3A_1958 = arith.cmpi ne, %rem3A_1956, %ne3A_1957 : i32
      %lt3A_1959 = arith.constant 0 : i32
      %lt3A_1960 = arith.cmpi slt, %rem3A_1956, %lt3A_1959 : i32
      %lt3A_1961 = arith.constant 0 : i32
      %lt3A_1962 = arith.cmpi slt, %select_n3A_1955, %lt3A_1961 : i32
      %ne3A_1963 = arith.xori %lt3A_1960, %lt3A_1962 : i1
      %and3A_1964 = arith.andi %ne3A_1963, %ne3A_1958 : i1
      %add3A_1965 = arith.addi %rem3A_1956, %select_n3A_1955 : i32
      %select_n3A_1966 = arith.select %and3A_1964, %add3A_1965, %rem3A_1956 : i32
      %mul3A_1967 = arith.constant 4 : i32
      %mul3A_1968 = arith.muli %select_n3A_1966, %mul3A_1967 : i32
      %add3A_1969 = arith.constant 0 : i32
      %add3A_1970 = arith.addi %mul3A_1968, %add3A_1969 : i32
      %add3A_1971 = arith.constant 1 : i32
      %add3A_1972 = arith.addi %add3A_1970, %add3A_1971 : i32
      %eq3A_1973 = vector.broadcast %add3A_1972 : i32 to vector<16xi32>
      %eq3A_1974 = arith.cmpi eq, %iota3A, %eq3A_1973 : vector<16xi32>
      %reduce_sum3A_1975 = arith.constant true
      %reduce_sum3A_1976 = vector.broadcast %reduce_sum3A_1975 : i1 to vector<16xi1>
      %reduce_sum3A_1977 = tpu.scan <sum>, %scan3A_1949#0 masked %reduce_sum3A_1976 : vector<16xf32>, vector<16xi1> -> vector<16xf32>
      %reduce_sum3A_1978 = vector.extract %reduce_sum3A_1977[15] : f32 from vector<16xf32>
      %broadcast_in_dim3A_1979 = vector.broadcast %reduce_sum3A_1978 : f32 to vector<16xf32>
      %select_n3A_1980 = arith.select %eq3A_1974, %broadcast_in_dim3A_1979, %select_n3A_1872 : vector<16xi1>, vector<16xf32>
      %eq3A_1981 = vector.broadcast %add3A_1972 : i32 to vector<16xi32>
      %eq3A_1982 = arith.cmpi eq, %iota3A, %eq3A_1981 : vector<16xi32>
      %reduce_sum3A_1983 = arith.constant true
      %reduce_sum3A_1984 = vector.broadcast %reduce_sum3A_1983 : i1 to vector<16xi1>
      %reduce_sum3A_1985 = tpu.scan <sum>, %scan3A_1949#1 masked %reduce_sum3A_1984 : vector<16xf32>, vector<16xi1> -> vector<16xf32>
      %reduce_sum3A_1986 = vector.extract %reduce_sum3A_1985[15] : f32 from vector<16xf32>
      %broadcast_in_dim3A_1987 = vector.broadcast %reduce_sum3A_1986 : f32 to vector<16xf32>
      %select_n3A_1988 = arith.select %eq3A_1982, %broadcast_in_dim3A_1987, %select_n3A_1880 : vector<16xi1>, vector<16xf32>
      %eq3A_1989 = vector.broadcast %add3A_1972 : i32 to vector<16xi32>
      %eq3A_1990 = arith.cmpi eq, %iota3A, %eq3A_1989 : vector<16xi32>
      %reduce_sum3A_1991 = arith.constant true
      %reduce_sum3A_1992 = vector.broadcast %reduce_sum3A_1991 : i1 to vector<16xi1>
      %reduce_sum3A_1993 = tpu.scan <sum>, %scan3A_1949#2 masked %reduce_sum3A_1992 : vector<16xf32>, vector<16xi1> -> vector<16xf32>
      %reduce_sum3A_1994 = vector.extract %reduce_sum3A_1993[15] : f32 from vector<16xf32>
      %broadcast_in_dim3A_1995 = vector.broadcast %reduce_sum3A_1994 : f32 to vector<16xf32>
      %select_n3A_1996 = arith.select %eq3A_1990, %broadcast_in_dim3A_1995, %select_n3A_1888 : vector<16xi1>, vector<16xf32>
      %eq3A_1997 = vector.broadcast %add3A_1972 : i32 to vector<16xi32>
      %eq3A_1998 = arith.cmpi eq, %iota3A, %eq3A_1997 : vector<16xi32>
      %reduce_sum3A_1999 = arith.constant true
      %reduce_sum3A_2000 = vector.broadcast %reduce_sum3A_1999 : i1 to vector<16xi1>
      %reduce_sum3A_2001 = tpu.scan <sum>, %scan3A_1949#3 masked %reduce_sum3A_2000 : vector<16xf32>, vector<16xi1> -> vector<16xf32>
      %reduce_sum3A_2002 = vector.extract %reduce_sum3A_2001[15] : f32 from vector<16xf32>
      %broadcast_in_dim3A_2003 = vector.broadcast %reduce_sum3A_2002 : f32 to vector<16xf32>
      %select_n3A_2004 = arith.select %eq3A_1998, %broadcast_in_dim3A_2003, %select_n3A_1896 : vector<16xi1>, vector<16xf32>
      %eq3A_2005 = vector.broadcast %add3A_1972 : i32 to vector<16xi32>
      %eq3A_2006 = arith.cmpi eq, %iota3A, %eq3A_2005 : vector<16xi32>
      %reduce_sum3A_2007 = arith.constant true
      %reduce_sum3A_2008 = vector.broadcast %reduce_sum3A_2007 : i1 to vector<16xi1>
      %reduce_sum3A_2009 = tpu.scan <sum>, %scan3A_1949#4 masked %reduce_sum3A_2008 : vector<16xf32>, vector<16xi1> -> vector<16xf32>
      %reduce_sum3A_2010 = vector.extract %reduce_sum3A_2009[15] : f32 from vector<16xf32>
      %broadcast_in_dim3A_2011 = vector.broadcast %reduce_sum3A_2010 : f32 to vector<16xf32>
      %select_n3A_2012 = arith.select %eq3A_2006, %broadcast_in_dim3A_2011, %select_n3A_1904 : vector<16xi1>, vector<16xf32>
      %eq3A_2013 = vector.broadcast %add3A_1972 : i32 to vector<16xi32>
      %eq3A_2014 = arith.cmpi eq, %iota3A, %eq3A_2013 : vector<16xi32>
      %reduce_sum3A_2015 = arith.constant true
      %reduce_sum3A_2016 = vector.broadcast %reduce_sum3A_2015 : i1 to vector<16xi1>
      %reduce_sum3A_2017 = tpu.scan <sum>, %scan3A_1949#5 masked %reduce_sum3A_2016 : vector<16xf32>, vector<16xi1> -> vector<16xf32>
      %reduce_sum3A_2018 = vector.extract %reduce_sum3A_2017[15] : f32 from vector<16xf32>
      %broadcast_in_dim3A_2019 = vector.broadcast %reduce_sum3A_2018 : f32 to vector<16xf32>
      %select_n3A_2020 = arith.select %eq3A_2014, %broadcast_in_dim3A_2019, %select_n3A_1912 : vector<16xi1>, vector<16xf32>
      %eq3A_2021 = vector.broadcast %add3A_1972 : i32 to vector<16xi32>
      %eq3A_2022 = arith.cmpi eq, %iota3A, %eq3A_2021 : vector<16xi32>
      %reduce_sum3A_2023 = arith.constant true
      %reduce_sum3A_2024 = vector.broadcast %reduce_sum3A_2023 : i1 to vector<16xi1>
      %reduce_sum3A_2025 = tpu.scan <sum>, %scan3A_1949#6 masked %reduce_sum3A_2024 : vector<16xf32>, vector<16xi1> -> vector<16xf32>
      %reduce_sum3A_2026 = vector.extract %reduce_sum3A_2025[15] : f32 from vector<16xf32>
      %broadcast_in_dim3A_2027 = vector.broadcast %reduce_sum3A_2026 : f32 to vector<16xf32>
      %select_n3A_2028 = arith.select %eq3A_2022, %broadcast_in_dim3A_2027, %select_n3A_1920 : vector<16xi1>, vector<16xf32>
      %eq3A_2029 = vector.broadcast %add3A_1972 : i32 to vector<16xi32>
      %eq3A_2030 = arith.cmpi eq, %iota3A, %eq3A_2029 : vector<16xi32>
      %reduce_sum3A_2031 = arith.constant true
      %reduce_sum3A_2032 = vector.broadcast %reduce_sum3A_2031 : i1 to vector<16xi1>
      %reduce_sum3A_2033 = tpu.scan <sum>, %scan3A_1949#7 masked %reduce_sum3A_2032 : vector<16xf32>, vector<16xi1> -> vector<16xf32>
      %reduce_sum3A_2034 = vector.extract %reduce_sum3A_2033[15] : f32 from vector<16xf32>
      %broadcast_in_dim3A_2035 = vector.broadcast %reduce_sum3A_2034 : f32 to vector<16xf32>
      %select_n3A_2036 = arith.select %eq3A_2030, %broadcast_in_dim3A_2035, %select_n3A_1928 : vector<16xi1>, vector<16xf32>
      %broadcast_in_dim3A_2037 = arith.constant 0.000000e+00 : f32
      %broadcast_in_dim3A_2038 = vector.broadcast %broadcast_in_dim3A_2037 : f32 to vector<16xf32>
      %broadcast_in_dim3A_2039 = arith.constant 0.000000e+00 : f32
      %broadcast_in_dim3A_2040 = vector.broadcast %broadcast_in_dim3A_2039 : f32 to vector<16xf32>
      %broadcast_in_dim3A_2041 = arith.constant 0.000000e+00 : f32
      %broadcast_in_dim3A_2042 = vector.broadcast %broadcast_in_dim3A_2041 : f32 to vector<16xf32>
      %broadcast_in_dim3A_2043 = arith.constant 0.000000e+00 : f32
      %broadcast_in_dim3A_2044 = vector.broadcast %broadcast_in_dim3A_2043 : f32 to vector<16xf32>
      %broadcast_in_dim3A_2045 = arith.constant 0.000000e+00 : f32
      %broadcast_in_dim3A_2046 = vector.broadcast %broadcast_in_dim3A_2045 : f32 to vector<16xf32>
      %broadcast_in_dim3A_2047 = arith.constant 0.000000e+00 : f32
      %broadcast_in_dim3A_2048 = vector.broadcast %broadcast_in_dim3A_2047 : f32 to vector<16xf32>
      %broadcast_in_dim3A_2049 = arith.constant 0.000000e+00 : f32
      %broadcast_in_dim3A_2050 = vector.broadcast %broadcast_in_dim3A_2049 : f32 to vector<16xf32>
      %broadcast_in_dim3A_2051 = arith.constant 0.000000e+00 : f32
      %broadcast_in_dim3A_2052 = vector.broadcast %broadcast_in_dim3A_2051 : f32 to vector<16xf32>
      %scan3A_2053 = arith.constant 0 : i32
      %scan3A_2054 = arith.constant 16 : i32
      %scan3A_2055 = arith.addi %scan3A_2053, %scan3A_2054 : i32
      %scan3A_2056 = arith.constant 1 : i32
      %scan3A_2057:8 = scf.for %scan3A_2313 = %scan3A_2053 to %scan3A_2055 step %scan3A_2056 iter_args(%scan3A_2314 = %broadcast_in_dim3A_2038, %scan3A_2315 = %broadcast_in_dim3A_2040, %scan3A_2316 = %broadcast_in_dim3A_2042, %scan3A_2317 = %broadcast_in_dim3A_2044, %scan3A_2318 = %broadcast_in_dim3A_2046, %scan3A_2319 = %broadcast_in_dim3A_2048, %scan3A_2320 = %broadcast_in_dim3A_2050, %scan3A_2321 = %broadcast_in_dim3A_2052) -> (vector<16xf32>, vector<16xf32>, vector<16xf32>, vector<16xf32>, vector<16xf32>, vector<16xf32>, vector<16xf32>, vector<16xf32>)  : i32 {
        %mul3A_2322 = arith.constant 16 : i32
        %mul3A_2323 = arith.muli %scan3A_2313, %mul3A_2322 : i32
        %add3A_2324 = arith.constant 768 : i32
        %add3A_2325 = arith.addi %add3A_2324, %mul3A_2323 : i32
        %add3A_2326 = arith.addi %mul3A_1820, %add3A_2325 : i32
        %get3A = arith.index_cast %add3A_2326 : i32 to index
        %get3A_2327 = tpu.vector_load %arg6[%get3A] {strides = array<i32>} : memref<12288xf32, #tpu.memory_space<vmem>>, vector<16xf32>,
        %max3A = arith.constant 0.000000e+00 : f32
        %max3A_2328 = vector.broadcast %max3A : f32 to vector<16xf32>
        %max3A_2329 = arith.maximumf %get3A_2327, %max3A_2328 : vector<16xf32>
        %add3A_2330 = arith.constant 0x4B000000 : f32
        %add3A_2331 = vector.broadcast %add3A_2330 : f32 to vector<16xf32>
        %add3A_2332 = arith.addf %max3A_2329, %add3A_2331 : vector<16xf32>
        %sub3A_2333 = arith.constant 0x4B000000 : f32
        %sub3A_2334 = vector.broadcast %sub3A_2333 : f32 to vector<16xf32>
        %sub3A_2335 = arith.subf %add3A_2332, %sub3A_2334 : vector<16xf32>
        %get3A_2336 = arith.constant 3 : i32
        %get3A_2337 = arith.constant 0 : i32
        %get3A_2338 = arith.index_cast %get3A_2336 : i32 to index
        %get3A_2339 = arith.index_cast %get3A_2337 : i32 to index
        %get3A_2340 = arith.index_cast %add3A_2325 : i32 to index
        %get3A_2341 = tpu.vector_load %arg5[%get3A_2338, %get3A_2339, %get3A_2340] {strides = array<i32>} : memref<4x8x1536xf32, #tpu.memory_space<vmem>>, vector<16xf32>,
        %mul3A_2342 = arith.mulf %get3A_2341, %sub3A_2335 : vector<16xf32>
        %add3A_2343 = arith.addf %scan3A_2314, %mul3A_2342 : vector<16xf32>
        %get3A_2344 = arith.constant 3 : i32
        %get3A_2345 = arith.constant 1 : i32
        %get3A_2346 = arith.index_cast %get3A_2344 : i32 to index
        %get3A_2347 = arith.index_cast %get3A_2345 : i32 to index
        %get3A_2348 = arith.index_cast %add3A_2325 : i32 to index
        %get3A_2349 = tpu.vector_load %arg5[%get3A_2346, %get3A_2347, %get3A_2348] {strides = array<i32>} : memref<4x8x1536xf32, #tpu.memory_space<vmem>>, vector<16xf32>,
        %mul3A_2350 = arith.mulf %get3A_2349, %sub3A_2335 : vector<16xf32>
        %add3A_2351 = arith.addf %scan3A_2315, %mul3A_2350 : vector<16xf32>
        %get3A_2352 = arith.constant 3 : i32
        %get3A_2353 = arith.constant 2 : i32
        %get3A_2354 = arith.index_cast %get3A_2352 : i32 to index
        %get3A_2355 = arith.index_cast %get3A_2353 : i32 to index
        %get3A_2356 = arith.index_cast %add3A_2325 : i32 to index
        %get3A_2357 = tpu.vector_load %arg5[%get3A_2354, %get3A_2355, %get3A_2356] {strides = array<i32>} : memref<4x8x1536xf32, #tpu.memory_space<vmem>>, vector<16xf32>,
        %mul3A_2358 = arith.mulf %get3A_2357, %sub3A_2335 : vector<16xf32>
        %add3A_2359 = arith.addf %scan3A_2316, %mul3A_2358 : vector<16xf32>
        %get3A_2360 = arith.constant 3 : i32
        %get3A_2361 = arith.constant 3 : i32
        %get3A_2362 = arith.index_cast %get3A_2360 : i32 to index
        %get3A_2363 = arith.index_cast %get3A_2361 : i32 to index
        %get3A_2364 = arith.index_cast %add3A_2325 : i32 to index
        %get3A_2365 = tpu.vector_load %arg5[%get3A_2362, %get3A_2363, %get3A_2364] {strides = array<i32>} : memref<4x8x1536xf32, #tpu.memory_space<vmem>>, vector<16xf32>,
        %mul3A_2366 = arith.mulf %get3A_2365, %sub3A_2335 : vector<16xf32>
        %add3A_2367 = arith.addf %scan3A_2317, %mul3A_2366 : vector<16xf32>
        %get3A_2368 = arith.constant 3 : i32
        %get3A_2369 = arith.constant 4 : i32
        %get3A_2370 = arith.index_cast %get3A_2368 : i32 to index
        %get3A_2371 = arith.index_cast %get3A_2369 : i32 to index
        %get3A_2372 = arith.index_cast %add3A_2325 : i32 to index
        %get3A_2373 = tpu.vector_load %arg5[%get3A_2370, %get3A_2371, %get3A_2372] {strides = array<i32>} : memref<4x8x1536xf32, #tpu.memory_space<vmem>>, vector<16xf32>,
        %mul3A_2374 = arith.mulf %get3A_2373, %sub3A_2335 : vector<16xf32>
        %add3A_2375 = arith.addf %scan3A_2318, %mul3A_2374 : vector<16xf32>
        %get3A_2376 = arith.constant 3 : i32
        %get3A_2377 = arith.constant 5 : i32
        %get3A_2378 = arith.index_cast %get3A_2376 : i32 to index
        %get3A_2379 = arith.index_cast %get3A_2377 : i32 to index
        %get3A_2380 = arith.index_cast %add3A_2325 : i32 to index
        %get3A_2381 = tpu.vector_load %arg5[%get3A_2378, %get3A_2379, %get3A_2380] {strides = array<i32>} : memref<4x8x1536xf32, #tpu.memory_space<vmem>>, vector<16xf32>,
        %mul3A_2382 = arith.mulf %get3A_2381, %sub3A_2335 : vector<16xf32>
        %add3A_2383 = arith.addf %scan3A_2319, %mul3A_2382 : vector<16xf32>
        %get3A_2384 = arith.constant 3 : i32
        %get3A_2385 = arith.constant 6 : i32
        %get3A_2386 = arith.index_cast %get3A_2384 : i32 to index
        %get3A_2387 = arith.index_cast %get3A_2385 : i32 to index
        %get3A_2388 = arith.index_cast %add3A_2325 : i32 to index
        %get3A_2389 = tpu.vector_load %arg5[%get3A_2386, %get3A_2387, %get3A_2388] {strides = array<i32>} : memref<4x8x1536xf32, #tpu.memory_space<vmem>>, vector<16xf32>,
        %mul3A_2390 = arith.mulf %get3A_2389, %sub3A_2335 : vector<16xf32>
        %add3A_2391 = arith.addf %scan3A_2320, %mul3A_2390 : vector<16xf32>
        %get3A_2392 = arith.constant 3 : i32
        %get3A_2393 = arith.constant 7 : i32
        %get3A_2394 = arith.index_cast %get3A_2392 : i32 to index
        %get3A_2395 = arith.index_cast %get3A_2393 : i32 to index
        %get3A_2396 = arith.index_cast %add3A_2325 : i32 to index
        %get3A_2397 = tpu.vector_load %arg5[%get3A_2394, %get3A_2395, %get3A_2396] {strides = array<i32>} : memref<4x8x1536xf32, #tpu.memory_space<vmem>>, vector<16xf32>,
        %mul3A_2398 = arith.mulf %get3A_2397, %sub3A_2335 : vector<16xf32>
        %add3A_2399 = arith.addf %scan3A_2321, %mul3A_2398 : vector<16xf32>
        scf.yield %add3A_2343, %add3A_2351, %add3A_2359, %add3A_2367, %add3A_2375, %add3A_2383, %add3A_2391, %add3A_2399 : vector<16xf32>, vector<16xf32>, vector<16xf32>, vector<16xf32>, vector<16xf32>, vector<16xf32>, vector<16xf32>, vector<16xf32>
      }
      %scan3A_2058 = arith.constant 16 : i32
      %jit3A_2059 = arith.constant 4 : i32
      %eq3A_2060 = arith.constant 0 : i32
      %eq3A_2061 = arith.cmpi eq, %jit3A_2059, %eq3A_2060 : i32
      %jit3A_2062 = arith.constant 1 : i32
      %select_n3A_2063 = arith.select %eq3A_2061, %jit3A_2062, %jit3A_2059 : i32
      %rem3A_2064 = arith.remsi %select_n3A_1793, %select_n3A_2063 : i32
      %ne3A_2065 = arith.constant 0 : i32
      %ne3A_2066 = arith.cmpi ne, %rem3A_2064, %ne3A_2065 : i32
      %lt3A_2067 = arith.constant 0 : i32
      %lt3A_2068 = arith.cmpi slt, %rem3A_2064, %lt3A_2067 : i32
      %lt3A_2069 = arith.constant 0 : i32
      %lt3A_2070 = arith.cmpi slt, %select_n3A_2063, %lt3A_2069 : i32
      %ne3A_2071 = arith.xori %lt3A_2068, %lt3A_2070 : i1
      %and3A_2072 = arith.andi %ne3A_2071, %ne3A_2066 : i1
      %add3A_2073 = arith.addi %rem3A_2064, %select_n3A_2063 : i32
      %select_n3A_2074 = arith.select %and3A_2072, %add3A_2073, %rem3A_2064 : i32
      %mul3A_2075 = arith.constant 4 : i32
      %mul3A_2076 = arith.muli %select_n3A_2074, %mul3A_2075 : i32
      %add3A_2077 = arith.constant 2 : i32
      %add3A_2078 = arith.addi %mul3A_2076, %add3A_2077 : i32
      %add3A_2079 = arith.constant 0 : i32
      %add3A_2080 = arith.addi %add3A_2078, %add3A_2079 : i32
      %eq3A_2081 = vector.broadcast %add3A_2080 : i32 to vector<16xi32>
      %eq3A_2082 = arith.cmpi eq, %iota3A, %eq3A_2081 : vector<16xi32>
      %reduce_sum3A_2083 = arith.constant true
      %reduce_sum3A_2084 = vector.broadcast %reduce_sum3A_2083 : i1 to vector<16xi1>
      %reduce_sum3A_2085 = tpu.scan <sum>, %scan3A_2057#0 masked %reduce_sum3A_2084 : vector<16xf32>, vector<16xi1> -> vector<16xf32>
      %reduce_sum3A_2086 = vector.extract %reduce_sum3A_2085[15] : f32 from vector<16xf32>
      %broadcast_in_dim3A_2087 = vector.broadcast %reduce_sum3A_2086 : f32 to vector<16xf32>
      %select_n3A_2088 = arith.select %eq3A_2082, %broadcast_in_dim3A_2087, %select_n3A_1980 : vector<16xi1>, vector<16xf32>
      %eq3A_2089 = vector.broadcast %add3A_2080 : i32 to vector<16xi32>
      %eq3A_2090 = arith.cmpi eq, %iota3A, %eq3A_2089 : vector<16xi32>
      %reduce_sum3A_2091 = arith.constant true
      %reduce_sum3A_2092 = vector.broadcast %reduce_sum3A_2091 : i1 to vector<16xi1>
      %reduce_sum3A_2093 = tpu.scan <sum>, %scan3A_2057#1 masked %reduce_sum3A_2092 : vector<16xf32>, vector<16xi1> -> vector<16xf32>
      %reduce_sum3A_2094 = vector.extract %reduce_sum3A_2093[15] : f32 from vector<16xf32>
      %broadcast_in_dim3A_2095 = vector.broadcast %reduce_sum3A_2094 : f32 to vector<16xf32>
      %select_n3A_2096 = arith.select %eq3A_2090, %broadcast_in_dim3A_2095, %select_n3A_1988 : vector<16xi1>, vector<16xf32>
      %eq3A_2097 = vector.broadcast %add3A_2080 : i32 to vector<16xi32>
      %eq3A_2098 = arith.cmpi eq, %iota3A, %eq3A_2097 : vector<16xi32>
      %reduce_sum3A_2099 = arith.constant true
      %reduce_sum3A_2100 = vector.broadcast %reduce_sum3A_2099 : i1 to vector<16xi1>
      %reduce_sum3A_2101 = tpu.scan <sum>, %scan3A_2057#2 masked %reduce_sum3A_2100 : vector<16xf32>, vector<16xi1> -> vector<16xf32>
      %reduce_sum3A_2102 = vector.extract %reduce_sum3A_2101[15] : f32 from vector<16xf32>
      %broadcast_in_dim3A_2103 = vector.broadcast %reduce_sum3A_2102 : f32 to vector<16xf32>
      %select_n3A_2104 = arith.select %eq3A_2098, %broadcast_in_dim3A_2103, %select_n3A_1996 : vector<16xi1>, vector<16xf32>
      %eq3A_2105 = vector.broadcast %add3A_2080 : i32 to vector<16xi32>
      %eq3A_2106 = arith.cmpi eq, %iota3A, %eq3A_2105 : vector<16xi32>
      %reduce_sum3A_2107 = arith.constant true
      %reduce_sum3A_2108 = vector.broadcast %reduce_sum3A_2107 : i1 to vector<16xi1>
      %reduce_sum3A_2109 = tpu.scan <sum>, %scan3A_2057#3 masked %reduce_sum3A_2108 : vector<16xf32>, vector<16xi1> -> vector<16xf32>
      %reduce_sum3A_2110 = vector.extract %reduce_sum3A_2109[15] : f32 from vector<16xf32>
      %broadcast_in_dim3A_2111 = vector.broadcast %reduce_sum3A_2110 : f32 to vector<16xf32>
      %select_n3A_2112 = arith.select %eq3A_2106, %broadcast_in_dim3A_2111, %select_n3A_2004 : vector<16xi1>, vector<16xf32>
      %eq3A_2113 = vector.broadcast %add3A_2080 : i32 to vector<16xi32>
      %eq3A_2114 = arith.cmpi eq, %iota3A, %eq3A_2113 : vector<16xi32>
      %reduce_sum3A_2115 = arith.constant true
      %reduce_sum3A_2116 = vector.broadcast %reduce_sum3A_2115 : i1 to vector<16xi1>
      %reduce_sum3A_2117 = tpu.scan <sum>, %scan3A_2057#4 masked %reduce_sum3A_2116 : vector<16xf32>, vector<16xi1> -> vector<16xf32>
      %reduce_sum3A_2118 = vector.extract %reduce_sum3A_2117[15] : f32 from vector<16xf32>
      %broadcast_in_dim3A_2119 = vector.broadcast %reduce_sum3A_2118 : f32 to vector<16xf32>
      %select_n3A_2120 = arith.select %eq3A_2114, %broadcast_in_dim3A_2119, %select_n3A_2012 : vector<16xi1>, vector<16xf32>
      %eq3A_2121 = vector.broadcast %add3A_2080 : i32 to vector<16xi32>
      %eq3A_2122 = arith.cmpi eq, %iota3A, %eq3A_2121 : vector<16xi32>
      %reduce_sum3A_2123 = arith.constant true
      %reduce_sum3A_2124 = vector.broadcast %reduce_sum3A_2123 : i1 to vector<16xi1>
      %reduce_sum3A_2125 = tpu.scan <sum>, %scan3A_2057#5 masked %reduce_sum3A_2124 : vector<16xf32>, vector<16xi1> -> vector<16xf32>
      %reduce_sum3A_2126 = vector.extract %reduce_sum3A_2125[15] : f32 from vector<16xf32>
      %broadcast_in_dim3A_2127 = vector.broadcast %reduce_sum3A_2126 : f32 to vector<16xf32>
      %select_n3A_2128 = arith.select %eq3A_2122, %broadcast_in_dim3A_2127, %select_n3A_2020 : vector<16xi1>, vector<16xf32>
      %eq3A_2129 = vector.broadcast %add3A_2080 : i32 to vector<16xi32>
      %eq3A_2130 = arith.cmpi eq, %iota3A, %eq3A_2129 : vector<16xi32>
      %reduce_sum3A_2131 = arith.constant true
      %reduce_sum3A_2132 = vector.broadcast %reduce_sum3A_2131 : i1 to vector<16xi1>
      %reduce_sum3A_2133 = tpu.scan <sum>, %scan3A_2057#6 masked %reduce_sum3A_2132 : vector<16xf32>, vector<16xi1> -> vector<16xf32>
      %reduce_sum3A_2134 = vector.extract %reduce_sum3A_2133[15] : f32 from vector<16xf32>
      %broadcast_in_dim3A_2135 = vector.broadcast %reduce_sum3A_2134 : f32 to vector<16xf32>
      %select_n3A_2136 = arith.select %eq3A_2130, %broadcast_in_dim3A_2135, %select_n3A_2028 : vector<16xi1>, vector<16xf32>
      %eq3A_2137 = vector.broadcast %add3A_2080 : i32 to vector<16xi32>
      %eq3A_2138 = arith.cmpi eq, %iota3A, %eq3A_2137 : vector<16xi32>
      %reduce_sum3A_2139 = arith.constant true
      %reduce_sum3A_2140 = vector.broadcast %reduce_sum3A_2139 : i1 to vector<16xi1>
      %reduce_sum3A_2141 = tpu.scan <sum>, %scan3A_2057#7 masked %reduce_sum3A_2140 : vector<16xf32>, vector<16xi1> -> vector<16xf32>
      %reduce_sum3A_2142 = vector.extract %reduce_sum3A_2141[15] : f32 from vector<16xf32>
      %broadcast_in_dim3A_2143 = vector.broadcast %reduce_sum3A_2142 : f32 to vector<16xf32>
      %select_n3A_2144 = arith.select %eq3A_2138, %broadcast_in_dim3A_2143, %select_n3A_2036 : vector<16xi1>, vector<16xf32>
      %broadcast_in_dim3A_2145 = arith.constant 0.000000e+00 : f32
      %broadcast_in_dim3A_2146 = vector.broadcast %broadcast_in_dim3A_2145 : f32 to vector<16xf32>
      %broadcast_in_dim3A_2147 = arith.constant 0.000000e+00 : f32
      %broadcast_in_dim3A_2148 = vector.broadcast %broadcast_in_dim3A_2147 : f32 to vector<16xf32>
      %broadcast_in_dim3A_2149 = arith.constant 0.000000e+00 : f32
      %broadcast_in_dim3A_2150 = vector.broadcast %broadcast_in_dim3A_2149 : f32 to vector<16xf32>
      %broadcast_in_dim3A_2151 = arith.constant 0.000000e+00 : f32
      %broadcast_in_dim3A_2152 = vector.broadcast %broadcast_in_dim3A_2151 : f32 to vector<16xf32>
      %broadcast_in_dim3A_2153 = arith.constant 0.000000e+00 : f32
      %broadcast_in_dim3A_2154 = vector.broadcast %broadcast_in_dim3A_2153 : f32 to vector<16xf32>
      %broadcast_in_dim3A_2155 = arith.constant 0.000000e+00 : f32
      %broadcast_in_dim3A_2156 = vector.broadcast %broadcast_in_dim3A_2155 : f32 to vector<16xf32>
      %broadcast_in_dim3A_2157 = arith.constant 0.000000e+00 : f32
      %broadcast_in_dim3A_2158 = vector.broadcast %broadcast_in_dim3A_2157 : f32 to vector<16xf32>
      %broadcast_in_dim3A_2159 = arith.constant 0.000000e+00 : f32
      %broadcast_in_dim3A_2160 = vector.broadcast %broadcast_in_dim3A_2159 : f32 to vector<16xf32>
      %scan3A_2161 = arith.constant 0 : i32
      %scan3A_2162 = arith.constant 32 : i32
      %scan3A_2163 = arith.addi %scan3A_2161, %scan3A_2162 : i32
      %scan3A_2164 = arith.constant 1 : i32
      %scan3A_2165:8 = scf.for %scan3A_2313 = %scan3A_2161 to %scan3A_2163 step %scan3A_2164 iter_args(%scan3A_2314 = %broadcast_in_dim3A_2146, %scan3A_2315 = %broadcast_in_dim3A_2148, %scan3A_2316 = %broadcast_in_dim3A_2150, %scan3A_2317 = %broadcast_in_dim3A_2152, %scan3A_2318 = %broadcast_in_dim3A_2154, %scan3A_2319 = %broadcast_in_dim3A_2156, %scan3A_2320 = %broadcast_in_dim3A_2158, %scan3A_2321 = %broadcast_in_dim3A_2160) -> (vector<16xf32>, vector<16xf32>, vector<16xf32>, vector<16xf32>, vector<16xf32>, vector<16xf32>, vector<16xf32>, vector<16xf32>)  : i32 {
        %mul3A_2322 = arith.constant 16 : i32
        %mul3A_2323 = arith.muli %scan3A_2313, %mul3A_2322 : i32
        %add3A_2324 = arith.constant 1024 : i32
        %add3A_2325 = arith.addi %add3A_2324, %mul3A_2323 : i32
        %add3A_2326 = arith.addi %mul3A_1820, %add3A_2325 : i32
        %get3A = arith.index_cast %add3A_2326 : i32 to index
        %get3A_2327 = tpu.vector_load %arg6[%get3A] {strides = array<i32>} : memref<12288xf32, #tpu.memory_space<vmem>>, vector<16xf32>,
        %max3A = arith.constant 0.000000e+00 : f32
        %max3A_2328 = vector.broadcast %max3A : f32 to vector<16xf32>
        %max3A_2329 = arith.maximumf %get3A_2327, %max3A_2328 : vector<16xf32>
        %add3A_2330 = arith.constant 0x4B000000 : f32
        %add3A_2331 = vector.broadcast %add3A_2330 : f32 to vector<16xf32>
        %add3A_2332 = arith.addf %max3A_2329, %add3A_2331 : vector<16xf32>
        %sub3A_2333 = arith.constant 0x4B000000 : f32
        %sub3A_2334 = vector.broadcast %sub3A_2333 : f32 to vector<16xf32>
        %sub3A_2335 = arith.subf %add3A_2332, %sub3A_2334 : vector<16xf32>
        %get3A_2336 = arith.constant 3 : i32
        %get3A_2337 = arith.constant 0 : i32
        %get3A_2338 = arith.index_cast %get3A_2336 : i32 to index
        %get3A_2339 = arith.index_cast %get3A_2337 : i32 to index
        %get3A_2340 = arith.index_cast %add3A_2325 : i32 to index
        %get3A_2341 = tpu.vector_load %arg5[%get3A_2338, %get3A_2339, %get3A_2340] {strides = array<i32>} : memref<4x8x1536xf32, #tpu.memory_space<vmem>>, vector<16xf32>,
        %mul3A_2342 = arith.mulf %get3A_2341, %sub3A_2335 : vector<16xf32>
        %add3A_2343 = arith.addf %scan3A_2314, %mul3A_2342 : vector<16xf32>
        %get3A_2344 = arith.constant 3 : i32
        %get3A_2345 = arith.constant 1 : i32
        %get3A_2346 = arith.index_cast %get3A_2344 : i32 to index
        %get3A_2347 = arith.index_cast %get3A_2345 : i32 to index
        %get3A_2348 = arith.index_cast %add3A_2325 : i32 to index
        %get3A_2349 = tpu.vector_load %arg5[%get3A_2346, %get3A_2347, %get3A_2348] {strides = array<i32>} : memref<4x8x1536xf32, #tpu.memory_space<vmem>>, vector<16xf32>,
        %mul3A_2350 = arith.mulf %get3A_2349, %sub3A_2335 : vector<16xf32>
        %add3A_2351 = arith.addf %scan3A_2315, %mul3A_2350 : vector<16xf32>
        %get3A_2352 = arith.constant 3 : i32
        %get3A_2353 = arith.constant 2 : i32
        %get3A_2354 = arith.index_cast %get3A_2352 : i32 to index
        %get3A_2355 = arith.index_cast %get3A_2353 : i32 to index
        %get3A_2356 = arith.index_cast %add3A_2325 : i32 to index
        %get3A_2357 = tpu.vector_load %arg5[%get3A_2354, %get3A_2355, %get3A_2356] {strides = array<i32>} : memref<4x8x1536xf32, #tpu.memory_space<vmem>>, vector<16xf32>,
        %mul3A_2358 = arith.mulf %get3A_2357, %sub3A_2335 : vector<16xf32>
        %add3A_2359 = arith.addf %scan3A_2316, %mul3A_2358 : vector<16xf32>
        %get3A_2360 = arith.constant 3 : i32
        %get3A_2361 = arith.constant 3 : i32
        %get3A_2362 = arith.index_cast %get3A_2360 : i32 to index
        %get3A_2363 = arith.index_cast %get3A_2361 : i32 to index
        %get3A_2364 = arith.index_cast %add3A_2325 : i32 to index
        %get3A_2365 = tpu.vector_load %arg5[%get3A_2362, %get3A_2363, %get3A_2364] {strides = array<i32>} : memref<4x8x1536xf32, #tpu.memory_space<vmem>>, vector<16xf32>,
        %mul3A_2366 = arith.mulf %get3A_2365, %sub3A_2335 : vector<16xf32>
        %add3A_2367 = arith.addf %scan3A_2317, %mul3A_2366 : vector<16xf32>
        %get3A_2368 = arith.constant 3 : i32
        %get3A_2369 = arith.constant 4 : i32
        %get3A_2370 = arith.index_cast %get3A_2368 : i32 to index
        %get3A_2371 = arith.index_cast %get3A_2369 : i32 to index
        %get3A_2372 = arith.index_cast %add3A_2325 : i32 to index
        %get3A_2373 = tpu.vector_load %arg5[%get3A_2370, %get3A_2371, %get3A_2372] {strides = array<i32>} : memref<4x8x1536xf32, #tpu.memory_space<vmem>>, vector<16xf32>,
        %mul3A_2374 = arith.mulf %get3A_2373, %sub3A_2335 : vector<16xf32>
        %add3A_2375 = arith.addf %scan3A_2318, %mul3A_2374 : vector<16xf32>
        %get3A_2376 = arith.constant 3 : i32
        %get3A_2377 = arith.constant 5 : i32
        %get3A_2378 = arith.index_cast %get3A_2376 : i32 to index
        %get3A_2379 = arith.index_cast %get3A_2377 : i32 to index
        %get3A_2380 = arith.index_cast %add3A_2325 : i32 to index
        %get3A_2381 = tpu.vector_load %arg5[%get3A_2378, %get3A_2379, %get3A_2380] {strides = array<i32>} : memref<4x8x1536xf32, #tpu.memory_space<vmem>>, vector<16xf32>,
        %mul3A_2382 = arith.mulf %get3A_2381, %sub3A_2335 : vector<16xf32>
        %add3A_2383 = arith.addf %scan3A_2319, %mul3A_2382 : vector<16xf32>
        %get3A_2384 = arith.constant 3 : i32
        %get3A_2385 = arith.constant 6 : i32
        %get3A_2386 = arith.index_cast %get3A_2384 : i32 to index
        %get3A_2387 = arith.index_cast %get3A_2385 : i32 to index
        %get3A_2388 = arith.index_cast %add3A_2325 : i32 to index
        %get3A_2389 = tpu.vector_load %arg5[%get3A_2386, %get3A_2387, %get3A_2388] {strides = array<i32>} : memref<4x8x1536xf32, #tpu.memory_space<vmem>>, vector<16xf32>,
        %mul3A_2390 = arith.mulf %get3A_2389, %sub3A_2335 : vector<16xf32>
        %add3A_2391 = arith.addf %scan3A_2320, %mul3A_2390 : vector<16xf32>
        %get3A_2392 = arith.constant 3 : i32
        %get3A_2393 = arith.constant 7 : i32
        %get3A_2394 = arith.index_cast %get3A_2392 : i32 to index
        %get3A_2395 = arith.index_cast %get3A_2393 : i32 to index
        %get3A_2396 = arith.index_cast %add3A_2325 : i32 to index
        %get3A_2397 = tpu.vector_load %arg5[%get3A_2394, %get3A_2395, %get3A_2396] {strides = array<i32>} : memref<4x8x1536xf32, #tpu.memory_space<vmem>>, vector<16xf32>,
        %mul3A_2398 = arith.mulf %get3A_2397, %sub3A_2335 : vector<16xf32>
        %add3A_2399 = arith.addf %scan3A_2321, %mul3A_2398 : vector<16xf32>
        scf.yield %add3A_2343, %add3A_2351, %add3A_2359, %add3A_2367, %add3A_2375, %add3A_2383, %add3A_2391, %add3A_2399 : vector<16xf32>, vector<16xf32>, vector<16xf32>, vector<16xf32>, vector<16xf32>, vector<16xf32>, vector<16xf32>, vector<16xf32>
      }
      %scan3A_2166 = arith.constant 32 : i32
      %jit3A_2167 = arith.constant 4 : i32
      %eq3A_2168 = arith.constant 0 : i32
      %eq3A_2169 = arith.cmpi eq, %jit3A_2167, %eq3A_2168 : i32
      %jit3A_2170 = arith.constant 1 : i32
      %select_n3A_2171 = arith.select %eq3A_2169, %jit3A_2170, %jit3A_2167 : i32
      %rem3A_2172 = arith.remsi %select_n3A_1793, %select_n3A_2171 : i32
      %ne3A_2173 = arith.constant 0 : i32
      %ne3A_2174 = arith.cmpi ne, %rem3A_2172, %ne3A_2173 : i32
      %lt3A_2175 = arith.constant 0 : i32
      %lt3A_2176 = arith.cmpi slt, %rem3A_2172, %lt3A_2175 : i32
      %lt3A_2177 = arith.constant 0 : i32
      %lt3A_2178 = arith.cmpi slt, %select_n3A_2171, %lt3A_2177 : i32
      %ne3A_2179 = arith.xori %lt3A_2176, %lt3A_2178 : i1
      %and3A_2180 = arith.andi %ne3A_2179, %ne3A_2174 : i1
      %add3A_2181 = arith.addi %rem3A_2172, %select_n3A_2171 : i32
      %select_n3A_2182 = arith.select %and3A_2180, %add3A_2181, %rem3A_2172 : i32
      %mul3A_2183 = arith.constant 4 : i32
      %mul3A_2184 = arith.muli %select_n3A_2182, %mul3A_2183 : i32
      %add3A_2185 = arith.constant 2 : i32
      %add3A_2186 = arith.addi %mul3A_2184, %add3A_2185 : i32
      %add3A_2187 = arith.constant 1 : i32
      %add3A_2188 = arith.addi %add3A_2186, %add3A_2187 : i32
      %eq3A_2189 = vector.broadcast %add3A_2188 : i32 to vector<16xi32>
      %eq3A_2190 = arith.cmpi eq, %iota3A, %eq3A_2189 : vector<16xi32>
      %reduce_sum3A_2191 = arith.constant true
      %reduce_sum3A_2192 = vector.broadcast %reduce_sum3A_2191 : i1 to vector<16xi1>
      %reduce_sum3A_2193 = tpu.scan <sum>, %scan3A_2165#0 masked %reduce_sum3A_2192 : vector<16xf32>, vector<16xi1> -> vector<16xf32>
      %reduce_sum3A_2194 = vector.extract %reduce_sum3A_2193[15] : f32 from vector<16xf32>
      %broadcast_in_dim3A_2195 = vector.broadcast %reduce_sum3A_2194 : f32 to vector<16xf32>
      %select_n3A_2196 = arith.select %eq3A_2190, %broadcast_in_dim3A_2195, %select_n3A_2088 : vector<16xi1>, vector<16xf32>
      %eq3A_2197 = vector.broadcast %add3A_2188 : i32 to vector<16xi32>
      %eq3A_2198 = arith.cmpi eq, %iota3A, %eq3A_2197 : vector<16xi32>
      %reduce_sum3A_2199 = arith.constant true
      %reduce_sum3A_2200 = vector.broadcast %reduce_sum3A_2199 : i1 to vector<16xi1>
      %reduce_sum3A_2201 = tpu.scan <sum>, %scan3A_2165#1 masked %reduce_sum3A_2200 : vector<16xf32>, vector<16xi1> -> vector<16xf32>
      %reduce_sum3A_2202 = vector.extract %reduce_sum3A_2201[15] : f32 from vector<16xf32>
      %broadcast_in_dim3A_2203 = vector.broadcast %reduce_sum3A_2202 : f32 to vector<16xf32>
      %select_n3A_2204 = arith.select %eq3A_2198, %broadcast_in_dim3A_2203, %select_n3A_2096 : vector<16xi1>, vector<16xf32>
      %eq3A_2205 = vector.broadcast %add3A_2188 : i32 to vector<16xi32>
      %eq3A_2206 = arith.cmpi eq, %iota3A, %eq3A_2205 : vector<16xi32>
      %reduce_sum3A_2207 = arith.constant true
      %reduce_sum3A_2208 = vector.broadcast %reduce_sum3A_2207 : i1 to vector<16xi1>
      %reduce_sum3A_2209 = tpu.scan <sum>, %scan3A_2165#2 masked %reduce_sum3A_2208 : vector<16xf32>, vector<16xi1> -> vector<16xf32>
      %reduce_sum3A_2210 = vector.extract %reduce_sum3A_2209[15] : f32 from vector<16xf32>
      %broadcast_in_dim3A_2211 = vector.broadcast %reduce_sum3A_2210 : f32 to vector<16xf32>
      %select_n3A_2212 = arith.select %eq3A_2206, %broadcast_in_dim3A_2211, %select_n3A_2104 : vector<16xi1>, vector<16xf32>
      %eq3A_2213 = vector.broadcast %add3A_2188 : i32 to vector<16xi32>
      %eq3A_2214 = arith.cmpi eq, %iota3A, %eq3A_2213 : vector<16xi32>
      %reduce_sum3A_2215 = arith.constant true
      %reduce_sum3A_2216 = vector.broadcast %reduce_sum3A_2215 : i1 to vector<16xi1>
      %reduce_sum3A_2217 = tpu.scan <sum>, %scan3A_2165#3 masked %reduce_sum3A_2216 : vector<16xf32>, vector<16xi1> -> vector<16xf32>
      %reduce_sum3A_2218 = vector.extract %reduce_sum3A_2217[15] : f32 from vector<16xf32>
      %broadcast_in_dim3A_2219 = vector.broadcast %reduce_sum3A_2218 : f32 to vector<16xf32>
      %select_n3A_2220 = arith.select %eq3A_2214, %broadcast_in_dim3A_2219, %select_n3A_2112 : vector<16xi1>, vector<16xf32>
      %eq3A_2221 = vector.broadcast %add3A_2188 : i32 to vector<16xi32>
      %eq3A_2222 = arith.cmpi eq, %iota3A, %eq3A_2221 : vector<16xi32>
      %reduce_sum3A_2223 = arith.constant true
      %reduce_sum3A_2224 = vector.broadcast %reduce_sum3A_2223 : i1 to vector<16xi1>
      %reduce_sum3A_2225 = tpu.scan <sum>, %scan3A_2165#4 masked %reduce_sum3A_2224 : vector<16xf32>, vector<16xi1> -> vector<16xf32>
      %reduce_sum3A_2226 = vector.extract %reduce_sum3A_2225[15] : f32 from vector<16xf32>
      %broadcast_in_dim3A_2227 = vector.broadcast %reduce_sum3A_2226 : f32 to vector<16xf32>
      %select_n3A_2228 = arith.select %eq3A_2222, %broadcast_in_dim3A_2227, %select_n3A_2120 : vector<16xi1>, vector<16xf32>
      %eq3A_2229 = vector.broadcast %add3A_2188 : i32 to vector<16xi32>
      %eq3A_2230 = arith.cmpi eq, %iota3A, %eq3A_2229 : vector<16xi32>
      %reduce_sum3A_2231 = arith.constant true
      %reduce_sum3A_2232 = vector.broadcast %reduce_sum3A_2231 : i1 to vector<16xi1>
      %reduce_sum3A_2233 = tpu.scan <sum>, %scan3A_2165#5 masked %reduce_sum3A_2232 : vector<16xf32>, vector<16xi1> -> vector<16xf32>
      %reduce_sum3A_2234 = vector.extract %reduce_sum3A_2233[15] : f32 from vector<16xf32>
      %broadcast_in_dim3A_2235 = vector.broadcast %reduce_sum3A_2234 : f32 to vector<16xf32>
      %select_n3A_2236 = arith.select %eq3A_2230, %broadcast_in_dim3A_2235, %select_n3A_2128 : vector<16xi1>, vector<16xf32>
      %eq3A_2237 = vector.broadcast %add3A_2188 : i32 to vector<16xi32>
      %eq3A_2238 = arith.cmpi eq, %iota3A, %eq3A_2237 : vector<16xi32>
      %reduce_sum3A_2239 = arith.constant true
      %reduce_sum3A_2240 = vector.broadcast %reduce_sum3A_2239 : i1 to vector<16xi1>
      %reduce_sum3A_2241 = tpu.scan <sum>, %scan3A_2165#6 masked %reduce_sum3A_2240 : vector<16xf32>, vector<16xi1> -> vector<16xf32>
      %reduce_sum3A_2242 = vector.extract %reduce_sum3A_2241[15] : f32 from vector<16xf32>
      %broadcast_in_dim3A_2243 = vector.broadcast %reduce_sum3A_2242 : f32 to vector<16xf32>
      %select_n3A_2244 = arith.select %eq3A_2238, %broadcast_in_dim3A_2243, %select_n3A_2136 : vector<16xi1>, vector<16xf32>
      %eq3A_2245 = vector.broadcast %add3A_2188 : i32 to vector<16xi32>
      %eq3A_2246 = arith.cmpi eq, %iota3A, %eq3A_2245 : vector<16xi32>
      %reduce_sum3A_2247 = arith.constant true
      %reduce_sum3A_2248 = vector.broadcast %reduce_sum3A_2247 : i1 to vector<16xi1>
      %reduce_sum3A_2249 = tpu.scan <sum>, %scan3A_2165#7 masked %reduce_sum3A_2248 : vector<16xf32>, vector<16xi1> -> vector<16xf32>
      %reduce_sum3A_2250 = vector.extract %reduce_sum3A_2249[15] : f32 from vector<16xf32>
      %broadcast_in_dim3A_2251 = vector.broadcast %reduce_sum3A_2250 : f32 to vector<16xf32>
      %select_n3A_2252 = arith.select %eq3A_2246, %broadcast_in_dim3A_2251, %select_n3A_2144 : vector<16xi1>, vector<16xf32>
      %jit3A_2253 = arith.constant 4 : i32
      %eq3A_2254 = arith.constant 0 : i32
      %eq3A_2255 = arith.cmpi eq, %jit3A_2253, %eq3A_2254 : i32
      %jit3A_2256 = arith.constant 1 : i32
      %select_n3A_2257 = arith.select %eq3A_2255, %jit3A_2256, %jit3A_2253 : i32
      %rem3A_2258 = arith.remsi %select_n3A_1793, %select_n3A_2257 : i32
      %ne3A_2259 = arith.constant 0 : i32
      %ne3A_2260 = arith.cmpi ne, %rem3A_2258, %ne3A_2259 : i32
      %lt3A_2261 = arith.constant 0 : i32
      %lt3A_2262 = arith.cmpi slt, %rem3A_2258, %lt3A_2261 : i32
      %lt3A_2263 = arith.constant 0 : i32
      %lt3A_2264 = arith.cmpi slt, %select_n3A_2257, %lt3A_2263 : i32
      %ne3A_2265 = arith.xori %lt3A_2262, %lt3A_2264 : i1
      %and3A_2266 = arith.andi %ne3A_2265, %ne3A_2260 : i1
      %add3A_2267 = arith.addi %rem3A_2258, %select_n3A_2257 : i32
      %select_n3A_2268 = arith.select %and3A_2266, %add3A_2267, %rem3A_2258 : i32
      %eq3A_2269 = arith.constant 3 : i32
      %eq3A_2270 = arith.cmpi eq, %select_n3A_2268, %eq3A_2269 : i32
      %eq3A_2271 = arith.constant 7 : i32
      %eq3A_2272 = arith.cmpi eq, %select_n3A_1793, %eq3A_2271 : i32
      %or3A_2273 = arith.ori %eq3A_2270, %eq3A_2272 : i1
      %jit3A_2274 = arith.constant 4 : i32
      %div3A_2275 = arith.divsi %select_n3A_1793, %jit3A_2274 : i32
      %sign3A_2276 = arith.constant 0 : i32
      %sign3A_2277 = arith.cmpi sgt, %select_n3A_1793, %sign3A_2276 : i32
      %sign3A_2278 = arith.extui %sign3A_2277 : i1 to i32
      %sign3A_2279 = arith.constant 0 : i32
      %sign3A_2280 = arith.cmpi slt, %select_n3A_1793, %sign3A_2279 : i32
      %sign3A_2281 = arith.extui %sign3A_2280 : i1 to i32
      %sign3A_2282 = arith.subi %sign3A_2278, %sign3A_2281 : i32
      %sign3A_2283 = arith.constant 0 : i32
      %sign3A_2284 = arith.cmpi sgt, %jit3A_2274, %sign3A_2283 : i32
      %sign3A_2285 = arith.extui %sign3A_2284 : i1 to i32
      %sign3A_2286 = arith.constant 0 : i32
      %sign3A_2287 = arith.cmpi slt, %jit3A_2274, %sign3A_2286 : i32
      %sign3A_2288 = arith.extui %sign3A_2287 : i1 to i32
      %sign3A_2289 = arith.subi %sign3A_2285, %sign3A_2288 : i32
      %ne3A_2290 = arith.cmpi ne, %sign3A_2282, %sign3A_2289 : i32
      %rem3A_2291 = arith.remsi %select_n3A_1793, %jit3A_2274 : i32
      %ne3A_2292 = arith.constant 0 : i32
      %ne3A_2293 = arith.cmpi ne, %rem3A_2291, %ne3A_2292 : i32
      %and3A_2294 = arith.andi %ne3A_2290, %ne3A_2293 : i1
      %sub3A_2295 = arith.constant 1 : i32
      %sub3A_2296 = arith.subi %div3A_2275, %sub3A_2295 : i32
      %select_n3A_2297 = arith.select %and3A_2294, %sub3A_2296, %div3A_2275 : i32
      %mul3A_2298 = arith.constant 16 : i32
      %mul3A_2299 = arith.muli %select_n3A_2297, %mul3A_2298 : i32
      %convert_element_type3A_2300 = arith.extui %or3A_2273 : i1 to i32
      %cond3A_2301 = arith.constant 0 : i32
      %cond3A_2302 = arith.cmpi ne, %convert_element_type3A_2300, %cond3A_2301 : i32
      scf.if %cond3A_2302 {
        %mul3A_2313 = arith.constant 8 : i32
        %mul3A_2314 = arith.muli %select_n3A_1777, %mul3A_2313 : i32
        %add3A_2315 = arith.constant 0 : i32
        %add3A_2316 = arith.addi %mul3A_2314, %add3A_2315 : i32
        %swap3A = arith.index_cast %add3A_2316 : i32 to index
        %swap3A_2317 = arith.index_cast %mul3A_2299 : i32 to index
        %swap3A_2318 = tpu.vector_load %arg7[%swap3A, %swap3A_2317] {strides = array<i32>} : memref<32x32xf32, #tpu.memory_space<vmem>>, vector<16xf32>,
        tpu.vector_store %arg7[%swap3A, %swap3A_2317], %select_n3A_2196 {strides = array<i32>} : memref<32x32xf32, #tpu.memory_space<vmem>>, vector<16xf32>,
        %mul3A_2319 = arith.constant 8 : i32
        %mul3A_2320 = arith.muli %select_n3A_1777, %mul3A_2319 : i32
        %add3A_2321 = arith.constant 1 : i32
        %add3A_2322 = arith.addi %mul3A_2320, %add3A_2321 : i32
        %swap3A_2323 = arith.index_cast %add3A_2322 : i32 to index
        %swap3A_2324 = arith.index_cast %mul3A_2299 : i32 to index
        %swap3A_2325 = tpu.vector_load %arg7[%swap3A_2323, %swap3A_2324] {strides = array<i32>} : memref<32x32xf32, #tpu.memory_space<vmem>>, vector<16xf32>,
        tpu.vector_store %arg7[%swap3A_2323, %swap3A_2324], %select_n3A_2204 {strides = array<i32>} : memref<32x32xf32, #tpu.memory_space<vmem>>, vector<16xf32>,
        %mul3A_2326 = arith.constant 8 : i32
        %mul3A_2327 = arith.muli %select_n3A_1777, %mul3A_2326 : i32
        %add3A_2328 = arith.constant 2 : i32
        %add3A_2329 = arith.addi %mul3A_2327, %add3A_2328 : i32
        %swap3A_2330 = arith.index_cast %add3A_2329 : i32 to index
        %swap3A_2331 = arith.index_cast %mul3A_2299 : i32 to index
        %swap3A_2332 = tpu.vector_load %arg7[%swap3A_2330, %swap3A_2331] {strides = array<i32>} : memref<32x32xf32, #tpu.memory_space<vmem>>, vector<16xf32>,
        tpu.vector_store %arg7[%swap3A_2330, %swap3A_2331], %select_n3A_2212 {strides = array<i32>} : memref<32x32xf32, #tpu.memory_space<vmem>>, vector<16xf32>,
        %mul3A_2333 = arith.constant 8 : i32
        %mul3A_2334 = arith.muli %select_n3A_1777, %mul3A_2333 : i32
        %add3A_2335 = arith.constant 3 : i32
        %add3A_2336 = arith.addi %mul3A_2334, %add3A_2335 : i32
        %swap3A_2337 = arith.index_cast %add3A_2336 : i32 to index
        %swap3A_2338 = arith.index_cast %mul3A_2299 : i32 to index
        %swap3A_2339 = tpu.vector_load %arg7[%swap3A_2337, %swap3A_2338] {strides = array<i32>} : memref<32x32xf32, #tpu.memory_space<vmem>>, vector<16xf32>,
        tpu.vector_store %arg7[%swap3A_2337, %swap3A_2338], %select_n3A_2220 {strides = array<i32>} : memref<32x32xf32, #tpu.memory_space<vmem>>, vector<16xf32>,
        %mul3A_2340 = arith.constant 8 : i32
        %mul3A_2341 = arith.muli %select_n3A_1777, %mul3A_2340 : i32
        %add3A_2342 = arith.constant 4 : i32
        %add3A_2343 = arith.addi %mul3A_2341, %add3A_2342 : i32
        %swap3A_2344 = arith.index_cast %add3A_2343 : i32 to index
        %swap3A_2345 = arith.index_cast %mul3A_2299 : i32 to index
        %swap3A_2346 = tpu.vector_load %arg7[%swap3A_2344, %swap3A_2345] {strides = array<i32>} : memref<32x32xf32, #tpu.memory_space<vmem>>, vector<16xf32>,
        tpu.vector_store %arg7[%swap3A_2344, %swap3A_2345], %select_n3A_2228 {strides = array<i32>} : memref<32x32xf32, #tpu.memory_space<vmem>>, vector<16xf32>,
        %mul3A_2347 = arith.constant 8 : i32
        %mul3A_2348 = arith.muli %select_n3A_1777, %mul3A_2347 : i32
        %add3A_2349 = arith.constant 5 : i32
        %add3A_2350 = arith.addi %mul3A_2348, %add3A_2349 : i32
        %swap3A_2351 = arith.index_cast %add3A_2350 : i32 to index
        %swap3A_2352 = arith.index_cast %mul3A_2299 : i32 to index
        %swap3A_2353 = tpu.vector_load %arg7[%swap3A_2351, %swap3A_2352] {strides = array<i32>} : memref<32x32xf32, #tpu.memory_space<vmem>>, vector<16xf32>,
        tpu.vector_store %arg7[%swap3A_2351, %swap3A_2352], %select_n3A_2236 {strides = array<i32>} : memref<32x32xf32, #tpu.memory_space<vmem>>, vector<16xf32>,
        %mul3A_2354 = arith.constant 8 : i32
        %mul3A_2355 = arith.muli %select_n3A_1777, %mul3A_2354 : i32
        %add3A_2356 = arith.constant 6 : i32
        %add3A_2357 = arith.addi %mul3A_2355, %add3A_2356 : i32
        %swap3A_2358 = arith.index_cast %add3A_2357 : i32 to index
        %swap3A_2359 = arith.index_cast %mul3A_2299 : i32 to index
        %swap3A_2360 = tpu.vector_load %arg7[%swap3A_2358, %swap3A_2359] {strides = array<i32>} : memref<32x32xf32, #tpu.memory_space<vmem>>, vector<16xf32>,
        tpu.vector_store %arg7[%swap3A_2358, %swap3A_2359], %select_n3A_2244 {strides = array<i32>} : memref<32x32xf32, #tpu.memory_space<vmem>>, vector<16xf32>,
        %mul3A_2361 = arith.constant 8 : i32
        %mul3A_2362 = arith.muli %select_n3A_1777, %mul3A_2361 : i32
        %add3A_2363 = arith.constant 7 : i32
        %add3A_2364 = arith.addi %mul3A_2362, %add3A_2363 : i32
        %swap3A_2365 = arith.index_cast %add3A_2364 : i32 to index
        %swap3A_2366 = arith.index_cast %mul3A_2299 : i32 to index
        %swap3A_2367 = tpu.vector_load %arg7[%swap3A_2365, %swap3A_2366] {strides = array<i32>} : memref<32x32xf32, #tpu.memory_space<vmem>>, vector<16xf32>,
        tpu.vector_store %arg7[%swap3A_2365, %swap3A_2366], %select_n3A_2252 {strides = array<i32>} : memref<32x32xf32, #tpu.memory_space<vmem>>, vector<16xf32>,
      } else {
      }
      %broadcast_in_dim3A_2303 = arith.constant 0.000000e+00 : f32
      %broadcast_in_dim3A_2304 = vector.broadcast %broadcast_in_dim3A_2303 : f32 to vector<16xf32>
      %select_n3A_2305 = arith.select %or3A_2273, %broadcast_in_dim3A_2304, %select_n3A_2196 : vector<16xf32>
      %select_n3A_2306 = arith.select %or3A_2273, %broadcast_in_dim3A_2304, %select_n3A_2204 : vector<16xf32>
      %select_n3A_2307 = arith.select %or3A_2273, %broadcast_in_dim3A_2304, %select_n3A_2212 : vector<16xf32>
      %select_n3A_2308 = arith.select %or3A_2273, %broadcast_in_dim3A_2304, %select_n3A_2220 : vector<16xf32>
      %select_n3A_2309 = arith.select %or3A_2273, %broadcast_in_dim3A_2304, %select_n3A_2228 : vector<16xf32>
      %select_n3A_2310 = arith.select %or3A_2273, %broadcast_in_dim3A_2304, %select_n3A_2236 : vector<16xf32>
      %select_n3A_2311 = arith.select %or3A_2273, %broadcast_in_dim3A_2304, %select_n3A_2244 : vector<16xf32>
      %select_n3A_2312 = arith.select %or3A_2273, %broadcast_in_dim3A_2304, %select_n3A_2252 : vector<16xf32>
      scf.yield %select_n3A_2305, %select_n3A_2306, %select_n3A_2307, %select_n3A_2308, %select_n3A_2309, %select_n3A_2310, %select_n3A_2311, %select_n3A_2312 : vector<16xf32>, vector<16xf32>, vector<16xf32>, vector<16xf32>, vector<16xf32>, vector<16xf32>, vector<16xf32>, vector<16xf32>
    }
    %scan3A_66 = arith.constant 8 : i32
    "tpu.region"() ({
      %run_scoped3A = tpu.sem_alloc : memref<!tpu.dma_semaphore, #tpu.memory_space<semaphore_mem>>
      %dma_start3A_67 = arith.constant 0 : i32
      %dma_start3A_68 = tpu.memref_slice %arg4[%mul3A_2, %dma_start3A_67] : memref<1024x32xf32, #tpu.memory_space<hbm>> -> memref<32x32xf32, #tpu.memory_space<hbm>>
      %dma_start3A_69 = arith.constant 0 : i32
      %dma_start3A_70 = tpu.memref_slice %arg4[%mul3A_2, %dma_start3A_69] : memref<1024x32xf32, #tpu.memory_space<hbm>> -> memref<32x32xf32, #tpu.memory_space<hbm>>
      tpu.enqueue_dma source(%arg7 : memref<32x32xf32, #tpu.memory_space<vmem>>) target(%dma_start3A_70 : memref<32x32xf32, #tpu.memory_space<hbm>>) target_semaphore(%run_scoped3A : memref<!tpu.dma_semaphore, #tpu.memory_space<semaphore_mem>>)
      %dma_wait3A = arith.constant 0 : i32
      %dma_wait3A_71 = tpu.memref_slice %arg4[%mul3A_2, %dma_wait3A] : memref<1024x32xf32, #tpu.memory_space<hbm>> -> memref<32x32xf32, #tpu.memory_space<hbm>>
      %dma_wait3A_72 = arith.constant 0 : i32
      %dma_wait3A_73 = tpu.memref_slice %arg4[%mul3A_2, %dma_wait3A_72] : memref<1024x32xf32, #tpu.memory_space<hbm>> -> memref<32x32xf32, #tpu.memory_space<hbm>>
      tpu.wait_dma2 semaphore(%run_scoped3A : memref<!tpu.dma_semaphore, #tpu.memory_space<semaphore_mem>>) src(%arg7 : memref<32x32xf32, #tpu.memory_space<vmem>>) dst(%dma_wait3A_73 : memref<32x32xf32, #tpu.memory_space<hbm>>)
      tpu.yield
    }) : () -> ()
    return
  }
}

module attributes {stable_mosaic.version = 14 : i64} {
  func.func @_tc_body(%arg0: i32, %arg1: i32, %arg2: memref<3072xf32, #tpu.memory_space<vmem>>, %arg3: memref<8x3072xf32, #tpu.memory_space<vmem>>, %arg4: memref<512x3072xf32, #tpu.memory_space<vmem>>, %arg5: memref<8x512xf32, #tpu.memory_space<vmem>>) attributes {dimension_semantics = [#tpu.dimension_semantics<parallel>, #tpu.dimension_semantics<parallel>], iteration_bounds = array<i64: 2, 12>, scalar_prefetch = 0 : i64, scratch_operands = 0 : i64, tpu.core_type = #tpu.core_type<tc>, window_params = [{transform_indices = @transform_0, window_bounds = array<i64: 3072>}, {pipeline_mode = #tpu.pipeline_mode<synchronous>, transform_indices = @transform_1, window_bounds = array<i64: 8, 3072>}, {transform_indices = @transform_2, window_bounds = array<i64: 512, 3072>}, {transform_indices = @transform_3, window_bounds = array<i64: 8, 512>}]} {
    %get3A = arith.constant 0 : index
    %get3A_0 = vector.load %arg2[%get3A] : memref<3072xf32, #tpu.memory_space<vmem>>, vector<3072xf32>
    %max3A = arith.constant 0.000000e+00 : f32
    %max3A_1 = vector.broadcast %max3A : f32 to vector<3072xf32>
    %max3A_2 = arith.maximumf %get3A_0, %max3A_1 : vector<3072xf32>
    %add3A = arith.constant 0x4B000000 : f32
    %add3A_3 = vector.broadcast %add3A : f32 to vector<3072xf32>
    %add3A_4 = arith.addf %max3A_2, %add3A_3 : vector<3072xf32>
    %sub3A = arith.constant 0x4B000000 : f32
    %sub3A_5 = vector.broadcast %sub3A : f32 to vector<3072xf32>
    %sub3A_6 = arith.subf %add3A_4, %sub3A_5 : vector<3072xf32>
    %get3A_7 = arith.constant 0 : index
    %get3A_8 = arith.constant 0 : index
    %get3A_9 = vector.load %arg3[%get3A_7, %get3A_8] : memref<8x3072xf32, #tpu.memory_space<vmem>>, vector<8x3072xf32>
    %broadcast_in_dim3A = vector.shape_cast %sub3A_6 : vector<3072xf32> to vector<1x3072xf32>
    %mul3A = vector.broadcast %broadcast_in_dim3A : vector<1x3072xf32> to vector<8x3072xf32>
    %mul3A_10 = arith.mulf %get3A_9, %mul3A : vector<8x3072xf32>
    %get3A_11 = arith.constant 0 : index
    %get3A_12 = arith.constant 0 : index
    %get3A_13 = vector.load %arg4[%get3A_11, %get3A_12] : memref<512x3072xf32, #tpu.memory_space<vmem>>, vector<512x3072xf32>
    %dot_general3A = arith.constant dense<0.000000e+00> : vector<8x512xf32>
    %dot_general3A_14 = tpu.matmul %mul3A_10, %get3A_13, %dot_general3A {dimension_numbers = #tpu.dot_dimension_numbers<[1], [1], [0], [0], [0, 0, 1, 0], [], []>, transpose_lhs_hint = false} : vector<8x3072xf32>, vector<512x3072xf32>, vector<8x512xf32> -> vector<8x512xf32>
    %swap3A = arith.constant 0 : index
    %swap3A_15 = arith.constant 0 : index
    %swap3A_16 = vector.load %arg5[%swap3A, %swap3A_15] : memref<8x512xf32, #tpu.memory_space<vmem>>, vector<8x512xf32>
    tpu.vector_store %arg5[%swap3A, %swap3A_15], %dot_general3A_14 {strides = array<i32>} : memref<8x512xf32, #tpu.memory_space<vmem>>, vector<8x512xf32>,
    return
  }
  func.func @transform_0(%arg0: i32, %arg1: i32) -> i32 {
    %add3A = arith.constant 4 : i32
    %add3A_0 = arith.addi %arg1, %add3A : i32
    %c0_i32 = arith.constant 0 : i32
    return %add3A_0 : i32
  }
  func.func @transform_1(%arg0: i32, %arg1: i32) -> (i32, i32) {
    %c0_i32 = arith.constant 0 : i32
    %c0_i32_0 = arith.constant 0 : i32
    %c0_i32_1 = arith.constant 0 : i32
    return %c0_i32, %c0_i32_0 : i32, i32
  }
  func.func @transform_2(%arg0: i32, %arg1: i32) -> (i32, i32) {
    %add3A = arith.constant 4 : i32
    %add3A_0 = arith.addi %arg1, %add3A : i32
    %c0_i32 = arith.constant 0 : i32
    return %arg0, %add3A_0 : i32, i32
  }
  func.func @transform_3(%arg0: i32, %arg1: i32) -> (i32, i32) {
    %c0_i32 = arith.constant 0 : i32
    return %arg1, %arg0 : i32, i32
  }
}

</mosaic_0001>

<sc_bundles>
// kernel: kernel.4.cloned.1.call-start
scs
__scs_entry_jumppad:
0x0: {  	(pc) =	sbr.rel $0x88, $3  }
0x1: {  	(tag) =	ssettag $0x0;
	lr =	simm.s32 $0x1  }
0x2: {  	[smem:$0x3F9F] =	sst lr;
	_ =	strace $0xD0000000  }
0x3: {  	_ = 	snop  }
0x4: {  	_ = 	snop  }
0x5: {  	_ = 	snop  }
0x6: {  	_ = 	snop  }
0x7: {  	_ = 	snop  }
__scs_overlays_trampoline_lowered:
0x8: {  	[smem:$0x3FAE] =	sst s0  }
0x9: {  	[smem:$0x3FAF] =	sst s1  }
0xa: {  	[smem:$0x3FB0] =	sst s2  }
0xb: {  	[smem:$0x3FB1] =	sst s3  }
0xc: {  	[smem:$0x3FB2] =	sst s4  }
0xd: {  	[smem:$0x3FB3] =	sst s5  }
0xe: {  	[smem:$0x3FB4] =	sst s6  }
0xf: {  	[smem:$0x3FB5] =	sst s7  }
0x10: {  	[smem:$0x3FB6] =	sst s8  }
0x11: {  	[smem:$0x3FB7] =	sst s9;
	s0 =	simm.s32 @!p0 $0x0  }
0x12: {  	s1 =	sld [smem:$0x3F9D];
	s0 =	simm.s32 @p0 $0x1  }
0x13: {  	[smem:$0x3FB8] =	sst s0;
	s0 =	simm.s32 @!p1 $0x0  }
0x14: {  	s2 =	sld [smem:$0x3F9C];
	s0 =	simm.s32 @p1 $0x1  }
0x15: {  	[smem:$0x3FB9] =	sst s0;
	s0 =	simm.s32 @!p2 $0x0  }
0x16: {  	s3 =	sld [smem:$0x3FDB];
	s0 =	simm.s32 @p2 $0x1  }
0x17: {  	s4 =	simm.s32 $0x1BF5;
	[smem:$0x3FBB] =	sst s0  }
0x18: {  	s0 =	sld [smem:$0x3F9E];
	_ =	swait.ge [sflag:s4], $0x0  }
0x19: {  	s7 =	sld [smem:$0x3F9F]  }
0x1a: {  	s8 =	sadd.s32 $0xFFFFE003, lr  }
0x1b: {  	s9 =	sadd.s32 $0xFFFFFEF7, lr;
	s5 =	simm.s32 $0xFFFFFFFF;
	p2 =	slt.u32 s8, $0xFFFFF086  }
0x1c: {  	p1 =	slt.u32 s9, $0xF7A;
	s5 =	simm.s32 @!p2 $0x0  }
0x1d: {  	s5 =	simm.s32 @p1 $0x1;
	p0 =	seq.s32 s7, s2  }
0x1e: {  	s7 =	smul.u32 @!p0 $0xF7A, s2;
	p2 =	seq.s32 @!p0 s5, $0x0  }
0x1f: {  	s9 =	smul.u32 $0xF7A, s1;
	s8 =	simm.s32 @!p0 $0x1BF5;
	p2 =	por !p2, p0  }
0x20: {  	[sflag:s8] =	ssyncset.s32 @!p0 $0xFFFFF086;
	s6 =	sadd.s32 @!p0 s3, s7;
	s7 =	simm.s32 @!p0 $0x108  }
0x21: {  	s3 =	sadd.s32 s3, s9;
	s6 =	sadd.s32 @!p0 $0x88, s6;
	s7 =	simm.s32 @p2 $0x1082  }
0x22: {  	[simem:s7], [sflag:s8] =	dma.local @!p0 [hbm:s6], $0xF7A  }
0x23: {  	s9 =	sor.u32 $0xD0000000, s2;
	s6 =	simm.s32 $0x108;
	_ =	swait.ge @!p0 [sflag:s8], $0x0  }
0x24: {  	s3 =	sadd.s32 $0x88, s3;
	s6 =	simm.s32 @!p1 $0x1082;
	[sflag:s4] =	ssyncset.s32 $0xFFFFF086  }
0x25: {  	[simem:s6], [sflag:s4] =	dma.local [hbm:s3], $0xF7A  }
0x26: {  	[smem:$0x3F9F] =	sst s1;
	(tag) =	ssettag s2;
	_ =	strace s9  }
0x27: {  	s1 =	sld [smem:$0x3FAF]  }
0x28: {  	s2 =	sld [smem:$0x3FB0]  }
0x29: {  	s4 =	sld [smem:$0x3FB2]  }
0x2a: {  	p0 =	seq.s32 s5, $0x0;
	s5 =	sld [smem:$0x3FB3]  }
0x2b: {  	s6 =	sld [smem:$0x3FB4]  }
0x2c: {  	s7 =	sld [smem:$0x3FB5]  }
0x2d: {  	s3 =	simm.s32 $0x108;
	s8 =	sld [smem:$0x3FB6]  }
0x2e: {  	s3 =	simm.s32 @!p0 $0x1082;
	s9 =	sld [smem:$0x3FB7]  }
0x2f: {  	lr =	sadd.s32 s0, s3;
	s0 =	sld [smem:$0x3FAE]  }
0x30: {  	s3 =	sld [smem:$0x3FB1]  }
0x31: {  	[smem:$0x3FBA] =	sst s10  }
0x32: {  	s10 =	sld [smem:$0x3FB8];
	_ =	sdelay $0x3  }
0x33: {  	p0 =	seq.s32 s10, $0x1;
	s10 =	sld [smem:$0x3FBA];
	_ =	sdelay $0x3  }
0x34: {  	[smem:$0x3FBA] =	sst s10  }
0x35: {  	s10 =	sld [smem:$0x3FB9];
	_ =	sdelay $0x3  }
0x36: {  	p1 =	seq.s32 s10, $0x1;
	s10 =	sld [smem:$0x3FBA];
	_ =	sdelay $0x3  }
0x37: {  	[smem:$0x3FBA] =	sst s10  }
0x38: {  	s10 =	sld [smem:$0x3FBB]  }
0x39: {  	_ = 	snop;
	(pc) =	sbr.ind lr, $3  }
0x3a: {  	_ = 	snop  }
0x3b: {  	_ = 	snop  }
0x3c: {  	p2 =	seq.s32 s10, $0x1;
	s10 =	sld [smem:$0x3FBA]  }
0x3d: {  	_ =	shalt  }
0x3e: {  	_ =	shalt  }
0x3f: {  	_ =	shalt  }
0x40: {  	_ =	shalt  }
0x41: {  	_ =	shalt  }
0x42: {  	_ =	shalt  }
0x43: {  	_ =	shalt  }
0x44: {  	_ =	shalt  }
0x45: {  	_ =	shalt  }
0x46: {  	_ =	shalt  }
0x47: {  	_ =	shalt  }
0x48: {  	_ =	shalt  }
0x49: {  	_ =	shalt  }
0x4a: {  	_ =	shalt  }
0x4b: {  	_ =	shalt  }
0x4c: {  	_ =	shalt  }
0x4d: {  	_ =	shalt  }
0x4e: {  	_ =	shalt  }
0x4f: {  	_ =	shalt  }
0x50: {  	_ =	shalt  }
0x51: {  	_ =	shalt  }
0x52: {  	_ =	shalt  }
0x53: {  	_ =	shalt  }
0x54: {  	_ =	shalt  }
0x55: {  	_ =	shalt  }
0x56: {  	_ =	shalt  }
0x57: {  	_ =	shalt  }
0x58: {  	_ =	shalt  }
0x59: {  	_ =	shalt  }
0x5a: {  	_ =	shalt  }
0x5b: {  	_ =	shalt  }
0x5c: {  	_ =	shalt  }
0x5d: {  	_ =	shalt  }
0x5e: {  	_ =	shalt  }
0x5f: {  	_ =	shalt  }
0x60: {  	_ =	shalt  }
0x61: {  	_ =	shalt  }
0x62: {  	_ =	shalt  }
0x63: {  	_ =	shalt  }
0x64: {  	_ =	shalt  }
0x65: {  	_ =	shalt  }
0x66: {  	_ =	shalt  }
0x67: {  	_ =	shalt  }
0x68: {  	_ =	shalt  }
0x69: {  	_ =	shalt  }
0x6a: {  	_ =	shalt  }
0x6b: {  	_ =	shalt  }
0x6c: {  	_ =	shalt  }
0x6d: {  	_ =	shalt  }
0x6e: {  	_ =	shalt  }
0x6f: {  	_ =	shalt  }
0x70: {  	_ =	shalt  }
0x71: {  	_ =	shalt  }
0x72: {  	_ =	shalt  }
0x73: {  	_ =	shalt  }
0x74: {  	_ =	shalt  }
0x75: {  	_ =	shalt  }
0x76: {  	_ =	shalt  }
0x77: {  	_ =	shalt  }
0x78: {  	_ =	shalt  }
0x79: {  	_ =	shalt  }
0x7a: {  	_ =	shalt  }
0x7b: {  	_ =	shalt  }
0x7c: {  	_ =	shalt  }
0x7d: {  	_ =	shalt  }
0x7e: {  	_ =	shalt  }
0x7f: {  	_ =	shalt  }
0x80: {  	_ =	shalt  }
0x81: {  	_ =	shalt  }
0x82: {  	_ =	shalt  }
0x83: {  	_ =	shalt  }
0x84: {  	_ =	shalt  }
0x85: {  	_ =	shalt  }
0x86: {  	_ =	shalt  }
0x87: {  	_ =	shalt  }
.Lfunc_end0:
.L_simem_size_0:
called_computation_lowered:
.L_overlay_start_0:
0x88: {  	s2 =	sld [smem:$0x3FD9]  }
0x89: {  	s3 =	sld [smem:$0x3FFE];
	_ =	sdelay $0x1  }
0x8a: {  	s1 =	srdreg.scid  }
0x8b: {  	s0 =	sand.u32 $0x1, s1  }
0x8c: {  	s18 =	sshll.u32 s0, $0xA;
	s2 =	sadd.s32 s3, s2  }
0x8d: {  	s2 =	sadd.s32 s2, s18  }
0x8e: {  	[smem:$0x3FC6] =	sst s2  }
0x8f: {  	_ = 	snop  }
0x90: {  	s2 =	sld [smem:$0x3FC9]  }
0x91: {  	s19 =	sld [smem:$0x3FC8]  }
0x92: {  	s4 =	sld [smem:$0x3FD0];
	(tm) =	ssettm $0x1  }
0x93: {  	s5 =	sld [smem:$0x3FFB];
	_ =	sdelay $0x3  }
0x94: {  	_ =	strace s5  }
0x95: {  	s5 =	sld [smem:$0x3FFC];
	_ =	sdelay $0x3  }
0x96: {  	_ =	strace s5  }
0x97: {  	s5 =	sld [smem:$0x3FFD];
	_ =	sdelay $0x3  }
0x98: {  	_ =	strace s5  }
0x99: {  	_ =	strace $0x8FFFFFFF  }
0x9a: {  	s20 =	sld [smem:$0x3FDB];
	_ =	sdelay $0x1  }
0x9b: {  	s6 =	simm.s32 $_scs_section_size  }
0x9c: {  	s7 =	simm.s32 $_size__tile_overlayer_lowered;
	s8 =	simm.s32 $_tile_overlayer_lowered  }
0x9d: {  	s23 =	simm.s32 $0x1BFF;
	s22 =	sshll.u32 s8, $0x1;
	s5 =	sadd.s32 s6, s20  }
0x9e: {  	s9 =	simm.s32 $0x0;
	s21 =	sshll.u32 s7, $0x1;
	s7 =	sadd.s32 s22, s5  }
0x9f: {  	[timem:s9], [sflag:s23] =	dma.local [hbm:s7], s21  }
0xa0: {  	_ =	swait.ge [sflag:s23], s21  }
0xa1: {  	s6 =	ssub.s32 $0x0, s21;
	[sflag:s23] =	ssyncset.done $0x0  }
0xa2: {  	[sflag:s23] =	ssyncadd.s32 s6;
	_ =	sdelay $0x1  }
0xa3: {  	s24 =	simm.s32 $0x1B8B  }
0xa4: {  	_ =	swait.ge [sflag:s24], $0x1  }
0xa5: {  	[sflag:s24] =	ssyncset.done $0x0  }
0xa6: {  	s25 =	simm.s32 $0x1B8E;
	[sflag:s24] =	ssyncadd.s32 $0xFFFFFFFF  }
0xa7: {  	s26 =	simm.s32 $execute0_lowered;
	[smem:$0x3FD2] =	sst s25  }
0xa8: {  	s6 =	sshll.u32 s26, $0x1;
	_ =	strace $0x80000046;
	[dreg:$0x1] =	wrdreg $0xFFFFFFFF  }
0xa9: {  	s28 =	simm.s32 $_size_execute0_lowered;
	s5 =	sadd.s32 s5, s6;
	[dreg:$0x0] =	wrdreg $0x0  }
0xaa: {  	s6 =	sshll.u32 s28, $0x1;
	[dreg:$0x2] =	wrdreg s5  }
0xab: {  	[dreg:$0x3] =	wrdreg s6  }
0xac: {  	[dreg:$0x4] =	wrdreg $0xC0  }
0xad: {  	_ =	task [dreg:s9], $0x5FFFF  }
0xae: {  	[dreg:$0x1] =	wrdreg $0xFFFFFFFF  }
0xaf: {  	[dreg:$0x0] =	wrdreg $0x60  }
0xb0: {  	[dreg:$0x2] =	wrdreg s2  }
0xb1: {  	[dreg:$0x3] =	wrdreg s19  }
0xb2: {  	[dreg:$0x4] =	wrdreg s4  }
0xb3: {  	[dreg:$0x5] =	wrdreg $0x9  }
0xb4: {  	_ =	task.clear_ibuf [dreg:s9], $0x6FFFF;
	_ =	strace $0x90000046  }
0xb5: {  	s29 =	simm.s32 $0x9;
	_ =	strace $0x80000048  }
0xb6: {  	_ =	swait.ge [sflag:s29], $0x1  }
0xb7: {  	[sflag:s29] =	ssyncadd.s32 $0xFFFFFFFF  }
0xb8: {  	_ =	strace $0x90000048  }
0xb9: {  	_ =	sfence  }
0xba: {  	s30 =	sld [smem:$0x0];
	_ =	sdelay $0x2  }
0xbb: {  	s31 =	sshll.u32 s1, $0xD;
	s1 =	sshrl.u32 s1, $0x2  }
0xbc: {  	s3 =	sand.u32 $0x4000, s31;
	s1 =	sadd.s32 s1, s30  }
0xbd: {  	s0 =	sor.u32 s3, s0;
	s1 =	sshll.u32 s1, $0x11  }
0xbe: {  	s0 =	sor.u32 s1, s0  }
0xbf: {  	s0 =	sadd.s32 $0x8F2B, s0  }
0xc0: {  	[sflag:s0] =	ssyncadd.remote.s32 $0x1  }
0xc1: {  	_ =	sfence.sel $0xFFFF  }
0xc2: {  	[dreg:$0x0] =	wrdreg $0xFFFFFFFF;
	(pc) =	sbr.abs _section_cstart, $3  }
0xc3: {  	[dreg:$0x1] =	wrdreg $0xFFFFFFFF  }
0xc4: {  	_ =	task.clear_ibuf [dreg:s9], $0x2FFFF;
	_ =	strace $0x9FFFFFFF  }
0xc5: {  	(tm) =	ssettm $0x7FFFFFFF  }
tec
execute0_lowered:
.L_overlay_start_1:
0x0: {  	(tag) =	ssettag $0x1  }
0x1: {  	s0 =	srdreg.scid;
	s1 =	rddreg [dreg:$0x0]  }
0x2: {  	s2 =	stileid.u32;
	s6 =	rddreg [dreg:$0x2]  }
0x3: {  	s4 =	simm.s32 $0x0;
	s15 =	simm.s32 $0x1;
	s0 =	sand.u32 $0x1, s0  }
0x4: {  	s16 =	simm.s32 $0x9000;
	s2 =	sshll.u32 s2, $0x6;
	s3 =	sshll.u32 s0, $0x5  }
0x5: {  	[smem:$0x7FF] =	sst s4;
	s0 =	ssub.s32 $0x2, s0;
	s2 =	sor.u32 s3, s2  }
0x6: {  	s7 =	sshrl.u32 s0, $0x1;
	s5 =	sshrl.u32 s2, $0x3;
	s2 =	sshll.u32 s2, $0x4  }
0x7: {  	s0 =	ssub.s32 s0, s7;
	s30 =	smul.u32 $0xC000, s5;
	s2 =	sadd.s32 s6, s2  }
0x8: {  	_ =	strace $0x80000047;
	s0 =	smax.u32 s0, $0x1;
	[dreg:$0x7] =	wrdreg s2  }
0x9: {  	s17 =	simm.s32 $0x2;
	[dreg:$0x8] =	wrdreg s0;
	s3 =	sadd.s32 s1, s30  }
0xa: {  	vm0 =	vmmov $0x1;
	s18 =	simm.s32 $0x3;
	s31 =	sadd.s32 $0x600, s3;
	[dreg:$0x4] =	wrdreg s3  }
0xb: {  	vm1 =	vmmov $0x3;
	vm2 =	vmmov $0x7;
	vm3 =	vcmask $0x1310;
	s19 =	simm.s32 $0x4;
	s3 =	sadd.s32 $0xC00, s3;
	[dreg:$0x5] =	wrdreg s31  }
0xc: {  	vm4 =	vcmask $0x2320;
	vm5 =	vcmask $0x3330;
	s21 =	simm.s32 $0x0;
	vm8 =	vmmov $0x7fff;
	[dreg:$0x6] =	wrdreg s3;
	s3 =	simm.s32 $0x5  }
.LBB2_1:
0xd: {  	s0 =	rddreg [dreg:$0x1];
	s2 =	simm.s32 $0xC000  }
0xe: {  	[tilespmem:s2], [sflag:$0x5] =	stream.linear.gather [hbm4b:s0+s4], $0x3000, $0x38;
	[tilespmem:$0x10000] =	vst v63  }
0xf: {  	_ =	swait.ge [sflag:s3], $0x3000  }
0x10: {  	[sflag:s3] =	ssyncset.done $0x0  }
0x11: {  	s26 =	rddreg [dreg:$0x4];
	[sflag:s3] =	ssyncadd.s32 $0xFFFFD000  }
0x12: {  	[tilespmem:s4], [sflag:$0x1] =	stream.linear.gather [hbm4b:s26+s4], $0x3000, $0x38;
	[tilespmem:$0x10000] =	vst v63  }
0x13: {  	s29 =	simm.s32 $0x3000;
	s31 =	simm.s32 $0x6000;
	s28 =	rddreg [dreg:$0x5]  }
0x14: {  	[tilespmem:s29], [sflag:$0x2] =	stream.linear.gather [hbm4b:s28+s4], $0x3000, $0x38;
	[tilespmem:$0x10000] =	vst v63  }
0x15: {  	p0 =	por $0x0, $0x0;
	s22 =	simm.s32 $0x0;
	s30 =	rddreg [dreg:$0x6]  }
0x16: {  	[tilespmem:s31], [sflag:$0x3] =	stream.linear.gather [hbm4b:s30+s4], $0x3000, $0x38;
	[tilespmem:$0x10000] =	vst v63  }
.LBB2_2:
0x17: {  	s28 =	sshll.u32 s22, $0x2;
	s23 =	sshrl.u32 s22, $0x1  }
0x18: {  	s0 =	sand.u32 $0x4, s28;
	s2 =	sadd.s32 s5, s23  }
0x19: {  	s2 =	smul.u32 $0x60000, s2;
	s26 =	sor.u32 $0x3, s0  }
0x1a: {  	s3 =	smul.u32 $0x3000, s26  }
0x1b: {  	_ =	swait.ge [sflag:s15], $0x3000  }
0x1c: {  	s14 =	simm.s32 $0x0;
	s30 =	smul.u32 $0x600, s0;
	s2 =	sor.u32 s2, s3  }
0x1d: {  	[sflag:s15] =	ssyncset.done $0x0;
	s8 =	sand.u32 $0x80, s14;
	s7 =	sshrl.u32 s2, $0x3  }
0x1e: {  	[sflag:s15] =	ssyncadd.s32 $0xFFFFD000;
	s3 =	sor.u32 $0xC000, s30;
	s0 =	sadd.s32 s1, s7  }
0x1f: {  	[tilespmem:s16], [sflag:$0x4] =	stream.linear.gather [hbm4b:s0+s14], $0x3000, $0x38;
	[tilespmem:$0x10000] =	vst v63  }
0x20: {  	s9 =	sand.u32 $0x70, s14;
	s0 =	sadd.s32 s8, s3  }
0x21: {  	s0 =	sadd.s32 s9, s0  }
0x22: {  	s6 =	sand.u32 $0x400, s14;
	v0 =	vld [tilespmem:s0+$0x0]  }
0x23: {  	s13 =	simm.s32 $0x10;
	s10 =	sor.u32 s14, s14;
	s6 =	sor.u32 s9, s6  }
0x24: {  	s11 =	sand.u32 $0x80, s13;
	v2 =	vld [tilespmem:s6+$0x0];
	s0 =	sor.u32 $0x380, s10  }
0x25: {  	s7 =	sand.u32 $0x70, s13;
	v1 =	vld [tilespmem:s0+$0x0];
	s0 =	sadd.s32 s11, s3  }
0x26: {  	v3 =	vld [tilespmem:s6+$0x80];
	s0 =	sadd.s32 s7, s0  }
0x27: {  	v7 =	vld [tilespmem:s0+$0x0];
	v0 =	vmax.f32 v0, $0.0e+00  }
0x28: {  	v5 =	vld [tilespmem:s6+$0x100];
	v0 =	vadd.f32 $8.388608000e+06, v0  }
0x29: {  	s2 =	simm.s32 $0x1;
	v9 =	vld [tilespmem:s6+$0x180]  }
0x2a: {  	s2 =	simm.s32 @!p0 $0x0;
	v4 =	vadd.f32 $-8.388608000e+06, v0  }
0x2b: {  	v8 =	vimm.f32 $0.0e+00;
	s20 =	simm.s32 $0x80;
	s12 =	smul.u32 $0x1800, s2  }
0x2c: {  	v10 =	vimm.f32 $0.0e+00;
	s8 =	sor.u32 s20, s13;
	v6 =	vld [tilespmem:s6+$0x200];
	s9 =	sand.u32 $0x400, s20;
	v7 =	vmax.f32 v7, $0.0e+00;
	v0 =	vmul.f32 v1, v4  }
0x2d: {  	v11 =	vld [tilespmem:s6+$0x280];
	s8 =	sor.u32 $0x380, s8;
	s24 =	sadd.s32 $0x1500, s12;
	s25 =	sadd.s32 $0x1300, s12;
	v15 =	vadd.f32 $8.388608000e+06, v7;
	v1 =	vmul.f32 v4, v2;
	v2 =	vmul.f32 v4, v3  }
0x2e: {  	v12 =	vld [tilespmem:s6+$0x300];
	s29 =	sadd.s32 $0x1000, s12;
	s31 =	sadd.s32 $0xA00, s12;
	s2 =	sadd.s32 $0x900, s12;
	v7 =	vimm.f32 $0.0e+00;
	v5 =	vmul.f32 v4, v5;
	v16 =	vmul.f32 v9, v4  }
0x2f: {  	v13 =	vld [tilespmem:s8+$0x0];
	s8 =	simm.s32 $0x20;
	s11 =	simm.s32 $0x20;
	s7 =	sor.u32 s7, s9;
	v9 =	vimm.f32 $0.0e+00;
	v0 =	vadd.f32 v0, v8;
	v1 =	vadd.f32 v1, v8  }
0x30: {  	s10 =	sand.u32 $0x80, s11;
	s9 =	simm.s32 $0x30;
	s0 =	sor.u32 $0x700, s12;
	v14 =	vld [tilespmem:s7+$0x0];
	v3 =	vadd.f32 v2, v8;
	v2 =	vadd.f32 v5, v8;
	v5 =	vimm.f32 $0.0e+00  }
.LBB2_3:
0x31: {  	p1 =	sne.s32 s9, $0xF0;
	s6 =	sand.u32 $0x70, s8;
	s10 =	sadd.s32 s10, s3;
	v17 =	vld [tilespmem:s7+$0x80];
	v6 =	vmul.f32 v6, v4  }
0x32: {  	s10 =	sadd.s32 s6, s10;
	v15 =	vadd.f32 $-8.388608000e+06, v15;
	v18 =	vld [tilespmem:s7+$0x100];
	v7 =	vadd.f32 v16, v7;
	v11 =	vmul.f32 v11, v4  }
0x33: {  	v16 =	vld [tilespmem:s10+$0x0];
	v10 =	vadd.f32 v6, v10;
	v12 =	vmul.f32 v12, v4  }
0x34: {  	v19 =	vld [tilespmem:s7+$0x180];
	v13 =	vmul.f32 v13, v15;
	v9 =	vadd.f32 v11, v9;
	v4 =	vmov v15  }
.Ltmp0:
0x35: {  	s20 =	sadd.s32 $0x80, s20;
	v14 =	vmul.f32 v4, v14;
	v6 =	vld [tilespmem:s7+$0x200];
	v5 =	vadd.f32 v12, v5;
	(pc) =	sbr.rel @p1 .LBB2_3-.Ltmp0, $4  }
0x36: {  	s4 =	sor.u32 s20, s8;
	s8 =	smov.u32 s9;
	s10 =	sand.u32 $0x400, s20;
	v15 =	vmul.f32 v4, v17;
	v11 =	vld [tilespmem:s7+$0x280];
	v0 =	vadd.f32 v13, v0  }
0x37: {  	s4 =	sor.u32 $0x380, s4;
	v1 =	vadd.f32 v14, v1;
	v17 =	vmul.f32 v4, v18;
	v12 =	vld [tilespmem:s7+$0x300];
	s7 =	sor.u32 s6, s10  }
0x38: {  	v14 =	vmax.f32 v16, $0.0e+00;
	v13 =	vld [tilespmem:s4+$0x0];
	v3 =	vadd.f32 v15, v3  }
0x39: {  	s9 =	sadd.s32 $0x10, s9;
	s10 =	sand.u32 $0x80, s8;
	v15 =	vadd.f32 $8.388608000e+06, v14;
	v14 =	vld [tilespmem:s7+$0x0];
	v2 =	vadd.f32 v17, v2;
	v16 =	vmul.f32 v19, v4  }
0x3a: {  	v17 =	vld [tilespmem:s7+$0x80]  }
0x3b: {  	v18 =	vld [tilespmem:s7+$0x100]  }
0x3c: {  	v20 =	vld [tilespmem:s7+$0x180]  }
0x3d: {  	v21 =	vld [tilespmem:s7+$0x200]  }
0x3e: {  	s4 =	sand.u32 $0x70, s8;
	s6 =	sadd.s32 s10, s3;
	s12 =	sadd.s32 $0x80, s20;
	v22 =	vld [tilespmem:s7+$0x280]  }
0x3f: {  	v23 =	vld [tilespmem:s7+$0x300];
	s6 =	sadd.s32 s4, s6;
	s20 =	sor.u32 s12, s8  }
0x40: {  	v19 =	vld [tilespmem:s6+$0x0];
	s6 =	sand.u32 $0x400, s12;
	s8 =	sor.u32 $0x380, s20  }
0x41: {  	s4 =	sor.u32 s4, s6;
	v24 =	vld [tilespmem:s8+$0x0]  }
0x42: {  	v15 =	vadd.f32 $-8.388608000e+06, v15;
	v11 =	vmul.f32 v11, v4;
	v25 =	vld [tilespmem:s4+$0x0]  }
0x43: {  	v6 =	vmul.f32 v6, v4;
	s9 =	simm.s32 $0x100;
	v4 =	vmul.f32 v12, v4;
	v26 =	vld [tilespmem:s4+$0x80]  }
0x44: {  	v9 =	vadd.f32 v11, v9;
	s6 =	sand.u32 $0x380, s9;
	v27 =	vld [tilespmem:s4+$0x100];
	v11 =	vmul.f32 v15, v14  }
0x45: {  	v6 =	vadd.f32 v6, v10;
	s12 =	sand.u32 $0x70, s14;
	v10 =	vld [tilespmem:s4+$0x180];
	v4 =	vadd.f32 v4, v5;
	s6 =	sadd.s32 s6, s3;
	v5 =	vmul.f32 v15, v17  }
0x46: {  	v7 =	vadd.f32 v16, v7;
	v12 =	vmul.f32 v13, v15;
	v13 =	vld [tilespmem:s4+$0x200];
	s6 =	sadd.s32 s12, s6;
	v1 =	vadd.f32 v11, v1  }
0x47: {  	s10 =	simm.s32 $0x800;
	v11 =	vmul.f32 v15, v18;
	v14 =	vmax.f32 v19, $0.0e+00;
	v3 =	vadd.f32 v5, v3;
	v5 =	vld [tilespmem:s6+$0x0]  }
0x48: {  	s20 =	sand.u32 $0x1C00, s10;
	v16 =	vld [tilespmem:s4+$0x280];
	v0 =	vadd.f32 v12, v0;
	v17 =	vmul.f32 v20, v15;
	v12 =	vadd.f32 $8.388608000e+06, v14  }
0x49: {  	v18 =	vmul.f32 v21, v15;
	v14 =	vld [tilespmem:s4+$0x300];
	s4 =	sor.u32 s12, s20;
	v11 =	vadd.f32 v11, v2;
	v2 =	vmul.f32 v22, v15  }
0x4a: {  	v7 =	vadd.f32 v17, v7;
	v19 =	vld [tilespmem:s4+$0x0];
	v12 =	vadd.f32 $-8.388608000e+06, v12  }
0x4b: {  	v15 =	vmul.f32 v23, v15;
	v6 =	vadd.f32 v18, v6;
	v20 =	vld [tilespmem:s4+$0x80];
	v9 =	vadd.f32 v2, v9  }
0x4c: {  	v21 =	vld [tilespmem:s4+$0x180];
	v17 =	vmul.f32 v24, v12;
	v2 =	vmul.f32 v12, v25;
	v5 =	vmax.f32 v5, $0.0e+00  }
0x4d: {  	v23 =	vld [tilespmem:s4+$0x200];
	v15 =	vadd.f32 v15, v4;
	v4 =	vmul.f32 v12, v26;
	v5 =	vadd.f32 $8.388608000e+06, v5  }
0x4e: {  	s7 =	sor.u32 s10, s14;
	s8 =	simm.s32 $0x110;
	v22 =	vmul.f32 v12, v27;
	v24 =	vld [tilespmem:s4+$0x280];
	v0 =	vadd.f32 v17, v0;
	v1 =	vadd.f32 v2, v1  }
0x4f: {  	s9 =	sand.u32 $0x380, s8;
	s6 =	sor.u32 $0x380, s7;
	v25 =	vld [tilespmem:s4+$0x300];
	v2 =	vadd.f32 v4, v3;
	v4 =	vmul.f32 v10, v12;
	v10 =	vmul.f32 v13, v12  }
0x50: {  	s10 =	sand.u32 $0x70, s13;
	v17 =	vld [tilespmem:s6+$0x0];
	s6 =	sadd.s32 s9, s3;
	v3 =	vadd.f32 v22, v11;
	v11 =	vmul.f32 v16, v12;
	v16 =	vadd.f32 $-8.388608000e+06, v5  }
0x51: {  	s12 =	simm.s32 $0x880;
	v18 =	vld [tilespmem:s4+$0x100];
	s6 =	sadd.s32 s10, s6;
	v4 =	vadd.f32 v4, v7;
	v5 =	vadd.f32 v10, v6  }
0x52: {  	s14 =	sand.u32 $0x1C00, s12;
	v7 =	vmul.f32 v14, v12;
	v12 =	vld [tilespmem:s6+$0x0];
	v6 =	vadd.f32 v11, v9;
	v9 =	vmul.f32 v16, v19  }
0x53: {  	s7 =	sor.u32 s10, s14;
	v11 =	vmul.f32 v16, v20;
	v22 =	vmul.f32 v21, v16  }
0x54: {  	s20 =	sor.u32 s12, s13;
	v13 =	vld [tilespmem:s7+$0x80];
	v20 =	vmul.f32 v23, v16;
	v24 =	vmul.f32 v24, v16  }
0x55: {  	s4 =	sor.u32 $0x380, s20;
	v14 =	vld [tilespmem:s7+$0x100];
	v21 =	vmul.f32 v25, v16;
	v19 =	vimm.f32 $0.0e+00;
	v10 =	vmul.f32 v17, v16  }
0x56: {  	v23 =	vld [tilespmem:s4+$0x0];
	v7 =	vadd.f32 v7, v15;
	v17 =	vmul.f32 v16, v18;
	v9 =	vadd.f32 v9, v8  }
0x57: {  	v15 =	vld [tilespmem:s7+$0x0];
	v18 =	vimm.f32 $0.0e+00;
	v10 =	vadd.f32 v10, v8;
	v25 =	vmax.f32 v12, $0.0e+00  }
0x58: {  	s8 =	simm.s32 $0x900;
	s9 =	simm.s32 $0x980;
	s10 =	simm.s32 $0x120;
	v16 =	vld [tilespmem:s7+$0x180];
	v12 =	vadd.f32 v11, v8;
	v11 =	vadd.f32 v17, v8;
	v17 =	vimm.f32 $0.0e+00  }
.LBB2_5:
0x59: {  	p1 =	sne.s32 s9, $0x1780;
	s4 =	sand.u32 $0x380, s10;
	v25 =	vadd.f32 $8.388608000e+06, v25;
	v26 =	vld [tilespmem:s7+$0x200];
	v8 =	vadd.f32 v22, v8  }
0x5a: {  	s6 =	sand.u32 $0x70, s11;
	s10 =	sand.u32 $0x1C00, s8;
	v18 =	vadd.f32 v20, v18;
	v19 =	vadd.f32 v24, v19;
	s4 =	sadd.s32 s4, s3;
	v27 =	vld [tilespmem:s7+$0x280]  }
0x5b: {  	v17 =	vadd.f32 v21, v17;
	s4 =	sadd.s32 s6, s4;
	v25 =	vadd.f32 $-8.388608000e+06, v25;
	v28 =	vld [tilespmem:s7+$0x300];
	s7 =	sor.u32 s6, s10  }
0x5c: {  	v29 =	vld [tilespmem:s4+$0x0]  }
.Ltmp1:
0x5d: {  	v21 =	vmul.f32 v25, v15;
	v15 =	vld [tilespmem:s7+$0x0];
	v23 =	vmul.f32 v23, v25;
	(pc) =	sbr.rel @p1 .LBB2_5-.Ltmp1, $4  }
0x5e: {  	v30 =	vmul.f32 v25, v13;
	v31 =	vmul.f32 v25, v14;
	v13 =	vld [tilespmem:s7+$0x80]  }
0x5f: {  	s4 =	sor.u32 s8, s11;
	s8 =	smov.u32 s9;
	v22 =	vmul.f32 v16, v25;
	v20 =	vmul.f32 v26, v25;
	v14 =	vld [tilespmem:s7+$0x100];
	v10 =	vadd.f32 v23, v10  }
0x60: {  	s11 =	sadd.s32 $0x10, s11;
	s4 =	sor.u32 $0x380, s4;
	v9 =	vadd.f32 v21, v9;
	v24 =	vmul.f32 v27, v25;
	v16 =	vld [tilespmem:s7+$0x180];
	v21 =	vmul.f32 v28, v25  }
0x61: {  	s9 =	sadd.s32 $0x80, s9;
	s10 =	sadd.s32 $0x100, s11;
	v12 =	vadd.f32 v30, v12;
	v11 =	vadd.f32 v31, v11;
	v25 =	vmax.f32 v29, $0.0e+00;
	v23 =	vld [tilespmem:s4+$0x0]  }
0x62: {  	s4 =	sand.u32 $0x380, s10;
	v26 =	vld [tilespmem:s7+$0x200]  }
0x63: {  	s6 =	sand.u32 $0x70, s11;
	v27 =	vld [tilespmem:s7+$0x280];
	s4 =	sadd.s32 s4, s3  }
0x64: {  	s9 =	sand.u32 $0x1C00, s8;
	v28 =	vld [tilespmem:s7+$0x300];
	s4 =	sadd.s32 s6, s4  }
0x65: {  	s6 =	sor.u32 s6, s9;
	v29 =	vld [tilespmem:s4+$0x0]  }
0x66: {  	v25 =	vadd.f32 $8.388608000e+06, v25;
	v30 =	vld [tilespmem:s6+$0x0]  }
0x67: {  	v31 =	vld [tilespmem:s6+$0x80]  }
0x68: {  	s8 =	sor.u32 s8, s11;
	v25 =	vadd.f32 $-8.388608000e+06, v25;
	v32 =	vld [tilespmem:s6+$0x100]  }
0x69: {  	v8 =	vadd.f32 v22, v8;
	s9 =	simm.s32 $0x300;
	v33 =	vld [tilespmem:s6+$0x180];
	s4 =	sor.u32 $0x380, s8  }
0x6a: {  	v18 =	vadd.f32 v20, v18;
	v19 =	vadd.f32 v24, v19;
	s13 =	simm.s32 $0x0;
	v22 =	vld [tilespmem:s4+$0x0];
	v15 =	vmul.f32 v25, v15;
	s4 =	sand.u32 $0x380, s9  }
0x6b: {  	v17 =	vadd.f32 v21, v17;
	s20 =	sand.u32 $0x70, s13;
	v20 =	vld [tilespmem:s6+$0x200];
	v21 =	vmul.f32 v23, v25;
	v13 =	vmul.f32 v25, v13;
	s4 =	sadd.s32 s4, s3  }
0x6c: {  	s10 =	simm.s32 $0x1800;
	v23 =	vld [tilespmem:s6+$0x280];
	v14 =	vmul.f32 v25, v14;
	v16 =	vmul.f32 v16, v25;
	s4 =	sadd.s32 s20, s4;
	v24 =	vmax.f32 v29, $0.0e+00  }
0x6d: {  	s11 =	sand.u32 $0x1C00, s10;
	v26 =	vmul.f32 v26, v25;
	v10 =	vadd.f32 v21, v10;
	v21 =	vadd.f32 $8.388608000e+06, v24;
	v24 =	vld [tilespmem:s4+$0x0]  }
0x6e: {  	v9 =	vadd.f32 v15, v9;
	v15 =	vmul.f32 v27, v25;
	v12 =	vadd.f32 v13, v12;
	v29 =	vld [tilespmem:s6+$0x300];
	s6 =	sor.u32 s20, s11  }
0x6f: {  	v13 =	vmul.f32 v28, v25;
	v14 =	vadd.f32 v14, v11;
	v27 =	vld [tilespmem:s6+$0x0];
	v21 =	vadd.f32 $-8.388608000e+06, v21  }
0x70: {  	v28 =	vadd.f32 v16, v8;
	v18 =	vadd.f32 v26, v18;
	v25 =	vld [tilespmem:s6+$0x80]  }
0x71: {  	s12 =	sor.u32 s10, s13;
	v19 =	vadd.f32 v15, v19;
	v17 =	vadd.f32 v13, v17;
	v26 =	vld [tilespmem:s6+$0x100];
	v11 =	vmul.f32 v21, v30  }
0x72: {  	s4 =	sor.u32 $0x380, s12;
	v62 =	vld [tilespmem:s6+$0x200];
	v8 =	vmul.f32 v22, v21;
	v13 =	vmul.f32 v21, v31;
	v15 =	vmax.f32 v24, $0.0e+00  }
0x73: {  	s14 =	simm.s32 $0x310;
	v22 =	vld [tilespmem:s4+$0x0];
	v16 =	vmul.f32 v21, v32;
	v20 =	vmul.f32 v20, v21;
	v15 =	vadd.f32 $8.388608000e+06, v15  }
0x74: {  	s8 =	sand.u32 $0x380, s14;
	s11 =	simm.s32 $0x10;
	v30 =	vld [tilespmem:s6+$0x180];
	v24 =	vmul.f32 v33, v21;
	v8 =	vadd.f32 v8, v10;
	v11 =	vadd.f32 v11, v9  }
0x75: {  	s14 =	sand.u32 $0x70, s11;
	v63 =	vld [tilespmem:s6+$0x280];
	s4 =	sadd.s32 s8, s3;
	v9 =	vmul.f32 v23, v21;
	v13 =	vadd.f32 v13, v12;
	v34 =	vadd.f32 $-8.388608000e+06, v15  }
0x76: {  	s9 =	simm.s32 $0x1880;
	v35 =	vld [tilespmem:s6+$0x300];
	s4 =	sadd.s32 s14, s4;
	v12 =	vmul.f32 v29, v21;
	v16 =	vadd.f32 v16, v14;
	v14 =	vadd.f32 v24, v28  }
0x77: {  	s10 =	sand.u32 $0x1C00, s9;
	v24 =	vld [tilespmem:s4+$0x0];
	v15 =	vadd.f32 v20, v18;
	v10 =	vadd.f32 v9, v19;
	v18 =	vmul.f32 v34, v27  }
0x78: {  	s7 =	sor.u32 s14, s10;
	v9 =	vadd.f32 v12, v17;
	v17 =	vmul.f32 v22, v34;
	v19 =	vmul.f32 v34, v25  }
0x79: {  	s12 =	sor.u32 s9, s11;
	v21 =	vld [tilespmem:s7+$0x80];
	v28 =	vimm.f32 $0.0e+00;
	v25 =	vmul.f32 v34, v26;
	v31 =	vmul.f32 v30, v34  }
0x7a: {  	v23 =	vld [tilespmem:s7+$0x100];
	s4 =	sor.u32 $0x380, s12;
	v12 =	vimm.f32 $0.0e+00;
	v29 =	vmul.f32 v62, v34;
	v32 =	vmul.f32 v63, v34  }
0x7b: {  	v33 =	vld [tilespmem:s4+$0x0];
	v30 =	vmul.f32 v35, v34;
	v26 =	vimm.f32 $0.0e+00;
	v27 =	vimm.f32 $0.0e+00  }
0x7c: {  	s9 =	simm.s32 $0x20;
	v22 =	vld [tilespmem:s7+$0x0];
	v20 =	vadd.f32 v17, v12;
	v17 =	vadd.f32 v18, v12;
	v34 =	vmax.f32 v24, $0.0e+00  }
0x7d: {  	s10 =	simm.s32 $0x1980;
	s8 =	simm.s32 $0x1900;
	s6 =	simm.s32 $0x320;
	v24 =	vld [tilespmem:s7+$0x180];
	v18 =	vadd.f32 v19, v12;
	v19 =	vadd.f32 v25, v12;
	v25 =	vimm.f32 $0.0e+00  }
.LBB2_7:
0x7e: {  	p1 =	sne.s32 s10, $0x1F80;
	s4 =	sand.u32 $0x380, s6;
	v34 =	vadd.f32 $8.388608000e+06, v34;
	v35 =	vld [tilespmem:s7+$0x200];
	v26 =	vadd.f32 v31, v26  }
0x7f: {  	s6 =	sand.u32 $0x70, s9;
	s12 =	sand.u32 $0x1C00, s8;
	v28 =	vadd.f32 v29, v28;
	v27 =	vadd.f32 v32, v27;
	s4 =	sadd.s32 s4, s3;
	v36 =	vld [tilespmem:s7+$0x280]  }
0x80: {  	v25 =	vadd.f32 v30, v25;
	s4 =	sadd.s32 s6, s4;
	v34 =	vadd.f32 $-8.388608000e+06, v34;
	v37 =	vld [tilespmem:s7+$0x300];
	s7 =	sor.u32 s6, s12  }
0x81: {  	v38 =	vld [tilespmem:s4+$0x0]  }
.Ltmp2:
0x82: {  	v30 =	vmul.f32 v34, v22;
	v22 =	vld [tilespmem:s7+$0x0];
	v32 =	vmul.f32 v33, v34;
	(pc) =	sbr.rel @p1 .LBB2_7-.Ltmp2, $4  }
0x83: {  	v39 =	vmul.f32 v34, v21;
	v40 =	vmul.f32 v34, v23;
	v21 =	vld [tilespmem:s7+$0x80]  }
0x84: {  	s4 =	sor.u32 s8, s9;
	s8 =	smov.u32 s10;
	v31 =	vmul.f32 v24, v34;
	v29 =	vmul.f32 v35, v34;
	v23 =	vld [tilespmem:s7+$0x100];
	v20 =	vadd.f32 v32, v20  }
0x85: {  	s9 =	sadd.s32 $0x10, s9;
	s4 =	sor.u32 $0x380, s4;
	v17 =	vadd.f32 v30, v17;
	v32 =	vmul.f32 v36, v34;
	v24 =	vld [tilespmem:s7+$0x180];
	v30 =	vmul.f32 v37, v34  }
0x86: {  	s10 =	sadd.s32 $0x80, s10;
	s6 =	sadd.s32 $0x300, s9;
	v18 =	vadd.f32 v39, v18;
	v19 =	vadd.f32 v40, v19;
	v34 =	vmax.f32 v38, $0.0e+00;
	v33 =	vld [tilespmem:s4+$0x0]  }
0x87: {  	v35 =	vld [tilespmem:s7+$0x200]  }
0x88: {  	s12 =	sand.u32 $0x70, s9;
	v36 =	vld [tilespmem:s7+$0x280];
	s10 =	sand.u32 $0x1C00, s8  }
0x89: {  	s4 =	sand.u32 $0x380, s6;
	v37 =	vld [tilespmem:s7+$0x300];
	s6 =	sor.u32 s12, s10  }
0x8a: {  	s4 =	sadd.s32 s4, s3;
	v39 =	vld [tilespmem:s6+$0x0]  }
0x8b: {  	v34 =	vadd.f32 $8.388608000e+06, v34;
	s4 =	sadd.s32 s12, s4;
	v40 =	vld [tilespmem:s6+$0x80]  }
0x8c: {  	v38 =	vld [tilespmem:s4+$0x0]  }
0x8d: {  	s8 =	sor.u32 s8, s9;
	v41 =	vld [tilespmem:s6+$0x100];
	v34 =	vadd.f32 $-8.388608000e+06, v34  }
0x8e: {  	v26 =	vadd.f32 v31, v26;
	s9 =	simm.s32 $0x400;
	v42 =	vld [tilespmem:s6+$0x180];
	s4 =	sor.u32 $0x380, s8  }
0x8f: {  	v28 =	vadd.f32 v29, v28;
	v27 =	vadd.f32 v32, v27;
	v29 =	vld [tilespmem:s4+$0x0];
	v31 =	vmul.f32 v33, v34;
	s4 =	sand.u32 $0x580, s9  }
0x90: {  	v25 =	vadd.f32 v30, v25;
	v51 =	vld [tilespmem:s6+$0x200];
	v22 =	vmul.f32 v34, v22;
	v21 =	vmul.f32 v34, v21;
	s4 =	sadd.s32 s4, s3  }
0x91: {  	s10 =	simm.s32 $0x2000;
	v30 =	vld [tilespmem:s6+$0x280];
	v23 =	vmul.f32 v34, v23;
	v20 =	vadd.f32 v31, v20;
	s4 =	sadd.s32 s20, s4;
	v31 =	vmax.f32 v38, $0.0e+00  }
0x92: {  	s12 =	sand.u32 $0x2C00, s10;
	v24 =	vmul.f32 v24, v34;
	v22 =	vadd.f32 v22, v17;
	v17 =	vadd.f32 $8.388608000e+06, v31;
	v31 =	vld [tilespmem:s4+$0x0]  }
0x93: {  	v52 =	vld [tilespmem:s6+$0x300];
	s6 =	sor.u32 s20, s12;
	v33 =	vimm.f32 $0.0e+00;
	v35 =	vmul.f32 v35, v34;
	v36 =	vmul.f32 v36, v34  }
0x94: {  	v53 =	vld [tilespmem:s6+$0x0];
	v18 =	vadd.f32 v21, v18;
	v21 =	vmul.f32 v37, v34;
	v54 =	vadd.f32 $-8.388608000e+06, v17  }
0x95: {  	v55 =	vld [tilespmem:s6+$0x80];
	v19 =	vadd.f32 v23, v19;
	v26 =	vadd.f32 v24, v26;
	v34 =	vimm.f32 $0.0e+00  }
0x96: {  	s8 =	sor.u32 s10, s13;
	v56 =	vld [tilespmem:s6+$0x100];
	v28 =	vadd.f32 v35, v28;
	v57 =	vadd.f32 v21, v25;
	v17 =	vmul.f32 v29, v54  }
0x97: {  	v58 =	vld [tilespmem:s6+$0x180];
	s4 =	sor.u32 $0x380, s8;
	v21 =	vmul.f32 v54, v39;
	v23 =	vmul.f32 v54, v40;
	v24 =	vmax.f32 v31, $0.0e+00  }
0x98: {  	s9 =	simm.s32 $0x410;
	v29 =	vmul.f32 v54, v41;
	v31 =	vld [tilespmem:s4+$0x0];
	v17 =	vadd.f32 v17, v20;
	v20 =	vadd.f32 $8.388608000e+06, v24  }
0x99: {  	v60 =	vld [tilespmem:s6+$0x200];
	s10 =	sand.u32 $0x580, s9;
	v27 =	vadd.f32 v36, v27;
	v59 =	vmul.f32 v42, v54;
	v32 =	vmul.f32 v51, v54  }
0x9a: {  	s12 =	simm.s32 $0x2080;
	v61 =	vld [tilespmem:s6+$0x280];
	s4 =	sadd.s32 s10, s3;
	v24 =	vadd.f32 v23, v18;
	v18 =	vmul.f32 v30, v54;
	v43 =	vadd.f32 $-8.388608000e+06, v20  }
0x9b: {  	v44 =	vld [tilespmem:s6+$0x300];
	s13 =	sand.u32 $0x2C00, s12;
	v25 =	vadd.f32 v21, v22;
	v23 =	vadd.f32 v29, v19;
	s4 =	sadd.s32 s14, s4;
	v19 =	vmul.f32 v52, v54  }
0x9c: {  	v22 =	vadd.f32 v59, v26;
	s14 =	sor.u32 s14, s13;
	v26 =	vld [tilespmem:s4+$0x0];
	v20 =	vadd.f32 v18, v27;
	v27 =	vmul.f32 v43, v53  }
0x9d: {  	v36 =	vimm.f32 $0.0e+00;
	v30 =	vld [tilespmem:s14+$0x0];
	v18 =	vmul.f32 v31, v43;
	v62 =	vmul.f32 v43, v55  }
0x9e: {  	s20 =	sor.u32 s12, s11;
	v21 =	vadd.f32 v32, v28;
	v29 =	vld [tilespmem:s14+$0x80];
	v63 =	vmul.f32 v43, v56;
	v39 =	vmul.f32 v58, v43  }
0x9f: {  	v32 =	vld [tilespmem:s14+$0x180];
	s4 =	sor.u32 $0x380, s20;
	v19 =	vadd.f32 v19, v57;
	v37 =	vmul.f32 v60, v43;
	v38 =	vmul.f32 v61, v43  }
0xa0: {  	s7 =	simm.s32 $0x2180;
	v40 =	vld [tilespmem:s4+$0x0];
	v35 =	vmul.f32 v44, v43;
	v18 =	vadd.f32 v18, v12;
	v28 =	vadd.f32 v27, v12  }
0xa1: {  	s11 =	simm.s32 $0x2100;
	s8 =	simm.s32 $0x420;
	s13 =	simm.s32 $0x20;
	v31 =	vld [tilespmem:s14+$0x100];
	v41 =	vmax.f32 v26, $0.0e+00;
	v27 =	vadd.f32 v62, v12;
	v26 =	vadd.f32 v63, v12  }
.LBB2_9:
0xa2: {  	p1 =	sne.s32 s7, $0x2F80;
	s4 =	sand.u32 $0x580, s8;
	v41 =	vadd.f32 $8.388608000e+06, v41;
	v42 =	vld [tilespmem:s14+$0x200];
	v12 =	vadd.f32 v39, v12  }
0xa3: {  	s6 =	sand.u32 $0x70, s13;
	s8 =	sand.u32 $0x2C00, s11;
	v36 =	vadd.f32 v37, v36;
	v34 =	vadd.f32 v38, v34;
	s4 =	sadd.s32 s4, s3;
	v43 =	vld [tilespmem:s14+$0x280]  }
0xa4: {  	v33 =	vadd.f32 v35, v33;
	s4 =	sadd.s32 s6, s4;
	v41 =	vadd.f32 $-8.388608000e+06, v41;
	v44 =	vld [tilespmem:s14+$0x300];
	s14 =	sor.u32 s6, s8  }
0xa5: {  	v45 =	vld [tilespmem:s4+$0x0]  }
.Ltmp3:
0xa6: {  	v35 =	vmul.f32 v41, v30;
	v30 =	vld [tilespmem:s14+$0x0];
	v38 =	vmul.f32 v40, v41;
	(pc) =	sbr.rel @p1 .LBB2_9-.Ltmp3, $4  }
0xa7: {  	v46 =	vmul.f32 v41, v29;
	v47 =	vmul.f32 v41, v31;
	v29 =	vld [tilespmem:s14+$0x80]  }
0xa8: {  	s4 =	sor.u32 s11, s13;
	s11 =	smov.u32 s7;
	v39 =	vmul.f32 v32, v41;
	v37 =	vmul.f32 v42, v41;
	v31 =	vld [tilespmem:s14+$0x100];
	v18 =	vadd.f32 v38, v18  }
0xa9: {  	s13 =	sadd.s32 $0x10, s13;
	s4 =	sor.u32 $0x380, s4;
	v28 =	vadd.f32 v35, v28;
	v38 =	vmul.f32 v43, v41;
	v32 =	vld [tilespmem:s14+$0x180];
	v35 =	vmul.f32 v44, v41  }
0xaa: {  	s7 =	sadd.s32 $0x80, s7;
	s8 =	sadd.s32 $0x400, s13;
	v27 =	vadd.f32 v46, v27;
	v26 =	vadd.f32 v47, v26;
	v41 =	vmax.f32 v45, $0.0e+00;
	v40 =	vld [tilespmem:s4+$0x0]  }
0xab: {  	(xrf2) =	vadd.scan.msk.f32 $0xffff, v1  }
0xac: {  	(xrf2) =	vadd.scan.msk.f32 $0xffff, v2  }
0xad: {  	(xrf2) =	vadd.scan.msk.f32 $0xffff, v3  }
0xae: {  	(xrf2) =	vadd.scan.msk.f32 $0xffff, v4  }
0xaf: {  	(xrf2) =	vadd.scan.msk.f32 $0xffff, v5  }
0xb0: {  	(xrf2) =	vadd.scan.msk.f32 $0xffff, v6  }
0xb1: {  	(xrf2) =	vadd.scan.msk.f32 $0xffff, v7  }
0xb2: {  	s4 =	sand.u32 $0x580, s8;
	(xrf2) =	vadd.scan.msk.f32 $0xffff, v0  }
0xb3: {  	s6 =	sand.u32 $0x70, s13;
	s3 =	sadd.s32 s4, s3;
	(xrf2) =	vadd.scan.msk.f32 $0xffff, v11  }
0xb4: {  	s3 =	sadd.s32 s6, s3;
	(xrf2) =	vadd.scan.msk.f32 $0xffff, v13  }
0xb5: {  	v0 =	vld [tilespmem:s3+$0x0];
	(xrf2) =	vadd.scan.msk.f32 $0xffff, v16  }
0xb6: {  	v1, _, _ =	vpop (xrf2);
	(xrf2) =	vadd.scan.msk.f32 $0xffff, v14  }
0xb7: {  	s12 =	sand.u32 $0x2C00, s11;
	v3 =	vld [tilespmem:s14+$0x200];
	v2, _, _ =	vpop (xrf2);
	(xrf2) =	vadd.scan.msk.f32 $0xffff, v15  }
0xb8: {  	v5 =	vadd.f32 $8.388608000e+06, v41;
	v6 =	vld [tilespmem:s14+$0x280];
	s3 =	sor.u32 s6, s12;
	v4, _, _ =	vpop (xrf2);
	(xrf2) =	vadd.scan.msk.f32 $0xffff, v10  }
0xb9: {  	v53 =	vld [tilespmem:s3+$0x100];
	v7, _, _ =	vpop (xrf2);
	(xrf2) =	vadd.scan.msk.f32 $0xffff, v9  }
0xba: {  	v5 =	vadd.f32 $-8.388608000e+06, v5;
	v14 =	vld [tilespmem:s3+$0x80];
	v0 =	vmax.f32 v0, $0.0e+00;
	v11, _, _ =	vpop (xrf2);
	(xrf2) =	vadd.scan.msk.f32 $0xffff, v8  }
0xbb: {  	v0 =	vadd.f32 $8.388608000e+06, v0;
	v9 =	vadd.f32 v39, v12;
	v12 =	vld [tilespmem:s3+$0x0];
	v13, _, _ =	vpop (xrf2);
	(xrf2) =	vadd.scan.msk.f32 $0xffff, v25  }
0xbc: {  	v52 =	vmul.f32 v40, v5;
	v10 =	vld [tilespmem:s14+$0x300];
	v15, _, _ =	vpop (xrf2);
	v25 =	vmul.f32 v5, v30;
	(xrf2) =	vadd.scan.msk.f32 $0xffff, v24  }
0xbd: {  	v55 =	vmul.f32 v5, v31;
	v56 =	vld [tilespmem:s3+$0x180];
	v0 =	vadd.f32 $-8.388608000e+06, v0;
	v54, _, _ =	vpop (xrf2);
	v24 =	vmul.f32 v5, v29;
	(xrf2) =	vadd.scan.msk.f32 $0xffff, v23  }
0xbe: {  	v32 =	vmul.f32 v32, v5;
	v3 =	vmul.f32 v3, v5;
	v58 =	vld [tilespmem:s3+$0x200];
	v57, _, _ =	vpop (xrf2);
	(xrf2) =	vadd.scan.msk.f32 $0xffff, v22;
	v22 =	vadd.f32 v25, v28  }
0xbf: {  	v16 =	vadd.f32 v38, v34;
	v6 =	vmul.f32 v6, v5;
	v14 =	vmul.f32 v0, v14;
	v59, _, _ =	vpop (xrf2);
	v25 =	vld [tilespmem:s3+$0x280]  }
0xc0: {  	s20 =	sor.u32 s11, s13;
	v26 =	vadd.f32 v55, v26;
	v8 =	vadd.f32 v37, v36;
	v12 =	vmul.f32 v0, v12;
	v60, _, _ =	vpop (xrf2);
	(xrf2) =	vadd.scan.msk.f32 $0xffff, v21  }
0xc1: {  	s4 =	sor.u32 $0x380, s20;
	v9 =	vadd.f32 v32, v9;
	v5 =	vmul.f32 v10, v5;
	v10 =	vadd.f32 v24, v27;
	v21 =	vld [tilespmem:s3+$0x300];
	v24, _, _ =	vpop (xrf2);
	(xrf2) =	vadd.scan.msk.f32 $0xffff, v20  }
0xc2: {  	v3 =	vadd.f32 v3, v8;
	v27 =	vmul.f32 v0, v53;
	v20 =	vld [tilespmem:s4+$0x0];
	v12 =	vadd.f32 v12, v22;
	v22, _, _ =	vpop (xrf2);
	(xrf2) =	vadd.scan.msk.f32 $0xffff, v19  }
0xc3: {  	v8 =	vmul.f32 v58, v0;
	v10 =	vadd.f32 v14, v10;
	v19 =	vmul.f32 v56, v0;
	v14, _, _ =	vpop (xrf2);
	(xrf2) =	vadd.scan.msk.f32 $0xffff, v17  }
0xc4: {  	v23 =	vadd.f32 v35, v33;
	v17 =	vadd.f32 v27, v26;
	v26, _, _ =	vpop (xrf2);
	(xrf2) =	vadd.scan.msk.f32 $0xffff, v12;
	v12 =	vmul.f32 v25, v0  }
0xc5: {  	v6 =	vadd.f32 v6, v16;
	v9 =	vadd.f32 v19, v9  }
0xc6: {  	v3 =	vadd.f32 v8, v3;
	v5 =	vadd.f32 v5, v23;
	v16, _, _ =	vpop (xrf2);
	(xrf2) =	vadd.scan.msk.f32 $0xffff, v10;
	v10 =	vmul.f32 v21, v0  }
0xc7: {  	v0 =	vmul.f32 v20, v0;
	v8, _, _ =	vpop (xrf2);
	(xrf2) =	vadd.scan.msk.f32 $0xffff, v17;
	v17 =	vadd.f32 v52, v18;
	v6 =	vadd.f32 v12, v6  }
0xc8: {  	v5 =	vadd.f32 v10, v5;
	v12, _, _ =	vpop (xrf2);
	(xrf2) =	vadd.scan.msk.f32 $0xffff, v9  }
0xc9: {  	v0 =	vadd.f32 v0, v17;
	v9, _, _ =	vpop (xrf2);
	(xrf2) =	vadd.scan.msk.f32 $0xffff, v3  }
0xca: {  	v3, _, _ =	vpop (xrf2);
	(xrf2) =	vadd.scan.msk.f32 $0xffff, v6  }
0xcb: {  	v6, _, _ =	vpop (xrf2);
	(xrf2) =	vadd.scan.msk.f32 $0xffff, v5  }
0xcc: {  	v5, _, _ =	vpop (xrf2);
	(xrf2) =	vadd.scan.msk.f32 $0xffff, v0  }
0xcd: {  	v0, _, _ =	vpop (xrf2)  }
0xce: {  	v10, _, _ =	vpop (xrf2)  }
0xcf: {  	v17, _, _ =	vpop (xrf2)  }
0xd0: {  	v18, _, _ =	vpop (xrf2)  }
0xd1: {  	p1 =	seq.s32 s22, $0x7;
	v19, _, _ =	vpop (xrf2)  }
0xd2: {  	v1 =	vbroadcast v1, $0xF;
	s3 =	sadd.s32 @!p1 $0x4, s28;
	v20, _, _ =	vpop (xrf2)  }
0xd3: {  	v2 =	vbroadcast v2, $0xF;
	v4 =	vbroadcast v4, $0xF;
	s4 =	sshrl.u32 @!p1 s3, $0x3;
	s3 =	sand.u32 @!p1 $0x4, s3;
	v21, _, _ =	vpop (xrf2)  }
0xd4: {  	v7 =	vbroadcast v7, $0xF;
	v11 =	vbroadcast v11, $0xF;
	s4 =	sadd.s32 @!p1 s5, s4;
	s3 =	smul.u32 @!p1 $0x3000, s3;
	v23, _, _ =	vpop (xrf2)  }
0xd5: {  	s13 =	simm.s32 $0x0;
	v13 =	vbroadcast v13, $0xF;
	v61 =	vbroadcast v57, $0xF;
	s4 =	smul.u32 @!p1 $0x60000, s4;
	v25, _, _ =	vpop (xrf2)  }
0xd6: {  	s7 =	sand.u32 $0x80, s13;
	v15 =	vbroadcast v15, $0xF;
	v62 =	vbroadcast v59, $0xF;
	v27, _, _ =	vpop (xrf2)  }
0xd7: {  	s6 =	sor.u32 $0x600, s30;
	v63 =	vbroadcast v54, $0xF;
	v1 =	vsel vm0, v1, v61;
	v28 =	vbroadcast v60, $0xF;
	s3 =	sor.u32 @!p1 s3, s4;
	_ =	swait.ge [sflag:s17], $0x3000  }
0xd8: {  	s14 =	sor.u32 $0xC000, s6;
	v2 =	vsel vm0, v2, v62;
	v24 =	vbroadcast v24, $0xF;
	v22 =	vbroadcast v22, $0xF;
	s3 =	sshrl.u32 @!p1 s3, $0x3;
	[sflag:s17] =	ssyncset.done $0x0  }
0xd9: {  	v4 =	vsel vm0, v4, v28;
	s4 =	simm.s32 @!p1 $0x0;
	v14 =	vbroadcast v14, $0xF;
	v26 =	vbroadcast v26, $0xF;
	s3 =	sadd.s32 @!p1 s1, s3;
	[sflag:s17] =	ssyncadd.s32 $0xFFFFD000  }
0xda: {  	v7 =	vsel vm0, v7, v24;
	v11 =	vsel vm0, v11, v22;
	v16 =	vbroadcast v16, $0xF;
	[tilespmem:s4], [sflag:$0x1] =	stream.linear.gather @!p1 [hbm4b:s3+s4], $0x3000, $0x38;
	[tilespmem:$0x10000] =	vst v63  }
0xdb: {  	s8 =	sand.u32 $0x70, s13;
	v13 =	vsel vm0, v13, v14;
	v14 =	vsel vm0, v15, v26;
	v8 =	vbroadcast v8, $0xF;
	s3 =	sadd.s32 s7, s14  }
0xdc: {  	v15 =	vsel vm0, v63, v16;
	v12 =	vbroadcast v12, $0xF;
	v3 =	vbroadcast v3, $0xF;
	s3 =	sadd.s32 s8, s3  }
0xdd: {  	s11 =	simm.s32 $0x10;
	v1 =	vsel vm1, v1, v8;
	v9 =	vbroadcast v9, $0xF;
	v6 =	vbroadcast v6, $0xF;
	v16 =	vld [tilespmem:s3+$0x0]  }
0xde: {  	s10 =	sand.u32 $0x80, s11;
	v2 =	vsel vm1, v2, v12;
	v3 =	vsel vm1, v7, v3;
	v0 =	vbroadcast v0, $0xF  }
0xdf: {  	s12 =	sand.u32 $0x70, s11;
	v7 =	vsel vm1, v11, v6;
	v8 =	vbroadcast v17, $0xF;
	v11 =	vbroadcast v18, $0xF;
	s4 =	sadd.s32 s10, s14  }
0xe0: {  	s9 =	sand.u32 $0x400, s13;
	v5 =	vbroadcast v5, $0xF;
	v6 =	vbroadcast v10, $0xF;
	v10 =	vsel vm1, v14, v0;
	s4 =	sadd.s32 s12, s4  }
0xe1: {  	v0 =	vsel vm2, v1, v8;
	v1 =	vsel vm2, v2, v11;
	v11 =	vbroadcast v20, $0xF;
	s3 =	sor.u32 s8, s9;
	v20 =	vld [tilespmem:s4+$0x0]  }
0xe2: {  	v4 =	vsel vm1, v4, v9;
	v9 =	vld [tilespmem:s3+$0x3380];
	v12 =	vmax.f32 v16, $0.0e+00  }
0xe3: {  	v5 =	vsel vm1, v13, v5;
	v14 =	vsel vm1, v15, v6;
	v13 =	vld [tilespmem:s3+$0x3000];
	v6 =	vadd.f32 $8.388608000e+06, v12  }
0xe4: {  	v2 =	vbroadcast v19, $0xF;
	v15 =	vld [tilespmem:s3+$0x3100]  }
0xe5: {  	v17 =	vbroadcast v23, $0xF;
	v8 =	vld [tilespmem:s3+$0x3080];
	v16 =	vbroadcast v21, $0xF;
	v12 =	vadd.f32 $-8.388608000e+06, v6  }
0xe6: {  	v6 =	vsel vm2, v4, v2;
	v2 =	vsel vm2, v3, v11;
	v11 =	vbroadcast v25, $0xF  }
0xe7: {  	v3 =	vsel vm2, v7, v16;
	v4 =	vsel vm2, v5, v17;
	v16 =	vimm.f32 $0.0e+00  }
0xe8: {  	v17 =	vld [tilespmem:s3+$0x3180];
	v7 =	vmul.f32 v9, v12;
	v5 =	vsel vm2, v10, v11;
	v9 =	vmul.f32 v12, v13  }
0xe9: {  	s7 =	simm.s32 $0x80;
	v18 =	vld [tilespmem:s3+$0x3200];
	v11 =	vbroadcast v27, $0xF;
	v13 =	vmul.f32 v12, v15;
	v15 =	vmax.f32 v20, $0.0e+00  }
0xea: {  	s20 =	sand.u32 $0x400, s7;
	v19 =	vld [tilespmem:s3+$0x3280];
	v8 =	vmul.f32 v12, v8;
	v23 =	vadd.f32 $8.388608000e+06, v15;
	v15 =	vimm.f32 $0.0e+00  }
0xeb: {  	s20 =	sor.u32 s12, s20;
	v20 =	vld [tilespmem:s3+$0x3300];
	v10 =	vadd.f32 v7, v16;
	v9 =	vadd.f32 v9, v16;
	v7 =	vsel vm2, v14, v11  }
0xec: {  	v21 =	vld [tilespmem:s20+$0x3380];
	s3 =	simm.s32 $0x20;
	v11 =	vadd.f32 v8, v16;
	v8 =	vadd.f32 v13, v16;
	v13 =	vimm.f32 $0.0e+00  }
0xed: {  	s8 =	simm.s32 $0x30;
	s9 =	simm.s32 $0x20;
	v22 =	vld [tilespmem:s20+$0x3000];
	s10 =	sand.u32 $0x80, s3;
	v14 =	vimm.f32 $0.0e+00;
	v24 =	vmul.f32 v17, v12;
	v17 =	vimm.f32 $0.0e+00  }
.LBB2_11:
0xee: {  	p2 =	sne.s32 s8, $0xF0;
	s4 =	sand.u32 $0x70, s9;
	s6 =	sadd.s32 s10, s14;
	v25 =	vld [tilespmem:s20+$0x3080];
	v18 =	vmul.f32 v18, v12  }
0xef: {  	s9 =	smov.u32 s8;
	s6 =	sadd.s32 s4, s6;
	v23 =	vadd.f32 $-8.388608000e+06, v23;
	v26 =	vld [tilespmem:s20+$0x3100];
	v13 =	vadd.f32 v24, v13;
	v19 =	vmul.f32 v19, v12  }
0xf0: {  	v24 =	vld [tilespmem:s6+$0x0];
	v17 =	vadd.f32 v18, v17;
	v20 =	vmul.f32 v20, v12  }
0xf1: {  	v27 =	vld [tilespmem:s20+$0x3180];
	v21 =	vmul.f32 v21, v23;
	v15 =	vadd.f32 v19, v15;
	v12 =	vmov v23  }
.Ltmp4:
0xf2: {  	s7 =	sadd.s32 $0x80, s7;
	v22 =	vmul.f32 v12, v22;
	v18 =	vld [tilespmem:s20+$0x3200];
	v14 =	vadd.f32 v20, v14;
	(pc) =	sbr.rel @p2 .LBB2_11-.Ltmp4, $4  }
0xf3: {  	s6 =	sand.u32 $0x400, s7;
	v23 =	vmul.f32 v12, v25;
	v19 =	vld [tilespmem:s20+$0x3280];
	v10 =	vadd.f32 v21, v10  }
0xf4: {  	v9 =	vadd.f32 v22, v9;
	v25 =	vmul.f32 v12, v26;
	v20 =	vld [tilespmem:s20+$0x3300];
	s20 =	sor.u32 s4, s6  }
0xf5: {  	v22 =	vmax.f32 v24, $0.0e+00;
	v21 =	vld [tilespmem:s20+$0x3380];
	v11 =	vadd.f32 v23, v11  }
0xf6: {  	s8 =	sadd.s32 $0x10, s8;
	s10 =	sand.u32 $0x80, s9;
	v23 =	vadd.f32 $8.388608000e+06, v22;
	v22 =	vld [tilespmem:s20+$0x3000];
	v8 =	vadd.f32 v25, v8;
	v24 =	vmul.f32 v27, v12  }
0xf7: {  	v25 =	vld [tilespmem:s20+$0x3080]  }
0xf8: {  	v26 =	vld [tilespmem:s20+$0x3100]  }
0xf9: {  	v28 =	vld [tilespmem:s20+$0x3180]  }
0xfa: {  	s4 =	sand.u32 $0x70, s9;
	s6 =	sadd.s32 s10, s14;
	v29 =	vld [tilespmem:s20+$0x3200]  }
0xfb: {  	s7 =	sadd.s32 $0x80, s7;
	v30 =	vld [tilespmem:s20+$0x3280];
	s6 =	sadd.s32 s4, s6  }
0xfc: {  	v27 =	vld [tilespmem:s6+$0x0];
	s6 =	sand.u32 $0x400, s7  }
0xfd: {  	v31 =	vld [tilespmem:s20+$0x3300];
	s4 =	sor.u32 s4, s6  }
0xfe: {  	v18 =	vmul.f32 v18, v12;
	v23 =	vadd.f32 $-8.388608000e+06, v23;
	v32 =	vld [tilespmem:s4+$0x3380]  }
0xff: {  	v19 =	vmul.f32 v19, v12;
	v12 =	vmul.f32 v20, v12;
	v20 =	vld [tilespmem:s4+$0x3000]  }
0x100: {  	s8 =	sadd.s32 $0x0, s0;
	v17 =	vadd.f32 v18, v17;
	v18 =	vmul.f32 v21, v23;
	v21 =	vld [tilespmem:s4+$0x3080]  }
0x101: {  	s9 =	sand.u32 $0x70, s13;
	v15 =	vadd.f32 v19, v15;
	s6 =	sand.u32 $0x3F80, s8;
	v19 =	vmul.f32 v23, v22;
	v12 =	vadd.f32 v12, v14;
	v14 =	vld [tilespmem:s4+$0x3100]  }
0x102: {  	v13 =	vadd.f32 v24, v13;
	v24 =	vld [tilespmem:s4+$0x3180];
	s6 =	sor.u32 s9, s6;
	v22 =	vmul.f32 v23, v25;
	v10 =	vadd.f32 v18, v10  }
0x103: {  	v25 =	vmul.f32 v23, v26;
	v9 =	vadd.f32 v19, v9;
	v19 =	vld [tilespmem:s6+$0xC000];
	v18 =	vmax.f32 v27, $0.0e+00  }
0x104: {  	s10 =	simm.s32 $0x800;
	v26 =	vld [tilespmem:s4+$0x3200];
	v11 =	vadd.f32 v22, v11;
	v22 =	vmul.f32 v28, v23;
	v18 =	vadd.f32 $8.388608000e+06, v18  }
0x105: {  	s13 =	sadd.s32 $0x10, s0;
	s6 =	sand.u32 $0x1C00, s10;
	v27 =	vmul.f32 v29, v23;
	v28 =	vmul.f32 v30, v23;
	v29 =	vld [tilespmem:s4+$0x3280];
	v25 =	vadd.f32 v25, v8  }
0x106: {  	s14 =	sand.u32 $0x70, s11;
	v8 =	vmul.f32 v31, v23;
	s12 =	sor.u32 s9, s6;
	s6 =	sand.u32 $0x3F80, s13;
	v13 =	vadd.f32 v22, v13;
	v22 =	vld [tilespmem:s4+$0x3300];
	v18 =	vadd.f32 $-8.388608000e+06, v18  }
0x107: {  	s6 =	sor.u32 s14, s6;
	v17 =	vadd.f32 v27, v17;
	v15 =	vadd.f32 v28, v15;
	v27 =	vld [tilespmem:s12+$0x3380]  }
0x108: {  	v28 =	vadd.f32 v8, v12;
	v30 =	vld [tilespmem:s6+$0xC000];
	v12 =	vmax.f32 v19, $0.0e+00;
	v23 =	vmul.f32 v32, v18  }
0x109: {  	v19 =	vld [tilespmem:s12+$0x3000];
	v20 =	vmul.f32 v18, v20;
	v21 =	vmul.f32 v18, v21;
	v12 =	vadd.f32 $8.388608000e+06, v12  }
0x10a: {  	v14 =	vmul.f32 v18, v14;
	v26 =	vmul.f32 v26, v18;
	v8 =	vadd.f32 v23, v10;
	v23 =	vld [tilespmem:s12+$0x3080]  }
0x10b: {  	v9 =	vadd.f32 v20, v9;
	v20 =	vmul.f32 v24, v18;
	v24 =	vld [tilespmem:s12+$0x3100];
	v10 =	vadd.f32 v21, v11  }
0x10c: {  	v21 =	vadd.f32 $-8.388608000e+06, v12;
	v12 =	vadd.f32 v14, v25;
	v14 =	vmul.f32 v29, v18;
	v29 =	vld [tilespmem:s12+$0x3180]  }
0x10d: {  	v11 =	vadd.f32 v20, v13;
	v13 =	vadd.f32 v26, v17;
	v17 =	vmul.f32 v22, v18  }
0x10e: {  	v18 =	vmul.f32 v27, v21;
	v19 =	vmul.f32 v21, v19  }
0x10f: {  	s20 =	simm.s32 $0x880;
	v25 =	vld [tilespmem:s12+$0x3200];
	v14 =	vadd.f32 v14, v15;
	v15 =	vadd.f32 v17, v28  }
0x110: {  	s6 =	sand.u32 $0x1C00, s20;
	v26 =	vld [tilespmem:s12+$0x3280];
	v20 =	vadd.f32 v18, v16;
	v19 =	vadd.f32 v19, v16;
	v22 =	vmul.f32 v21, v23  }
0x111: {  	s7 =	sor.u32 s14, s6;
	v27 =	vld [tilespmem:s12+$0x3300];
	v17 =	vmul.f32 v21, v24;
	v23 =	vmax.f32 v30, $0.0e+00;
	v30 =	vmul.f32 v29, v21  }
0x112: {  	v28 =	vld [tilespmem:s7+$0x3380];
	v24 =	vimm.f32 $0.0e+00;
	v31 =	vadd.f32 $8.388608000e+06, v23;
	v23 =	vimm.f32 $0.0e+00  }
0x113: {  	s8 =	simm.s32 $0x900;
	s9 =	simm.s32 $0x980;
	s6 =	sadd.s32 $0x20, s0;
	v29 =	vld [tilespmem:s7+$0x3000];
	v18 =	vadd.f32 v22, v16;
	v17 =	vadd.f32 v17, v16;
	v22 =	vimm.f32 $0.0e+00  }
.LBB2_13:
0x114: {  	p2 =	sne.s32 s9, $0x1780;
	s4 =	sand.u32 $0x3F80, s6;
	s6 =	sand.u32 $0x70, s3;
	v32 =	vld [tilespmem:s7+$0x3080];
	v25 =	vmul.f32 v25, v21  }
0x115: {  	s4 =	sor.u32 s6, s4;
	v31 =	vadd.f32 $-8.388608000e+06, v31;
	v33 =	vld [tilespmem:s7+$0x3100];
	v16 =	vadd.f32 v30, v16;
	v26 =	vmul.f32 v26, v21  }
0x116: {  	v30 =	vld [tilespmem:s4+$0xC000];
	v24 =	vadd.f32 v25, v24;
	v27 =	vmul.f32 v27, v21  }
0x117: {  	v34 =	vld [tilespmem:s7+$0x3180];
	v28 =	vmul.f32 v28, v31;
	v23 =	vadd.f32 v26, v23;
	v21 =	vmov v31  }
.Ltmp5:
0x118: {  	v29 =	vmul.f32 v21, v29;
	v25 =	vld [tilespmem:s7+$0x3200];
	v22 =	vadd.f32 v27, v22;
	(pc) =	sbr.rel @p2 .LBB2_13-.Ltmp5, $4  }
0x119: {  	s4 =	sand.u32 $0x1C00, s8;
	s8 =	smov.u32 s9;
	v31 =	vmul.f32 v21, v32;
	v26 =	vld [tilespmem:s7+$0x3280];
	v20 =	vadd.f32 v28, v20  }
0x11a: {  	v19 =	vadd.f32 v29, v19;
	v32 =	vmul.f32 v21, v33;
	v27 =	vld [tilespmem:s7+$0x3300];
	s7 =	sor.u32 s6, s4  }
0x11b: {  	s3 =	sadd.s32 $0x10, s3;
	v29 =	vmax.f32 v30, $0.0e+00;
	v28 =	vld [tilespmem:s7+$0x3380];
	v18 =	vadd.f32 v31, v18  }
0x11c: {  	s9 =	sadd.s32 $0x80, s9;
	s6 =	sadd.s32 s3, s0;
	v31 =	vadd.f32 $8.388608000e+06, v29;
	v29 =	vld [tilespmem:s7+$0x3000];
	v17 =	vadd.f32 v32, v17;
	v30 =	vmul.f32 v34, v21  }
0x11d: {  	v32 =	vld [tilespmem:s7+$0x3080]  }
0x11e: {  	v33 =	vld [tilespmem:s7+$0x3100]  }
0x11f: {  	v35 =	vld [tilespmem:s7+$0x3180]  }
0x120: {  	s0 =	sand.u32 $0x3F80, s6;
	s3 =	sand.u32 $0x70, s3;
	v36 =	vld [tilespmem:s7+$0x3200]  }
0x121: {  	v37 =	vld [tilespmem:s7+$0x3280];
	s0 =	sor.u32 s3, s0  }
0x122: {  	s10 =	sand.u32 $0x1C00, s8;
	v34 =	vld [tilespmem:s0+$0xC000]  }
0x123: {  	v38 =	vld [tilespmem:s7+$0x3300];
	v25 =	vmul.f32 v25, v21;
	v31 =	vadd.f32 $-8.388608000e+06, v31;
	s0 =	sor.u32 s3, s10  }
0x124: {  	v26 =	vmul.f32 v26, v21;
	v39 =	vld [tilespmem:s0+$0x3380]  }
0x125: {  	v21 =	vmul.f32 v27, v21;
	v24 =	vadd.f32 v25, v24;
	v27 =	vld [tilespmem:s0+$0x3000];
	v25 =	vmul.f32 v28, v31  }
0x126: {  	s11 =	simm.s32 $0x0;
	s4 =	sadd.s32 $0x0, s2;
	v16 =	vadd.f32 v30, v16;
	v28 =	vld [tilespmem:s0+$0x3080];
	v23 =	vadd.f32 v26, v23;
	v26 =	vmul.f32 v31, v29  }
0x127: {  	s4 =	sand.u32 $0x3980, s4;
	s3 =	sand.u32 $0x70, s11;
	v30 =	vld [tilespmem:s0+$0x3180];
	v29 =	vmul.f32 v31, v32;
	v20 =	vadd.f32 v25, v20;
	v25 =	vmax.f32 v34, $0.0e+00  }
0x128: {  	s4 =	sor.u32 s3, s4;
	v56 =	vld [tilespmem:s0+$0x3200];
	v21 =	vadd.f32 v21, v22;
	v25 =	vadd.f32 $8.388608000e+06, v25  }
0x129: {  	s12 =	simm.s32 $0x1800;
	v19 =	vadd.f32 v26, v19;
	v26 =	vld [tilespmem:s4+$0xC000];
	v18 =	vadd.f32 v29, v18;
	v29 =	vmul.f32 v35, v31  }
0x12a: {  	v22 =	vld [tilespmem:s0+$0x3100];
	v55 =	vmul.f32 v31, v33;
	v57 =	vmul.f32 v36, v31;
	s4 =	sand.u32 $0x1C00, s12;
	v25 =	vadd.f32 $-8.388608000e+06, v25  }
0x12b: {  	v59 =	vld [tilespmem:s0+$0x3280];
	v58 =	vmul.f32 v37, v31;
	s4 =	sor.u32 s3, s4;
	v60 =	vadd.f32 v29, v16;
	v16 =	vmul.f32 v38, v31  }
0x12c: {  	v17 =	vadd.f32 v55, v17;
	v34 =	vadd.f32 v57, v24;
	v61 =	vld [tilespmem:s4+$0x3380];
	v24 =	vmul.f32 v39, v25  }
0x12d: {  	v35 =	vadd.f32 v58, v23;
	v31 =	vld [tilespmem:s0+$0x3300];
	v23 =	vmul.f32 v25, v27;
	v27 =	vadd.f32 v16, v21  }
0x12e: {  	s13 =	simm.s32 $0x10;
	s14 =	sadd.s32 $0x10, s2;
	v62 =	vld [tilespmem:s4+$0x3080];
	v21 =	vmax.f32 v26, $0.0e+00;
	v28 =	vmul.f32 v25, v28;
	v16 =	vadd.f32 v24, v20  }
0x12f: {  	s6 =	sand.u32 $0x3980, s14;
	s0 =	sand.u32 $0x70, s13;
	v26 =	vld [tilespmem:s4+$0x3000];
	v20 =	vadd.f32 $8.388608000e+06, v21;
	v21 =	vadd.f32 v23, v19;
	v19 =	vmul.f32 v25, v22  }
0x130: {  	s6 =	sor.u32 s0, s6;
	v22 =	vmul.f32 v30, v25;
	v30 =	vld [tilespmem:s4+$0x3100];
	v23 =	vadd.f32 v28, v18;
	v18 =	vmul.f32 v56, v25  }
0x131: {  	v33 =	vimm.f32 $0.0e+00;
	v28 =	vld [tilespmem:s6+$0xC000];
	v29 =	vadd.f32 $-8.388608000e+06, v20;
	v24 =	vadd.f32 v19, v17  }
0x132: {  	v17 =	vmul.f32 v59, v25;
	v19 =	vadd.f32 v18, v34;
	v18 =	vmul.f32 v31, v25;
	v31 =	vld [tilespmem:s4+$0x3180]  }
0x133: {  	v32 =	vimm.f32 $0.0e+00;
	v22 =	vadd.f32 v22, v60;
	v25 =	vmul.f32 v61, v29  }
0x134: {  	s20 =	simm.s32 $0x1880;
	v34 =	vld [tilespmem:s4+$0x3200];
	v20 =	vadd.f32 v17, v35;
	v17 =	vimm.f32 $0.0e+00;
	v26 =	vmul.f32 v29, v26  }
0x135: {  	s6 =	sand.u32 $0x1C00, s20;
	v18 =	vadd.f32 v18, v27;
	v63 =	vmul.f32 v29, v62;
	v35 =	vld [tilespmem:s4+$0x3280];
	v27 =	vadd.f32 v25, v17  }
0x136: {  	v36 =	vld [tilespmem:s4+$0x3300];
	s7 =	sor.u32 s0, s6;
	v26 =	vadd.f32 v26, v17;
	v25 =	vmul.f32 v29, v30;
	v30 =	vmax.f32 v28, $0.0e+00  }
0x137: {  	s8 =	simm.s32 $0x1900;
	v37 =	vld [tilespmem:s7+$0x3380];
	v28 =	vadd.f32 v63, v17;
	v39 =	vadd.f32 $8.388608000e+06, v30;
	v40 =	vmul.f32 v31, v29  }
0x138: {  	s9 =	simm.s32 $0x20;
	s10 =	simm.s32 $0x1980;
	s6 =	sadd.s32 $0x20, s2;
	v38 =	vld [tilespmem:s7+$0x3000];
	v30 =	vimm.f32 $0.0e+00;
	v31 =	vimm.f32 $0.0e+00;
	v25 =	vadd.f32 v25, v17  }
.LBB2_15:
0x139: {  	p2 =	sne.s32 s10, $0x1F80;
	s4 =	sand.u32 $0x3980, s6;
	s6 =	sand.u32 $0x70, s9;
	v41 =	vld [tilespmem:s7+$0x3080];
	v34 =	vmul.f32 v34, v29  }
0x13a: {  	s4 =	sor.u32 s6, s4;
	v39 =	vadd.f32 $-8.388608000e+06, v39;
	v42 =	vld [tilespmem:s7+$0x3100];
	v30 =	vadd.f32 v40, v30;
	v35 =	vmul.f32 v35, v29  }
0x13b: {  	v40 =	vld [tilespmem:s4+$0xC000];
	v33 =	vadd.f32 v34, v33;
	v36 =	vmul.f32 v36, v29  }
0x13c: {  	v43 =	vld [tilespmem:s7+$0x3180];
	v37 =	vmul.f32 v37, v39;
	v32 =	vadd.f32 v35, v32;
	v29 =	vmov v39  }
.Ltmp6:
0x13d: {  	v38 =	vmul.f32 v29, v38;
	v34 =	vld [tilespmem:s7+$0x3200];
	v31 =	vadd.f32 v36, v31;
	(pc) =	sbr.rel @p2 .LBB2_15-.Ltmp6, $4  }
0x13e: {  	s4 =	sand.u32 $0x1C00, s8;
	s8 =	smov.u32 s10;
	v39 =	vmul.f32 v29, v41;
	v35 =	vld [tilespmem:s7+$0x3280];
	v27 =	vadd.f32 v37, v27  }
0x13f: {  	v26 =	vadd.f32 v38, v26;
	v41 =	vmul.f32 v29, v42;
	v36 =	vld [tilespmem:s7+$0x3300];
	s7 =	sor.u32 s6, s4  }
0x140: {  	s9 =	sadd.s32 $0x10, s9;
	v38 =	vmax.f32 v40, $0.0e+00;
	v37 =	vld [tilespmem:s7+$0x3380];
	v28 =	vadd.f32 v39, v28  }
0x141: {  	s10 =	sadd.s32 $0x80, s10;
	s6 =	sadd.s32 s9, s2;
	v39 =	vadd.f32 $8.388608000e+06, v38;
	v38 =	vld [tilespmem:s7+$0x3000];
	v25 =	vadd.f32 v41, v25;
	v40 =	vmul.f32 v43, v29  }
0x142: {  	v41 =	vld [tilespmem:s7+$0x3080]  }
0x143: {  	v42 =	vld [tilespmem:s7+$0x3100]  }
0x144: {  	v44 =	vld [tilespmem:s7+$0x3180]  }
0x145: {  	v45 =	vld [tilespmem:s7+$0x3200]  }
0x146: {  	s2 =	sand.u32 $0x3980, s6;
	s4 =	sand.u32 $0x70, s9;
	v46 =	vld [tilespmem:s7+$0x3280]  }
0x147: {  	s10 =	sand.u32 $0x1C00, s8;
	v47 =	vld [tilespmem:s7+$0x3300];
	s2 =	sor.u32 s4, s2  }
0x148: {  	v43 =	vld [tilespmem:s2+$0xC000];
	s2 =	sor.u32 s4, s10  }
0x149: {  	v34 =	vmul.f32 v34, v29;
	v39 =	vadd.f32 $-8.388608000e+06, v39;
	v48 =	vld [tilespmem:s2+$0x3380]  }
0x14a: {  	v35 =	vmul.f32 v35, v29;
	v29 =	vmul.f32 v36, v29;
	v36 =	vld [tilespmem:s2+$0x3000]  }
0x14b: {  	s11 =	sadd.s32 $0x0, s31;
	v30 =	vadd.f32 v40, v30;
	v52 =	vmul.f32 v37, v39;
	v37 =	vld [tilespmem:s2+$0x3080]  }
0x14c: {  	v33 =	vadd.f32 v34, v33;
	s4 =	sand.u32 $0x3B80, s11;
	v32 =	vadd.f32 v35, v32;
	v40 =	vld [tilespmem:s2+$0x3180];
	v53 =	vmul.f32 v39, v38  }
0x14d: {  	s4 =	sor.u32 s3, s4;
	v59 =	vld [tilespmem:s2+$0x3200];
	v29 =	vadd.f32 v29, v31;
	v54 =	vmul.f32 v39, v41;
	v55 =	vmax.f32 v43, $0.0e+00  }
0x14e: {  	v56 =	vld [tilespmem:s4+$0xC000];
	v27 =	vadd.f32 v52, v27;
	v57 =	vmul.f32 v39, v42;
	v34 =	vadd.f32 $8.388608000e+06, v55  }
0x14f: {  	s12 =	simm.s32 $0x2000;
	v62 =	vld [tilespmem:s2+$0x3280];
	v58 =	vmul.f32 v44, v39;
	v60 =	vmul.f32 v45, v39;
	v26 =	vadd.f32 v53, v26  }
0x150: {  	s14 =	sadd.s32 $0x10, s31;
	v31 =	vld [tilespmem:s2+$0x3100];
	s4 =	sand.u32 $0x2C00, s12;
	v61 =	vmul.f32 v46, v39;
	v28 =	vadd.f32 v54, v28;
	v34 =	vadd.f32 $-8.388608000e+06, v34  }
0x151: {  	v63 =	vld [tilespmem:s2+$0x3300];
	s13 =	sor.u32 s3, s4;
	s3 =	sand.u32 $0x3B80, s14;
	v41 =	vadd.f32 v57, v25;
	v30 =	vadd.f32 v58, v30;
	v25 =	vmul.f32 v47, v39  }
0x152: {  	v52 =	vld [tilespmem:s13+$0x3380];
	s3 =	sor.u32 s0, s3;
	v49 =	vadd.f32 v60, v33;
	v51 =	vadd.f32 v61, v32;
	v50 =	vmul.f32 v48, v34  }
0x153: {  	v58 =	vld [tilespmem:s3+$0xC000];
	v54 =	vadd.f32 v25, v29;
	v29 =	vmax.f32 v56, $0.0e+00;
	v53 =	vmul.f32 v34, v36  }
0x154: {  	v57 =	vld [tilespmem:s13+$0x3100];
	v37 =	vmul.f32 v34, v37;
	v25 =	vadd.f32 v50, v27;
	v27 =	vadd.f32 $8.388608000e+06, v29  }
0x155: {  	v55 =	vld [tilespmem:s13+$0x3000];
	v33 =	vadd.f32 v53, v26;
	v26 =	vmul.f32 v34, v31;
	v29 =	vmul.f32 v40, v34  }
0x156: {  	v38 =	vimm.f32 $0.0e+00;
	v56 =	vld [tilespmem:s13+$0x3080];
	v32 =	vadd.f32 v37, v28;
	v37 =	vadd.f32 $-8.388608000e+06, v27  }
0x157: {  	v28 =	vmul.f32 v59, v34;
	v31 =	vadd.f32 v26, v41;
	v30 =	vadd.f32 v29, v30  }
0x158: {  	v59 =	vld [tilespmem:s13+$0x3180];
	v26 =	vmul.f32 v62, v34;
	v27 =	vmul.f32 v63, v34;
	v63 =	vmax.f32 v58, $0.0e+00  }
0x159: {  	s20 =	simm.s32 $0x2080;
	v44 =	vld [tilespmem:s13+$0x3200];
	v39 =	vimm.f32 $0.0e+00;
	v29 =	vadd.f32 v28, v49;
	v47 =	vadd.f32 $8.388608000e+06, v63  }
0x15a: {  	s3 =	sand.u32 $0x2C00, s20;
	v41 =	vld [tilespmem:s13+$0x3280];
	v60 =	vmul.f32 v52, v37;
	v28 =	vadd.f32 v26, v51;
	v35 =	vmul.f32 v37, v55  }
0x15b: {  	v42 =	vld [tilespmem:s13+$0x3300];
	s0 =	sor.u32 s0, s3;
	v61 =	vmul.f32 v37, v56;
	v27 =	vadd.f32 v27, v54;
	v62 =	vmul.f32 v37, v57  }
0x15c: {  	s8 =	sadd.s32 $0x20, s31;
	v43 =	vld [tilespmem:s0+$0x3380];
	v40 =	vimm.f32 $0.0e+00;
	v26 =	vadd.f32 v60, v17;
	v35 =	vadd.f32 v35, v17  }
0x15d: {  	s7 =	simm.s32 $0x2180;
	s2 =	simm.s32 $0x2100;
	s3 =	simm.s32 $0x20;
	v45 =	vld [tilespmem:s0+$0x3000];
	v46 =	vmul.f32 v59, v37;
	v34 =	vadd.f32 v61, v17;
	v36 =	vadd.f32 v62, v17  }
.LBB2_17:
0x15e: {  	p2 =	sne.s32 s7, $0x2F80;
	s4 =	sand.u32 $0x3B80, s8;
	s6 =	sand.u32 $0x70, s3;
	v48 =	vld [tilespmem:s0+$0x3080];
	v44 =	vmul.f32 v44, v37  }
0x15f: {  	s4 =	sor.u32 s6, s4;
	v47 =	vadd.f32 $-8.388608000e+06, v47;
	v49 =	vld [tilespmem:s0+$0x3100];
	v17 =	vadd.f32 v46, v17;
	v41 =	vmul.f32 v41, v37  }
0x160: {  	v46 =	vld [tilespmem:s4+$0xC000];
	v40 =	vadd.f32 v44, v40;
	v42 =	vmul.f32 v42, v37  }
0x161: {  	v50 =	vld [tilespmem:s0+$0x3180];
	v43 =	vmul.f32 v43, v47;
	v39 =	vadd.f32 v41, v39;
	v37 =	vmov v47  }
.Ltmp7:
0x162: {  	v45 =	vmul.f32 v37, v45;
	v44 =	vld [tilespmem:s0+$0x3200];
	v38 =	vadd.f32 v42, v38;
	(pc) =	sbr.rel @p2 .LBB2_17-.Ltmp7, $4  }
0x163: {  	s4 =	sand.u32 $0x2C00, s2;
	s2 =	smov.u32 s7;
	v47 =	vmul.f32 v37, v48;
	v41 =	vld [tilespmem:s0+$0x3280];
	v26 =	vadd.f32 v43, v26  }
0x164: {  	v35 =	vadd.f32 v45, v35;
	v48 =	vmul.f32 v37, v49;
	v42 =	vld [tilespmem:s0+$0x3300];
	s0 =	sor.u32 s6, s4  }
0x165: {  	s3 =	sadd.s32 $0x10, s3;
	v45 =	vmax.f32 v46, $0.0e+00;
	v43 =	vld [tilespmem:s0+$0x3380];
	v34 =	vadd.f32 v47, v34  }
0x166: {  	s8 =	sadd.s32 s3, s31;
	s7 =	sadd.s32 $0x80, s7;
	v47 =	vadd.f32 $8.388608000e+06, v45;
	v45 =	vld [tilespmem:s0+$0x3000];
	v36 =	vadd.f32 v48, v36;
	v46 =	vmul.f32 v50, v37  }
0x167: {  	(xrf2) =	vadd.scan.msk.f32 $0xffff, v9  }
0x168: {  	s4 =	sand.u32 $0x3B80, s8;
	s3 =	sand.u32 $0x70, s3;
	(xrf2) =	vadd.scan.msk.f32 $0xffff, v10  }
0x169: {  	s4 =	sor.u32 s3, s4;
	(xrf2) =	vadd.scan.msk.f32 $0xffff, v12  }
0x16a: {  	v10 =	vld [tilespmem:s4+$0xC000];
	(xrf2) =	vadd.scan.msk.f32 $0xffff, v11  }
0x16b: {  	(xrf2) =	vadd.scan.msk.f32 $0xffff, v13  }
0x16c: {  	(xrf2) =	vadd.scan.msk.f32 $0xffff, v14  }
0x16d: {  	s2 =	sand.u32 $0x2C00, s2;
	(xrf2) =	vadd.scan.msk.f32 $0xffff, v15  }
0x16e: {  	v9 =	vld [tilespmem:s0+$0x3100];
	s2 =	sor.u32 s3, s2;
	(xrf2) =	vadd.scan.msk.f32 $0xffff, v8  }
0x16f: {  	v58 =	vld [tilespmem:s2+$0x3000];
	v10 =	vmax.f32 v10, $0.0e+00;
	(xrf2) =	vadd.scan.msk.f32 $0xffff, v21  }
0x170: {  	v12 =	vld [tilespmem:s0+$0x3180];
	v10 =	vadd.f32 $8.388608000e+06, v10;
	(xrf2) =	vadd.scan.msk.f32 $0xffff, v23  }
0x171: {  	v8 =	vld [tilespmem:s0+$0x3080];
	v11, _, _ =	vpop (xrf2);
	(xrf2) =	vadd.scan.msk.f32 $0xffff, v24  }
0x172: {  	v59 =	vld [tilespmem:s2+$0x3080];
	v10 =	vadd.f32 $-8.388608000e+06, v10;
	v13, _, _ =	vpop (xrf2);
	(xrf2) =	vadd.scan.msk.f32 $0xffff, v22  }
0x173: {  	v14 =	vld [tilespmem:s0+$0x3200];
	v22 =	vadd.f32 $-8.388608000e+06, v47;
	v15, _, _ =	vpop (xrf2);
	(xrf2) =	vadd.scan.msk.f32 $0xffff, v19  }
0x174: {  	v62 =	vld [tilespmem:s2+$0x3100];
	v52 =	vmul.f32 v10, v58;
	v21, _, _ =	vpop (xrf2);
	(xrf2) =	vadd.scan.msk.f32 $0xffff, v20  }
0x175: {  	v63 =	vld [tilespmem:s2+$0x3180];
	v20 =	vmul.f32 v44, v37;
	v60 =	vmul.f32 v43, v22;
	v24, _, _ =	vpop (xrf2);
	(xrf2) =	vadd.scan.msk.f32 $0xffff, v18  }
0x176: {  	v50 =	vld [tilespmem:s2+$0x3200];
	v61 =	vmul.f32 v22, v45;
	v8 =	vmul.f32 v22, v8;
	v44, _, _ =	vpop (xrf2);
	(xrf2) =	vadd.scan.msk.f32 $0xffff, v16  }
0x177: {  	v19 =	vld [tilespmem:s0+$0x3280];
	v9 =	vmul.f32 v22, v9;
	v12 =	vmul.f32 v12, v22;
	v16 =	vadd.f32 v20, v40;
	v40, _, _ =	vpop (xrf2);
	(xrf2) =	vadd.scan.msk.f32 $0xffff, v33  }
0x178: {  	v17 =	vadd.f32 v46, v17;
	v23 =	vld [tilespmem:s0+$0x3300];
	v14 =	vmul.f32 v14, v22;
	v18 =	vmul.f32 v41, v37;
	v43, _, _ =	vpop (xrf2);
	(xrf2) =	vadd.scan.msk.f32 $0xffff, v32  }
0x179: {  	v53 =	vld [tilespmem:s2+$0x3280];
	v20 =	vmul.f32 v42, v37;
	v49 =	vadd.f32 v61, v35;
	v8 =	vadd.f32 v8, v34;
	v48, _, _ =	vpop (xrf2);
	(xrf2) =	vadd.scan.msk.f32 $0xffff, v31  }
0x17a: {  	v55 =	vld [tilespmem:s2+$0x3300];
	v9 =	vadd.f32 v9, v36;
	v12 =	vadd.f32 v12, v17;
	v17 =	vmul.f32 v10, v59;
	v51, _, _ =	vpop (xrf2);
	(xrf2) =	vadd.scan.msk.f32 $0xffff, v30  }
0x17b: {  	v57 =	vld [tilespmem:s2+$0x3380];
	v58 =	vmul.f32 v10, v62;
	v18 =	vadd.f32 v18, v39;
	v20 =	vadd.f32 v20, v38;
	v54, _, _ =	vpop (xrf2);
	(xrf2) =	vadd.scan.msk.f32 $0xffff, v29  }
0x17c: {  	v19 =	vmul.f32 v19, v22;
	v14 =	vadd.f32 v14, v16;
	v8 =	vadd.f32 v17, v8;
	v56, _, _ =	vpop (xrf2);
	(xrf2) =	vadd.scan.msk.f32 $0xffff, v28  }
0x17d: {  	v16 =	vmul.f32 v63, v10;
	v22 =	vmul.f32 v23, v22;
	v30 =	vadd.f32 v52, v49;
	v59, _, _ =	vpop (xrf2);
	(xrf2) =	vadd.scan.msk.f32 $0xffff, v27  }
0x17e: {  	v9 =	vadd.f32 v58, v9;
	v18 =	vadd.f32 v19, v18;
	v17, _, _ =	vpop (xrf2);
	(xrf2) =	vadd.scan.msk.f32 $0xffff, v25  }
0x17f: {  	v23 =	vmul.f32 v50, v10;
	v12 =	vadd.f32 v16, v12;
	v16 =	vmul.f32 v53, v10;
	v25, _, _ =	vpop (xrf2);
	(xrf2) =	vadd.scan.msk.f32 $0xffff, v30  }
0x180: {  	v19, _, _ =	vpop (xrf2);
	(xrf2) =	vadd.scan.msk.f32 $0xffff, v8;
	v8 =	vadd.f32 v22, v20;
	v20 =	vmul.f32 v55, v10;
	v10 =	vmul.f32 v57, v10  }
0x181: {  	v14 =	vadd.f32 v23, v14;
	v22, _, _ =	vpop (xrf2);
	(xrf2) =	vadd.scan.msk.f32 $0xffff, v9;
	v9 =	vadd.f32 v60, v26  }
0x182: {  	v16 =	vadd.f32 v16, v18;
	v18, _, _ =	vpop (xrf2);
	(xrf2) =	vadd.scan.msk.f32 $0xffff, v12;
	v8 =	vadd.f32 v20, v8  }
0x183: {  	v12, _, _ =	vpop (xrf2);
	(xrf2) =	vadd.scan.msk.f32 $0xffff, v14;
	v9 =	vadd.f32 v10, v9  }
0x184: {  	v10, _, _ =	vpop (xrf2);
	(xrf2) =	vadd.scan.msk.f32 $0xffff, v16  }
0x185: {  	v14, _, _ =	vpop (xrf2);
	(xrf2) =	vadd.scan.msk.f32 $0xffff, v8  }
0x186: {  	v8, _, _ =	vpop (xrf2);
	(xrf2) =	vadd.scan.msk.f32 $0xffff, v9  }
0x187: {  	v9, _, _ =	vpop (xrf2)  }
0x188: {  	v16, _, _ =	vpop (xrf2)  }
0x189: {  	v11 =	vbroadcast v11, $0xF;
	v20, _, _ =	vpop (xrf2)  }
0x18a: {  	v13 =	vbroadcast v13, $0xF;
	v23, _, _ =	vpop (xrf2)  }
0x18b: {  	vm6 =	vmmov $0x1f;
	v0 =	vsel vm3, v11, v0;
	v11 =	vbroadcast v15, $0xF;
	v26, _, _ =	vpop (xrf2)  }
0x18c: {  	vm7 =	vmmov $0x3f;
	s0 =	sadd.s32 @!p1 $0x5, s28;
	v15 =	vbroadcast v21, $0xF;
	v1 =	vsel vm3, v13, v1;
	v27, _, _ =	vpop (xrf2)  }
0x18d: {  	s2 =	sshrl.u32 @!p1 s0, $0x3;
	s0 =	sand.u32 @!p1 $0x5, s0;
	v13 =	vbroadcast v24, $0xF;
	v6 =	vsel vm3, v11, v6;
	v11 =	vbroadcast v40, $0xF;
	v60, _, _ =	vpop (xrf2)  }
0x18e: {  	s2 =	sadd.s32 @!p1 s5, s2;
	s0 =	smul.u32 @!p1 $0x3000, s0;
	v21 =	vbroadcast v44, $0xF;
	v2 =	vsel vm3, v15, v2;
	v63 =	vbroadcast v43, $0xF;
	v61, _, _ =	vpop (xrf2)  }
0x18f: {  	s2 =	smul.u32 @!p1 $0x60000, s2;
	v3 =	vsel vm3, v13, v3;
	v5 =	vsel vm3, v11, v5;
	v11 =	vbroadcast v48, $0xF;
	v62, _, _ =	vpop (xrf2)  }
0x190: {  	s12 =	sadd.s32 $0xC00, s30;
	v4 =	vsel vm3, v21, v4;
	v7 =	vsel vm3, v63, v7;
	v13 =	vbroadcast v51, $0xF;
	v24, _, _ =	vpop (xrf2)  }
0x191: {  	s11 =	simm.s32 $0x0;
	s0 =	sor.u32 @!p1 s0, s2;
	v15 =	vbroadcast v54, $0xF;
	v0 =	vsel vm6, v0, v11;
	v11 =	vbroadcast v56, $0xF;
	_ =	swait.ge [sflag:s18], $0x3000  }
0x192: {  	s3 =	simm.s32 @!p1 $0x3000;
	s0 =	sshrl.u32 @!p1 s0, $0x3;
	v1 =	vsel vm6, v1, v13;
	v21 =	vbroadcast v59, $0xF;
	v13 =	vbroadcast v17, $0xF;
	[sflag:s18] =	ssyncset.done $0x0  }
0x193: {  	s2 =	simm.s32 @!p1 $0x0;
	s0 =	sadd.s32 @!p1 s1, s0;
	v2 =	vsel vm6, v2, v11;
	v17 =	vbroadcast v25, $0xF;
	v11 =	vbroadcast v19, $0xF;
	[sflag:s18] =	ssyncadd.s32 $0xFFFFD000  }
0x194: {  	v6 =	vsel vm6, v6, v15;
	v3 =	vsel vm6, v3, v21;
	v4 =	vsel vm6, v4, v13;
	[tilespmem:s3], [sflag:$0x2] =	stream.linear.gather @!p1 [hbm4b:s0+s2], $0x3000, $0x38;
	[tilespmem:$0x10000] =	vst v63  }
0x195: {  	s13 =	sand.u32 $0x80, s11;
	v5 =	vsel vm6, v5, v17;
	v7 =	vsel vm6, v7, v11;
	v11 =	vbroadcast v22, $0xF;
	s0 =	sor.u32 $0xC000, s12  }
0x196: {  	s14 =	sand.u32 $0x70, s11;
	v13 =	vbroadcast v18, $0xF;
	vm6 =	vmmov $0x7f;
	v10 =	vbroadcast v10, $0xF;
	s2 =	sadd.s32 s13, s0  }
0x197: {  	v0 =	vsel vm7, v0, v11;
	v11 =	vbroadcast v14, $0xF;
	v8 =	vbroadcast v8, $0xF;
	s2 =	sadd.s32 s14, s2  }
0x198: {  	s20 =	sand.u32 $0x400, s11;
	v12 =	vbroadcast v12, $0xF;
	v2 =	vsel vm7, v2, v10;
	v9 =	vbroadcast v9, $0xF;
	v15 =	vld [tilespmem:s2+$0x0]  }
0x199: {  	v3 =	vsel vm7, v3, v11;
	v4 =	vsel vm7, v4, v8;
	v8 =	vbroadcast v16, $0xF;
	s3 =	simm.s32 $0x10;
	s2 =	sor.u32 s14, s20  }
0x19a: {  	v5 =	vsel vm7, v5, v9;
	v9 =	vbroadcast v20, $0xF;
	v11 =	vbroadcast v23, $0xF;
	s30 =	sand.u32 $0x80, s3;
	v10 =	vld [tilespmem:s2+$0x6380]  }
0x19b: {  	v1 =	vsel vm7, v1, v13;
	v6 =	vsel vm7, v6, v12;
	v7 =	vsel vm7, v7, v8;
	s6 =	sand.u32 $0x70, s3;
	s4 =	sadd.s32 s30, s0;
	v13 =	vld [tilespmem:s2+$0x6000]  }
0x19c: {  	v0 =	vsel vm6, v0, v9;
	v1 =	vsel vm6, v1, v11;
	v14 =	vbroadcast v27, $0xF;
	s4 =	sadd.s32 s6, s4;
	v9 =	vld [tilespmem:s2+$0x6080]  }
0x19d: {  	v11 =	vbroadcast v26, $0xF;
	v16 =	vbroadcast v60, $0xF;
	v20 =	vld [tilespmem:s4+$0x0];
	v12 =	vmax.f32 v15, $0.0e+00  }
0x19e: {  	v17 =	vbroadcast v61, $0xF;
	v2 =	vsel vm6, v2, v14;
	v14 =	vld [tilespmem:s2+$0x6180];
	v8 =	vadd.f32 $8.388608000e+06, v12  }
0x19f: {  	v6 =	vsel vm6, v6, v11;
	v3 =	vsel vm6, v3, v16;
	v11 =	vbroadcast v24, $0xF;
	v15 =	vld [tilespmem:s2+$0x6100]  }
0x1a0: {  	v16 =	vimm.f32 $0.0e+00;
	v12 =	vadd.f32 $-8.388608000e+06, v8;
	v8 =	vbroadcast v62, $0xF  }
0x1a1: {  	v4 =	vsel vm6, v4, v17;
	v17 =	vimm.f32 $0.0e+00;
	v7 =	vsel vm6, v7, v11  }
0x1a2: {  	s7 =	simm.s32 $0x80;
	v18 =	vld [tilespmem:s2+$0x6200];
	v10 =	vmul.f32 v10, v12;
	v5 =	vsel vm6, v5, v8;
	v8 =	vmul.f32 v12, v13  }
0x1a3: {  	s31 =	sand.u32 $0x400, s7;
	v19 =	vld [tilespmem:s2+$0x6280];
	v13 =	vmul.f32 v12, v9;
	v23 =	vmul.f32 v14, v12;
	v14 =	vimm.f32 $0.0e+00  }
0x1a4: {  	s13 =	sor.u32 s6, s31;
	v9 =	vadd.f32 v10, v16;
	v10 =	vmul.f32 v12, v15;
	v15 =	vmax.f32 v20, $0.0e+00;
	v20 =	vld [tilespmem:s2+$0x6300]  }
0x1a5: {  	v21 =	vld [tilespmem:s13+$0x6380];
	v8 =	vadd.f32 v8, v16;
	v11 =	vadd.f32 v13, v16;
	s2 =	simm.s32 $0x20;
	v13 =	vimm.f32 $0.0e+00  }
0x1a6: {  	s8 =	simm.s32 $0x30;
	s9 =	simm.s32 $0x20;
	v22 =	vld [tilespmem:s13+$0x6000];
	v24 =	vadd.f32 $8.388608000e+06, v15;
	s10 =	sand.u32 $0x80, s2;
	v15 =	vimm.f32 $0.0e+00;
	v10 =	vadd.f32 v10, v16  }
.LBB2_19:
0x1a7: {  	p2 =	sne.s32 s8, $0xF0;
	s4 =	sand.u32 $0x70, s9;
	s6 =	sadd.s32 s10, s0;
	v25 =	vld [tilespmem:s13+$0x6080];
	v18 =	vmul.f32 v18, v12  }
0x1a8: {  	s9 =	smov.u32 s8;
	s6 =	sadd.s32 s4, s6;
	v24 =	vadd.f32 $-8.388608000e+06, v24;
	v26 =	vld [tilespmem:s13+$0x6100];
	v13 =	vadd.f32 v23, v13;
	v19 =	vmul.f32 v19, v12  }
0x1a9: {  	v23 =	vld [tilespmem:s6+$0x0];
	v17 =	vadd.f32 v18, v17;
	v20 =	vmul.f32 v20, v12  }
0x1aa: {  	v27 =	vld [tilespmem:s13+$0x6180];
	v21 =	vmul.f32 v21, v24;
	v15 =	vadd.f32 v19, v15;
	v12 =	vmov v24  }
.Ltmp8:
0x1ab: {  	s7 =	sadd.s32 $0x80, s7;
	v22 =	vmul.f32 v12, v22;
	v18 =	vld [tilespmem:s13+$0x6200];
	v14 =	vadd.f32 v20, v14;
	(pc) =	sbr.rel @p2 .LBB2_19-.Ltmp8, $4  }
0x1ac: {  	s6 =	sand.u32 $0x400, s7;
	v24 =	vmul.f32 v12, v25;
	v19 =	vld [tilespmem:s13+$0x6280];
	v9 =	vadd.f32 v21, v9  }
0x1ad: {  	v8 =	vadd.f32 v22, v8;
	v25 =	vmul.f32 v12, v26;
	v20 =	vld [tilespmem:s13+$0x6300];
	s13 =	sor.u32 s4, s6  }
0x1ae: {  	v22 =	vmax.f32 v23, $0.0e+00;
	v21 =	vld [tilespmem:s13+$0x6380];
	v11 =	vadd.f32 v24, v11  }
0x1af: {  	s8 =	sadd.s32 $0x10, s8;
	s10 =	sand.u32 $0x80, s9;
	v24 =	vadd.f32 $8.388608000e+06, v22;
	v22 =	vld [tilespmem:s13+$0x6000];
	v10 =	vadd.f32 v25, v10;
	v23 =	vmul.f32 v27, v12  }
0x1b0: {  	v25 =	vld [tilespmem:s13+$0x6080]  }
0x1b1: {  	v26 =	vld [tilespmem:s13+$0x6100]  }
0x1b2: {  	v28 =	vld [tilespmem:s13+$0x6180]  }
0x1b3: {  	s4 =	sand.u32 $0x70, s9;
	s6 =	sadd.s32 s10, s0;
	v29 =	vld [tilespmem:s13+$0x6200]  }
0x1b4: {  	s10 =	sadd.s32 $0x80, s7;
	v30 =	vld [tilespmem:s13+$0x6280];
	s6 =	sadd.s32 s4, s6  }
0x1b5: {  	v27 =	vld [tilespmem:s6+$0x0];
	s6 =	sand.u32 $0x400, s10  }
0x1b6: {  	v31 =	vld [tilespmem:s13+$0x6300];
	v18 =	vmul.f32 v18, v12;
	v24 =	vadd.f32 $-8.388608000e+06, v24;
	s4 =	sor.u32 s4, s6  }
0x1b7: {  	v19 =	vmul.f32 v19, v12;
	v32 =	vld [tilespmem:s4+$0x6380]  }
0x1b8: {  	s12 =	simm.s32 $0x100;
	v12 =	vmul.f32 v20, v12;
	v17 =	vadd.f32 v18, v17;
	v18 =	vmul.f32 v21, v24;
	v20 =	vld [tilespmem:s4+$0x6000]  }
0x1b9: {  	v13 =	vadd.f32 v23, v13;
	s6 =	sand.u32 $0x380, s12;
	v15 =	vadd.f32 v19, v15;
	v21 =	vld [tilespmem:s4+$0x6080];
	v19 =	vmul.f32 v24, v22  }
0x1ba: {  	s13 =	sand.u32 $0x70, s11;
	v12 =	vadd.f32 v12, v14;
	v14 =	vld [tilespmem:s4+$0x6100];
	s6 =	sadd.s32 s6, s0;
	v22 =	vmul.f32 v24, v25;
	v9 =	vadd.f32 v18, v9  }
0x1bb: {  	s14 =	simm.s32 $0x800;
	v23 =	vld [tilespmem:s4+$0x6180];
	s6 =	sadd.s32 s13, s6;
	v19 =	vadd.f32 v19, v8;
	v8 =	vmul.f32 v24, v26;
	v18 =	vmax.f32 v27, $0.0e+00  }
0x1bc: {  	s30 =	simm.s32 $0x110;
	v25 =	vld [tilespmem:s6+$0x0];
	v26 =	vmul.f32 v29, v24;
	s6 =	sand.u32 $0x1C00, s14;
	v18 =	vadd.f32 $8.388608000e+06, v18  }
0x1bd: {  	v29 =	vld [tilespmem:s4+$0x6280];
	v11 =	vadd.f32 v22, v11;
	v22 =	vmul.f32 v28, v24;
	s20 =	sor.u32 s13, s6;
	s6 =	sand.u32 $0x380, s30;
	v28 =	vadd.f32 v8, v10  }
0x1be: {  	s3 =	sand.u32 $0x70, s3;
	v27 =	vld [tilespmem:s4+$0x6200];
	v8 =	vmul.f32 v30, v24;
	v10 =	vmul.f32 v31, v24;
	s6 =	sadd.s32 s6, s0;
	v18 =	vadd.f32 $-8.388608000e+06, v18  }
0x1bf: {  	v17 =	vadd.f32 v26, v17;
	v26 =	vld [tilespmem:s20+$0x6380];
	v13 =	vadd.f32 v22, v13;
	s6 =	sadd.s32 s3, s6  }
0x1c0: {  	v15 =	vadd.f32 v8, v15;
	v30 =	vadd.f32 v10, v12;
	v31 =	vld [tilespmem:s6+$0x0];
	v24 =	vmul.f32 v32, v18  }
0x1c1: {  	v22 =	vld [tilespmem:s4+$0x6300];
	v12 =	vmax.f32 v25, $0.0e+00;
	v20 =	vmul.f32 v18, v20;
	v10 =	vmul.f32 v18, v21  }
0x1c2: {  	v21 =	vld [tilespmem:s20+$0x6000];
	v14 =	vmul.f32 v18, v14;
	v12 =	vadd.f32 $8.388608000e+06, v12;
	v8 =	vadd.f32 v24, v9  }
0x1c3: {  	v24 =	vld [tilespmem:s20+$0x6080];
	v9 =	vadd.f32 v20, v19;
	v10 =	vadd.f32 v10, v11;
	v19 =	vmul.f32 v23, v18  }
0x1c4: {  	v23 =	vld [tilespmem:s20+$0x6100];
	v11 =	vadd.f32 v14, v28;
	v14 =	vmul.f32 v27, v18;
	v20 =	vadd.f32 $-8.388608000e+06, v12  }
0x1c5: {  	v31 =	vmax.f32 v31, $0.0e+00;
	v12 =	vadd.f32 v19, v13;
	v19 =	vmul.f32 v29, v18  }
0x1c6: {  	v25 =	vld [tilespmem:s20+$0x6180];
	v18 =	vmul.f32 v22, v18;
	v13 =	vadd.f32 v14, v17;
	v17 =	vmul.f32 v26, v20  }
0x1c7: {  	s31 =	simm.s32 $0x880;
	v27 =	vld [tilespmem:s20+$0x6200];
	v22 =	vimm.f32 $0.0e+00;
	v21 =	vmul.f32 v20, v21;
	v14 =	vadd.f32 v19, v15  }
0x1c8: {  	s6 =	sand.u32 $0x1C00, s31;
	v26 =	vld [tilespmem:s20+$0x6280];
	v15 =	vadd.f32 v18, v30;
	v19 =	vadd.f32 v17, v16;
	v18 =	vmul.f32 v20, v24  }
0x1c9: {  	s3 =	sor.u32 s3, s6;
	v28 =	vld [tilespmem:s20+$0x6300];
	v17 =	vadd.f32 v21, v16;
	v30 =	vmul.f32 v20, v23;
	v24 =	vimm.f32 $0.0e+00  }
0x1ca: {  	s7 =	simm.s32 $0x900;
	s8 =	simm.s32 $0x980;
	s6 =	simm.s32 $0x120;
	v29 =	vld [tilespmem:s3+$0x6380];
	v23 =	vimm.f32 $0.0e+00;
	v21 =	vimm.f32 $0.0e+00;
	v18 =	vadd.f32 v18, v16  }
.LBB2_21:
0x1cb: {  	p2 =	sne.s32 s8, $0x1780;
	s4 =	sand.u32 $0x380, s6;
	v31 =	vadd.f32 $8.388608000e+06, v31;
	v32 =	vld [tilespmem:s3+$0x6000];
	v16 =	vadd.f32 v30, v16;
	v25 =	vmul.f32 v25, v20  }
0x1cc: {  	s6 =	sand.u32 $0x70, s2;
	s4 =	sadd.s32 s4, s0;
	v30 =	vld [tilespmem:s3+$0x6080];
	v27 =	vmul.f32 v27, v20  }
0x1cd: {  	s4 =	sadd.s32 s6, s4;
	v31 =	vadd.f32 $-8.388608000e+06, v31;
	v33 =	vld [tilespmem:s3+$0x6100];
	v22 =	vadd.f32 v25, v22;
	v26 =	vmul.f32 v26, v20  }
0x1ce: {  	v34 =	vld [tilespmem:s4+$0x0];
	v24 =	vadd.f32 v27, v24;
	v28 =	vmul.f32 v28, v20  }
.Ltmp9:
0x1cf: {  	v25 =	vld [tilespmem:s3+$0x6180];
	v29 =	vmul.f32 v29, v31;
	v23 =	vadd.f32 v26, v23;
	v20 =	vmov v31;
	(pc) =	sbr.rel @p2 .LBB2_21-.Ltmp9, $4  }
0x1d0: {  	v31 =	vmul.f32 v20, v32;
	v27 =	vld [tilespmem:s3+$0x6200];
	v21 =	vadd.f32 v28, v21  }
0x1d1: {  	s4 =	sand.u32 $0x1C00, s7;
	s7 =	smov.u32 s8;
	v32 =	vmul.f32 v20, v30;
	v26 =	vld [tilespmem:s3+$0x6280];
	v19 =	vadd.f32 v29, v19  }
0x1d2: {  	s2 =	sadd.s32 $0x10, s2;
	v17 =	vadd.f32 v31, v17;
	v30 =	vmul.f32 v20, v33;
	v28 =	vld [tilespmem:s3+$0x6300];
	s3 =	sor.u32 s6, s4  }
0x1d3: {  	s8 =	sadd.s32 $0x80, s8;
	s6 =	sadd.s32 $0x100, s2;
	v31 =	vmax.f32 v34, $0.0e+00;
	v29 =	vld [tilespmem:s3+$0x6380];
	v18 =	vadd.f32 v32, v18  }
0x1d4: {  	v32 =	vld [tilespmem:s3+$0x6000]  }
0x1d5: {  	v33 =	vld [tilespmem:s3+$0x6080]  }
0x1d6: {  	v34 =	vld [tilespmem:s3+$0x6100]  }
0x1d7: {  	v36 =	vld [tilespmem:s3+$0x6180]  }
0x1d8: {  	s4 =	sand.u32 $0x380, s6;
	v37 =	vld [tilespmem:s3+$0x6200]  }
0x1d9: {  	s2 =	sand.u32 $0x70, s2;
	v38 =	vld [tilespmem:s3+$0x6280];
	s4 =	sadd.s32 s4, s0  }
0x1da: {  	v31 =	vadd.f32 $8.388608000e+06, v31;
	s11 =	sand.u32 $0x1C00, s7;
	v39 =	vld [tilespmem:s3+$0x6300];
	s4 =	sadd.s32 s2, s4  }
0x1db: {  	s2 =	sor.u32 s2, s11;
	v35 =	vld [tilespmem:s4+$0x0]  }
0x1dc: {  	v25 =	vmul.f32 v25, v20;
	v27 =	vmul.f32 v27, v20;
	v31 =	vadd.f32 $-8.388608000e+06, v31;
	v40 =	vld [tilespmem:s2+$0x6380]  }
0x1dd: {  	v26 =	vmul.f32 v26, v20;
	v20 =	vmul.f32 v28, v20;
	v28 =	vld [tilespmem:s2+$0x6000]  }
0x1de: {  	s12 =	simm.s32 $0x300;
	v22 =	vadd.f32 v25, v22;
	v24 =	vadd.f32 v27, v24;
	v27 =	vld [tilespmem:s2+$0x6080];
	v25 =	vmul.f32 v29, v31  }
0x1df: {  	v16 =	vadd.f32 v30, v16;
	s13 =	simm.s32 $0x0;
	s3 =	sand.u32 $0x380, s12;
	v30 =	vld [tilespmem:s2+$0x6180];
	v23 =	vadd.f32 v26, v23  }
0x1e0: {  	s3 =	sadd.s32 s3, s0;
	s4 =	sand.u32 $0x70, s13;
	v58 =	vld [tilespmem:s2+$0x6200];
	v26 =	vmul.f32 v31, v32;
	v19 =	vadd.f32 v25, v19;
	v25 =	vmax.f32 v35, $0.0e+00  }
0x1e1: {  	v61 =	vld [tilespmem:s2+$0x6280];
	s3 =	sadd.s32 s4, s3;
	v20 =	vadd.f32 v20, v21;
	v21 =	vmul.f32 v31, v33;
	v25 =	vadd.f32 $8.388608000e+06, v25  }
0x1e2: {  	v57 =	vmul.f32 v31, v34;
	v59 =	vmul.f32 v37, v31;
	v17 =	vadd.f32 v26, v17;
	v26 =	vld [tilespmem:s3+$0x0]  }
0x1e3: {  	s14 =	simm.s32 $0x1800;
	s20 =	simm.s32 $0x310;
	v29 =	vld [tilespmem:s2+$0x6100];
	v18 =	vadd.f32 v21, v18;
	v21 =	vmul.f32 v36, v31;
	v25 =	vadd.f32 $-8.388608000e+06, v25  }
0x1e4: {  	s30 =	simm.s32 $0x10;
	v60 =	vmul.f32 v38, v31;
	s3 =	sand.u32 $0x1C00, s14;
	v32 =	vadd.f32 v57, v16;
	v16 =	vmul.f32 v39, v31;
	v31 =	vld [tilespmem:s2+$0x6300];
	s2 =	sand.u32 $0x380, s20  }
0x1e5: {  	v34 =	vadd.f32 v59, v24;
	s3 =	sor.u32 s4, s3;
	s4 =	sand.u32 $0x70, s30;
	s2 =	sadd.s32 s2, s0;
	v22 =	vadd.f32 v21, v22;
	v21 =	vmul.f32 v40, v25  }
0x1e6: {  	v35 =	vadd.f32 v60, v23;
	v62 =	vld [tilespmem:s3+$0x6380];
	s2 =	sadd.s32 s4, s2;
	v23 =	vmul.f32 v25, v28;
	v28 =	vadd.f32 v16, v20  }
0x1e7: {  	v63 =	vld [tilespmem:s2+$0x0];
	v20 =	vmax.f32 v26, $0.0e+00;
	v24 =	vmul.f32 v25, v27;
	v16 =	vadd.f32 v21, v19  }
0x1e8: {  	v26 =	vld [tilespmem:s3+$0x6000];
	v19 =	vadd.f32 $8.388608000e+06, v20;
	v21 =	vadd.f32 v23, v17;
	v17 =	vmul.f32 v25, v29  }
0x1e9: {  	v33 =	vimm.f32 $0.0e+00;
	v27 =	vld [tilespmem:s3+$0x6080];
	v23 =	vadd.f32 v24, v18;
	v18 =	vmul.f32 v58, v25  }
0x1ea: {  	v20 =	vmul.f32 v30, v25;
	v30 =	vld [tilespmem:s3+$0x6100];
	v29 =	vadd.f32 $-8.388608000e+06, v19;
	v24 =	vadd.f32 v17, v32  }
0x1eb: {  	v17 =	vmul.f32 v61, v25;
	v19 =	vadd.f32 v18, v34;
	v18 =	vmul.f32 v31, v25;
	v31 =	vld [tilespmem:s3+$0x6180]  }
0x1ec: {  	v22 =	vadd.f32 v20, v22;
	v32 =	vimm.f32 $0.0e+00;
	v25 =	vmul.f32 v62, v29  }
0x1ed: {  	s31 =	simm.s32 $0x1880;
	v34 =	vld [tilespmem:s3+$0x6200];
	v20 =	vadd.f32 v17, v35;
	v17 =	vimm.f32 $0.0e+00;
	v26 =	vmul.f32 v29, v26  }
0x1ee: {  	s2 =	sand.u32 $0x1C00, s31;
	v18 =	vadd.f32 v18, v28;
	v28 =	vmul.f32 v29, v27;
	v35 =	vld [tilespmem:s3+$0x6280];
	v27 =	vadd.f32 v25, v17  }
0x1ef: {  	v36 =	vld [tilespmem:s3+$0x6300];
	s2 =	sor.u32 s4, s2;
	v26 =	vadd.f32 v26, v17;
	v25 =	vmul.f32 v29, v30;
	v30 =	vmax.f32 v63, $0.0e+00  }
0x1f0: {  	s7 =	simm.s32 $0x320;
	s9 =	simm.s32 $0x20;
	v37 =	vld [tilespmem:s2+$0x6380];
	v28 =	vadd.f32 v28, v17;
	v39 =	vadd.f32 $8.388608000e+06, v30;
	v40 =	vmul.f32 v31, v29  }
0x1f1: {  	s8 =	simm.s32 $0x1980;
	s10 =	sand.u32 $0x380, s7;
	v38 =	vld [tilespmem:s2+$0x6000];
	s3 =	simm.s32 $0x1900;
	v31 =	vimm.f32 $0.0e+00;
	v30 =	vimm.f32 $0.0e+00;
	v25 =	vadd.f32 v25, v17  }
.LBB2_23:
0x1f2: {  	p2 =	sne.s32 s8, $0x1F80;
	s4 =	sand.u32 $0x70, s9;
	s6 =	sadd.s32 s10, s0;
	v41 =	vld [tilespmem:s2+$0x6080];
	v34 =	vmul.f32 v34, v29  }
0x1f3: {  	s6 =	sadd.s32 s4, s6;
	v39 =	vadd.f32 $-8.388608000e+06, v39;
	v42 =	vld [tilespmem:s2+$0x6100];
	v31 =	vadd.f32 v40, v31;
	v35 =	vmul.f32 v35, v29  }
0x1f4: {  	v40 =	vld [tilespmem:s6+$0x0];
	v33 =	vadd.f32 v34, v33;
	v36 =	vmul.f32 v36, v29  }
0x1f5: {  	v43 =	vld [tilespmem:s2+$0x6180];
	v37 =	vmul.f32 v37, v39;
	v32 =	vadd.f32 v35, v32;
	v29 =	vmov v39  }
.Ltmp10:
0x1f6: {  	v38 =	vmul.f32 v29, v38;
	v34 =	vld [tilespmem:s2+$0x6200];
	v30 =	vadd.f32 v36, v30;
	(pc) =	sbr.rel @p2 .LBB2_23-.Ltmp10, $4  }
0x1f7: {  	s6 =	sand.u32 $0x1C00, s3;
	s3 =	smov.u32 s8;
	v39 =	vmul.f32 v29, v41;
	v35 =	vld [tilespmem:s2+$0x6280];
	v27 =	vadd.f32 v37, v27  }
0x1f8: {  	v26 =	vadd.f32 v38, v26;
	v41 =	vmul.f32 v29, v42;
	v36 =	vld [tilespmem:s2+$0x6300];
	s2 =	sor.u32 s4, s6  }
0x1f9: {  	s7 =	sadd.s32 $0x10, s7;
	v38 =	vmax.f32 v40, $0.0e+00;
	v37 =	vld [tilespmem:s2+$0x6380];
	v28 =	vadd.f32 v39, v28  }
0x1fa: {  	s9 =	sadd.s32 $0xFFFFFD00, s7;
	s10 =	sand.u32 $0x380, s7;
	s8 =	sadd.s32 $0x80, s8;
	v39 =	vadd.f32 $8.388608000e+06, v38;
	v38 =	vld [tilespmem:s2+$0x6000];
	v25 =	vadd.f32 v41, v25;
	v40 =	vmul.f32 v43, v29  }
0x1fb: {  	v41 =	vld [tilespmem:s2+$0x6080]  }
0x1fc: {  	v42 =	vld [tilespmem:s2+$0x6100]  }
0x1fd: {  	v44 =	vld [tilespmem:s2+$0x6180]  }
0x1fe: {  	v45 =	vld [tilespmem:s2+$0x6200]  }
0x1ff: {  	s4 =	sand.u32 $0x70, s9;
	s0 =	sadd.s32 s10, s0;
	v46 =	vld [tilespmem:s2+$0x6280]  }
0x200: {  	s11 =	sand.u32 $0x1C00, s3;
	v47 =	vld [tilespmem:s2+$0x6300];
	s0 =	sadd.s32 s4, s0  }
0x201: {  	v43 =	vld [tilespmem:s0+$0x0];
	s0 =	sor.u32 s4, s11  }
0x202: {  	v39 =	vadd.f32 $-8.388608000e+06, v39;
	v48 =	vld [tilespmem:s0+$0x6380]  }
0x203: {  	v34 =	vmul.f32 v34, v29;
	s12 =	simm.s32 $0x0;
	s13 =	sadd.s32 $0x0, s29;
	v35 =	vmul.f32 v35, v29;
	v55 =	vld [tilespmem:s0+$0x6000]  }
0x204: {  	v31 =	vadd.f32 v40, v31;
	s3 =	sand.u32 $0x7980, s13;
	s2 =	sand.u32 $0x70, s12;
	v29 =	vmul.f32 v36, v29;
	v62 =	vmul.f32 v37, v39;
	v37 =	vld [tilespmem:s0+$0x6080]  }
0x205: {  	v40 =	vimm.f32 $0.0e+00;
	v33 =	vadd.f32 v34, v33;
	s3 =	sor.u32 s2, s3;
	v32 =	vadd.f32 v35, v32;
	v51 =	vld [tilespmem:s0+$0x6180]  }
0x206: {  	v56 =	vld [tilespmem:s3+$0xC000];
	v63 =	vmul.f32 v39, v38;
	v29 =	vadd.f32 v29, v30;
	v50 =	vmax.f32 v43, $0.0e+00  }
0x207: {  	s14 =	simm.s32 $0x2000;
	v59 =	vld [tilespmem:s0+$0x6200];
	v49 =	vmul.f32 v39, v41;
	v57 =	vmul.f32 v39, v42;
	v34 =	vadd.f32 $8.388608000e+06, v50  }
0x208: {  	s3 =	sand.u32 $0x2C00, s14;
	v30 =	vld [tilespmem:s0+$0x6100];
	v27 =	vadd.f32 v62, v27;
	v58 =	vmul.f32 v44, v39;
	v60 =	vmul.f32 v45, v39  }
0x209: {  	s2 =	sor.u32 s2, s3;
	v61 =	vmul.f32 v46, v39;
	v62 =	vld [tilespmem:s0+$0x6280];
	v26 =	vadd.f32 v63, v26;
	v34 =	vadd.f32 $-8.388608000e+06, v34  }
0x20a: {  	s20 =	simm.s32 $0x10;
	s30 =	sadd.s32 $0x10, s29;
	v52 =	vld [tilespmem:s2+$0x6380];
	v28 =	vadd.f32 v49, v28;
	v41 =	vadd.f32 v57, v25;
	v25 =	vmul.f32 v47, v39  }
0x20b: {  	s3 =	sand.u32 $0x7980, s30;
	v63 =	vld [tilespmem:s0+$0x6300];
	s0 =	sand.u32 $0x70, s20;
	v38 =	vadd.f32 v58, v31;
	v43 =	vadd.f32 v60, v33;
	v31 =	vmul.f32 v48, v34  }
0x20c: {  	v44 =	vadd.f32 v61, v32;
	s3 =	sor.u32 s0, s3;
	v57 =	vld [tilespmem:s2+$0x6100];
	v54 =	vadd.f32 v25, v29;
	v53 =	vmul.f32 v34, v55  }
0x20d: {  	v58 =	vld [tilespmem:s3+$0xC000];
	v29 =	vmax.f32 v56, $0.0e+00;
	v37 =	vmul.f32 v34, v37;
	v25 =	vadd.f32 v31, v27  }
0x20e: {  	v55 =	vld [tilespmem:s2+$0x6000];
	v27 =	vadd.f32 $8.388608000e+06, v29;
	v33 =	vadd.f32 v53, v26;
	v26 =	vmul.f32 v34, v30  }
0x20f: {  	v56 =	vld [tilespmem:s2+$0x6080];
	v29 =	vmul.f32 v51, v34;
	v32 =	vadd.f32 v37, v28;
	v28 =	vmul.f32 v59, v34  }
0x210: {  	v37 =	vadd.f32 $-8.388608000e+06, v27;
	v31 =	vadd.f32 v26, v41;
	v26 =	vmul.f32 v62, v34  }
0x211: {  	v39 =	vimm.f32 $0.0e+00;
	v59 =	vld [tilespmem:s2+$0x6180];
	v30 =	vadd.f32 v29, v38;
	v29 =	vadd.f32 v28, v43  }
0x212: {  	s31 =	simm.s32 $0x2080;
	v27 =	vmul.f32 v63, v34;
	v63 =	vmax.f32 v58, $0.0e+00;
	v28 =	vadd.f32 v26, v44;
	v44 =	vld [tilespmem:s2+$0x6200]  }
0x213: {  	s3 =	sand.u32 $0x2C00, s31;
	v41 =	vld [tilespmem:s2+$0x6280];
	v47 =	vadd.f32 $8.388608000e+06, v63;
	v60 =	vmul.f32 v52, v37;
	v35 =	vmul.f32 v37, v55  }
0x214: {  	v42 =	vld [tilespmem:s2+$0x6300];
	s0 =	sor.u32 s0, s3;
	v61 =	vmul.f32 v37, v56;
	v27 =	vadd.f32 v27, v54;
	v62 =	vmul.f32 v37, v57  }
0x215: {  	s8 =	sadd.s32 $0x20, s29;
	v43 =	vld [tilespmem:s0+$0x6380];
	v38 =	vimm.f32 $0.0e+00;
	v26 =	vadd.f32 v60, v17;
	v35 =	vadd.f32 v35, v17  }
0x216: {  	s7 =	simm.s32 $0x2180;
	s3 =	simm.s32 $0x20;
	v45 =	vld [tilespmem:s0+$0x6000];
	s2 =	simm.s32 $0x2100;
	v46 =	vmul.f32 v59, v37;
	v34 =	vadd.f32 v61, v17;
	v36 =	vadd.f32 v62, v17  }
.LBB2_25:
0x217: {  	p2 =	sne.s32 s7, $0x2F80;
	s4 =	sand.u32 $0x7980, s8;
	s6 =	sand.u32 $0x70, s3;
	v48 =	vld [tilespmem:s0+$0x6080];
	v44 =	vmul.f32 v44, v37  }
0x218: {  	s4 =	sor.u32 s6, s4;
	v47 =	vadd.f32 $-8.388608000e+06, v47;
	v49 =	vld [tilespmem:s0+$0x6100];
	v17 =	vadd.f32 v46, v17;
	v41 =	vmul.f32 v41, v37  }
0x219: {  	v46 =	vld [tilespmem:s4+$0xC000];
	v40 =	vadd.f32 v44, v40;
	v42 =	vmul.f32 v42, v37  }
0x21a: {  	v50 =	vld [tilespmem:s0+$0x6180];
	v43 =	vmul.f32 v43, v47;
	v39 =	vadd.f32 v41, v39;
	v37 =	vmov v47  }
.Ltmp11:
0x21b: {  	v45 =	vmul.f32 v37, v45;
	v44 =	vld [tilespmem:s0+$0x6200];
	v38 =	vadd.f32 v42, v38;
	(pc) =	sbr.rel @p2 .LBB2_25-.Ltmp11, $4  }
0x21c: {  	s4 =	sand.u32 $0x2C00, s2;
	s2 =	smov.u32 s7;
	v47 =	vmul.f32 v37, v48;
	v41 =	vld [tilespmem:s0+$0x6280];
	v26 =	vadd.f32 v43, v26  }
0x21d: {  	v35 =	vadd.f32 v45, v35;
	v48 =	vmul.f32 v37, v49;
	v42 =	vld [tilespmem:s0+$0x6300];
	s0 =	sor.u32 s6, s4  }
0x21e: {  	s3 =	sadd.s32 $0x10, s3;
	v45 =	vmax.f32 v46, $0.0e+00;
	v43 =	vld [tilespmem:s0+$0x6380];
	v34 =	vadd.f32 v47, v34  }
0x21f: {  	s8 =	sadd.s32 s3, s29;
	s7 =	sadd.s32 $0x80, s7;
	v47 =	vadd.f32 $8.388608000e+06, v45;
	v45 =	vld [tilespmem:s0+$0x6000];
	v36 =	vadd.f32 v48, v36;
	v46 =	vmul.f32 v50, v37  }
0x220: {  	(xrf2) =	vadd.scan.msk.f32 $0xffff, v9  }
0x221: {  	s4 =	sand.u32 $0x7980, s8;
	s3 =	sand.u32 $0x70, s3;
	(xrf2) =	vadd.scan.msk.f32 $0xffff, v10  }
0x222: {  	s4 =	sor.u32 s3, s4;
	(xrf2) =	vadd.scan.msk.f32 $0xffff, v11  }
0x223: {  	v10 =	vld [tilespmem:s4+$0xC000];
	(xrf2) =	vadd.scan.msk.f32 $0xffff, v12  }
0x224: {  	(xrf2) =	vadd.scan.msk.f32 $0xffff, v13  }
0x225: {  	(xrf2) =	vadd.scan.msk.f32 $0xffff, v14  }
0x226: {  	s2 =	sand.u32 $0x2C00, s2;
	(xrf2) =	vadd.scan.msk.f32 $0xffff, v15  }
0x227: {  	v9 =	vld [tilespmem:s0+$0x6100];
	s2 =	sor.u32 s3, s2;
	(xrf2) =	vadd.scan.msk.f32 $0xffff, v8  }
0x228: {  	v58 =	vld [tilespmem:s2+$0x6000];
	v10 =	vmax.f32 v10, $0.0e+00;
	(xrf2) =	vadd.scan.msk.f32 $0xffff, v21  }
0x229: {  	v59 =	vld [tilespmem:s2+$0x6080];
	v10 =	vadd.f32 $8.388608000e+06, v10;
	(xrf2) =	vadd.scan.msk.f32 $0xffff, v23  }
0x22a: {  	v8 =	vld [tilespmem:s0+$0x6080];
	v11, _, _ =	vpop (xrf2);
	(xrf2) =	vadd.scan.msk.f32 $0xffff, v24  }
0x22b: {  	v12 =	vld [tilespmem:s0+$0x6180];
	v10 =	vadd.f32 $-8.388608000e+06, v10;
	v13, _, _ =	vpop (xrf2);
	(xrf2) =	vadd.scan.msk.f32 $0xffff, v22  }
0x22c: {  	v14 =	vld [tilespmem:s0+$0x6200];
	v22 =	vadd.f32 $-8.388608000e+06, v47;
	v15, _, _ =	vpop (xrf2);
	(xrf2) =	vadd.scan.msk.f32 $0xffff, v19  }
0x22d: {  	v62 =	vld [tilespmem:s2+$0x6100];
	v52 =	vmul.f32 v10, v58;
	v21, _, _ =	vpop (xrf2);
	(xrf2) =	vadd.scan.msk.f32 $0xffff, v20  }
0x22e: {  	v63 =	vld [tilespmem:s2+$0x6180];
	v20 =	vmul.f32 v44, v37;
	v60 =	vmul.f32 v43, v22;
	v24, _, _ =	vpop (xrf2);
	(xrf2) =	vadd.scan.msk.f32 $0xffff, v18  }
0x22f: {  	v50 =	vld [tilespmem:s2+$0x6200];
	v61 =	vmul.f32 v22, v45;
	v8 =	vmul.f32 v22, v8;
	v44, _, _ =	vpop (xrf2);
	(xrf2) =	vadd.scan.msk.f32 $0xffff, v16  }
0x230: {  	v19 =	vld [tilespmem:s0+$0x6280];
	v9 =	vmul.f32 v22, v9;
	v12 =	vmul.f32 v12, v22;
	v16 =	vadd.f32 v20, v40;
	v40, _, _ =	vpop (xrf2);
	(xrf2) =	vadd.scan.msk.f32 $0xffff, v33  }
0x231: {  	v17 =	vadd.f32 v46, v17;
	v23 =	vld [tilespmem:s0+$0x6300];
	v14 =	vmul.f32 v14, v22;
	v18 =	vmul.f32 v41, v37;
	v43, _, _ =	vpop (xrf2);
	(xrf2) =	vadd.scan.msk.f32 $0xffff, v32  }
0x232: {  	v53 =	vld [tilespmem:s2+$0x6280];
	v20 =	vmul.f32 v42, v37;
	v49 =	vadd.f32 v61, v35;
	v8 =	vadd.f32 v8, v34;
	v48, _, _ =	vpop (xrf2);
	(xrf2) =	vadd.scan.msk.f32 $0xffff, v31  }
0x233: {  	v55 =	vld [tilespmem:s2+$0x6300];
	v9 =	vadd.f32 v9, v36;
	v12 =	vadd.f32 v12, v17;
	v17 =	vmul.f32 v10, v59;
	v51, _, _ =	vpop (xrf2);
	(xrf2) =	vadd.scan.msk.f32 $0xffff, v30  }
0x234: {  	v57 =	vld [tilespmem:s2+$0x6380];
	v58 =	vmul.f32 v10, v62;
	v18 =	vadd.f32 v18, v39;
	v20 =	vadd.f32 v20, v38;
	v54, _, _ =	vpop (xrf2);
	(xrf2) =	vadd.scan.msk.f32 $0xffff, v29  }
0x235: {  	v19 =	vmul.f32 v19, v22;
	v14 =	vadd.f32 v14, v16;
	v8 =	vadd.f32 v17, v8;
	v56, _, _ =	vpop (xrf2);
	(xrf2) =	vadd.scan.msk.f32 $0xffff, v28  }
0x236: {  	v16 =	vmul.f32 v63, v10;
	v22 =	vmul.f32 v23, v22;
	v30 =	vadd.f32 v52, v49;
	v59, _, _ =	vpop (xrf2);
	(xrf2) =	vadd.scan.msk.f32 $0xffff, v27  }
0x237: {  	v9 =	vadd.f32 v58, v9;
	v18 =	vadd.f32 v19, v18;
	v17, _, _ =	vpop (xrf2);
	(xrf2) =	vadd.scan.msk.f32 $0xffff, v25  }
0x238: {  	v23 =	vmul.f32 v50, v10;
	v12 =	vadd.f32 v16, v12;
	v16 =	vmul.f32 v53, v10;
	v25, _, _ =	vpop (xrf2);
	(xrf2) =	vadd.scan.msk.f32 $0xffff, v30  }
0x239: {  	v19, _, _ =	vpop (xrf2);
	(xrf2) =	vadd.scan.msk.f32 $0xffff, v8;
	v8 =	vadd.f32 v22, v20;
	v20 =	vmul.f32 v55, v10;
	v10 =	vmul.f32 v57, v10  }
0x23a: {  	v14 =	vadd.f32 v23, v14;
	v22, _, _ =	vpop (xrf2);
	(xrf2) =	vadd.scan.msk.f32 $0xffff, v9;
	v9 =	vadd.f32 v60, v26  }
0x23b: {  	v16 =	vadd.f32 v16, v18;
	v18, _, _ =	vpop (xrf2);
	(xrf2) =	vadd.scan.msk.f32 $0xffff, v12;
	v8 =	vadd.f32 v20, v8  }
0x23c: {  	v12, _, _ =	vpop (xrf2);
	(xrf2) =	vadd.scan.msk.f32 $0xffff, v14;
	v9 =	vadd.f32 v10, v9  }
0x23d: {  	v10, _, _ =	vpop (xrf2);
	(xrf2) =	vadd.scan.msk.f32 $0xffff, v16  }
0x23e: {  	v14, _, _ =	vpop (xrf2);
	(xrf2) =	vadd.scan.msk.f32 $0xffff, v8  }
0x23f: {  	v8, _, _ =	vpop (xrf2);
	(xrf2) =	vadd.scan.msk.f32 $0xffff, v9  }
0x240: {  	v9, _, _ =	vpop (xrf2)  }
0x241: {  	v16, _, _ =	vpop (xrf2)  }
0x242: {  	v20, _, _ =	vpop (xrf2)  }
0x243: {  	v23, _, _ =	vpop (xrf2)  }
0x244: {  	v11 =	vbroadcast v11, $0xF;
	v26, _, _ =	vpop (xrf2)  }
0x245: {  	vm6 =	vmmov $0x1ff;
	s0 =	sadd.s32 @!p1 $0x6, s28;
	v13 =	vbroadcast v13, $0xF;
	v27, _, _ =	vpop (xrf2)  }
0x246: {  	vm7 =	vmmov $0x3ff;
	s2 =	sshrl.u32 @!p1 s0, $0x3;
	v0 =	vsel vm4, v11, v0;
	v11 =	vbroadcast v15, $0xF;
	s0 =	sand.u32 @!p1 $0x6, s0;
	v60, _, _ =	vpop (xrf2)  }
0x247: {  	s2 =	sadd.s32 @!p1 s5, s2;
	v15 =	vbroadcast v21, $0xF;
	v1 =	vsel vm4, v13, v1;
	s0 =	smul.u32 @!p1 $0x3000, s0;
	v13 =	vbroadcast v24, $0xF;
	v61, _, _ =	vpop (xrf2)  }
0x248: {  	s2 =	smul.u32 @!p1 $0x60000, s2;
	v6 =	vsel vm4, v11, v6;
	v21 =	vbroadcast v44, $0xF;
	v11 =	vbroadcast v40, $0xF;
	v62, _, _ =	vpop (xrf2)  }
0x249: {  	s20 =	smul.u32 $0x600, s26;
	v2 =	vsel vm4, v15, v2;
	v3 =	vsel vm4, v13, v3;
	v63 =	vbroadcast v43, $0xF;
	v24, _, _ =	vpop (xrf2)  }
0x24a: {  	s11 =	simm.s32 $0x0;
	s0 =	sor.u32 @!p1 s0, s2;
	v4 =	vsel vm4, v21, v4;
	v5 =	vsel vm4, v11, v5;
	v11 =	vbroadcast v48, $0xF;
	_ =	swait.ge [sflag:s19], $0x3000  }
0x24b: {  	s3 =	simm.s32 @!p1 $0x0;
	s0 =	sshrl.u32 @!p1 s0, $0x3;
	v7 =	vsel vm4, v63, v7;
	v13 =	vbroadcast v51, $0xF;
	v15 =	vbroadcast v54, $0xF;
	[sflag:s19] =	ssyncset.done $0x0  }
0x24c: {  	s4 =	simm.s32 @!p1 $0x6000;
	s0 =	sadd.s32 @!p1 s1, s0;
	v0 =	vsel vm6, v0, v11;
	v11 =	vbroadcast v56, $0xF;
	v21 =	vbroadcast v59, $0xF;
	[sflag:s19] =	ssyncadd.s32 $0xFFFFD000  }
0x24d: {  	v1 =	vsel vm6, v1, v13;
	v13 =	vbroadcast v17, $0xF;
	v17 =	vbroadcast v25, $0xF;
	[tilespmem:s4], [sflag:$0x3] =	stream.linear.gather @!p1 [hbm4b:s0+s3], $0x3000, $0x38;
	[tilespmem:$0x10000] =	vst v63  }
0x24e: {  	s26 =	sand.u32 $0x80, s11;
	v6 =	vsel vm6, v6, v15;
	v2 =	vsel vm6, v2, v11;
	v11 =	vbroadcast v19, $0xF;
	s0 =	sor.u32 $0xC000, s20  }
0x24f: {  	s28 =	sand.u32 $0x70, s11;
	v3 =	vsel vm6, v3, v21;
	v4 =	vsel vm6, v4, v13;
	v5 =	vsel vm6, v5, v17;
	s2 =	sadd.s32 s26, s0  }
0x250: {  	v7 =	vsel vm6, v7, v11;
	v11 =	vbroadcast v22, $0xF;
	v13 =	vbroadcast v18, $0xF;
	s2 =	sadd.s32 s28, s2  }
0x251: {  	vm6 =	vmmov $0x7ff;
	v12 =	vbroadcast v12, $0xF;
	v10 =	vbroadcast v10, $0xF;
	v15 =	vld [tilespmem:s2+$0x0]  }
0x252: {  	v0 =	vsel vm7, v0, v11;
	v1 =	vsel vm7, v1, v13;
	v8 =	vbroadcast v8, $0xF  }
0x253: {  	s29 =	sand.u32 $0x400, s11;
	v11 =	vbroadcast v14, $0xF;
	v6 =	vsel vm7, v6, v12;
	v9 =	vbroadcast v9, $0xF  }
0x254: {  	v2 =	vsel vm7, v2, v10;
	v4 =	vsel vm7, v4, v8;
	v8 =	vbroadcast v16, $0xF;
	s2 =	sor.u32 s28, s29  }
0x255: {  	v3 =	vsel vm7, v3, v11;
	v5 =	vsel vm7, v5, v9;
	v9 =	vbroadcast v20, $0xF;
	v10 =	vld [tilespmem:s2+$0x9380]  }
0x256: {  	v11 =	vbroadcast v23, $0xF;
	v7 =	vsel vm7, v7, v8;
	v13 =	vld [tilespmem:s2+$0x9000];
	v12 =	vmax.f32 v15, $0.0e+00  }
0x257: {  	v0 =	vsel vm6, v0, v9;
	v14 =	vbroadcast v27, $0xF;
	s3 =	simm.s32 $0x10;
	v9 =	vld [tilespmem:s2+$0x9080];
	v8 =	vadd.f32 $8.388608000e+06, v12  }
0x258: {  	v1 =	vsel vm6, v1, v11;
	v11 =	vbroadcast v26, $0xF;
	s30 =	sand.u32 $0x80, s3;
	v15 =	vld [tilespmem:s2+$0x9100]  }
0x259: {  	v16 =	vbroadcast v60, $0xF;
	v2 =	vsel vm6, v2, v14;
	s6 =	sand.u32 $0x70, s3;
	s4 =	sadd.s32 s30, s0;
	v14 =	vld [tilespmem:s2+$0x9180];
	v12 =	vadd.f32 $-8.388608000e+06, v8  }
0x25a: {  	v17 =	vbroadcast v61, $0xF;
	v6 =	vsel vm6, v6, v11;
	v11 =	vbroadcast v62, $0xF;
	s4 =	sadd.s32 s6, s4  }
0x25b: {  	v3 =	vsel vm6, v3, v16;
	v16 =	vimm.f32 $0.0e+00;
	v8 =	vld [tilespmem:s4+$0x0];
	v10 =	vmul.f32 v10, v12  }
0x25c: {  	v5 =	vsel vm6, v5, v11;
	v11 =	vmul.f32 v12, v13;
	v13 =	vbroadcast v24, $0xF  }
0x25d: {  	s7 =	simm.s32 $0x80;
	v4 =	vsel vm6, v4, v17;
	v18 =	vld [tilespmem:s2+$0x9200];
	v17 =	vmul.f32 v12, v9;
	v15 =	vmul.f32 v12, v15  }
0x25e: {  	s31 =	sand.u32 $0x400, s7;
	v19 =	vld [tilespmem:s2+$0x9280];
	v24 =	vmul.f32 v14, v12;
	v14 =	vimm.f32 $0.0e+00;
	v10 =	vadd.f32 v10, v16  }
0x25f: {  	s13 =	sor.u32 s6, s31;
	v20 =	vld [tilespmem:s2+$0x9300];
	v9 =	vadd.f32 v11, v16;
	v7 =	vsel vm6, v7, v13;
	v11 =	vadd.f32 v17, v16  }
0x260: {  	v21 =	vld [tilespmem:s13+$0x9380];
	s2 =	simm.s32 $0x20;
	v13 =	vimm.f32 $0.0e+00;
	v17 =	vimm.f32 $0.0e+00;
	v8 =	vmax.f32 v8, $0.0e+00  }
0x261: {  	s8 =	simm.s32 $0x30;
	s9 =	simm.s32 $0x20;
	v22 =	vld [tilespmem:s13+$0x9000];
	s10 =	sand.u32 $0x80, s2;
	v23 =	vadd.f32 $8.388608000e+06, v8;
	v8 =	vadd.f32 v15, v16;
	v15 =	vimm.f32 $0.0e+00  }
.LBB2_27:
0x262: {  	p1 =	sne.s32 s8, $0xF0;
	s4 =	sand.u32 $0x70, s9;
	s6 =	sadd.s32 s10, s0;
	v25 =	vld [tilespmem:s13+$0x9080];
	v18 =	vmul.f32 v18, v12  }
0x263: {  	s9 =	smov.u32 s8;
	s6 =	sadd.s32 s4, s6;
	v23 =	vadd.f32 $-8.388608000e+06, v23;
	v26 =	vld [tilespmem:s13+$0x9100];
	v13 =	vadd.f32 v24, v13;
	v19 =	vmul.f32 v19, v12  }
0x264: {  	v24 =	vld [tilespmem:s6+$0x0];
	v17 =	vadd.f32 v18, v17;
	v20 =	vmul.f32 v20, v12  }
0x265: {  	v27 =	vld [tilespmem:s13+$0x9180];
	v21 =	vmul.f32 v21, v23;
	v15 =	vadd.f32 v19, v15;
	v12 =	vmov v23  }
.Ltmp12:
0x266: {  	s7 =	sadd.s32 $0x80, s7;
	v22 =	vmul.f32 v12, v22;
	v18 =	vld [tilespmem:s13+$0x9200];
	v14 =	vadd.f32 v20, v14;
	(pc) =	sbr.rel @p1 .LBB2_27-.Ltmp12, $4  }
0x267: {  	s6 =	sand.u32 $0x400, s7;
	v23 =	vmul.f32 v12, v25;
	v19 =	vld [tilespmem:s13+$0x9280];
	v10 =	vadd.f32 v21, v10  }
0x268: {  	v9 =	vadd.f32 v22, v9;
	v25 =	vmul.f32 v12, v26;
	v20 =	vld [tilespmem:s13+$0x9300];
	s13 =	sor.u32 s4, s6  }
0x269: {  	v22 =	vmax.f32 v24, $0.0e+00;
	v21 =	vld [tilespmem:s13+$0x9380];
	v11 =	vadd.f32 v23, v11  }
0x26a: {  	s8 =	sadd.s32 $0x10, s8;
	s10 =	sand.u32 $0x80, s9;
	v23 =	vadd.f32 $8.388608000e+06, v22;
	v22 =	vld [tilespmem:s13+$0x9000];
	v8 =	vadd.f32 v25, v8;
	v24 =	vmul.f32 v27, v12  }
0x26b: {  	v25 =	vld [tilespmem:s13+$0x9080]  }
0x26c: {  	v26 =	vld [tilespmem:s13+$0x9100]  }
0x26d: {  	v28 =	vld [tilespmem:s13+$0x9180]  }
0x26e: {  	s4 =	sand.u32 $0x70, s9;
	s6 =	sadd.s32 s10, s0;
	v29 =	vld [tilespmem:s13+$0x9200]  }
0x26f: {  	s14 =	sadd.s32 $0x80, s7;
	v30 =	vld [tilespmem:s13+$0x9280];
	s6 =	sadd.s32 s4, s6  }
0x270: {  	v27 =	vld [tilespmem:s6+$0x0];
	s6 =	sand.u32 $0x400, s14  }
0x271: {  	v31 =	vld [tilespmem:s13+$0x9300];
	s4 =	sor.u32 s4, s6  }
0x272: {  	v18 =	vmul.f32 v18, v12;
	v23 =	vadd.f32 $-8.388608000e+06, v23;
	v32 =	vld [tilespmem:s4+$0x9380]  }
0x273: {  	v19 =	vmul.f32 v19, v12;
	v12 =	vmul.f32 v20, v12;
	v20 =	vld [tilespmem:s4+$0x9000]  }
0x274: {  	s20 =	sadd.s32 $0x0, s25;
	v17 =	vadd.f32 v18, v17;
	v18 =	vmul.f32 v21, v23;
	v21 =	vld [tilespmem:s4+$0x9080]  }
0x275: {  	s26 =	sand.u32 $0x70, s11;
	v15 =	vadd.f32 v19, v15;
	s6 =	sand.u32 $0x3F80, s20;
	v19 =	vmul.f32 v23, v22;
	v12 =	vadd.f32 v12, v14;
	v14 =	vld [tilespmem:s4+$0x9100]  }
0x276: {  	v13 =	vadd.f32 v24, v13;
	v24 =	vld [tilespmem:s4+$0x9180];
	s6 =	sor.u32 s26, s6;
	v22 =	vmul.f32 v23, v25;
	v10 =	vadd.f32 v18, v10  }
0x277: {  	v25 =	vmul.f32 v23, v26;
	v9 =	vadd.f32 v19, v9;
	v19 =	vld [tilespmem:s6+$0xC000];
	v18 =	vmax.f32 v27, $0.0e+00  }
0x278: {  	s28 =	simm.s32 $0x800;
	v26 =	vld [tilespmem:s4+$0x9200];
	v11 =	vadd.f32 v22, v11;
	v22 =	vmul.f32 v28, v23;
	v18 =	vadd.f32 $8.388608000e+06, v18  }
0x279: {  	s30 =	sadd.s32 $0x10, s25;
	s6 =	sand.u32 $0x1C00, s28;
	v27 =	vmul.f32 v29, v23;
	v28 =	vmul.f32 v30, v23;
	v29 =	vld [tilespmem:s4+$0x9280];
	v25 =	vadd.f32 v25, v8  }
0x27a: {  	s3 =	sand.u32 $0x70, s3;
	v8 =	vmul.f32 v31, v23;
	s29 =	sor.u32 s26, s6;
	s6 =	sand.u32 $0x3F80, s30;
	v13 =	vadd.f32 v22, v13;
	v22 =	vld [tilespmem:s4+$0x9300];
	v18 =	vadd.f32 $-8.388608000e+06, v18  }
0x27b: {  	s6 =	sor.u32 s3, s6;
	v17 =	vadd.f32 v27, v17;
	v15 =	vadd.f32 v28, v15;
	v27 =	vld [tilespmem:s29+$0x9380]  }
0x27c: {  	v28 =	vadd.f32 v8, v12;
	v30 =	vld [tilespmem:s6+$0xC000];
	v12 =	vmax.f32 v19, $0.0e+00;
	v23 =	vmul.f32 v32, v18  }
0x27d: {  	v19 =	vld [tilespmem:s29+$0x9000];
	v20 =	vmul.f32 v18, v20;
	v21 =	vmul.f32 v18, v21;
	v12 =	vadd.f32 $8.388608000e+06, v12  }
0x27e: {  	v14 =	vmul.f32 v18, v14;
	v26 =	vmul.f32 v26, v18;
	v8 =	vadd.f32 v23, v10;
	v23 =	vld [tilespmem:s29+$0x9080]  }
0x27f: {  	v9 =	vadd.f32 v20, v9;
	v20 =	vmul.f32 v24, v18;
	v24 =	vld [tilespmem:s29+$0x9100];
	v10 =	vadd.f32 v21, v11  }
0x280: {  	v21 =	vadd.f32 $-8.388608000e+06, v12;
	v12 =	vadd.f32 v14, v25;
	v14 =	vmul.f32 v29, v18;
	v29 =	vld [tilespmem:s29+$0x9180]  }
0x281: {  	v11 =	vadd.f32 v20, v13;
	v13 =	vadd.f32 v26, v17;
	v17 =	vmul.f32 v22, v18  }
0x282: {  	v18 =	vmul.f32 v27, v21;
	v19 =	vmul.f32 v21, v19  }
0x283: {  	s31 =	simm.s32 $0x880;
	v25 =	vld [tilespmem:s29+$0x9200];
	v14 =	vadd.f32 v14, v15;
	v15 =	vadd.f32 v17, v28  }
0x284: {  	s6 =	sand.u32 $0x1C00, s31;
	v26 =	vld [tilespmem:s29+$0x9280];
	v20 =	vadd.f32 v18, v16;
	v19 =	vadd.f32 v19, v16;
	v22 =	vmul.f32 v21, v23  }
0x285: {  	s3 =	sor.u32 s3, s6;
	v27 =	vld [tilespmem:s29+$0x9300];
	v17 =	vmul.f32 v21, v24;
	v23 =	vmax.f32 v30, $0.0e+00;
	v30 =	vmul.f32 v29, v21  }
0x286: {  	v28 =	vld [tilespmem:s3+$0x9380];
	v24 =	vimm.f32 $0.0e+00;
	v31 =	vadd.f32 $8.388608000e+06, v23;
	v23 =	vimm.f32 $0.0e+00  }
0x287: {  	s7 =	simm.s32 $0x900;
	s8 =	simm.s32 $0x980;
	s6 =	sadd.s32 $0x20, s25;
	v29 =	vld [tilespmem:s3+$0x9000];
	v18 =	vadd.f32 v22, v16;
	v17 =	vadd.f32 v17, v16;
	v22 =	vimm.f32 $0.0e+00  }
.LBB2_29:
0x288: {  	p1 =	sne.s32 s8, $0x1780;
	s4 =	sand.u32 $0x3F80, s6;
	s6 =	sand.u32 $0x70, s2;
	v32 =	vld [tilespmem:s3+$0x9080];
	v25 =	vmul.f32 v25, v21  }
0x289: {  	s4 =	sor.u32 s6, s4;
	v31 =	vadd.f32 $-8.388608000e+06, v31;
	v33 =	vld [tilespmem:s3+$0x9100];
	v16 =	vadd.f32 v30, v16;
	v26 =	vmul.f32 v26, v21  }
0x28a: {  	v30 =	vld [tilespmem:s4+$0xC000];
	v24 =	vadd.f32 v25, v24;
	v27 =	vmul.f32 v27, v21  }
0x28b: {  	v34 =	vld [tilespmem:s3+$0x9180];
	v28 =	vmul.f32 v28, v31;
	v23 =	vadd.f32 v26, v23;
	v21 =	vmov v31  }
.Ltmp13:
0x28c: {  	v29 =	vmul.f32 v21, v29;
	v25 =	vld [tilespmem:s3+$0x9200];
	v22 =	vadd.f32 v27, v22;
	(pc) =	sbr.rel @p1 .LBB2_29-.Ltmp13, $4  }
0x28d: {  	s4 =	sand.u32 $0x1C00, s7;
	s7 =	smov.u32 s8;
	v31 =	vmul.f32 v21, v32;
	v26 =	vld [tilespmem:s3+$0x9280];
	v20 =	vadd.f32 v28, v20  }
0x28e: {  	v19 =	vadd.f32 v29, v19;
	v32 =	vmul.f32 v21, v33;
	v27 =	vld [tilespmem:s3+$0x9300];
	s3 =	sor.u32 s6, s4  }
0x28f: {  	s2 =	sadd.s32 $0x10, s2;
	v29 =	vmax.f32 v30, $0.0e+00;
	v28 =	vld [tilespmem:s3+$0x9380];
	v18 =	vadd.f32 v31, v18  }
0x290: {  	s8 =	sadd.s32 $0x80, s8;
	s6 =	sadd.s32 s2, s25;
	v31 =	vadd.f32 $8.388608000e+06, v29;
	v29 =	vld [tilespmem:s3+$0x9000];
	v17 =	vadd.f32 v32, v17;
	v30 =	vmul.f32 v34, v21  }
0x291: {  	v32 =	vld [tilespmem:s3+$0x9080]  }
0x292: {  	v33 =	vld [tilespmem:s3+$0x9100]  }
0x293: {  	v35 =	vld [tilespmem:s3+$0x9180]  }
0x294: {  	s4 =	sand.u32 $0x3F80, s6;
	s2 =	sand.u32 $0x70, s2;
	v36 =	vld [tilespmem:s3+$0x9200]  }
0x295: {  	v37 =	vld [tilespmem:s3+$0x9280];
	s4 =	sor.u32 s2, s4  }
0x296: {  	s20 =	sand.u32 $0x1C00, s7;
	v34 =	vld [tilespmem:s4+$0xC000]  }
0x297: {  	v38 =	vld [tilespmem:s3+$0x9300];
	v25 =	vmul.f32 v25, v21;
	s2 =	sor.u32 s2, s20;
	v31 =	vadd.f32 $-8.388608000e+06, v31  }
0x298: {  	v26 =	vmul.f32 v26, v21;
	v39 =	vld [tilespmem:s2+$0x9380]  }
0x299: {  	v21 =	vmul.f32 v27, v21;
	v27 =	vld [tilespmem:s2+$0x9000];
	v24 =	vadd.f32 v25, v24;
	v25 =	vmul.f32 v28, v31  }
0x29a: {  	s25 =	simm.s32 $0x0;
	s26 =	sadd.s32 $0x0, s24;
	v16 =	vadd.f32 v30, v16;
	v30 =	vld [tilespmem:s2+$0x9180];
	v23 =	vadd.f32 v26, v23;
	v26 =	vmul.f32 v31, v29  }
0x29b: {  	s3 =	sand.u32 $0x70, s25;
	s4 =	sand.u32 $0x3D80, s26;
	v56 =	vld [tilespmem:s2+$0x9200];
	v29 =	vmul.f32 v31, v32;
	v20 =	vadd.f32 v25, v20;
	v25 =	vmax.f32 v34, $0.0e+00  }
0x29c: {  	v28 =	vld [tilespmem:s2+$0x9080];
	s4 =	sor.u32 s3, s4;
	v21 =	vadd.f32 v21, v22;
	v25 =	vadd.f32 $8.388608000e+06, v25  }
0x29d: {  	s28 =	simm.s32 $0x1800;
	v19 =	vadd.f32 v26, v19;
	v26 =	vld [tilespmem:s4+$0xC000];
	v18 =	vadd.f32 v29, v18;
	v29 =	vmul.f32 v35, v31  }
0x29e: {  	v22 =	vld [tilespmem:s2+$0x9100];
	v55 =	vmul.f32 v31, v33;
	v57 =	vmul.f32 v36, v31;
	s4 =	sand.u32 $0x1C00, s28;
	v25 =	vadd.f32 $-8.388608000e+06, v25  }
0x29f: {  	v59 =	vld [tilespmem:s2+$0x9280];
	v58 =	vmul.f32 v37, v31;
	s3 =	sor.u32 s3, s4;
	v60 =	vadd.f32 v29, v16;
	v16 =	vmul.f32 v38, v31  }
0x2a0: {  	v17 =	vadd.f32 v55, v17;
	v34 =	vadd.f32 v57, v24;
	v61 =	vld [tilespmem:s3+$0x9380];
	v24 =	vmul.f32 v39, v25  }
0x2a1: {  	v35 =	vadd.f32 v58, v23;
	v31 =	vld [tilespmem:s2+$0x9300];
	v23 =	vmul.f32 v25, v27;
	v27 =	vadd.f32 v16, v21  }
0x2a2: {  	s29 =	simm.s32 $0x10;
	s30 =	sadd.s32 $0x10, s24;
	v62 =	vld [tilespmem:s3+$0x9080];
	v21 =	vmax.f32 v26, $0.0e+00;
	v28 =	vmul.f32 v25, v28;
	v16 =	vadd.f32 v24, v20  }
0x2a3: {  	s4 =	sand.u32 $0x3D80, s30;
	s2 =	sand.u32 $0x70, s29;
	v26 =	vld [tilespmem:s3+$0x9000];
	v20 =	vadd.f32 $8.388608000e+06, v21;
	v21 =	vadd.f32 v23, v19;
	v19 =	vmul.f32 v25, v22  }
0x2a4: {  	s4 =	sor.u32 s2, s4;
	v22 =	vmul.f32 v30, v25;
	v30 =	vld [tilespmem:s3+$0x9100];
	v23 =	vadd.f32 v28, v18;
	v18 =	vmul.f32 v56, v25  }
0x2a5: {  	v33 =	vimm.f32 $0.0e+00;
	v28 =	vld [tilespmem:s4+$0xC000];
	v29 =	vadd.f32 $-8.388608000e+06, v20;
	v24 =	vadd.f32 v19, v17  }
0x2a6: {  	v17 =	vmul.f32 v59, v25;
	v19 =	vadd.f32 v18, v34;
	v18 =	vmul.f32 v31, v25;
	v31 =	vld [tilespmem:s3+$0x9180]  }
0x2a7: {  	v32 =	vimm.f32 $0.0e+00;
	v22 =	vadd.f32 v22, v60;
	v25 =	vmul.f32 v61, v29  }
0x2a8: {  	s31 =	simm.s32 $0x1880;
	v34 =	vld [tilespmem:s3+$0x9200];
	v20 =	vadd.f32 v17, v35;
	v17 =	vimm.f32 $0.0e+00;
	v26 =	vmul.f32 v29, v26  }
0x2a9: {  	s4 =	sand.u32 $0x1C00, s31;
	v18 =	vadd.f32 v18, v27;
	v63 =	vmul.f32 v29, v62;
	v35 =	vld [tilespmem:s3+$0x9280];
	v27 =	vadd.f32 v25, v17  }
0x2aa: {  	v36 =	vld [tilespmem:s3+$0x9300];
	s2 =	sor.u32 s2, s4;
	v26 =	vadd.f32 v26, v17;
	v25 =	vmul.f32 v29, v30;
	v30 =	vmax.f32 v28, $0.0e+00  }
0x2ab: {  	s7 =	simm.s32 $0x20;
	v37 =	vld [tilespmem:s2+$0x9380];
	v28 =	vadd.f32 v63, v17;
	v40 =	vadd.f32 $8.388608000e+06, v30;
	v39 =	vmul.f32 v31, v29  }
0x2ac: {  	s6 =	sadd.s32 $0x20, s24;
	s8 =	simm.s32 $0x1980;
	v38 =	vld [tilespmem:s2+$0x9000];
	s3 =	simm.s32 $0x1900;
	v31 =	vimm.f32 $0.0e+00;
	v30 =	vimm.f32 $0.0e+00;
	v25 =	vadd.f32 v25, v17  }
.LBB2_31:
0x2ad: {  	p1 =	sne.s32 s8, $0x1F80;
	s4 =	sand.u32 $0x3D80, s6;
	s6 =	sand.u32 $0x70, s7;
	v41 =	vld [tilespmem:s2+$0x9080];
	v34 =	vmul.f32 v34, v29  }
0x2ae: {  	s4 =	sor.u32 s6, s4;
	v40 =	vadd.f32 $-8.388608000e+06, v40;
	v42 =	vld [tilespmem:s2+$0x9100];
	v31 =	vadd.f32 v39, v31;
	v35 =	vmul.f32 v35, v29  }
0x2af: {  	v39 =	vld [tilespmem:s4+$0xC000];
	v33 =	vadd.f32 v34, v33;
	v36 =	vmul.f32 v36, v29  }
0x2b0: {  	v43 =	vld [tilespmem:s2+$0x9180];
	v37 =	vmul.f32 v37, v40;
	v32 =	vadd.f32 v35, v32;
	v29 =	vmov v40  }
.Ltmp14:
0x2b1: {  	v38 =	vmul.f32 v29, v38;
	v34 =	vld [tilespmem:s2+$0x9200];
	v30 =	vadd.f32 v36, v30;
	(pc) =	sbr.rel @p1 .LBB2_31-.Ltmp14, $4  }
0x2b2: {  	s4 =	sand.u32 $0x1C00, s3;
	s3 =	smov.u32 s8;
	v40 =	vmul.f32 v29, v41;
	v35 =	vld [tilespmem:s2+$0x9280];
	v27 =	vadd.f32 v37, v27  }
0x2b3: {  	v26 =	vadd.f32 v38, v26;
	v41 =	vmul.f32 v29, v42;
	v36 =	vld [tilespmem:s2+$0x9300];
	s2 =	sor.u32 s6, s4  }
0x2b4: {  	s7 =	sadd.s32 $0x10, s7;
	v38 =	vmax.f32 v39, $0.0e+00;
	v37 =	vld [tilespmem:s2+$0x9380];
	v28 =	vadd.f32 v40, v28  }
0x2b5: {  	s8 =	sadd.s32 $0x80, s8;
	s6 =	sadd.s32 s7, s24;
	v40 =	vadd.f32 $8.388608000e+06, v38;
	v38 =	vld [tilespmem:s2+$0x9000];
	v25 =	vadd.f32 v41, v25;
	v39 =	vmul.f32 v43, v29  }
0x2b6: {  	v41 =	vld [tilespmem:s2+$0x9080]  }
0x2b7: {  	v42 =	vld [tilespmem:s2+$0x9100]  }
0x2b8: {  	v44 =	vld [tilespmem:s2+$0x9180]  }
0x2b9: {  	s4 =	sand.u32 $0x3D80, s6;
	s20 =	sand.u32 $0x70, s7;
	v45 =	vld [tilespmem:s2+$0x9200]  }
0x2ba: {  	v46 =	vld [tilespmem:s2+$0x9280];
	s4 =	sor.u32 s20, s4  }
0x2bb: {  	s3 =	sand.u32 $0x1C00, s3;
	v43 =	vld [tilespmem:s4+$0xC000]  }
0x2bc: {  	v47 =	vld [tilespmem:s2+$0x9300];
	v34 =	vmul.f32 v34, v29;
	s3 =	sor.u32 s20, s3  }
0x2bd: {  	v40 =	vadd.f32 $-8.388608000e+06, v40;
	v35 =	vmul.f32 v35, v29;
	v48 =	vld [tilespmem:s3+$0x9380]  }
0x2be: {  	s24 =	simm.s32 $0x400;
	v31 =	vadd.f32 v39, v31;
	v29 =	vmul.f32 v36, v29;
	v56 =	vld [tilespmem:s3+$0x9000];
	v33 =	vadd.f32 v34, v33  }
0x2bf: {  	s25 =	simm.s32 $0x0;
	s2 =	sand.u32 $0x580, s24;
	v39 =	vld [tilespmem:s3+$0x9180];
	v62 =	vmul.f32 v37, v40;
	v32 =	vadd.f32 v35, v32;
	v63 =	vmul.f32 v40, v38  }
0x2c0: {  	s4 =	sand.u32 $0x70, s25;
	s2 =	sadd.s32 s2, s0;
	v61 =	vld [tilespmem:s3+$0x9280];
	v29 =	vadd.f32 v29, v30;
	v38 =	vimm.f32 $0.0e+00;
	v50 =	vmax.f32 v43, $0.0e+00  }
0x2c1: {  	v37 =	vld [tilespmem:s3+$0x9080];
	s2 =	sadd.s32 s4, s2;
	v49 =	vmul.f32 v40, v41;
	v57 =	vmul.f32 v40, v42;
	v34 =	vadd.f32 $8.388608000e+06, v50  }
0x2c2: {  	v51 =	vld [tilespmem:s2+$0x0];
	v27 =	vadd.f32 v62, v27;
	v58 =	vmul.f32 v44, v40;
	v59 =	vmul.f32 v45, v40  }
0x2c3: {  	s26 =	simm.s32 $0x2000;
	v30 =	vld [tilespmem:s3+$0x9100];
	v60 =	vmul.f32 v46, v40;
	v26 =	vadd.f32 v63, v26;
	v44 =	vadd.f32 $-8.388608000e+06, v34  }
0x2c4: {  	s2 =	sand.u32 $0x2C00, s26;
	v42 =	vld [tilespmem:s3+$0x9200];
	v28 =	vadd.f32 v49, v28;
	v41 =	vadd.f32 v57, v25;
	v25 =	vmul.f32 v47, v40  }
0x2c5: {  	v62 =	vld [tilespmem:s3+$0x9300];
	s28 =	sor.u32 s4, s2;
	v31 =	vadd.f32 v58, v31;
	v63 =	vadd.f32 v59, v33;
	v52 =	vmul.f32 v48, v44  }
0x2c6: {  	s29 =	simm.s32 $0x410;
	v54 =	vld [tilespmem:s28+$0x9380];
	v53 =	vadd.f32 v60, v32;
	v55 =	vmul.f32 v44, v56;
	v56 =	vadd.f32 v25, v29  }
0x2c7: {  	s30 =	simm.s32 $0x10;
	s2 =	sand.u32 $0x580, s29;
	v57 =	vld [tilespmem:s28+$0x9000];
	v29 =	vmax.f32 v51, $0.0e+00;
	v58 =	vmul.f32 v44, v37;
	v25 =	vadd.f32 v52, v27  }
0x2c8: {  	s4 =	sand.u32 $0x70, s30;
	s2 =	sadd.s32 s2, s0;
	v59 =	vld [tilespmem:s28+$0x9080];
	v40 =	vimm.f32 $0.0e+00;
	v27 =	vadd.f32 $8.388608000e+06, v29;
	v35 =	vadd.f32 v55, v26  }
0x2c9: {  	s2 =	sadd.s32 s4, s2;
	v26 =	vmul.f32 v44, v30;
	v29 =	vmul.f32 v39, v44;
	v30 =	vld [tilespmem:s28+$0x9100];
	v34 =	vadd.f32 v58, v28  }
0x2ca: {  	v28 =	vmul.f32 v42, v44;
	v39 =	vimm.f32 $0.0e+00;
	v37 =	vadd.f32 $-8.388608000e+06, v27;
	v27 =	vld [tilespmem:s2+$0x0]  }
0x2cb: {  	v60 =	vld [tilespmem:s28+$0x9180];
	v33 =	vadd.f32 v26, v41;
	v32 =	vadd.f32 v29, v31;
	v26 =	vmul.f32 v61, v44  }
0x2cc: {  	s31 =	simm.s32 $0x2080;
	v31 =	vadd.f32 v28, v63;
	v28 =	vmul.f32 v62, v44;
	v44 =	vld [tilespmem:s28+$0x9200];
	v61 =	vmul.f32 v54, v37  }
0x2cd: {  	s2 =	sand.u32 $0x2C00, s31;
	v41 =	vld [tilespmem:s28+$0x9280];
	v29 =	vadd.f32 v26, v53;
	v26 =	vmul.f32 v37, v57;
	v62 =	vmul.f32 v37, v59  }
0x2ce: {  	v42 =	vld [tilespmem:s28+$0x9300];
	s2 =	sor.u32 s4, s2;
	v28 =	vadd.f32 v28, v56;
	v30 =	vmul.f32 v37, v30;
	v36 =	vadd.f32 v61, v17  }
0x2cf: {  	s7 =	simm.s32 $0x420;
	s9 =	simm.s32 $0x20;
	v43 =	vld [tilespmem:s2+$0x9380];
	v26 =	vadd.f32 v26, v17;
	v63 =	vmax.f32 v27, $0.0e+00;
	v27 =	vadd.f32 v62, v17  }
0x2d0: {  	s8 =	simm.s32 $0x2180;
	s10 =	sand.u32 $0x580, s7;
	s3 =	simm.s32 $0x2100;
	v46 =	vmul.f32 v60, v37;
	v45 =	vld [tilespmem:s2+$0x9000];
	v30 =	vadd.f32 v30, v17;
	v47 =	vadd.f32 $8.388608000e+06, v63  }
.LBB2_33:
0x2d1: {  	p1 =	sne.s32 s8, $0x2F80;
	s4 =	sand.u32 $0x70, s9;
	s6 =	sadd.s32 s10, s0;
	v48 =	vld [tilespmem:s2+$0x9080];
	v44 =	vmul.f32 v44, v37  }
0x2d2: {  	s6 =	sadd.s32 s4, s6;
	v47 =	vadd.f32 $-8.388608000e+06, v47;
	v49 =	vld [tilespmem:s2+$0x9100];
	v17 =	vadd.f32 v46, v17;
	v41 =	vmul.f32 v41, v37  }
0x2d3: {  	v46 =	vld [tilespmem:s6+$0x0];
	v40 =	vadd.f32 v44, v40;
	v42 =	vmul.f32 v42, v37  }
0x2d4: {  	v50 =	vld [tilespmem:s2+$0x9180];
	v43 =	vmul.f32 v43, v47;
	v39 =	vadd.f32 v41, v39;
	v37 =	vmov v47  }
.Ltmp15:
0x2d5: {  	v45 =	vmul.f32 v37, v45;
	v44 =	vld [tilespmem:s2+$0x9200];
	v38 =	vadd.f32 v42, v38;
	(pc) =	sbr.rel @p1 .LBB2_33-.Ltmp15, $4  }
0x2d6: {  	s6 =	sand.u32 $0x2C00, s3;
	s3 =	smov.u32 s8;
	v47 =	vmul.f32 v37, v48;
	v41 =	vld [tilespmem:s2+$0x9280];
	v36 =	vadd.f32 v43, v36  }
0x2d7: {  	v26 =	vadd.f32 v45, v26;
	v48 =	vmul.f32 v37, v49;
	v42 =	vld [tilespmem:s2+$0x9300];
	s2 =	sor.u32 s4, s6  }
0x2d8: {  	s7 =	sadd.s32 $0x10, s7;
	v45 =	vmax.f32 v46, $0.0e+00;
	v43 =	vld [tilespmem:s2+$0x9380];
	v27 =	vadd.f32 v47, v27  }
0x2d9: {  	s9 =	sadd.s32 $0xFFFFFC00, s7;
	s10 =	sand.u32 $0x580, s7;
	s8 =	sadd.s32 $0x80, s8;
	v47 =	vadd.f32 $8.388608000e+06, v45;
	v45 =	vld [tilespmem:s2+$0x9000];
	v30 =	vadd.f32 v48, v30;
	v46 =	vmul.f32 v50, v37  }
0x2da: {  	(xrf2) =	vadd.scan.msk.f32 $0xffff, v9  }
0x2db: {  	(xrf2) =	vadd.scan.msk.f32 $0xffff, v10  }
0x2dc: {  	(xrf2) =	vadd.scan.msk.f32 $0xffff, v12  }
0x2dd: {  	(xrf2) =	vadd.scan.msk.f32 $0xffff, v11  }
0x2de: {  	(xrf2) =	vadd.scan.msk.f32 $0xffff, v13  }
0x2df: {  	v58 =	vld [tilespmem:s2+$0x9080];
	(xrf2) =	vadd.scan.msk.f32 $0xffff, v14  }
0x2e0: {  	v59 =	vld [tilespmem:s2+$0x9100];
	(xrf2) =	vadd.scan.msk.f32 $0xffff, v15  }
0x2e1: {  	s4 =	sand.u32 $0x70, s9;
	s0 =	sadd.s32 s10, s0;
	v61 =	vld [tilespmem:s2+$0x9180];
	(xrf2) =	vadd.scan.msk.f32 $0xffff, v8  }
0x2e2: {  	v62 =	vld [tilespmem:s2+$0x9280];
	s0 =	sadd.s32 s4, s0;
	(xrf2) =	vadd.scan.msk.f32 $0xffff, v21  }
0x2e3: {  	s29 =	sand.u32 $0x2C00, s3;
	v60 =	vld [tilespmem:s0+$0x0];
	(xrf2) =	vadd.scan.msk.f32 $0xffff, v23  }
0x2e4: {  	v49 =	vld [tilespmem:s2+$0x9300];
	v48 =	vadd.f32 $-8.388608000e+06, v47;
	s0 =	sor.u32 s4, s29;
	v11, _, _ =	vpop (xrf2);
	(xrf2) =	vadd.scan.msk.f32 $0xffff, v24  }
0x2e5: {  	v63 =	vmul.f32 v44, v37;
	vm6 =	vmmov $0x1fff;
	vm7 =	vmmov $0x3fff;
	v51 =	vld [tilespmem:s0+$0x9380];
	v13, _, _ =	vpop (xrf2);
	(xrf2) =	vadd.scan.msk.f32 $0xffff, v22  }
0x2e6: {  	v17 =	vadd.f32 v46, v17;
	v50 =	vmul.f32 v41, v37;
	v55 =	vmul.f32 v43, v48;
	v14 =	vld [tilespmem:s2+$0x9200];
	v15, _, _ =	vpop (xrf2);
	(xrf2) =	vadd.scan.msk.f32 $0xffff, v19  }
0x2e7: {  	v52 =	vadd.f32 v63, v40;
	v54 =	vld [tilespmem:s0+$0x9300];
	v9 =	vmul.f32 v48, v59;
	v12 =	vmul.f32 v61, v48;
	v21, _, _ =	vpop (xrf2);
	(xrf2) =	vadd.scan.msk.f32 $0xffff, v20  }
0x2e8: {  	v56 =	vld [tilespmem:s0+$0x9280];
	v59 =	vadd.f32 v55, v36;
	v10 =	vmax.f32 v60, $0.0e+00;
	v8 =	vmul.f32 v48, v58;
	v24, _, _ =	vpop (xrf2);
	(xrf2) =	vadd.scan.msk.f32 $0xffff, v18  }
0x2e9: {  	v53 =	vmul.f32 v42, v37;
	v57 =	vld [tilespmem:s0+$0x9200];
	v12 =	vadd.f32 v12, v17;
	v10 =	vadd.f32 $8.388608000e+06, v10;
	v44, _, _ =	vpop (xrf2);
	(xrf2) =	vadd.scan.msk.f32 $0xffff, v16  }
0x2ea: {  	v60 =	vld [tilespmem:s0+$0x9100];
	v9 =	vadd.f32 v9, v30;
	v23 =	vmul.f32 v49, v48;
	v8 =	vadd.f32 v8, v27;
	v40, _, _ =	vpop (xrf2);
	(xrf2) =	vadd.scan.msk.f32 $0xffff, v35  }
0x2eb: {  	v58 =	vld [tilespmem:s0+$0x9180];
	v10 =	vadd.f32 $-8.388608000e+06, v10;
	v14 =	vmul.f32 v14, v48;
	v11 =	vbroadcast v11, $0xF;
	v43, _, _ =	vpop (xrf2);
	(xrf2) =	vadd.scan.msk.f32 $0xffff, v34  }
0x2ec: {  	v19 =	vmul.f32 v62, v48;
	v18 =	vadd.f32 v50, v39;
	v39 =	vmul.f32 v48, v45;
	v45, _, _ =	vpop (xrf2);
	(xrf2) =	vadd.scan.msk.f32 $0xffff, v33  }
0x2ed: {  	v61 =	vmul.f32 v51, v10;
	v63 =	vmul.f32 v54, v10;
	v20 =	vadd.f32 v53, v38;
	v38, _, _ =	vpop (xrf2);
	(xrf2) =	vadd.scan.msk.f32 $0xffff, v32  }
0x2ee: {  	v47 =	vld [tilespmem:s0+$0x9000];
	v49 =	vmul.f32 v56, v10;
	v14 =	vadd.f32 v14, v52;
	v51 =	vmul.f32 v57, v10;
	v41, _, _ =	vpop (xrf2);
	(xrf2) =	vadd.scan.msk.f32 $0xffff, v31  }
0x2ef: {  	v62 =	vld [tilespmem:s0+$0x9080];
	v55 =	vmul.f32 v10, v60;
	v48 =	vadd.f32 v61, v59;
	v20 =	vadd.f32 v23, v20;
	v46, _, _ =	vpop (xrf2);
	(xrf2) =	vadd.scan.msk.f32 $0xffff, v29  }
0x2f0: {  	v53 =	vmul.f32 v58, v10;
	v14 =	vadd.f32 v51, v14;
	v18 =	vadd.f32 v19, v18;
	v50, _, _ =	vpop (xrf2);
	(xrf2) =	vadd.scan.msk.f32 $0xffff, v28  }
0x2f1: {  	v0 =	vsel vm5, v11, v0;
	v9 =	vadd.f32 v55, v9;
	v20 =	vadd.f32 v63, v20;
	v52, _, _ =	vpop (xrf2);
	(xrf2) =	vadd.scan.msk.f32 $0xffff, v25  }
0x2f2: {  	v27 =	vbroadcast v21, $0xF;
	v12 =	vadd.f32 v53, v12;
	v18 =	vadd.f32 v49, v18;
	v54, _, _ =	vpop (xrf2);
	(xrf2) =	vadd.scan.msk.f32 $0xffff, v48  }
0x2f3: {  	v59 =	vadd.f32 v39, v26;
	v26 =	vbroadcast v15, $0xF;
	v30 =	vbroadcast v44, $0xF;
	v56, _, _ =	vpop (xrf2);
	(xrf2) =	vadd.scan.msk.f32 $0xffff, v20  }
0x2f4: {  	v2 =	vsel vm5, v27, v2;
	v57 =	vmul.f32 v10, v62;
	v10 =	vmul.f32 v10, v47;
	v58, _, _ =	vpop (xrf2);
	(xrf2) =	vadd.scan.msk.f32 $0xffff, v18  }
0x2f5: {  	v62 =	vbroadcast v13, $0xF;
	v6 =	vsel vm5, v26, v6;
	v33 =	vbroadcast v40, $0xF;
	v60, _, _ =	vpop (xrf2);
	(xrf2) =	vadd.scan.msk.f32 $0xffff, v14  }
0x2f6: {  	v34 =	vbroadcast v43, $0xF;
	v4 =	vsel vm5, v30, v4;
	v8 =	vadd.f32 v57, v8;
	v61, _, _ =	vpop (xrf2);
	(xrf2) =	vadd.scan.msk.f32 $0xffff, v12  }
0x2f7: {  	v10 =	vadd.f32 v10, v59;
	v1 =	vsel vm5, v62, v1;
	v29 =	vbroadcast v24, $0xF;
	v63, _, _ =	vpop (xrf2);
	(xrf2) =	vadd.scan.msk.f32 $0xffff, v9  }
0x2f8: {  	v39 =	vbroadcast v45, $0xF;
	v5 =	vsel vm5, v33, v5;
	v43 =	vbroadcast v41, $0xF;
	v28, _, _ =	vpop (xrf2);
	(xrf2) =	vadd.scan.msk.f32 $0xffff, v8  }
0x2f9: {  	v42 =	vbroadcast v38, $0xF;
	v45 =	vbroadcast v46, $0xF;
	v3 =	vsel vm5, v29, v3;
	v31, _, _ =	vpop (xrf2);
	(xrf2) =	vadd.scan.msk.f32 $0xffff, v10  }
0x2fa: {  	v46 =	vbroadcast v50, $0xF;
	v6 =	vsel vm6, v6, v43;
	v48 =	vbroadcast v52, $0xF;
	v32, _, _ =	vpop (xrf2)  }
0x2fb: {  	v2 =	vsel vm6, v2, v45;
	v49 =	vbroadcast v54, $0xF;
	v16 =	vbroadcast v56, $0xF;
	v35, _, _ =	vpop (xrf2)  }
0x2fc: {  	v3 =	vsel vm6, v3, v46;
	v52 =	vbroadcast v58, $0xF;
	v19 =	vbroadcast v60, $0xF;
	v37, _, _ =	vpop (xrf2)  }
0x2fd: {  	v4 =	vsel vm6, v4, v48;
	v56 =	vbroadcast v28, $0xF;
	v60 =	vbroadcast v32, $0xF;
	v40, _, _ =	vpop (xrf2)  }
0x2fe: {  	s30 =	sshll.u32 s22, $0x4;
	s31 =	sshll.u32 s23, $0xA;
	v5 =	vsel vm6, v5, v49;
	v13 =	vbroadcast v63, $0xF;
	v58 =	vbroadcast v31, $0xF;
	v44, _, _ =	vpop (xrf2)  }
0x2ff: {  	s2 =	sand.u32 $0x3FFFFC00, s31;
	s0 =	sand.u32 $0x10, s30;
	v54 =	vbroadcast v61, $0xF;
	v59 =	vsel vm7, v3, v56;
	v3 =	vsel vm7, v5, v60;
	v47, _, _ =	vpop (xrf2)  }
0x300: {  	s0 =	sor.u32 s0, s2;
	v57 =	vsel vm7, v2, v13;
	v2 =	vsel vm7, v4, v58;
	v63 =	vsel vm8, v3, v40;
	v50, _, _ =	vpop (xrf2)  }
0x301: {  	v1 =	vsel vm6, v1, v42;
	v6 =	vsel vm7, v6, v54;
	v2 =	vsel vm8, v2, v44;
	[tilespmem:s0+$0xF300] =	vst v63;
	v51, _, _ =	vpop (xrf2)  }
0x302: {  	s22 =	sadd.s32 $0x1, s22;
	v0 =	vsel vm6, v0, v39;
	v1 =	vsel vm7, v1, v19;
	[tilespmem:s0+$0xF280] =	vst v2;
	v53, _, _ =	vpop (xrf2);
	v6 =	vsel vm8, v6, v51  }
0x303: {  	p1 =	sne.s32 s22, $0x8;
	v0 =	vsel vm7, v0, v52;
	v55, _, _ =	vpop (xrf2);
	v1 =	vsel vm8, v1, v53;
	[tilespmem:s0+$0xF100] =	vst v6  }
.Ltmp16:
0x304: {  	v7 =	vsel vm5, v34, v7;
	v61 =	vbroadcast v35, $0xF;
	v0 =	vsel vm8, v0, v55;
	[tilespmem:s0+$0xF080] =	vst v1;
	(pc) =	sbr.rel @p1 .LBB2_2-.Ltmp16, $4  }
0x305: {  	v62 =	vsel vm6, v7, v16;
	[tilespmem:s0+$0xF000] =	vst v0;
	v0 =	vsel vm8, v57, v50  }
0x306: {  	v1 =	vsel vm8, v59, v47;
	[tilespmem:s0+$0xF180] =	vst v0;
	v0 =	vsel vm7, v62, v61  }
0x307: {  	[tilespmem:s0+$0xF200] =	vst v1;
	v0 =	vsel vm8, v0, v37  }
0x308: {  	p0 =	por !p0, !p0;
	[tilespmem:s0+$0xF380] =	vst v0  }
0x309: {  	s4 =	simm.s32 $0x0  }
0x30a: {  	s0 =	rddreg [dreg:$0x7];
	s2 =	simm.s32 $0xF000;
	s3 =	simm.s32 $0x5  }
0x30b: {  	[hbm4b:s0+s4] =	stream.linear.scatter [tilespmem:s2], [sflag:$0x5], $0x1000, $0x38;
	[tilespmem:$0x10000] =	vst v63  }
0x30c: {  	_ =	swait.ge [sflag:s3], $0x1000  }
0x30d: {  	s21 =	sadd.s32 $0x1, s21;
	s31 =	rddreg [dreg:$0x8]  }
0x30e: {  	p0 =	sne.s32 s21, s31  }
.Ltmp17:
0x30f: {  	_ = 	snop;
	(pc) =	sbr.rel @p0 .LBB2_1-.Ltmp17, $3  }
0x310: {  	_ =	sdelay $0x1  }
0x311: {  	[sflag:s3] =	ssyncset.done $0x0  }
0x312: {  	[sflag:s3] =	ssyncadd.s32 $0xFFFFF000  }
0x313: {  	_ =	sfence.sel $0x180000  }
0x314: {  	[bflag:$0x0] =	sbarrier.arrive $0xFFFF  }
0x315: {  	_ =	strace $0x90000047  }
0x316: {  	s0 =	stileid.u32;
	[bflag:$0x2] =	sbarrier.arrive $0xFFFF  }
0x317: {  	p0 =	sne.s32 s0, $0x0;
	s0 =	rddreg [dreg:$0x3]  }
0x318: {  	s0 =	sadd.s32 @!p0 $0x100000, s0  }
0x319: {  	[sflag:s0] =	ssyncadd.tile.s32 @!p0 $0x1;
	_ =	shalt  }
.Lfunc_end2:
_tile_overlayer_lowered:
.L_overlay_start_2:
0x31a: {  	(tag) =	ssettag $0x2  }
0x31b: {  	s0 =	rddreg [dreg:$0x0];
	s2 =	stileid.u32  }
0x31c: {  	s1 =	rddreg [dreg:$0x1];
	p0 =	sne.s32 s2, $0x0  }
0x31d: {  	s3 =	rddreg [dreg:$0x2];
	[bflag:$0x3] =	sbarrier.arrive $0xFFFF;
	s2 =	simm.s32 @!p0 $0x1C05  }
0x31e: {  	[timem:s3], [sflag:s2] =	dma.local @!p0 [hbm:s0], s1  }
0x31f: {  	s0 =	simm.s32 @!p0 $0x5  }
0x320: {  	_ =	swait.ge @!p0 [sflag:s0], s1  }
0x321: {  	s1 =	ssub.s32 @!p0 $0x0, s1;
	[sflag:s0] =	ssyncset.done @!p0 $0x0  }
0x322: {  	[sflag:s0] =	ssyncadd.s32 @!p0 s1  }
0x323: {  	[bflag:$0x3] =	sbarrier.arrive $0xFFFF  }
0x324: {  	_ =	shalt  }

</sc_bundles>
